<compile_context>
chip_gen: v7x
topology: tpu7x:2x2x1
jax: 0.10.2.dev20260603
libtpu: 0.0.44.dev20260713+nightly
codegen_flags: <defaults>
</compile_context>

<pallas_src>
import functools

import jax
import jax.numpy as jnp
from jax import lax
from jax.experimental import pallas as pl
from jax.experimental.pallas import tpu as pltpu
from jax.experimental.pallas import tpu_sc as plsc


def _sc_geometry():
    try:
        info = plsc.get_sparse_core_info()
        return info.num_cores, info.num_subcores
    except Exception:
        return 2, 16


def _pick_chunk(E, NW):
    for ch in range(128, 0, -1):
        if E % (NW * ch) == 0 and (E // (NW * ch)) % 8 == 0:
            return ch, E // (NW * ch)
    return None, None


def _make_degree_kernel(NPAD, CH, RPW, NC, NS):
    mesh = plsc.VectorSubcoreMesh(core_axis_name="c", subcore_axis_name="s")
    rps = NPAD // NS
    out_sds = jax.ShapeDtypeStruct((NPAD,), jnp.float32)

    @functools.partial(
        pl.kernel,
        out_type=(out_sds, out_sds),
        mesh=mesh,
        scratch_types=[
            pltpu.VMEM((RPW, CH), jnp.int32),
            pltpu.VMEM((-(-CH // 16) * 16,), jnp.float32),
            pltpu.VMEM((rps,), jnp.float32),
            pltpu.VMEM_SHARED((NPAD,), jnp.float32),
            pltpu.SemaphoreType.DMA,
        ],
        compiler_params=pltpu.CompilerParams(use_tc_tiling_on_sc=False),
    )
    def deg_kernel(edge_hbm, out0_hbm, out1_hbm, idx_v, ones_v, zbuf, acc_sh,
                   sem):
        c = lax.axis_index("c")
        s = lax.axis_index("s")
        wid = c * NS + s

        def zloop(i, carry):
            zbuf[pl.ds(i * 16, 16)] = jnp.zeros((16,), jnp.float32)
            return carry

        lax.fori_loop(0, rps // 16, zloop, 0)
        for t in range(-(-CH // 16)):
            ones_v[pl.ds(t * 16, 16)] = jnp.ones((16,), jnp.float32)
        pltpu.sync_copy(zbuf, acc_sh.at[pl.ds(s * rps, rps)])
        plsc.subcore_barrier()

        pltpu.sync_copy(edge_hbm.at[1, pl.ds(wid * RPW, RPW)], idx_v)

        def body(j, carry):
            pltpu.sync_copy(ones_v.at[pl.ds(0, CH)], acc_sh.at[idx_v.at[j]],
                            add=True)
            return carry

        lax.fori_loop(0, RPW, body, 0)
        plsc.subcore_barrier()

        @pl.when(c == 0)
        def _():
            pltpu.sync_copy(acc_sh.at[pl.ds(s * rps, rps)],
                            out0_hbm.at[pl.ds(s * rps, rps)])

        @pl.when(c == 1)
        def _():
            pltpu.sync_copy(acc_sh.at[pl.ds(s * rps, rps)],
                            out1_hbm.at[pl.ds(s * rps, rps)])

    return deg_kernel


def _make_scatter_kernel(N, NPAD, F, CH, RPW, NC, NS, K=8):
    mesh = plsc.VectorSubcoreMesh(core_axis_name="c", subcore_axis_name="s")
    rps = NPAD // NS
    assert RPW % K == 0
    M = RPW // K
    out_sds = jax.ShapeDtypeStruct((NPAD, F), jnp.float32)

    @functools.partial(
        pl.kernel,
        out_type=(out_sds, out_sds),
        mesh=mesh,
        scratch_types=[
            pltpu.VMEM((RPW, CH), jnp.int32),
            pltpu.VMEM((RPW, CH), jnp.int32),
            pltpu.VMEM((K, CH, F), jnp.float32),
            pltpu.VMEM((rps, F), jnp.float32),
            pltpu.VMEM_SHARED((NPAD, F), jnp.float32),
            pltpu.SemaphoreType.DMA((K,)),
            pltpu.SemaphoreType.DMA((K,)),
        ],
        compiler_params=pltpu.CompilerParams(use_tc_tiling_on_sc=False),
    )
    def scat_kernel(g_hbm, edge_hbm, out0_hbm, out1_hbm,
                    sidx, didx, rows_v, zbuf, acc_sh, gsem, ssem):
        c = lax.axis_index("c")
        s = lax.axis_index("s")
        wid = c * NS + s

        def zloop(i, carry):
            for t in range(F // 16):
                zbuf[i, pl.ds(t * 16, 16)] = jnp.zeros((16,), jnp.float32)
            return carry

        lax.fori_loop(0, rps, zloop, 0)
        pltpu.sync_copy(zbuf, acc_sh.at[pl.ds(s * rps, rps)])
        plsc.subcore_barrier()

        pltpu.sync_copy(edge_hbm.at[0, pl.ds(wid * RPW, RPW)], sidx)
        pltpu.sync_copy(edge_hbm.at[1, pl.ds(wid * RPW, RPW)], didx)

        def gather(j, b):
            pltpu.async_copy(g_hbm.at[sidx.at[j]], rows_v.at[b], gsem.at[b])

        def wait_gather(j, b):
            pltpu.make_async_copy(g_hbm.at[sidx.at[j]], rows_v.at[b],
                                  gsem.at[b]).wait()

        def scatter(j, b):
            pltpu.async_copy(rows_v.at[b], acc_sh.at[didx.at[j]], ssem.at[b],
                             add=True)

        def wait_scatter(j, b):
            pltpu.make_async_copy(g_hbm.at[sidx.at[j]], rows_v.at[b],
                                  ssem.at[b]).wait()

        for b in range(K):
            gather(b, b)

        def body(m, carry):
            for b in range(K):
                j = m * K + b
                wait_gather(j, b)
                scatter(j, b)
            for b in range(K):
                j = m * K + b
                wait_scatter(j, b)
                gather(j + K, b)
            return carry

        lax.fori_loop(0, M - 1, body, 0)
        for b in range(K):
            j = (M - 1) * K + b
            wait_gather(j, b)
            scatter(j, b)
        for b in range(K):
            j = (M - 1) * K + b
            wait_scatter(j, b)

        plsc.subcore_barrier()

        @pl.when(c == 0)
        def _():
            pltpu.sync_copy(acc_sh.at[pl.ds(s * rps, rps)],
                            out0_hbm.at[pl.ds(s * rps, rps)])

        @pl.when(c == 1)
        def _():
            pltpu.sync_copy(acc_sh.at[pl.ds(s * rps, rps)],
                            out1_hbm.at[pl.ds(s * rps, rps)])

    return scat_kernel


def _tc_matmul(x, W):
    N, D = x.shape
    F = W.shape[1]

    def body(x_ref, w_ref, o_ref):
        o_ref[...] = jnp.dot(x_ref[...], w_ref[...],
                             preferred_element_type=jnp.float32)

    return pl.pallas_call(
        body,
        out_shape=jax.ShapeDtypeStruct((N, F), jnp.float32),
    )(x, W)


def _tc_scale(h1, d0, d1):
    N, F = h1.shape

    def body(h_ref, d0_ref, d1_ref, g_ref, dinv_ref):
        deg = d0_ref[...] + d1_ref[...] + 1.0
        dinv = lax.rsqrt(deg)[:N, None]
        dinv_ref[...] = dinv
        g_ref[...] = h_ref[...] * dinv

    return pl.pallas_call(
        body,
        out_shape=(
            jax.ShapeDtypeStruct((N, F), jnp.float32),
            jax.ShapeDtypeStruct((N, 1), jnp.float32),
        ),
    )(h1, d0, d1)


def _tc_mid(a0, a1, g1, dinv, b1, W2):
    N, F = g1.shape
    F2 = W2.shape[1]

    def body(a0_ref, a1_ref, g_ref, dinv_ref, b_ref, w_ref, o_ref):
        dinv = dinv_ref[...]
        z = dinv * (a0_ref[:N] + a1_ref[:N] + g_ref[...]) + b_ref[...]
        z = jnp.maximum(z, 0.0)
        h = jnp.dot(z, w_ref[...], preferred_element_type=jnp.float32)
        o_ref[...] = h * dinv

    return pl.pallas_call(
        body,
        out_shape=jax.ShapeDtypeStruct((N, F2), jnp.float32),
    )(a0, a1, g1, dinv, b1, W2)


def _tc_final(a0, a1, g2, dinv, b2, Wfc, bfc):
    N, F = g2.shape

    def body(a0_ref, a1_ref, g_ref, dinv_ref, b_ref, w_ref, bf_ref, o_ref):
        dinv = dinv_ref[...]
        z = dinv * (a0_ref[:N] + a1_ref[:N] + g_ref[...]) + b_ref[...]
        z = jnp.maximum(z, 0.0)
        o = jnp.dot(z, w_ref[...],
                    preferred_element_type=jnp.float32) + bf_ref[...]
        o_ref[...] = o[:, 0]

    return pl.pallas_call(
        body,
        out_shape=jax.ShapeDtypeStruct((N,), jnp.float32),
    )(a0, a1, g2, dinv, b2, Wfc, bfc)


def kernel(x, edge_index, W1, b1, W2, b2, Wfc, bfc):
    N, D = x.shape
    E = edge_index.shape[1]
    F1 = W1.shape[1]
    F2 = W2.shape[1]
    NC, NS = _sc_geometry()
    NW = NC * NS

    CH, RPW = _pick_chunk(E, NW)
    NPAD = -(-N // 512) * 512
    if CH is None:
        CH = 128
        RPW = -(-(-(-E // (NW * CH))) // 8) * 8
        EPAD = RPW * NW * CH
        if NPAD == N:
            NPAD += 512
        pidx = jnp.arange(EPAD - E, dtype=edge_index.dtype)
        pad = jnp.stack([pidx % N, N + pidx % (NPAD - N)])
        edge_index = jnp.concatenate([edge_index, pad], axis=1)
        E = EPAD
    edge3d = edge_index.reshape(2, E // CH, CH)

    h1 = _tc_matmul(x, W1)
    d0, d1 = _make_degree_kernel(NPAD, CH, RPW, NC, NS)(edge3d)

    g1, dinv = _tc_scale(h1, d0, d1)
    a10, a11 = _make_scatter_kernel(N, NPAD, F1, CH, RPW, NC, NS)(g1, edge3d)
    g2 = _tc_mid(a10, a11, g1, dinv, b1.reshape(1, F1), W2)
    a20, a21 = _make_scatter_kernel(N, NPAD, F2, CH, RPW, NC, NS)(g2, edge3d)
    return _tc_final(a20, a21, g2, dinv, b2.reshape(1, F2), Wfc,
                     bfc.reshape(1, 1))

# --- scband reference (transcript-rebuilt; emitter-appended) ---
"""Pipeline reference for scband-gcn-34677565948888 (READ-ONLY COPY).

The authoritative reference and input builder live on the scoring server;
editing this copy changes nothing except your own understanding.
"""

import jax, jax.numpy as jnp
import numpy as np


def gcn_conv(x, edge_index, W, b):
    # Faithful PyG GCNConv: linear transform, add self-loops, symmetric normalization, sum-aggregate, bias.
    N = x.shape[0]
    loop = jnp.arange(N, dtype=edge_index.dtype)
    src = jnp.concatenate([edge_index[0], loop])
    dst = jnp.concatenate([edge_index[1], loop])
    h = x @ W
    ones = jnp.ones(dst.shape[0], dtype=x.dtype)
    deg = jax.ops.segment_sum(ones, dst, num_segments=N)
    dinv = jnp.where(deg > 0, deg ** -0.5, 0.0)
    norm = dinv[src] * dinv[dst]
    msgs = h[src] * norm[:, None]
    out = jax.ops.segment_sum(msgs, dst, num_segments=N)
    return out + b


def setup_inputs(seed: int = 0) -> dict:
    key = jax.random.key(seed)
    ks = jax.random.split(key, 8)
    N, E, D = 10000, 320000, 128
    x = jax.random.normal(ks[0], (N, D), dtype=jnp.float32)
    edge_index = jax.random.randint(ks[1], (2, E), 0, N, dtype=jnp.int32)
    W1 = jax.random.normal(ks[2], (D, 32), dtype=jnp.float32) * (1.0 / np.sqrt(D))
    b1 = jnp.zeros((32,), dtype=jnp.float32)
    W2 = jax.random.normal(ks[3], (32, 16), dtype=jnp.float32) * (1.0 / np.sqrt(32))
    b2 = jnp.zeros((16,), dtype=jnp.float32)
    Wfc = jax.random.normal(ks[4], (16, 1), dtype=jnp.float32) * (1.0 / np.sqrt(16))
    bfc = jnp.zeros((1,), dtype=jnp.float32)
    return {"x": x, "edge_index": edge_index, "W1": W1, "b1": b1, "W2": W2, "b2": b2, "Wfc": Wfc, "bfc": bfc}


def reference(x, edge_index, W1, b1, W2, b2, Wfc, bfc):
    h = jax.nn.relu(gcn_conv(x, edge_index, W1, b1))
    h = jax.nn.relu(gcn_conv(h, edge_index, W2, b2))
    out = h @ Wfc + bfc
    return out.squeeze(-1)

if __name__ == "__main__":
    import jax
    _d = setup_inputs()
    print(jax.jit(kernel)(*tuple(_d.values())))

</pallas_src>

<mosaic_0001>
#map = affine_map<(d0, d1) -> (0, 0)>
#map1 = affine_map<(d0, d1) -> (0, 0, 0)>
module attributes {stable_mosaic.version = 14 : i64} {
  func.func @scat_kernel(%arg0: i32, %arg1: i32, %arg2: memref<10000x32xf32, #tpu.memory_space<hbm>>, %arg3: memref<2x2560x125xi32, #tpu.memory_space<hbm>>, %arg4: memref<10240x32xf32, #tpu.memory_space<hbm>>, %arg5: memref<10240x32xf32, #tpu.memory_space<hbm>>, %arg6: memref<80x125xi32, #tpu.memory_space<vmem>>, %arg7: memref<80x125xi32, #tpu.memory_space<vmem>>, %arg8: memref<8x125x32xf32, #tpu.memory_space<vmem>>, %arg9: memref<640x32xf32, #tpu.memory_space<vmem>>, %arg10: memref<10240x32xf32, #tpu.memory_space<vmem_shared>>, %arg11: memref<8x!tpu.dma_semaphore, #tpu.memory_space<semaphore_mem>>, %arg12: memref<8x!tpu.dma_semaphore, #tpu.memory_space<semaphore_mem>>) attributes {dimension_semantics = [#tpu.dimension_semantics<core_parallel>, #tpu.dimension_semantics<subcore_parallel>], iteration_bounds = array<i64: 2, 16>, scalar_prefetch = 0 : i64, scratch_operands = 7 : i64, tpu.core_type = #tpu.core_type<sc_vector_subcore>, window_params = [{transform_indices = #map}, {transform_indices = #map1}, {transform_indices = #map}, {transform_indices = #map}]} {
    %mul3A = arith.constant 16 : i32
    %mul3A_0 = arith.muli %arg0, %mul3A : i32
    %add3A = arith.addi %mul3A_0, %arg1 : i32
    %scan3A = arith.constant 0 : i32
    %scan3A_1 = arith.constant 0 : i32
    %scan3A_2 = arith.constant 640 : i32
    %scan3A_3 = arith.addi %scan3A_1, %scan3A_2 : i32
    %scan3A_4 = arith.constant 1 : i32
    scf.for %scan3A_505 = %scan3A_1 to %scan3A_3 step %scan3A_4  : i32 {
      %broadcast_in_dim3A = arith.constant 0.000000e+00 : f32
      %broadcast_in_dim3A_506 = vector.broadcast %broadcast_in_dim3A : f32 to vector<16xf32>
      %swap3A = arith.index_cast %scan3A_505 : i32 to index
      %swap3A_507 = arith.constant 0 : index
      %swap3A_508 = tpu.vector_load %arg9[%swap3A, %swap3A_507] {strides = array<i32>} : memref<640x32xf32, #tpu.memory_space<vmem>>, vector<1x16xf32>,
      %swap3A_509 = vector.shape_cast %swap3A_508 : vector<1x16xf32> to vector<16xf32>
      %swap3A_510 = vector.shape_cast %broadcast_in_dim3A_506 : vector<16xf32> to vector<1x16xf32>
      tpu.vector_store %arg9[%swap3A, %swap3A_507], %swap3A_510 {strides = array<i32>} : memref<640x32xf32, #tpu.memory_space<vmem>>, vector<1x16xf32>,
      %broadcast_in_dim3A_511 = arith.constant 0.000000e+00 : f32
      %broadcast_in_dim3A_512 = vector.broadcast %broadcast_in_dim3A_511 : f32 to vector<16xf32>
      %swap3A_513 = arith.index_cast %scan3A_505 : i32 to index
      %swap3A_514 = arith.constant 16 : index
      %swap3A_515 = tpu.vector_load %arg9[%swap3A_513, %swap3A_514] {strides = array<i32>} : memref<640x32xf32, #tpu.memory_space<vmem>>, vector<1x16xf32>,
      %swap3A_516 = vector.shape_cast %swap3A_515 : vector<1x16xf32> to vector<16xf32>
      %swap3A_517 = vector.shape_cast %broadcast_in_dim3A_512 : vector<16xf32> to vector<1x16xf32>
      tpu.vector_store %arg9[%swap3A_513, %swap3A_514], %swap3A_517 {strides = array<i32>} : memref<640x32xf32, #tpu.memory_space<vmem>>, vector<1x16xf32>,
    }
    %scan3A_5 = arith.constant 640 : i32
    %mul3A_6 = arith.constant 640 : i32
    %mul3A_7 = arith.muli %arg1, %mul3A_6 : i32
    "tpu.region"() ({
      %run_scoped3A_505 = tpu.sem_alloc : memref<!tpu.dma_semaphore, #tpu.memory_space<semaphore_mem>>
      %dma_start3A_506 = arith.constant 0 : i32
      %dma_start3A_507 = tpu.memref_slice %arg10[%mul3A_7, %dma_start3A_506] : memref<10240x32xf32, #tpu.memory_space<vmem_shared>> -> memref<640x32xf32, #tpu.memory_space<vmem_shared>>
      %dma_start3A_508 = arith.constant 0 : i32
      %dma_start3A_509 = tpu.memref_slice %arg10[%mul3A_7, %dma_start3A_508] : memref<10240x32xf32, #tpu.memory_space<vmem_shared>> -> memref<640x32xf32, #tpu.memory_space<vmem_shared>>
      tpu.enqueue_dma source(%arg9 : memref<640x32xf32, #tpu.memory_space<vmem>>) target(%dma_start3A_509 : memref<640x32xf32, #tpu.memory_space<vmem_shared>>) target_semaphore(%run_scoped3A_505 : memref<!tpu.dma_semaphore, #tpu.memory_space<semaphore_mem>>)
      %dma_wait3A_510 = arith.constant 0 : i32
      %dma_wait3A_511 = tpu.memref_slice %arg10[%mul3A_7, %dma_wait3A_510] : memref<10240x32xf32, #tpu.memory_space<vmem_shared>> -> memref<640x32xf32, #tpu.memory_space<vmem_shared>>
      %dma_wait3A_512 = arith.constant 0 : i32
      %dma_wait3A_513 = tpu.memref_slice %arg10[%mul3A_7, %dma_wait3A_512] : memref<10240x32xf32, #tpu.memory_space<vmem_shared>> -> memref<640x32xf32, #tpu.memory_space<vmem_shared>>
      tpu.wait_dma2 semaphore(%run_scoped3A_505 : memref<!tpu.dma_semaphore, #tpu.memory_space<semaphore_mem>>) src(%arg9 : memref<640x32xf32, #tpu.memory_space<vmem>>) dst(%dma_wait3A_513 : memref<640x32xf32, #tpu.memory_space<vmem_shared>>)
      tpu.yield
    }) : () -> ()
    %barrier3A = arith.constant 0 : index
    tpu.barrier barrier_id(%barrier3A)
    %mul3A_8 = arith.constant 80 : i32
    %mul3A_9 = arith.muli %add3A, %mul3A_8 : i32
    %run_scoped3A = arith.constant 0 : i32
    "tpu.region"() ({
      %run_scoped3A_505 = tpu.sem_alloc : memref<!tpu.dma_semaphore, #tpu.memory_space<semaphore_mem>>
      %dma_start3A_506 = arith.constant 0 : i32
      %dma_start3A_507 = tpu.memref_slice %arg3[%run_scoped3A, %mul3A_9, %dma_start3A_506] : memref<2x2560x125xi32, #tpu.memory_space<hbm>> -> memref<1x80x125xi32, #tpu.memory_space<hbm>>
      %dma_start3A_508 = tpu.memref_squeeze %dma_start3A_507 : memref<1x80x125xi32, #tpu.memory_space<hbm>> -> memref<80x125xi32, #tpu.memory_space<hbm>>
      %dma_start3A_509 = arith.constant 0 : i32
      %dma_start3A_510 = tpu.memref_slice %arg3[%run_scoped3A, %mul3A_9, %dma_start3A_509] : memref<2x2560x125xi32, #tpu.memory_space<hbm>> -> memref<1x80x125xi32, #tpu.memory_space<hbm>>
      %dma_start3A_511 = tpu.memref_squeeze %dma_start3A_510 : memref<1x80x125xi32, #tpu.memory_space<hbm>> -> memref<80x125xi32, #tpu.memory_space<hbm>>
      tpu.enqueue_dma source(%dma_start3A_511 : memref<80x125xi32, #tpu.memory_space<hbm>>) target(%arg6 : memref<80x125xi32, #tpu.memory_space<vmem>>) target_semaphore(%run_scoped3A_505 : memref<!tpu.dma_semaphore, #tpu.memory_space<semaphore_mem>>)
      %dma_wait3A_512 = arith.constant 0 : i32
      %dma_wait3A_513 = tpu.memref_slice %arg3[%run_scoped3A, %mul3A_9, %dma_wait3A_512] : memref<2x2560x125xi32, #tpu.memory_space<hbm>> -> memref<1x80x125xi32, #tpu.memory_space<hbm>>
      %dma_wait3A_514 = tpu.memref_squeeze %dma_wait3A_513 : memref<1x80x125xi32, #tpu.memory_space<hbm>> -> memref<80x125xi32, #tpu.memory_space<hbm>>
      %dma_wait3A_515 = arith.constant 0 : i32
      %dma_wait3A_516 = tpu.memref_slice %arg3[%run_scoped3A, %mul3A_9, %dma_wait3A_515] : memref<2x2560x125xi32, #tpu.memory_space<hbm>> -> memref<1x80x125xi32, #tpu.memory_space<hbm>>
      %dma_wait3A_517 = tpu.memref_squeeze %dma_wait3A_516 : memref<1x80x125xi32, #tpu.memory_space<hbm>> -> memref<80x125xi32, #tpu.memory_space<hbm>>
      tpu.wait_dma2 semaphore(%run_scoped3A_505 : memref<!tpu.dma_semaphore, #tpu.memory_space<semaphore_mem>>) src(%dma_wait3A_517 : memref<80x125xi32, #tpu.memory_space<hbm>>) dst(%arg6 : memref<80x125xi32, #tpu.memory_space<vmem>>)
      tpu.yield
    }) : () -> ()
    %mul3A_10 = arith.constant 80 : i32
    %mul3A_11 = arith.muli %add3A, %mul3A_10 : i32
    %run_scoped3A_12 = arith.constant 1 : i32
    "tpu.region"() ({
      %run_scoped3A_505 = tpu.sem_alloc : memref<!tpu.dma_semaphore, #tpu.memory_space<semaphore_mem>>
      %dma_start3A_506 = arith.constant 0 : i32
      %dma_start3A_507 = tpu.memref_slice %arg3[%run_scoped3A_12, %mul3A_11, %dma_start3A_506] : memref<2x2560x125xi32, #tpu.memory_space<hbm>> -> memref<1x80x125xi32, #tpu.memory_space<hbm>>
      %dma_start3A_508 = tpu.memref_squeeze %dma_start3A_507 : memref<1x80x125xi32, #tpu.memory_space<hbm>> -> memref<80x125xi32, #tpu.memory_space<hbm>>
      %dma_start3A_509 = arith.constant 0 : i32
      %dma_start3A_510 = tpu.memref_slice %arg3[%run_scoped3A_12, %mul3A_11, %dma_start3A_509] : memref<2x2560x125xi32, #tpu.memory_space<hbm>> -> memref<1x80x125xi32, #tpu.memory_space<hbm>>
      %dma_start3A_511 = tpu.memref_squeeze %dma_start3A_510 : memref<1x80x125xi32, #tpu.memory_space<hbm>> -> memref<80x125xi32, #tpu.memory_space<hbm>>
      tpu.enqueue_dma source(%dma_start3A_511 : memref<80x125xi32, #tpu.memory_space<hbm>>) target(%arg7 : memref<80x125xi32, #tpu.memory_space<vmem>>) target_semaphore(%run_scoped3A_505 : memref<!tpu.dma_semaphore, #tpu.memory_space<semaphore_mem>>)
      %dma_wait3A_512 = arith.constant 0 : i32
      %dma_wait3A_513 = tpu.memref_slice %arg3[%run_scoped3A_12, %mul3A_11, %dma_wait3A_512] : memref<2x2560x125xi32, #tpu.memory_space<hbm>> -> memref<1x80x125xi32, #tpu.memory_space<hbm>>
      %dma_wait3A_514 = tpu.memref_squeeze %dma_wait3A_513 : memref<1x80x125xi32, #tpu.memory_space<hbm>> -> memref<80x125xi32, #tpu.memory_space<hbm>>
      %dma_wait3A_515 = arith.constant 0 : i32
      %dma_wait3A_516 = tpu.memref_slice %arg3[%run_scoped3A_12, %mul3A_11, %dma_wait3A_515] : memref<2x2560x125xi32, #tpu.memory_space<hbm>> -> memref<1x80x125xi32, #tpu.memory_space<hbm>>
      %dma_wait3A_517 = tpu.memref_squeeze %dma_wait3A_516 : memref<1x80x125xi32, #tpu.memory_space<hbm>> -> memref<80x125xi32, #tpu.memory_space<hbm>>
      tpu.wait_dma2 semaphore(%run_scoped3A_505 : memref<!tpu.dma_semaphore, #tpu.memory_space<semaphore_mem>>) src(%dma_wait3A_517 : memref<80x125xi32, #tpu.memory_space<hbm>>) dst(%arg7 : memref<80x125xi32, #tpu.memory_space<vmem>>)
      tpu.yield
    }) : () -> ()
    %dma_start3A = arith.constant 0 : i32
    %dma_start3A_13 = arith.constant 0 : i32
    %dma_start3A_14 = arith.constant 0 : i32
    %dma_start3A_15 = arith.constant 0 : i32
    %dma_start3A_16 = arith.constant 0 : i32
    %dma_start3A_17 = tpu.memref_slice %arg8[%dma_start3A_13, %dma_start3A_15, %dma_start3A_16] : memref<8x125x32xf32, #tpu.memory_space<vmem>> -> memref<1x125x32xf32, #tpu.memory_space<vmem>>
    %dma_start3A_18 = tpu.memref_squeeze %dma_start3A_17 : memref<1x125x32xf32, #tpu.memory_space<vmem>> -> memref<125x32xf32, #tpu.memory_space<vmem>>
    %dma_start3A_19 = arith.constant 0 : i32
    %dma_start3A_20 = tpu.memref_slice %arg6[%dma_start3A, %dma_start3A_19] : memref<80x125xi32, #tpu.memory_space<vmem>> -> memref<1x125xi32, #tpu.memory_space<vmem>>
    %dma_start3A_21 = tpu.memref_squeeze %dma_start3A_20 : memref<1x125xi32, #tpu.memory_space<vmem>> -> memref<125xi32, #tpu.memory_space<vmem>>
    %dma_start3A_22 = arith.constant 0 : i32
    %dma_start3A_23 = arith.constant 0 : i32
    %dma_start3A_24 = tpu.memref_slice %arg2[%dma_start3A_22, %dma_start3A_23] : memref<10000x32xf32, #tpu.memory_space<hbm>> -> memref<10000x32xf32, #tpu.memory_space<hbm>>
    %dma_start3A_25 = tpu.memref_slice %arg11[%dma_start3A_14] : memref<8x!tpu.dma_semaphore, #tpu.memory_space<semaphore_mem>> -> memref<1x!tpu.dma_semaphore, #tpu.memory_space<semaphore_mem>>
    %dma_start3A_26 = tpu.memref_squeeze %dma_start3A_25 : memref<1x!tpu.dma_semaphore, #tpu.memory_space<semaphore_mem>> -> memref<!tpu.dma_semaphore, #tpu.memory_space<semaphore_mem>>
    tpu.enqueue_indirect_dma source(%dma_start3A_24 : memref<10000x32xf32, #tpu.memory_space<hbm>>) target(%dma_start3A_18 : memref<125x32xf32, #tpu.memory_space<vmem>>) offsets(%dma_start3A_21 : memref<125xi32, #tpu.memory_space<vmem>>) semaphore(%dma_start3A_26 : memref<!tpu.dma_semaphore, #tpu.memory_space<semaphore_mem>>)
    %dma_start3A_27 = arith.constant 1 : i32
    %dma_start3A_28 = arith.constant 1 : i32
    %dma_start3A_29 = arith.constant 1 : i32
    %dma_start3A_30 = arith.constant 0 : i32
    %dma_start3A_31 = arith.constant 0 : i32
    %dma_start3A_32 = tpu.memref_slice %arg8[%dma_start3A_28, %dma_start3A_30, %dma_start3A_31] : memref<8x125x32xf32, #tpu.memory_space<vmem>> -> memref<1x125x32xf32, #tpu.memory_space<vmem>>
    %dma_start3A_33 = tpu.memref_squeeze %dma_start3A_32 : memref<1x125x32xf32, #tpu.memory_space<vmem>> -> memref<125x32xf32, #tpu.memory_space<vmem>>
    %dma_start3A_34 = arith.constant 0 : i32
    %dma_start3A_35 = tpu.memref_slice %arg6[%dma_start3A_27, %dma_start3A_34] : memref<80x125xi32, #tpu.memory_space<vmem>> -> memref<1x125xi32, #tpu.memory_space<vmem>>
    %dma_start3A_36 = tpu.memref_squeeze %dma_start3A_35 : memref<1x125xi32, #tpu.memory_space<vmem>> -> memref<125xi32, #tpu.memory_space<vmem>>
    %dma_start3A_37 = arith.constant 0 : i32
    %dma_start3A_38 = arith.constant 0 : i32
    %dma_start3A_39 = tpu.memref_slice %arg2[%dma_start3A_37, %dma_start3A_38] : memref<10000x32xf32, #tpu.memory_space<hbm>> -> memref<10000x32xf32, #tpu.memory_space<hbm>>
    %dma_start3A_40 = tpu.memref_slice %arg11[%dma_start3A_29] : memref<8x!tpu.dma_semaphore, #tpu.memory_space<semaphore_mem>> -> memref<1x!tpu.dma_semaphore, #tpu.memory_space<semaphore_mem>>
    %dma_start3A_41 = tpu.memref_squeeze %dma_start3A_40 : memref<1x!tpu.dma_semaphore, #tpu.memory_space<semaphore_mem>> -> memref<!tpu.dma_semaphore, #tpu.memory_space<semaphore_mem>>
    tpu.enqueue_indirect_dma source(%dma_start3A_39 : memref<10000x32xf32, #tpu.memory_space<hbm>>) target(%dma_start3A_33 : memref<125x32xf32, #tpu.memory_space<vmem>>) offsets(%dma_start3A_36 : memref<125xi32, #tpu.memory_space<vmem>>) semaphore(%dma_start3A_41 : memref<!tpu.dma_semaphore, #tpu.memory_space<semaphore_mem>>)
    %dma_start3A_42 = arith.constant 2 : i32
    %dma_start3A_43 = arith.constant 2 : i32
    %dma_start3A_44 = arith.constant 2 : i32
    %dma_start3A_45 = arith.constant 0 : i32
    %dma_start3A_46 = arith.constant 0 : i32
    %dma_start3A_47 = tpu.memref_slice %arg8[%dma_start3A_43, %dma_start3A_45, %dma_start3A_46] : memref<8x125x32xf32, #tpu.memory_space<vmem>> -> memref<1x125x32xf32, #tpu.memory_space<vmem>>
    %dma_start3A_48 = tpu.memref_squeeze %dma_start3A_47 : memref<1x125x32xf32, #tpu.memory_space<vmem>> -> memref<125x32xf32, #tpu.memory_space<vmem>>
    %dma_start3A_49 = arith.constant 0 : i32
    %dma_start3A_50 = tpu.memref_slice %arg6[%dma_start3A_42, %dma_start3A_49] : memref<80x125xi32, #tpu.memory_space<vmem>> -> memref<1x125xi32, #tpu.memory_space<vmem>>
    %dma_start3A_51 = tpu.memref_squeeze %dma_start3A_50 : memref<1x125xi32, #tpu.memory_space<vmem>> -> memref<125xi32, #tpu.memory_space<vmem>>
    %dma_start3A_52 = arith.constant 0 : i32
    %dma_start3A_53 = arith.constant 0 : i32
    %dma_start3A_54 = tpu.memref_slice %arg2[%dma_start3A_52, %dma_start3A_53] : memref<10000x32xf32, #tpu.memory_space<hbm>> -> memref<10000x32xf32, #tpu.memory_space<hbm>>
    %dma_start3A_55 = tpu.memref_slice %arg11[%dma_start3A_44] : memref<8x!tpu.dma_semaphore, #tpu.memory_space<semaphore_mem>> -> memref<1x!tpu.dma_semaphore, #tpu.memory_space<semaphore_mem>>
    %dma_start3A_56 = tpu.memref_squeeze %dma_start3A_55 : memref<1x!tpu.dma_semaphore, #tpu.memory_space<semaphore_mem>> -> memref<!tpu.dma_semaphore, #tpu.memory_space<semaphore_mem>>
    tpu.enqueue_indirect_dma source(%dma_start3A_54 : memref<10000x32xf32, #tpu.memory_space<hbm>>) target(%dma_start3A_48 : memref<125x32xf32, #tpu.memory_space<vmem>>) offsets(%dma_start3A_51 : memref<125xi32, #tpu.memory_space<vmem>>) semaphore(%dma_start3A_56 : memref<!tpu.dma_semaphore, #tpu.memory_space<semaphore_mem>>)
    %dma_start3A_57 = arith.constant 3 : i32
    %dma_start3A_58 = arith.constant 3 : i32
    %dma_start3A_59 = arith.constant 3 : i32
    %dma_start3A_60 = arith.constant 0 : i32
    %dma_start3A_61 = arith.constant 0 : i32
    %dma_start3A_62 = tpu.memref_slice %arg8[%dma_start3A_58, %dma_start3A_60, %dma_start3A_61] : memref<8x125x32xf32, #tpu.memory_space<vmem>> -> memref<1x125x32xf32, #tpu.memory_space<vmem>>
    %dma_start3A_63 = tpu.memref_squeeze %dma_start3A_62 : memref<1x125x32xf32, #tpu.memory_space<vmem>> -> memref<125x32xf32, #tpu.memory_space<vmem>>
    %dma_start3A_64 = arith.constant 0 : i32
    %dma_start3A_65 = tpu.memref_slice %arg6[%dma_start3A_57, %dma_start3A_64] : memref<80x125xi32, #tpu.memory_space<vmem>> -> memref<1x125xi32, #tpu.memory_space<vmem>>
    %dma_start3A_66 = tpu.memref_squeeze %dma_start3A_65 : memref<1x125xi32, #tpu.memory_space<vmem>> -> memref<125xi32, #tpu.memory_space<vmem>>
    %dma_start3A_67 = arith.constant 0 : i32
    %dma_start3A_68 = arith.constant 0 : i32
    %dma_start3A_69 = tpu.memref_slice %arg2[%dma_start3A_67, %dma_start3A_68] : memref<10000x32xf32, #tpu.memory_space<hbm>> -> memref<10000x32xf32, #tpu.memory_space<hbm>>
    %dma_start3A_70 = tpu.memref_slice %arg11[%dma_start3A_59] : memref<8x!tpu.dma_semaphore, #tpu.memory_space<semaphore_mem>> -> memref<1x!tpu.dma_semaphore, #tpu.memory_space<semaphore_mem>>
    %dma_start3A_71 = tpu.memref_squeeze %dma_start3A_70 : memref<1x!tpu.dma_semaphore, #tpu.memory_space<semaphore_mem>> -> memref<!tpu.dma_semaphore, #tpu.memory_space<semaphore_mem>>
    tpu.enqueue_indirect_dma source(%dma_start3A_69 : memref<10000x32xf32, #tpu.memory_space<hbm>>) target(%dma_start3A_63 : memref<125x32xf32, #tpu.memory_space<vmem>>) offsets(%dma_start3A_66 : memref<125xi32, #tpu.memory_space<vmem>>) semaphore(%dma_start3A_71 : memref<!tpu.dma_semaphore, #tpu.memory_space<semaphore_mem>>)
    %dma_start3A_72 = arith.constant 4 : i32
    %dma_start3A_73 = arith.constant 4 : i32
    %dma_start3A_74 = arith.constant 4 : i32
    %dma_start3A_75 = arith.constant 0 : i32
    %dma_start3A_76 = arith.constant 0 : i32
    %dma_start3A_77 = tpu.memref_slice %arg8[%dma_start3A_73, %dma_start3A_75, %dma_start3A_76] : memref<8x125x32xf32, #tpu.memory_space<vmem>> -> memref<1x125x32xf32, #tpu.memory_space<vmem>>
    %dma_start3A_78 = tpu.memref_squeeze %dma_start3A_77 : memref<1x125x32xf32, #tpu.memory_space<vmem>> -> memref<125x32xf32, #tpu.memory_space<vmem>>
    %dma_start3A_79 = arith.constant 0 : i32
    %dma_start3A_80 = tpu.memref_slice %arg6[%dma_start3A_72, %dma_start3A_79] : memref<80x125xi32, #tpu.memory_space<vmem>> -> memref<1x125xi32, #tpu.memory_space<vmem>>
    %dma_start3A_81 = tpu.memref_squeeze %dma_start3A_80 : memref<1x125xi32, #tpu.memory_space<vmem>> -> memref<125xi32, #tpu.memory_space<vmem>>
    %dma_start3A_82 = arith.constant 0 : i32
    %dma_start3A_83 = arith.constant 0 : i32
    %dma_start3A_84 = tpu.memref_slice %arg2[%dma_start3A_82, %dma_start3A_83] : memref<10000x32xf32, #tpu.memory_space<hbm>> -> memref<10000x32xf32, #tpu.memory_space<hbm>>
    %dma_start3A_85 = tpu.memref_slice %arg11[%dma_start3A_74] : memref<8x!tpu.dma_semaphore, #tpu.memory_space<semaphore_mem>> -> memref<1x!tpu.dma_semaphore, #tpu.memory_space<semaphore_mem>>
    %dma_start3A_86 = tpu.memref_squeeze %dma_start3A_85 : memref<1x!tpu.dma_semaphore, #tpu.memory_space<semaphore_mem>> -> memref<!tpu.dma_semaphore, #tpu.memory_space<semaphore_mem>>
    tpu.enqueue_indirect_dma source(%dma_start3A_84 : memref<10000x32xf32, #tpu.memory_space<hbm>>) target(%dma_start3A_78 : memref<125x32xf32, #tpu.memory_space<vmem>>) offsets(%dma_start3A_81 : memref<125xi32, #tpu.memory_space<vmem>>) semaphore(%dma_start3A_86 : memref<!tpu.dma_semaphore, #tpu.memory_space<semaphore_mem>>)
    %dma_start3A_87 = arith.constant 5 : i32
    %dma_start3A_88 = arith.constant 5 : i32
    %dma_start3A_89 = arith.constant 5 : i32
    %dma_start3A_90 = arith.constant 0 : i32
    %dma_start3A_91 = arith.constant 0 : i32
    %dma_start3A_92 = tpu.memref_slice %arg8[%dma_start3A_88, %dma_start3A_90, %dma_start3A_91] : memref<8x125x32xf32, #tpu.memory_space<vmem>> -> memref<1x125x32xf32, #tpu.memory_space<vmem>>
    %dma_start3A_93 = tpu.memref_squeeze %dma_start3A_92 : memref<1x125x32xf32, #tpu.memory_space<vmem>> -> memref<125x32xf32, #tpu.memory_space<vmem>>
    %dma_start3A_94 = arith.constant 0 : i32
    %dma_start3A_95 = tpu.memref_slice %arg6[%dma_start3A_87, %dma_start3A_94] : memref<80x125xi32, #tpu.memory_space<vmem>> -> memref<1x125xi32, #tpu.memory_space<vmem>>
    %dma_start3A_96 = tpu.memref_squeeze %dma_start3A_95 : memref<1x125xi32, #tpu.memory_space<vmem>> -> memref<125xi32, #tpu.memory_space<vmem>>
    %dma_start3A_97 = arith.constant 0 : i32
    %dma_start3A_98 = arith.constant 0 : i32
    %dma_start3A_99 = tpu.memref_slice %arg2[%dma_start3A_97, %dma_start3A_98] : memref<10000x32xf32, #tpu.memory_space<hbm>> -> memref<10000x32xf32, #tpu.memory_space<hbm>>
    %dma_start3A_100 = tpu.memref_slice %arg11[%dma_start3A_89] : memref<8x!tpu.dma_semaphore, #tpu.memory_space<semaphore_mem>> -> memref<1x!tpu.dma_semaphore, #tpu.memory_space<semaphore_mem>>
    %dma_start3A_101 = tpu.memref_squeeze %dma_start3A_100 : memref<1x!tpu.dma_semaphore, #tpu.memory_space<semaphore_mem>> -> memref<!tpu.dma_semaphore, #tpu.memory_space<semaphore_mem>>
    tpu.enqueue_indirect_dma source(%dma_start3A_99 : memref<10000x32xf32, #tpu.memory_space<hbm>>) target(%dma_start3A_93 : memref<125x32xf32, #tpu.memory_space<vmem>>) offsets(%dma_start3A_96 : memref<125xi32, #tpu.memory_space<vmem>>) semaphore(%dma_start3A_101 : memref<!tpu.dma_semaphore, #tpu.memory_space<semaphore_mem>>)
    %dma_start3A_102 = arith.constant 6 : i32
    %dma_start3A_103 = arith.constant 6 : i32
    %dma_start3A_104 = arith.constant 6 : i32
    %dma_start3A_105 = arith.constant 0 : i32
    %dma_start3A_106 = arith.constant 0 : i32
    %dma_start3A_107 = tpu.memref_slice %arg8[%dma_start3A_103, %dma_start3A_105, %dma_start3A_106] : memref<8x125x32xf32, #tpu.memory_space<vmem>> -> memref<1x125x32xf32, #tpu.memory_space<vmem>>
    %dma_start3A_108 = tpu.memref_squeeze %dma_start3A_107 : memref<1x125x32xf32, #tpu.memory_space<vmem>> -> memref<125x32xf32, #tpu.memory_space<vmem>>
    %dma_start3A_109 = arith.constant 0 : i32
    %dma_start3A_110 = tpu.memref_slice %arg6[%dma_start3A_102, %dma_start3A_109] : memref<80x125xi32, #tpu.memory_space<vmem>> -> memref<1x125xi32, #tpu.memory_space<vmem>>
    %dma_start3A_111 = tpu.memref_squeeze %dma_start3A_110 : memref<1x125xi32, #tpu.memory_space<vmem>> -> memref<125xi32, #tpu.memory_space<vmem>>
    %dma_start3A_112 = arith.constant 0 : i32
    %dma_start3A_113 = arith.constant 0 : i32
    %dma_start3A_114 = tpu.memref_slice %arg2[%dma_start3A_112, %dma_start3A_113] : memref<10000x32xf32, #tpu.memory_space<hbm>> -> memref<10000x32xf32, #tpu.memory_space<hbm>>
    %dma_start3A_115 = tpu.memref_slice %arg11[%dma_start3A_104] : memref<8x!tpu.dma_semaphore, #tpu.memory_space<semaphore_mem>> -> memref<1x!tpu.dma_semaphore, #tpu.memory_space<semaphore_mem>>
    %dma_start3A_116 = tpu.memref_squeeze %dma_start3A_115 : memref<1x!tpu.dma_semaphore, #tpu.memory_space<semaphore_mem>> -> memref<!tpu.dma_semaphore, #tpu.memory_space<semaphore_mem>>
    tpu.enqueue_indirect_dma source(%dma_start3A_114 : memref<10000x32xf32, #tpu.memory_space<hbm>>) target(%dma_start3A_108 : memref<125x32xf32, #tpu.memory_space<vmem>>) offsets(%dma_start3A_111 : memref<125xi32, #tpu.memory_space<vmem>>) semaphore(%dma_start3A_116 : memref<!tpu.dma_semaphore, #tpu.memory_space<semaphore_mem>>)
    %dma_start3A_117 = arith.constant 7 : i32
    %dma_start3A_118 = arith.constant 7 : i32
    %dma_start3A_119 = arith.constant 7 : i32
    %dma_start3A_120 = arith.constant 0 : i32
    %dma_start3A_121 = arith.constant 0 : i32
    %dma_start3A_122 = tpu.memref_slice %arg8[%dma_start3A_118, %dma_start3A_120, %dma_start3A_121] : memref<8x125x32xf32, #tpu.memory_space<vmem>> -> memref<1x125x32xf32, #tpu.memory_space<vmem>>
    %dma_start3A_123 = tpu.memref_squeeze %dma_start3A_122 : memref<1x125x32xf32, #tpu.memory_space<vmem>> -> memref<125x32xf32, #tpu.memory_space<vmem>>
    %dma_start3A_124 = arith.constant 0 : i32
    %dma_start3A_125 = tpu.memref_slice %arg6[%dma_start3A_117, %dma_start3A_124] : memref<80x125xi32, #tpu.memory_space<vmem>> -> memref<1x125xi32, #tpu.memory_space<vmem>>
    %dma_start3A_126 = tpu.memref_squeeze %dma_start3A_125 : memref<1x125xi32, #tpu.memory_space<vmem>> -> memref<125xi32, #tpu.memory_space<vmem>>
    %dma_start3A_127 = arith.constant 0 : i32
    %dma_start3A_128 = arith.constant 0 : i32
    %dma_start3A_129 = tpu.memref_slice %arg2[%dma_start3A_127, %dma_start3A_128] : memref<10000x32xf32, #tpu.memory_space<hbm>> -> memref<10000x32xf32, #tpu.memory_space<hbm>>
    %dma_start3A_130 = tpu.memref_slice %arg11[%dma_start3A_119] : memref<8x!tpu.dma_semaphore, #tpu.memory_space<semaphore_mem>> -> memref<1x!tpu.dma_semaphore, #tpu.memory_space<semaphore_mem>>
    %dma_start3A_131 = tpu.memref_squeeze %dma_start3A_130 : memref<1x!tpu.dma_semaphore, #tpu.memory_space<semaphore_mem>> -> memref<!tpu.dma_semaphore, #tpu.memory_space<semaphore_mem>>
    tpu.enqueue_indirect_dma source(%dma_start3A_129 : memref<10000x32xf32, #tpu.memory_space<hbm>>) target(%dma_start3A_123 : memref<125x32xf32, #tpu.memory_space<vmem>>) offsets(%dma_start3A_126 : memref<125xi32, #tpu.memory_space<vmem>>) semaphore(%dma_start3A_131 : memref<!tpu.dma_semaphore, #tpu.memory_space<semaphore_mem>>)
    %scan3A_132 = arith.constant 0 : i32
    %scan3A_133 = arith.constant 0 : i32
    %scan3A_134 = arith.constant 9 : i32
    %scan3A_135 = arith.addi %scan3A_133, %scan3A_134 : i32
    %scan3A_136 = arith.constant 1 : i32
    scf.for %scan3A_505 = %scan3A_133 to %scan3A_135 step %scan3A_136  : i32 {
      %mul3A_506 = arith.constant 8 : i32
      %mul3A_507 = arith.muli %scan3A_505, %mul3A_506 : i32
      %add3A_508 = arith.constant 0 : i32
      %add3A_509 = arith.addi %mul3A_507, %add3A_508 : i32
      %dma_wait3A_510 = arith.constant 0 : i32
      %dma_wait3A_511 = arith.constant 0 : i32
      %dma_wait3A_512 = arith.constant 0 : i32
      %dma_wait3A_513 = arith.constant 0 : i32
      %dma_wait3A_514 = tpu.memref_slice %arg8[%dma_wait3A_510, %dma_wait3A_512, %dma_wait3A_513] : memref<8x125x32xf32, #tpu.memory_space<vmem>> -> memref<1x125x32xf32, #tpu.memory_space<vmem>>
      %dma_wait3A_515 = tpu.memref_squeeze %dma_wait3A_514 : memref<1x125x32xf32, #tpu.memory_space<vmem>> -> memref<125x32xf32, #tpu.memory_space<vmem>>
      %dma_wait3A_516 = arith.constant 0 : i32
      %dma_wait3A_517 = tpu.memref_slice %arg6[%add3A_509, %dma_wait3A_516] : memref<80x125xi32, #tpu.memory_space<vmem>> -> memref<1x125xi32, #tpu.memory_space<vmem>>
      %dma_wait3A_518 = tpu.memref_squeeze %dma_wait3A_517 : memref<1x125xi32, #tpu.memory_space<vmem>> -> memref<125xi32, #tpu.memory_space<vmem>>
      %dma_wait3A_519 = arith.constant 0 : i32
      %dma_wait3A_520 = arith.constant 0 : i32
      %dma_wait3A_521 = tpu.memref_slice %arg2[%dma_wait3A_519, %dma_wait3A_520] : memref<10000x32xf32, #tpu.memory_space<hbm>> -> memref<10000x32xf32, #tpu.memory_space<hbm>>
      %dma_wait3A_522 = tpu.memref_slice %arg11[%dma_wait3A_511] : memref<8x!tpu.dma_semaphore, #tpu.memory_space<semaphore_mem>> -> memref<1x!tpu.dma_semaphore, #tpu.memory_space<semaphore_mem>>
      %dma_wait3A_523 = tpu.memref_squeeze %dma_wait3A_522 : memref<1x!tpu.dma_semaphore, #tpu.memory_space<semaphore_mem>> -> memref<!tpu.dma_semaphore, #tpu.memory_space<semaphore_mem>>
      tpu.wait_indirect_dma semaphore(%dma_wait3A_523 : memref<!tpu.dma_semaphore, #tpu.memory_space<semaphore_mem>>) src(%dma_wait3A_521 : memref<10000x32xf32, #tpu.memory_space<hbm>>) dst(%dma_wait3A_515 : memref<125x32xf32, #tpu.memory_space<vmem>>)
      %dma_start3A_524 = arith.constant 0 : i32
      %dma_start3A_525 = arith.constant 0 : i32
      %dma_start3A_526 = arith.constant 0 : i32
      %dma_start3A_527 = arith.constant 0 : i32
      %dma_start3A_528 = tpu.memref_slice %arg8[%dma_start3A_524, %dma_start3A_526, %dma_start3A_527] : memref<8x125x32xf32, #tpu.memory_space<vmem>> -> memref<1x125x32xf32, #tpu.memory_space<vmem>>
      %dma_start3A_529 = tpu.memref_squeeze %dma_start3A_528 : memref<1x125x32xf32, #tpu.memory_space<vmem>> -> memref<125x32xf32, #tpu.memory_space<vmem>>
      %dma_start3A_530 = arith.constant 0 : i32
      %dma_start3A_531 = tpu.memref_slice %arg7[%add3A_509, %dma_start3A_530] : memref<80x125xi32, #tpu.memory_space<vmem>> -> memref<1x125xi32, #tpu.memory_space<vmem>>
      %dma_start3A_532 = tpu.memref_squeeze %dma_start3A_531 : memref<1x125xi32, #tpu.memory_space<vmem>> -> memref<125xi32, #tpu.memory_space<vmem>>
      %dma_start3A_533 = arith.constant 0 : i32
      %dma_start3A_534 = arith.constant 0 : i32
      %dma_start3A_535 = tpu.memref_slice %arg10[%dma_start3A_533, %dma_start3A_534] : memref<10240x32xf32, #tpu.memory_space<vmem_shared>> -> memref<10240x32xf32, #tpu.memory_space<vmem_shared>>
      %dma_start3A_536 = tpu.memref_slice %arg12[%dma_start3A_525] : memref<8x!tpu.dma_semaphore, #tpu.memory_space<semaphore_mem>> -> memref<1x!tpu.dma_semaphore, #tpu.memory_space<semaphore_mem>>
      %dma_start3A_537 = tpu.memref_squeeze %dma_start3A_536 : memref<1x!tpu.dma_semaphore, #tpu.memory_space<semaphore_mem>> -> memref<!tpu.dma_semaphore, #tpu.memory_space<semaphore_mem>>
      tpu.enqueue_indirect_dma source(%dma_start3A_529 : memref<125x32xf32, #tpu.memory_space<vmem>>) target(%dma_start3A_535 : memref<10240x32xf32, #tpu.memory_space<vmem_shared>>) offsets(%dma_start3A_532 : memref<125xi32, #tpu.memory_space<vmem>>) semaphore(%dma_start3A_537 : memref<!tpu.dma_semaphore, #tpu.memory_space<semaphore_mem>>) {add = true}
      %mul3A_538 = arith.constant 8 : i32
      %mul3A_539 = arith.muli %scan3A_505, %mul3A_538 : i32
      %add3A_540 = arith.constant 1 : i32
      %add3A_541 = arith.addi %mul3A_539, %add3A_540 : i32
      %dma_wait3A_542 = arith.constant 1 : i32
      %dma_wait3A_543 = arith.constant 1 : i32
      %dma_wait3A_544 = arith.constant 0 : i32
      %dma_wait3A_545 = arith.constant 0 : i32
      %dma_wait3A_546 = tpu.memref_slice %arg8[%dma_wait3A_542, %dma_wait3A_544, %dma_wait3A_545] : memref<8x125x32xf32, #tpu.memory_space<vmem>> -> memref<1x125x32xf32, #tpu.memory_space<vmem>>
      %dma_wait3A_547 = tpu.memref_squeeze %dma_wait3A_546 : memref<1x125x32xf32, #tpu.memory_space<vmem>> -> memref<125x32xf32, #tpu.memory_space<vmem>>
      %dma_wait3A_548 = arith.constant 0 : i32
      %dma_wait3A_549 = tpu.memref_slice %arg6[%add3A_541, %dma_wait3A_548] : memref<80x125xi32, #tpu.memory_space<vmem>> -> memref<1x125xi32, #tpu.memory_space<vmem>>
      %dma_wait3A_550 = tpu.memref_squeeze %dma_wait3A_549 : memref<1x125xi32, #tpu.memory_space<vmem>> -> memref<125xi32, #tpu.memory_space<vmem>>
      %dma_wait3A_551 = arith.constant 0 : i32
      %dma_wait3A_552 = arith.constant 0 : i32
      %dma_wait3A_553 = tpu.memref_slice %arg2[%dma_wait3A_551, %dma_wait3A_552] : memref<10000x32xf32, #tpu.memory_space<hbm>> -> memref<10000x32xf32, #tpu.memory_space<hbm>>
      %dma_wait3A_554 = tpu.memref_slice %arg11[%dma_wait3A_543] : memref<8x!tpu.dma_semaphore, #tpu.memory_space<semaphore_mem>> -> memref<1x!tpu.dma_semaphore, #tpu.memory_space<semaphore_mem>>
      %dma_wait3A_555 = tpu.memref_squeeze %dma_wait3A_554 : memref<1x!tpu.dma_semaphore, #tpu.memory_space<semaphore_mem>> -> memref<!tpu.dma_semaphore, #tpu.memory_space<semaphore_mem>>
      tpu.wait_indirect_dma semaphore(%dma_wait3A_555 : memref<!tpu.dma_semaphore, #tpu.memory_space<semaphore_mem>>) src(%dma_wait3A_553 : memref<10000x32xf32, #tpu.memory_space<hbm>>) dst(%dma_wait3A_547 : memref<125x32xf32, #tpu.memory_space<vmem>>)
      %dma_start3A_556 = arith.constant 1 : i32
      %dma_start3A_557 = arith.constant 1 : i32
      %dma_start3A_558 = arith.constant 0 : i32
      %dma_start3A_559 = arith.constant 0 : i32
      %dma_start3A_560 = tpu.memref_slice %arg8[%dma_start3A_556, %dma_start3A_558, %dma_start3A_559] : memref<8x125x32xf32, #tpu.memory_space<vmem>> -> memref<1x125x32xf32, #tpu.memory_space<vmem>>
      %dma_start3A_561 = tpu.memref_squeeze %dma_start3A_560 : memref<1x125x32xf32, #tpu.memory_space<vmem>> -> memref<125x32xf32, #tpu.memory_space<vmem>>
      %dma_start3A_562 = arith.constant 0 : i32
      %dma_start3A_563 = tpu.memref_slice %arg7[%add3A_541, %dma_start3A_562] : memref<80x125xi32, #tpu.memory_space<vmem>> -> memref<1x125xi32, #tpu.memory_space<vmem>>
      %dma_start3A_564 = tpu.memref_squeeze %dma_start3A_563 : memref<1x125xi32, #tpu.memory_space<vmem>> -> memref<125xi32, #tpu.memory_space<vmem>>
      %dma_start3A_565 = arith.constant 0 : i32
      %dma_start3A_566 = arith.constant 0 : i32
      %dma_start3A_567 = tpu.memref_slice %arg10[%dma_start3A_565, %dma_start3A_566] : memref<10240x32xf32, #tpu.memory_space<vmem_shared>> -> memref<10240x32xf32, #tpu.memory_space<vmem_shared>>
      %dma_start3A_568 = tpu.memref_slice %arg12[%dma_start3A_557] : memref<8x!tpu.dma_semaphore, #tpu.memory_space<semaphore_mem>> -> memref<1x!tpu.dma_semaphore, #tpu.memory_space<semaphore_mem>>
      %dma_start3A_569 = tpu.memref_squeeze %dma_start3A_568 : memref<1x!tpu.dma_semaphore, #tpu.memory_space<semaphore_mem>> -> memref<!tpu.dma_semaphore, #tpu.memory_space<semaphore_mem>>
      tpu.enqueue_indirect_dma source(%dma_start3A_561 : memref<125x32xf32, #tpu.memory_space<vmem>>) target(%dma_start3A_567 : memref<10240x32xf32, #tpu.memory_space<vmem_shared>>) offsets(%dma_start3A_564 : memref<125xi32, #tpu.memory_space<vmem>>) semaphore(%dma_start3A_569 : memref<!tpu.dma_semaphore, #tpu.memory_space<semaphore_mem>>) {add = true}
      %mul3A_570 = arith.constant 8 : i32
      %mul3A_571 = arith.muli %scan3A_505, %mul3A_570 : i32
      %add3A_572 = arith.constant 2 : i32
      %add3A_573 = arith.addi %mul3A_571, %add3A_572 : i32
      %dma_wait3A_574 = arith.constant 2 : i32
      %dma_wait3A_575 = arith.constant 2 : i32
      %dma_wait3A_576 = arith.constant 0 : i32
      %dma_wait3A_577 = arith.constant 0 : i32
      %dma_wait3A_578 = tpu.memref_slice %arg8[%dma_wait3A_574, %dma_wait3A_576, %dma_wait3A_577] : memref<8x125x32xf32, #tpu.memory_space<vmem>> -> memref<1x125x32xf32, #tpu.memory_space<vmem>>
      %dma_wait3A_579 = tpu.memref_squeeze %dma_wait3A_578 : memref<1x125x32xf32, #tpu.memory_space<vmem>> -> memref<125x32xf32, #tpu.memory_space<vmem>>
      %dma_wait3A_580 = arith.constant 0 : i32
      %dma_wait3A_581 = tpu.memref_slice %arg6[%add3A_573, %dma_wait3A_580] : memref<80x125xi32, #tpu.memory_space<vmem>> -> memref<1x125xi32, #tpu.memory_space<vmem>>
      %dma_wait3A_582 = tpu.memref_squeeze %dma_wait3A_581 : memref<1x125xi32, #tpu.memory_space<vmem>> -> memref<125xi32, #tpu.memory_space<vmem>>
      %dma_wait3A_583 = arith.constant 0 : i32
      %dma_wait3A_584 = arith.constant 0 : i32
      %dma_wait3A_585 = tpu.memref_slice %arg2[%dma_wait3A_583, %dma_wait3A_584] : memref<10000x32xf32, #tpu.memory_space<hbm>> -> memref<10000x32xf32, #tpu.memory_space<hbm>>
      %dma_wait3A_586 = tpu.memref_slice %arg11[%dma_wait3A_575] : memref<8x!tpu.dma_semaphore, #tpu.memory_space<semaphore_mem>> -> memref<1x!tpu.dma_semaphore, #tpu.memory_space<semaphore_mem>>
      %dma_wait3A_587 = tpu.memref_squeeze %dma_wait3A_586 : memref<1x!tpu.dma_semaphore, #tpu.memory_space<semaphore_mem>> -> memref<!tpu.dma_semaphore, #tpu.memory_space<semaphore_mem>>
      tpu.wait_indirect_dma semaphore(%dma_wait3A_587 : memref<!tpu.dma_semaphore, #tpu.memory_space<semaphore_mem>>) src(%dma_wait3A_585 : memref<10000x32xf32, #tpu.memory_space<hbm>>) dst(%dma_wait3A_579 : memref<125x32xf32, #tpu.memory_space<vmem>>)
      %dma_start3A_588 = arith.constant 2 : i32
      %dma_start3A_589 = arith.constant 2 : i32
      %dma_start3A_590 = arith.constant 0 : i32
      %dma_start3A_591 = arith.constant 0 : i32
      %dma_start3A_592 = tpu.memref_slice %arg8[%dma_start3A_588, %dma_start3A_590, %dma_start3A_591] : memref<8x125x32xf32, #tpu.memory_space<vmem>> -> memref<1x125x32xf32, #tpu.memory_space<vmem>>
      %dma_start3A_593 = tpu.memref_squeeze %dma_start3A_592 : memref<1x125x32xf32, #tpu.memory_space<vmem>> -> memref<125x32xf32, #tpu.memory_space<vmem>>
      %dma_start3A_594 = arith.constant 0 : i32
      %dma_start3A_595 = tpu.memref_slice %arg7[%add3A_573, %dma_start3A_594] : memref<80x125xi32, #tpu.memory_space<vmem>> -> memref<1x125xi32, #tpu.memory_space<vmem>>
      %dma_start3A_596 = tpu.memref_squeeze %dma_start3A_595 : memref<1x125xi32, #tpu.memory_space<vmem>> -> memref<125xi32, #tpu.memory_space<vmem>>
      %dma_start3A_597 = arith.constant 0 : i32
      %dma_start3A_598 = arith.constant 0 : i32
      %dma_start3A_599 = tpu.memref_slice %arg10[%dma_start3A_597, %dma_start3A_598] : memref<10240x32xf32, #tpu.memory_space<vmem_shared>> -> memref<10240x32xf32, #tpu.memory_space<vmem_shared>>
      %dma_start3A_600 = tpu.memref_slice %arg12[%dma_start3A_589] : memref<8x!tpu.dma_semaphore, #tpu.memory_space<semaphore_mem>> -> memref<1x!tpu.dma_semaphore, #tpu.memory_space<semaphore_mem>>
      %dma_start3A_601 = tpu.memref_squeeze %dma_start3A_600 : memref<1x!tpu.dma_semaphore, #tpu.memory_space<semaphore_mem>> -> memref<!tpu.dma_semaphore, #tpu.memory_space<semaphore_mem>>
      tpu.enqueue_indirect_dma source(%dma_start3A_593 : memref<125x32xf32, #tpu.memory_space<vmem>>) target(%dma_start3A_599 : memref<10240x32xf32, #tpu.memory_space<vmem_shared>>) offsets(%dma_start3A_596 : memref<125xi32, #tpu.memory_space<vmem>>) semaphore(%dma_start3A_601 : memref<!tpu.dma_semaphore, #tpu.memory_space<semaphore_mem>>) {add = true}
      %mul3A_602 = arith.constant 8 : i32
      %mul3A_603 = arith.muli %scan3A_505, %mul3A_602 : i32
      %add3A_604 = arith.constant 3 : i32
      %add3A_605 = arith.addi %mul3A_603, %add3A_604 : i32
      %dma_wait3A_606 = arith.constant 3 : i32
      %dma_wait3A_607 = arith.constant 3 : i32
      %dma_wait3A_608 = arith.constant 0 : i32
      %dma_wait3A_609 = arith.constant 0 : i32
      %dma_wait3A_610 = tpu.memref_slice %arg8[%dma_wait3A_606, %dma_wait3A_608, %dma_wait3A_609] : memref<8x125x32xf32, #tpu.memory_space<vmem>> -> memref<1x125x32xf32, #tpu.memory_space<vmem>>
      %dma_wait3A_611 = tpu.memref_squeeze %dma_wait3A_610 : memref<1x125x32xf32, #tpu.memory_space<vmem>> -> memref<125x32xf32, #tpu.memory_space<vmem>>
      %dma_wait3A_612 = arith.constant 0 : i32
      %dma_wait3A_613 = tpu.memref_slice %arg6[%add3A_605, %dma_wait3A_612] : memref<80x125xi32, #tpu.memory_space<vmem>> -> memref<1x125xi32, #tpu.memory_space<vmem>>
      %dma_wait3A_614 = tpu.memref_squeeze %dma_wait3A_613 : memref<1x125xi32, #tpu.memory_space<vmem>> -> memref<125xi32, #tpu.memory_space<vmem>>
      %dma_wait3A_615 = arith.constant 0 : i32
      %dma_wait3A_616 = arith.constant 0 : i32
      %dma_wait3A_617 = tpu.memref_slice %arg2[%dma_wait3A_615, %dma_wait3A_616] : memref<10000x32xf32, #tpu.memory_space<hbm>> -> memref<10000x32xf32, #tpu.memory_space<hbm>>
      %dma_wait3A_618 = tpu.memref_slice %arg11[%dma_wait3A_607] : memref<8x!tpu.dma_semaphore, #tpu.memory_space<semaphore_mem>> -> memref<1x!tpu.dma_semaphore, #tpu.memory_space<semaphore_mem>>
      %dma_wait3A_619 = tpu.memref_squeeze %dma_wait3A_618 : memref<1x!tpu.dma_semaphore, #tpu.memory_space<semaphore_mem>> -> memref<!tpu.dma_semaphore, #tpu.memory_space<semaphore_mem>>
      tpu.wait_indirect_dma semaphore(%dma_wait3A_619 : memref<!tpu.dma_semaphore, #tpu.memory_space<semaphore_mem>>) src(%dma_wait3A_617 : memref<10000x32xf32, #tpu.memory_space<hbm>>) dst(%dma_wait3A_611 : memref<125x32xf32, #tpu.memory_space<vmem>>)
      %dma_start3A_620 = arith.constant 3 : i32
      %dma_start3A_621 = arith.constant 3 : i32
      %dma_start3A_622 = arith.constant 0 : i32
      %dma_start3A_623 = arith.constant 0 : i32
      %dma_start3A_624 = tpu.memref_slice %arg8[%dma_start3A_620, %dma_start3A_622, %dma_start3A_623] : memref<8x125x32xf32, #tpu.memory_space<vmem>> -> memref<1x125x32xf32, #tpu.memory_space<vmem>>
      %dma_start3A_625 = tpu.memref_squeeze %dma_start3A_624 : memref<1x125x32xf32, #tpu.memory_space<vmem>> -> memref<125x32xf32, #tpu.memory_space<vmem>>
      %dma_start3A_626 = arith.constant 0 : i32
      %dma_start3A_627 = tpu.memref_slice %arg7[%add3A_605, %dma_start3A_626] : memref<80x125xi32, #tpu.memory_space<vmem>> -> memref<1x125xi32, #tpu.memory_space<vmem>>
      %dma_start3A_628 = tpu.memref_squeeze %dma_start3A_627 : memref<1x125xi32, #tpu.memory_space<vmem>> -> memref<125xi32, #tpu.memory_space<vmem>>
      %dma_start3A_629 = arith.constant 0 : i32
      %dma_start3A_630 = arith.constant 0 : i32
      %dma_start3A_631 = tpu.memref_slice %arg10[%dma_start3A_629, %dma_start3A_630] : memref<10240x32xf32, #tpu.memory_space<vmem_shared>> -> memref<10240x32xf32, #tpu.memory_space<vmem_shared>>
      %dma_start3A_632 = tpu.memref_slice %arg12[%dma_start3A_621] : memref<8x!tpu.dma_semaphore, #tpu.memory_space<semaphore_mem>> -> memref<1x!tpu.dma_semaphore, #tpu.memory_space<semaphore_mem>>
      %dma_start3A_633 = tpu.memref_squeeze %dma_start3A_632 : memref<1x!tpu.dma_semaphore, #tpu.memory_space<semaphore_mem>> -> memref<!tpu.dma_semaphore, #tpu.memory_space<semaphore_mem>>
      tpu.enqueue_indirect_dma source(%dma_start3A_625 : memref<125x32xf32, #tpu.memory_space<vmem>>) target(%dma_start3A_631 : memref<10240x32xf32, #tpu.memory_space<vmem_shared>>) offsets(%dma_start3A_628 : memref<125xi32, #tpu.memory_space<vmem>>) semaphore(%dma_start3A_633 : memref<!tpu.dma_semaphore, #tpu.memory_space<semaphore_mem>>) {add = true}
      %mul3A_634 = arith.constant 8 : i32
      %mul3A_635 = arith.muli %scan3A_505, %mul3A_634 : i32
      %add3A_636 = arith.constant 4 : i32
      %add3A_637 = arith.addi %mul3A_635, %add3A_636 : i32
      %dma_wait3A_638 = arith.constant 4 : i32
      %dma_wait3A_639 = arith.constant 4 : i32
      %dma_wait3A_640 = arith.constant 0 : i32
      %dma_wait3A_641 = arith.constant 0 : i32
      %dma_wait3A_642 = tpu.memref_slice %arg8[%dma_wait3A_638, %dma_wait3A_640, %dma_wait3A_641] : memref<8x125x32xf32, #tpu.memory_space<vmem>> -> memref<1x125x32xf32, #tpu.memory_space<vmem>>
      %dma_wait3A_643 = tpu.memref_squeeze %dma_wait3A_642 : memref<1x125x32xf32, #tpu.memory_space<vmem>> -> memref<125x32xf32, #tpu.memory_space<vmem>>
      %dma_wait3A_644 = arith.constant 0 : i32
      %dma_wait3A_645 = tpu.memref_slice %arg6[%add3A_637, %dma_wait3A_644] : memref<80x125xi32, #tpu.memory_space<vmem>> -> memref<1x125xi32, #tpu.memory_space<vmem>>
      %dma_wait3A_646 = tpu.memref_squeeze %dma_wait3A_645 : memref<1x125xi32, #tpu.memory_space<vmem>> -> memref<125xi32, #tpu.memory_space<vmem>>
      %dma_wait3A_647 = arith.constant 0 : i32
      %dma_wait3A_648 = arith.constant 0 : i32
      %dma_wait3A_649 = tpu.memref_slice %arg2[%dma_wait3A_647, %dma_wait3A_648] : memref<10000x32xf32, #tpu.memory_space<hbm>> -> memref<10000x32xf32, #tpu.memory_space<hbm>>
      %dma_wait3A_650 = tpu.memref_slice %arg11[%dma_wait3A_639] : memref<8x!tpu.dma_semaphore, #tpu.memory_space<semaphore_mem>> -> memref<1x!tpu.dma_semaphore, #tpu.memory_space<semaphore_mem>>
      %dma_wait3A_651 = tpu.memref_squeeze %dma_wait3A_650 : memref<1x!tpu.dma_semaphore, #tpu.memory_space<semaphore_mem>> -> memref<!tpu.dma_semaphore, #tpu.memory_space<semaphore_mem>>
      tpu.wait_indirect_dma semaphore(%dma_wait3A_651 : memref<!tpu.dma_semaphore, #tpu.memory_space<semaphore_mem>>) src(%dma_wait3A_649 : memref<10000x32xf32, #tpu.memory_space<hbm>>) dst(%dma_wait3A_643 : memref<125x32xf32, #tpu.memory_space<vmem>>)
      %dma_start3A_652 = arith.constant 4 : i32
      %dma_start3A_653 = arith.constant 4 : i32
      %dma_start3A_654 = arith.constant 0 : i32
      %dma_start3A_655 = arith.constant 0 : i32
      %dma_start3A_656 = tpu.memref_slice %arg8[%dma_start3A_652, %dma_start3A_654, %dma_start3A_655] : memref<8x125x32xf32, #tpu.memory_space<vmem>> -> memref<1x125x32xf32, #tpu.memory_space<vmem>>
      %dma_start3A_657 = tpu.memref_squeeze %dma_start3A_656 : memref<1x125x32xf32, #tpu.memory_space<vmem>> -> memref<125x32xf32, #tpu.memory_space<vmem>>
      %dma_start3A_658 = arith.constant 0 : i32
      %dma_start3A_659 = tpu.memref_slice %arg7[%add3A_637, %dma_start3A_658] : memref<80x125xi32, #tpu.memory_space<vmem>> -> memref<1x125xi32, #tpu.memory_space<vmem>>
      %dma_start3A_660 = tpu.memref_squeeze %dma_start3A_659 : memref<1x125xi32, #tpu.memory_space<vmem>> -> memref<125xi32, #tpu.memory_space<vmem>>
      %dma_start3A_661 = arith.constant 0 : i32
      %dma_start3A_662 = arith.constant 0 : i32
      %dma_start3A_663 = tpu.memref_slice %arg10[%dma_start3A_661, %dma_start3A_662] : memref<10240x32xf32, #tpu.memory_space<vmem_shared>> -> memref<10240x32xf32, #tpu.memory_space<vmem_shared>>
      %dma_start3A_664 = tpu.memref_slice %arg12[%dma_start3A_653] : memref<8x!tpu.dma_semaphore, #tpu.memory_space<semaphore_mem>> -> memref<1x!tpu.dma_semaphore, #tpu.memory_space<semaphore_mem>>
      %dma_start3A_665 = tpu.memref_squeeze %dma_start3A_664 : memref<1x!tpu.dma_semaphore, #tpu.memory_space<semaphore_mem>> -> memref<!tpu.dma_semaphore, #tpu.memory_space<semaphore_mem>>
      tpu.enqueue_indirect_dma source(%dma_start3A_657 : memref<125x32xf32, #tpu.memory_space<vmem>>) target(%dma_start3A_663 : memref<10240x32xf32, #tpu.memory_space<vmem_shared>>) offsets(%dma_start3A_660 : memref<125xi32, #tpu.memory_space<vmem>>) semaphore(%dma_start3A_665 : memref<!tpu.dma_semaphore, #tpu.memory_space<semaphore_mem>>) {add = true}
      %mul3A_666 = arith.constant 8 : i32
      %mul3A_667 = arith.muli %scan3A_505, %mul3A_666 : i32
      %add3A_668 = arith.constant 5 : i32
      %add3A_669 = arith.addi %mul3A_667, %add3A_668 : i32
      %dma_wait3A_670 = arith.constant 5 : i32
      %dma_wait3A_671 = arith.constant 5 : i32
      %dma_wait3A_672 = arith.constant 0 : i32
      %dma_wait3A_673 = arith.constant 0 : i32
      %dma_wait3A_674 = tpu.memref_slice %arg8[%dma_wait3A_670, %dma_wait3A_672, %dma_wait3A_673] : memref<8x125x32xf32, #tpu.memory_space<vmem>> -> memref<1x125x32xf32, #tpu.memory_space<vmem>>
      %dma_wait3A_675 = tpu.memref_squeeze %dma_wait3A_674 : memref<1x125x32xf32, #tpu.memory_space<vmem>> -> memref<125x32xf32, #tpu.memory_space<vmem>>
      %dma_wait3A_676 = arith.constant 0 : i32
      %dma_wait3A_677 = tpu.memref_slice %arg6[%add3A_669, %dma_wait3A_676] : memref<80x125xi32, #tpu.memory_space<vmem>> -> memref<1x125xi32, #tpu.memory_space<vmem>>
      %dma_wait3A_678 = tpu.memref_squeeze %dma_wait3A_677 : memref<1x125xi32, #tpu.memory_space<vmem>> -> memref<125xi32, #tpu.memory_space<vmem>>
      %dma_wait3A_679 = arith.constant 0 : i32
      %dma_wait3A_680 = arith.constant 0 : i32
      %dma_wait3A_681 = tpu.memref_slice %arg2[%dma_wait3A_679, %dma_wait3A_680] : memref<10000x32xf32, #tpu.memory_space<hbm>> -> memref<10000x32xf32, #tpu.memory_space<hbm>>
      %dma_wait3A_682 = tpu.memref_slice %arg11[%dma_wait3A_671] : memref<8x!tpu.dma_semaphore, #tpu.memory_space<semaphore_mem>> -> memref<1x!tpu.dma_semaphore, #tpu.memory_space<semaphore_mem>>
      %dma_wait3A_683 = tpu.memref_squeeze %dma_wait3A_682 : memref<1x!tpu.dma_semaphore, #tpu.memory_space<semaphore_mem>> -> memref<!tpu.dma_semaphore, #tpu.memory_space<semaphore_mem>>
      tpu.wait_indirect_dma semaphore(%dma_wait3A_683 : memref<!tpu.dma_semaphore, #tpu.memory_space<semaphore_mem>>) src(%dma_wait3A_681 : memref<10000x32xf32, #tpu.memory_space<hbm>>) dst(%dma_wait3A_675 : memref<125x32xf32, #tpu.memory_space<vmem>>)
      %dma_start3A_684 = arith.constant 5 : i32
      %dma_start3A_685 = arith.constant 5 : i32
      %dma_start3A_686 = arith.constant 0 : i32
      %dma_start3A_687 = arith.constant 0 : i32
      %dma_start3A_688 = tpu.memref_slice %arg8[%dma_start3A_684, %dma_start3A_686, %dma_start3A_687] : memref<8x125x32xf32, #tpu.memory_space<vmem>> -> memref<1x125x32xf32, #tpu.memory_space<vmem>>
      %dma_start3A_689 = tpu.memref_squeeze %dma_start3A_688 : memref<1x125x32xf32, #tpu.memory_space<vmem>> -> memref<125x32xf32, #tpu.memory_space<vmem>>
      %dma_start3A_690 = arith.constant 0 : i32
      %dma_start3A_691 = tpu.memref_slice %arg7[%add3A_669, %dma_start3A_690] : memref<80x125xi32, #tpu.memory_space<vmem>> -> memref<1x125xi32, #tpu.memory_space<vmem>>
      %dma_start3A_692 = tpu.memref_squeeze %dma_start3A_691 : memref<1x125xi32, #tpu.memory_space<vmem>> -> memref<125xi32, #tpu.memory_space<vmem>>
      %dma_start3A_693 = arith.constant 0 : i32
      %dma_start3A_694 = arith.constant 0 : i32
      %dma_start3A_695 = tpu.memref_slice %arg10[%dma_start3A_693, %dma_start3A_694] : memref<10240x32xf32, #tpu.memory_space<vmem_shared>> -> memref<10240x32xf32, #tpu.memory_space<vmem_shared>>
      %dma_start3A_696 = tpu.memref_slice %arg12[%dma_start3A_685] : memref<8x!tpu.dma_semaphore, #tpu.memory_space<semaphore_mem>> -> memref<1x!tpu.dma_semaphore, #tpu.memory_space<semaphore_mem>>
      %dma_start3A_697 = tpu.memref_squeeze %dma_start3A_696 : memref<1x!tpu.dma_semaphore, #tpu.memory_space<semaphore_mem>> -> memref<!tpu.dma_semaphore, #tpu.memory_space<semaphore_mem>>
      tpu.enqueue_indirect_dma source(%dma_start3A_689 : memref<125x32xf32, #tpu.memory_space<vmem>>) target(%dma_start3A_695 : memref<10240x32xf32, #tpu.memory_space<vmem_shared>>) offsets(%dma_start3A_692 : memref<125xi32, #tpu.memory_space<vmem>>) semaphore(%dma_start3A_697 : memref<!tpu.dma_semaphore, #tpu.memory_space<semaphore_mem>>) {add = true}
      %mul3A_698 = arith.constant 8 : i32
      %mul3A_699 = arith.muli %scan3A_505, %mul3A_698 : i32
      %add3A_700 = arith.constant 6 : i32
      %add3A_701 = arith.addi %mul3A_699, %add3A_700 : i32
      %dma_wait3A_702 = arith.constant 6 : i32
      %dma_wait3A_703 = arith.constant 6 : i32
      %dma_wait3A_704 = arith.constant 0 : i32
      %dma_wait3A_705 = arith.constant 0 : i32
      %dma_wait3A_706 = tpu.memref_slice %arg8[%dma_wait3A_702, %dma_wait3A_704, %dma_wait3A_705] : memref<8x125x32xf32, #tpu.memory_space<vmem>> -> memref<1x125x32xf32, #tpu.memory_space<vmem>>
      %dma_wait3A_707 = tpu.memref_squeeze %dma_wait3A_706 : memref<1x125x32xf32, #tpu.memory_space<vmem>> -> memref<125x32xf32, #tpu.memory_space<vmem>>
      %dma_wait3A_708 = arith.constant 0 : i32
      %dma_wait3A_709 = tpu.memref_slice %arg6[%add3A_701, %dma_wait3A_708] : memref<80x125xi32, #tpu.memory_space<vmem>> -> memref<1x125xi32, #tpu.memory_space<vmem>>
      %dma_wait3A_710 = tpu.memref_squeeze %dma_wait3A_709 : memref<1x125xi32, #tpu.memory_space<vmem>> -> memref<125xi32, #tpu.memory_space<vmem>>
      %dma_wait3A_711 = arith.constant 0 : i32
      %dma_wait3A_712 = arith.constant 0 : i32
      %dma_wait3A_713 = tpu.memref_slice %arg2[%dma_wait3A_711, %dma_wait3A_712] : memref<10000x32xf32, #tpu.memory_space<hbm>> -> memref<10000x32xf32, #tpu.memory_space<hbm>>
      %dma_wait3A_714 = tpu.memref_slice %arg11[%dma_wait3A_703] : memref<8x!tpu.dma_semaphore, #tpu.memory_space<semaphore_mem>> -> memref<1x!tpu.dma_semaphore, #tpu.memory_space<semaphore_mem>>
      %dma_wait3A_715 = tpu.memref_squeeze %dma_wait3A_714 : memref<1x!tpu.dma_semaphore, #tpu.memory_space<semaphore_mem>> -> memref<!tpu.dma_semaphore, #tpu.memory_space<semaphore_mem>>
      tpu.wait_indirect_dma semaphore(%dma_wait3A_715 : memref<!tpu.dma_semaphore, #tpu.memory_space<semaphore_mem>>) src(%dma_wait3A_713 : memref<10000x32xf32, #tpu.memory_space<hbm>>) dst(%dma_wait3A_707 : memref<125x32xf32, #tpu.memory_space<vmem>>)
      %dma_start3A_716 = arith.constant 6 : i32
      %dma_start3A_717 = arith.constant 6 : i32
      %dma_start3A_718 = arith.constant 0 : i32
      %dma_start3A_719 = arith.constant 0 : i32
      %dma_start3A_720 = tpu.memref_slice %arg8[%dma_start3A_716, %dma_start3A_718, %dma_start3A_719] : memref<8x125x32xf32, #tpu.memory_space<vmem>> -> memref<1x125x32xf32, #tpu.memory_space<vmem>>
      %dma_start3A_721 = tpu.memref_squeeze %dma_start3A_720 : memref<1x125x32xf32, #tpu.memory_space<vmem>> -> memref<125x32xf32, #tpu.memory_space<vmem>>
      %dma_start3A_722 = arith.constant 0 : i32
      %dma_start3A_723 = tpu.memref_slice %arg7[%add3A_701, %dma_start3A_722] : memref<80x125xi32, #tpu.memory_space<vmem>> -> memref<1x125xi32, #tpu.memory_space<vmem>>
      %dma_start3A_724 = tpu.memref_squeeze %dma_start3A_723 : memref<1x125xi32, #tpu.memory_space<vmem>> -> memref<125xi32, #tpu.memory_space<vmem>>
      %dma_start3A_725 = arith.constant 0 : i32
      %dma_start3A_726 = arith.constant 0 : i32
      %dma_start3A_727 = tpu.memref_slice %arg10[%dma_start3A_725, %dma_start3A_726] : memref<10240x32xf32, #tpu.memory_space<vmem_shared>> -> memref<10240x32xf32, #tpu.memory_space<vmem_shared>>
      %dma_start3A_728 = tpu.memref_slice %arg12[%dma_start3A_717] : memref<8x!tpu.dma_semaphore, #tpu.memory_space<semaphore_mem>> -> memref<1x!tpu.dma_semaphore, #tpu.memory_space<semaphore_mem>>
      %dma_start3A_729 = tpu.memref_squeeze %dma_start3A_728 : memref<1x!tpu.dma_semaphore, #tpu.memory_space<semaphore_mem>> -> memref<!tpu.dma_semaphore, #tpu.memory_space<semaphore_mem>>
      tpu.enqueue_indirect_dma source(%dma_start3A_721 : memref<125x32xf32, #tpu.memory_space<vmem>>) target(%dma_start3A_727 : memref<10240x32xf32, #tpu.memory_space<vmem_shared>>) offsets(%dma_start3A_724 : memref<125xi32, #tpu.memory_space<vmem>>) semaphore(%dma_start3A_729 : memref<!tpu.dma_semaphore, #tpu.memory_space<semaphore_mem>>) {add = true}
      %mul3A_730 = arith.constant 8 : i32
      %mul3A_731 = arith.muli %scan3A_505, %mul3A_730 : i32
      %add3A_732 = arith.constant 7 : i32
      %add3A_733 = arith.addi %mul3A_731, %add3A_732 : i32
      %dma_wait3A_734 = arith.constant 7 : i32
      %dma_wait3A_735 = arith.constant 7 : i32
      %dma_wait3A_736 = arith.constant 0 : i32
      %dma_wait3A_737 = arith.constant 0 : i32
      %dma_wait3A_738 = tpu.memref_slice %arg8[%dma_wait3A_734, %dma_wait3A_736, %dma_wait3A_737] : memref<8x125x32xf32, #tpu.memory_space<vmem>> -> memref<1x125x32xf32, #tpu.memory_space<vmem>>
      %dma_wait3A_739 = tpu.memref_squeeze %dma_wait3A_738 : memref<1x125x32xf32, #tpu.memory_space<vmem>> -> memref<125x32xf32, #tpu.memory_space<vmem>>
      %dma_wait3A_740 = arith.constant 0 : i32
      %dma_wait3A_741 = tpu.memref_slice %arg6[%add3A_733, %dma_wait3A_740] : memref<80x125xi32, #tpu.memory_space<vmem>> -> memref<1x125xi32, #tpu.memory_space<vmem>>
      %dma_wait3A_742 = tpu.memref_squeeze %dma_wait3A_741 : memref<1x125xi32, #tpu.memory_space<vmem>> -> memref<125xi32, #tpu.memory_space<vmem>>
      %dma_wait3A_743 = arith.constant 0 : i32
      %dma_wait3A_744 = arith.constant 0 : i32
      %dma_wait3A_745 = tpu.memref_slice %arg2[%dma_wait3A_743, %dma_wait3A_744] : memref<10000x32xf32, #tpu.memory_space<hbm>> -> memref<10000x32xf32, #tpu.memory_space<hbm>>
      %dma_wait3A_746 = tpu.memref_slice %arg11[%dma_wait3A_735] : memref<8x!tpu.dma_semaphore, #tpu.memory_space<semaphore_mem>> -> memref<1x!tpu.dma_semaphore, #tpu.memory_space<semaphore_mem>>
      %dma_wait3A_747 = tpu.memref_squeeze %dma_wait3A_746 : memref<1x!tpu.dma_semaphore, #tpu.memory_space<semaphore_mem>> -> memref<!tpu.dma_semaphore, #tpu.memory_space<semaphore_mem>>
      tpu.wait_indirect_dma semaphore(%dma_wait3A_747 : memref<!tpu.dma_semaphore, #tpu.memory_space<semaphore_mem>>) src(%dma_wait3A_745 : memref<10000x32xf32, #tpu.memory_space<hbm>>) dst(%dma_wait3A_739 : memref<125x32xf32, #tpu.memory_space<vmem>>)
      %dma_start3A_748 = arith.constant 7 : i32
      %dma_start3A_749 = arith.constant 7 : i32
      %dma_start3A_750 = arith.constant 0 : i32
      %dma_start3A_751 = arith.constant 0 : i32
      %dma_start3A_752 = tpu.memref_slice %arg8[%dma_start3A_748, %dma_start3A_750, %dma_start3A_751] : memref<8x125x32xf32, #tpu.memory_space<vmem>> -> memref<1x125x32xf32, #tpu.memory_space<vmem>>
      %dma_start3A_753 = tpu.memref_squeeze %dma_start3A_752 : memref<1x125x32xf32, #tpu.memory_space<vmem>> -> memref<125x32xf32, #tpu.memory_space<vmem>>
      %dma_start3A_754 = arith.constant 0 : i32
      %dma_start3A_755 = tpu.memref_slice %arg7[%add3A_733, %dma_start3A_754] : memref<80x125xi32, #tpu.memory_space<vmem>> -> memref<1x125xi32, #tpu.memory_space<vmem>>
      %dma_start3A_756 = tpu.memref_squeeze %dma_start3A_755 : memref<1x125xi32, #tpu.memory_space<vmem>> -> memref<125xi32, #tpu.memory_space<vmem>>
      %dma_start3A_757 = arith.constant 0 : i32
      %dma_start3A_758 = arith.constant 0 : i32
      %dma_start3A_759 = tpu.memref_slice %arg10[%dma_start3A_757, %dma_start3A_758] : memref<10240x32xf32, #tpu.memory_space<vmem_shared>> -> memref<10240x32xf32, #tpu.memory_space<vmem_shared>>
      %dma_start3A_760 = tpu.memref_slice %arg12[%dma_start3A_749] : memref<8x!tpu.dma_semaphore, #tpu.memory_space<semaphore_mem>> -> memref<1x!tpu.dma_semaphore, #tpu.memory_space<semaphore_mem>>
      %dma_start3A_761 = tpu.memref_squeeze %dma_start3A_760 : memref<1x!tpu.dma_semaphore, #tpu.memory_space<semaphore_mem>> -> memref<!tpu.dma_semaphore, #tpu.memory_space<semaphore_mem>>
      tpu.enqueue_indirect_dma source(%dma_start3A_753 : memref<125x32xf32, #tpu.memory_space<vmem>>) target(%dma_start3A_759 : memref<10240x32xf32, #tpu.memory_space<vmem_shared>>) offsets(%dma_start3A_756 : memref<125xi32, #tpu.memory_space<vmem>>) semaphore(%dma_start3A_761 : memref<!tpu.dma_semaphore, #tpu.memory_space<semaphore_mem>>) {add = true}
      %mul3A_762 = arith.constant 8 : i32
      %mul3A_763 = arith.muli %scan3A_505, %mul3A_762 : i32
      %add3A_764 = arith.constant 0 : i32
      %add3A_765 = arith.addi %mul3A_763, %add3A_764 : i32
      %dma_wait3A_766 = arith.constant 0 : i32
      %dma_wait3A_767 = arith.constant 0 : i32
      %dma_wait3A_768 = arith.constant 0 : i32
      %dma_wait3A_769 = arith.constant 0 : i32
      %dma_wait3A_770 = tpu.memref_slice %arg8[%dma_wait3A_766, %dma_wait3A_768, %dma_wait3A_769] : memref<8x125x32xf32, #tpu.memory_space<vmem>> -> memref<1x125x32xf32, #tpu.memory_space<vmem>>
      %dma_wait3A_771 = tpu.memref_squeeze %dma_wait3A_770 : memref<1x125x32xf32, #tpu.memory_space<vmem>> -> memref<125x32xf32, #tpu.memory_space<vmem>>
      %dma_wait3A_772 = arith.constant 0 : i32
      %dma_wait3A_773 = tpu.memref_slice %arg6[%add3A_765, %dma_wait3A_772] : memref<80x125xi32, #tpu.memory_space<vmem>> -> memref<1x125xi32, #tpu.memory_space<vmem>>
      %dma_wait3A_774 = tpu.memref_squeeze %dma_wait3A_773 : memref<1x125xi32, #tpu.memory_space<vmem>> -> memref<125xi32, #tpu.memory_space<vmem>>
      %dma_wait3A_775 = arith.constant 0 : i32
      %dma_wait3A_776 = arith.constant 0 : i32
      %dma_wait3A_777 = tpu.memref_slice %arg2[%dma_wait3A_775, %dma_wait3A_776] : memref<10000x32xf32, #tpu.memory_space<hbm>> -> memref<10000x32xf32, #tpu.memory_space<hbm>>
      %dma_wait3A_778 = tpu.memref_slice %arg12[%dma_wait3A_767] : memref<8x!tpu.dma_semaphore, #tpu.memory_space<semaphore_mem>> -> memref<1x!tpu.dma_semaphore, #tpu.memory_space<semaphore_mem>>
      %dma_wait3A_779 = tpu.memref_squeeze %dma_wait3A_778 : memref<1x!tpu.dma_semaphore, #tpu.memory_space<semaphore_mem>> -> memref<!tpu.dma_semaphore, #tpu.memory_space<semaphore_mem>>
      tpu.wait_indirect_dma semaphore(%dma_wait3A_779 : memref<!tpu.dma_semaphore, #tpu.memory_space<semaphore_mem>>) src(%dma_wait3A_777 : memref<10000x32xf32, #tpu.memory_space<hbm>>) dst(%dma_wait3A_771 : memref<125x32xf32, #tpu.memory_space<vmem>>)
      %add3A_780 = arith.constant 8 : i32
      %add3A_781 = arith.addi %add3A_765, %add3A_780 : i32
      %dma_start3A_782 = arith.constant 0 : i32
      %dma_start3A_783 = arith.constant 0 : i32
      %dma_start3A_784 = arith.constant 0 : i32
      %dma_start3A_785 = arith.constant 0 : i32
      %dma_start3A_786 = tpu.memref_slice %arg8[%dma_start3A_782, %dma_start3A_784, %dma_start3A_785] : memref<8x125x32xf32, #tpu.memory_space<vmem>> -> memref<1x125x32xf32, #tpu.memory_space<vmem>>
      %dma_start3A_787 = tpu.memref_squeeze %dma_start3A_786 : memref<1x125x32xf32, #tpu.memory_space<vmem>> -> memref<125x32xf32, #tpu.memory_space<vmem>>
      %dma_start3A_788 = arith.constant 0 : i32
      %dma_start3A_789 = tpu.memref_slice %arg6[%add3A_781, %dma_start3A_788] : memref<80x125xi32, #tpu.memory_space<vmem>> -> memref<1x125xi32, #tpu.memory_space<vmem>>
      %dma_start3A_790 = tpu.memref_squeeze %dma_start3A_789 : memref<1x125xi32, #tpu.memory_space<vmem>> -> memref<125xi32, #tpu.memory_space<vmem>>
      %dma_start3A_791 = arith.constant 0 : i32
      %dma_start3A_792 = arith.constant 0 : i32
      %dma_start3A_793 = tpu.memref_slice %arg2[%dma_start3A_791, %dma_start3A_792] : memref<10000x32xf32, #tpu.memory_space<hbm>> -> memref<10000x32xf32, #tpu.memory_space<hbm>>
      %dma_start3A_794 = tpu.memref_slice %arg11[%dma_start3A_783] : memref<8x!tpu.dma_semaphore, #tpu.memory_space<semaphore_mem>> -> memref<1x!tpu.dma_semaphore, #tpu.memory_space<semaphore_mem>>
      %dma_start3A_795 = tpu.memref_squeeze %dma_start3A_794 : memref<1x!tpu.dma_semaphore, #tpu.memory_space<semaphore_mem>> -> memref<!tpu.dma_semaphore, #tpu.memory_space<semaphore_mem>>
      tpu.enqueue_indirect_dma source(%dma_start3A_793 : memref<10000x32xf32, #tpu.memory_space<hbm>>) target(%dma_start3A_787 : memref<125x32xf32, #tpu.memory_space<vmem>>) offsets(%dma_start3A_790 : memref<125xi32, #tpu.memory_space<vmem>>) semaphore(%dma_start3A_795 : memref<!tpu.dma_semaphore, #tpu.memory_space<semaphore_mem>>)
      %mul3A_796 = arith.constant 8 : i32
      %mul3A_797 = arith.muli %scan3A_505, %mul3A_796 : i32
      %add3A_798 = arith.constant 1 : i32
      %add3A_799 = arith.addi %mul3A_797, %add3A_798 : i32
      %dma_wait3A_800 = arith.constant 1 : i32
      %dma_wait3A_801 = arith.constant 1 : i32
      %dma_wait3A_802 = arith.constant 0 : i32
      %dma_wait3A_803 = arith.constant 0 : i32
      %dma_wait3A_804 = tpu.memref_slice %arg8[%dma_wait3A_800, %dma_wait3A_802, %dma_wait3A_803] : memref<8x125x32xf32, #tpu.memory_space<vmem>> -> memref<1x125x32xf32, #tpu.memory_space<vmem>>
      %dma_wait3A_805 = tpu.memref_squeeze %dma_wait3A_804 : memref<1x125x32xf32, #tpu.memory_space<vmem>> -> memref<125x32xf32, #tpu.memory_space<vmem>>
      %dma_wait3A_806 = arith.constant 0 : i32
      %dma_wait3A_807 = tpu.memref_slice %arg6[%add3A_799, %dma_wait3A_806] : memref<80x125xi32, #tpu.memory_space<vmem>> -> memref<1x125xi32, #tpu.memory_space<vmem>>
      %dma_wait3A_808 = tpu.memref_squeeze %dma_wait3A_807 : memref<1x125xi32, #tpu.memory_space<vmem>> -> memref<125xi32, #tpu.memory_space<vmem>>
      %dma_wait3A_809 = arith.constant 0 : i32
      %dma_wait3A_810 = arith.constant 0 : i32
      %dma_wait3A_811 = tpu.memref_slice %arg2[%dma_wait3A_809, %dma_wait3A_810] : memref<10000x32xf32, #tpu.memory_space<hbm>> -> memref<10000x32xf32, #tpu.memory_space<hbm>>
      %dma_wait3A_812 = tpu.memref_slice %arg12[%dma_wait3A_801] : memref<8x!tpu.dma_semaphore, #tpu.memory_space<semaphore_mem>> -> memref<1x!tpu.dma_semaphore, #tpu.memory_space<semaphore_mem>>
      %dma_wait3A_813 = tpu.memref_squeeze %dma_wait3A_812 : memref<1x!tpu.dma_semaphore, #tpu.memory_space<semaphore_mem>> -> memref<!tpu.dma_semaphore, #tpu.memory_space<semaphore_mem>>
      tpu.wait_indirect_dma semaphore(%dma_wait3A_813 : memref<!tpu.dma_semaphore, #tpu.memory_space<semaphore_mem>>) src(%dma_wait3A_811 : memref<10000x32xf32, #tpu.memory_space<hbm>>) dst(%dma_wait3A_805 : memref<125x32xf32, #tpu.memory_space<vmem>>)
      %add3A_814 = arith.constant 8 : i32
      %add3A_815 = arith.addi %add3A_799, %add3A_814 : i32
      %dma_start3A_816 = arith.constant 1 : i32
      %dma_start3A_817 = arith.constant 1 : i32
      %dma_start3A_818 = arith.constant 0 : i32
      %dma_start3A_819 = arith.constant 0 : i32
      %dma_start3A_820 = tpu.memref_slice %arg8[%dma_start3A_816, %dma_start3A_818, %dma_start3A_819] : memref<8x125x32xf32, #tpu.memory_space<vmem>> -> memref<1x125x32xf32, #tpu.memory_space<vmem>>
      %dma_start3A_821 = tpu.memref_squeeze %dma_start3A_820 : memref<1x125x32xf32, #tpu.memory_space<vmem>> -> memref<125x32xf32, #tpu.memory_space<vmem>>
      %dma_start3A_822 = arith.constant 0 : i32
      %dma_start3A_823 = tpu.memref_slice %arg6[%add3A_815, %dma_start3A_822] : memref<80x125xi32, #tpu.memory_space<vmem>> -> memref<1x125xi32, #tpu.memory_space<vmem>>
      %dma_start3A_824 = tpu.memref_squeeze %dma_start3A_823 : memref<1x125xi32, #tpu.memory_space<vmem>> -> memref<125xi32, #tpu.memory_space<vmem>>
      %dma_start3A_825 = arith.constant 0 : i32
      %dma_start3A_826 = arith.constant 0 : i32
      %dma_start3A_827 = tpu.memref_slice %arg2[%dma_start3A_825, %dma_start3A_826] : memref<10000x32xf32, #tpu.memory_space<hbm>> -> memref<10000x32xf32, #tpu.memory_space<hbm>>
      %dma_start3A_828 = tpu.memref_slice %arg11[%dma_start3A_817] : memref<8x!tpu.dma_semaphore, #tpu.memory_space<semaphore_mem>> -> memref<1x!tpu.dma_semaphore, #tpu.memory_space<semaphore_mem>>
      %dma_start3A_829 = tpu.memref_squeeze %dma_start3A_828 : memref<1x!tpu.dma_semaphore, #tpu.memory_space<semaphore_mem>> -> memref<!tpu.dma_semaphore, #tpu.memory_space<semaphore_mem>>
      tpu.enqueue_indirect_dma source(%dma_start3A_827 : memref<10000x32xf32, #tpu.memory_space<hbm>>) target(%dma_start3A_821 : memref<125x32xf32, #tpu.memory_space<vmem>>) offsets(%dma_start3A_824 : memref<125xi32, #tpu.memory_space<vmem>>) semaphore(%dma_start3A_829 : memref<!tpu.dma_semaphore, #tpu.memory_space<semaphore_mem>>)
      %mul3A_830 = arith.constant 8 : i32
      %mul3A_831 = arith.muli %scan3A_505, %mul3A_830 : i32
      %add3A_832 = arith.constant 2 : i32
      %add3A_833 = arith.addi %mul3A_831, %add3A_832 : i32
      %dma_wait3A_834 = arith.constant 2 : i32
      %dma_wait3A_835 = arith.constant 2 : i32
      %dma_wait3A_836 = arith.constant 0 : i32
      %dma_wait3A_837 = arith.constant 0 : i32
      %dma_wait3A_838 = tpu.memref_slice %arg8[%dma_wait3A_834, %dma_wait3A_836, %dma_wait3A_837] : memref<8x125x32xf32, #tpu.memory_space<vmem>> -> memref<1x125x32xf32, #tpu.memory_space<vmem>>
      %dma_wait3A_839 = tpu.memref_squeeze %dma_wait3A_838 : memref<1x125x32xf32, #tpu.memory_space<vmem>> -> memref<125x32xf32, #tpu.memory_space<vmem>>
      %dma_wait3A_840 = arith.constant 0 : i32
      %dma_wait3A_841 = tpu.memref_slice %arg6[%add3A_833, %dma_wait3A_840] : memref<80x125xi32, #tpu.memory_space<vmem>> -> memref<1x125xi32, #tpu.memory_space<vmem>>
      %dma_wait3A_842 = tpu.memref_squeeze %dma_wait3A_841 : memref<1x125xi32, #tpu.memory_space<vmem>> -> memref<125xi32, #tpu.memory_space<vmem>>
      %dma_wait3A_843 = arith.constant 0 : i32
      %dma_wait3A_844 = arith.constant 0 : i32
      %dma_wait3A_845 = tpu.memref_slice %arg2[%dma_wait3A_843, %dma_wait3A_844] : memref<10000x32xf32, #tpu.memory_space<hbm>> -> memref<10000x32xf32, #tpu.memory_space<hbm>>
      %dma_wait3A_846 = tpu.memref_slice %arg12[%dma_wait3A_835] : memref<8x!tpu.dma_semaphore, #tpu.memory_space<semaphore_mem>> -> memref<1x!tpu.dma_semaphore, #tpu.memory_space<semaphore_mem>>
      %dma_wait3A_847 = tpu.memref_squeeze %dma_wait3A_846 : memref<1x!tpu.dma_semaphore, #tpu.memory_space<semaphore_mem>> -> memref<!tpu.dma_semaphore, #tpu.memory_space<semaphore_mem>>
      tpu.wait_indirect_dma semaphore(%dma_wait3A_847 : memref<!tpu.dma_semaphore, #tpu.memory_space<semaphore_mem>>) src(%dma_wait3A_845 : memref<10000x32xf32, #tpu.memory_space<hbm>>) dst(%dma_wait3A_839 : memref<125x32xf32, #tpu.memory_space<vmem>>)
      %add3A_848 = arith.constant 8 : i32
      %add3A_849 = arith.addi %add3A_833, %add3A_848 : i32
      %dma_start3A_850 = arith.constant 2 : i32
      %dma_start3A_851 = arith.constant 2 : i32
      %dma_start3A_852 = arith.constant 0 : i32
      %dma_start3A_853 = arith.constant 0 : i32
      %dma_start3A_854 = tpu.memref_slice %arg8[%dma_start3A_850, %dma_start3A_852, %dma_start3A_853] : memref<8x125x32xf32, #tpu.memory_space<vmem>> -> memref<1x125x32xf32, #tpu.memory_space<vmem>>
      %dma_start3A_855 = tpu.memref_squeeze %dma_start3A_854 : memref<1x125x32xf32, #tpu.memory_space<vmem>> -> memref<125x32xf32, #tpu.memory_space<vmem>>
      %dma_start3A_856 = arith.constant 0 : i32
      %dma_start3A_857 = tpu.memref_slice %arg6[%add3A_849, %dma_start3A_856] : memref<80x125xi32, #tpu.memory_space<vmem>> -> memref<1x125xi32, #tpu.memory_space<vmem>>
      %dma_start3A_858 = tpu.memref_squeeze %dma_start3A_857 : memref<1x125xi32, #tpu.memory_space<vmem>> -> memref<125xi32, #tpu.memory_space<vmem>>
      %dma_start3A_859 = arith.constant 0 : i32
      %dma_start3A_860 = arith.constant 0 : i32
      %dma_start3A_861 = tpu.memref_slice %arg2[%dma_start3A_859, %dma_start3A_860] : memref<10000x32xf32, #tpu.memory_space<hbm>> -> memref<10000x32xf32, #tpu.memory_space<hbm>>
      %dma_start3A_862 = tpu.memref_slice %arg11[%dma_start3A_851] : memref<8x!tpu.dma_semaphore, #tpu.memory_space<semaphore_mem>> -> memref<1x!tpu.dma_semaphore, #tpu.memory_space<semaphore_mem>>
      %dma_start3A_863 = tpu.memref_squeeze %dma_start3A_862 : memref<1x!tpu.dma_semaphore, #tpu.memory_space<semaphore_mem>> -> memref<!tpu.dma_semaphore, #tpu.memory_space<semaphore_mem>>
      tpu.enqueue_indirect_dma source(%dma_start3A_861 : memref<10000x32xf32, #tpu.memory_space<hbm>>) target(%dma_start3A_855 : memref<125x32xf32, #tpu.memory_space<vmem>>) offsets(%dma_start3A_858 : memref<125xi32, #tpu.memory_space<vmem>>) semaphore(%dma_start3A_863 : memref<!tpu.dma_semaphore, #tpu.memory_space<semaphore_mem>>)
      %mul3A_864 = arith.constant 8 : i32
      %mul3A_865 = arith.muli %scan3A_505, %mul3A_864 : i32
      %add3A_866 = arith.constant 3 : i32
      %add3A_867 = arith.addi %mul3A_865, %add3A_866 : i32
      %dma_wait3A_868 = arith.constant 3 : i32
      %dma_wait3A_869 = arith.constant 3 : i32
      %dma_wait3A_870 = arith.constant 0 : i32
      %dma_wait3A_871 = arith.constant 0 : i32
      %dma_wait3A_872 = tpu.memref_slice %arg8[%dma_wait3A_868, %dma_wait3A_870, %dma_wait3A_871] : memref<8x125x32xf32, #tpu.memory_space<vmem>> -> memref<1x125x32xf32, #tpu.memory_space<vmem>>
      %dma_wait3A_873 = tpu.memref_squeeze %dma_wait3A_872 : memref<1x125x32xf32, #tpu.memory_space<vmem>> -> memref<125x32xf32, #tpu.memory_space<vmem>>
      %dma_wait3A_874 = arith.constant 0 : i32
      %dma_wait3A_875 = tpu.memref_slice %arg6[%add3A_867, %dma_wait3A_874] : memref<80x125xi32, #tpu.memory_space<vmem>> -> memref<1x125xi32, #tpu.memory_space<vmem>>
      %dma_wait3A_876 = tpu.memref_squeeze %dma_wait3A_875 : memref<1x125xi32, #tpu.memory_space<vmem>> -> memref<125xi32, #tpu.memory_space<vmem>>
      %dma_wait3A_877 = arith.constant 0 : i32
      %dma_wait3A_878 = arith.constant 0 : i32
      %dma_wait3A_879 = tpu.memref_slice %arg2[%dma_wait3A_877, %dma_wait3A_878] : memref<10000x32xf32, #tpu.memory_space<hbm>> -> memref<10000x32xf32, #tpu.memory_space<hbm>>
      %dma_wait3A_880 = tpu.memref_slice %arg12[%dma_wait3A_869] : memref<8x!tpu.dma_semaphore, #tpu.memory_space<semaphore_mem>> -> memref<1x!tpu.dma_semaphore, #tpu.memory_space<semaphore_mem>>
      %dma_wait3A_881 = tpu.memref_squeeze %dma_wait3A_880 : memref<1x!tpu.dma_semaphore, #tpu.memory_space<semaphore_mem>> -> memref<!tpu.dma_semaphore, #tpu.memory_space<semaphore_mem>>
      tpu.wait_indirect_dma semaphore(%dma_wait3A_881 : memref<!tpu.dma_semaphore, #tpu.memory_space<semaphore_mem>>) src(%dma_wait3A_879 : memref<10000x32xf32, #tpu.memory_space<hbm>>) dst(%dma_wait3A_873 : memref<125x32xf32, #tpu.memory_space<vmem>>)
      %add3A_882 = arith.constant 8 : i32
      %add3A_883 = arith.addi %add3A_867, %add3A_882 : i32
      %dma_start3A_884 = arith.constant 3 : i32
      %dma_start3A_885 = arith.constant 3 : i32
      %dma_start3A_886 = arith.constant 0 : i32
      %dma_start3A_887 = arith.constant 0 : i32
      %dma_start3A_888 = tpu.memref_slice %arg8[%dma_start3A_884, %dma_start3A_886, %dma_start3A_887] : memref<8x125x32xf32, #tpu.memory_space<vmem>> -> memref<1x125x32xf32, #tpu.memory_space<vmem>>
      %dma_start3A_889 = tpu.memref_squeeze %dma_start3A_888 : memref<1x125x32xf32, #tpu.memory_space<vmem>> -> memref<125x32xf32, #tpu.memory_space<vmem>>
      %dma_start3A_890 = arith.constant 0 : i32
      %dma_start3A_891 = tpu.memref_slice %arg6[%add3A_883, %dma_start3A_890] : memref<80x125xi32, #tpu.memory_space<vmem>> -> memref<1x125xi32, #tpu.memory_space<vmem>>
      %dma_start3A_892 = tpu.memref_squeeze %dma_start3A_891 : memref<1x125xi32, #tpu.memory_space<vmem>> -> memref<125xi32, #tpu.memory_space<vmem>>
      %dma_start3A_893 = arith.constant 0 : i32
      %dma_start3A_894 = arith.constant 0 : i32
      %dma_start3A_895 = tpu.memref_slice %arg2[%dma_start3A_893, %dma_start3A_894] : memref<10000x32xf32, #tpu.memory_space<hbm>> -> memref<10000x32xf32, #tpu.memory_space<hbm>>
      %dma_start3A_896 = tpu.memref_slice %arg11[%dma_start3A_885] : memref<8x!tpu.dma_semaphore, #tpu.memory_space<semaphore_mem>> -> memref<1x!tpu.dma_semaphore, #tpu.memory_space<semaphore_mem>>
      %dma_start3A_897 = tpu.memref_squeeze %dma_start3A_896 : memref<1x!tpu.dma_semaphore, #tpu.memory_space<semaphore_mem>> -> memref<!tpu.dma_semaphore, #tpu.memory_space<semaphore_mem>>
      tpu.enqueue_indirect_dma source(%dma_start3A_895 : memref<10000x32xf32, #tpu.memory_space<hbm>>) target(%dma_start3A_889 : memref<125x32xf32, #tpu.memory_space<vmem>>) offsets(%dma_start3A_892 : memref<125xi32, #tpu.memory_space<vmem>>) semaphore(%dma_start3A_897 : memref<!tpu.dma_semaphore, #tpu.memory_space<semaphore_mem>>)
      %mul3A_898 = arith.constant 8 : i32
      %mul3A_899 = arith.muli %scan3A_505, %mul3A_898 : i32
      %add3A_900 = arith.constant 4 : i32
      %add3A_901 = arith.addi %mul3A_899, %add3A_900 : i32
      %dma_wait3A_902 = arith.constant 4 : i32
      %dma_wait3A_903 = arith.constant 4 : i32
      %dma_wait3A_904 = arith.constant 0 : i32
      %dma_wait3A_905 = arith.constant 0 : i32
      %dma_wait3A_906 = tpu.memref_slice %arg8[%dma_wait3A_902, %dma_wait3A_904, %dma_wait3A_905] : memref<8x125x32xf32, #tpu.memory_space<vmem>> -> memref<1x125x32xf32, #tpu.memory_space<vmem>>
      %dma_wait3A_907 = tpu.memref_squeeze %dma_wait3A_906 : memref<1x125x32xf32, #tpu.memory_space<vmem>> -> memref<125x32xf32, #tpu.memory_space<vmem>>
      %dma_wait3A_908 = arith.constant 0 : i32
      %dma_wait3A_909 = tpu.memref_slice %arg6[%add3A_901, %dma_wait3A_908] : memref<80x125xi32, #tpu.memory_space<vmem>> -> memref<1x125xi32, #tpu.memory_space<vmem>>
      %dma_wait3A_910 = tpu.memref_squeeze %dma_wait3A_909 : memref<1x125xi32, #tpu.memory_space<vmem>> -> memref<125xi32, #tpu.memory_space<vmem>>
      %dma_wait3A_911 = arith.constant 0 : i32
      %dma_wait3A_912 = arith.constant 0 : i32
      %dma_wait3A_913 = tpu.memref_slice %arg2[%dma_wait3A_911, %dma_wait3A_912] : memref<10000x32xf32, #tpu.memory_space<hbm>> -> memref<10000x32xf32, #tpu.memory_space<hbm>>
      %dma_wait3A_914 = tpu.memref_slice %arg12[%dma_wait3A_903] : memref<8x!tpu.dma_semaphore, #tpu.memory_space<semaphore_mem>> -> memref<1x!tpu.dma_semaphore, #tpu.memory_space<semaphore_mem>>
      %dma_wait3A_915 = tpu.memref_squeeze %dma_wait3A_914 : memref<1x!tpu.dma_semaphore, #tpu.memory_space<semaphore_mem>> -> memref<!tpu.dma_semaphore, #tpu.memory_space<semaphore_mem>>
      tpu.wait_indirect_dma semaphore(%dma_wait3A_915 : memref<!tpu.dma_semaphore, #tpu.memory_space<semaphore_mem>>) src(%dma_wait3A_913 : memref<10000x32xf32, #tpu.memory_space<hbm>>) dst(%dma_wait3A_907 : memref<125x32xf32, #tpu.memory_space<vmem>>)
      %add3A_916 = arith.constant 8 : i32
      %add3A_917 = arith.addi %add3A_901, %add3A_916 : i32
      %dma_start3A_918 = arith.constant 4 : i32
      %dma_start3A_919 = arith.constant 4 : i32
      %dma_start3A_920 = arith.constant 0 : i32
      %dma_start3A_921 = arith.constant 0 : i32
      %dma_start3A_922 = tpu.memref_slice %arg8[%dma_start3A_918, %dma_start3A_920, %dma_start3A_921] : memref<8x125x32xf32, #tpu.memory_space<vmem>> -> memref<1x125x32xf32, #tpu.memory_space<vmem>>
      %dma_start3A_923 = tpu.memref_squeeze %dma_start3A_922 : memref<1x125x32xf32, #tpu.memory_space<vmem>> -> memref<125x32xf32, #tpu.memory_space<vmem>>
      %dma_start3A_924 = arith.constant 0 : i32
      %dma_start3A_925 = tpu.memref_slice %arg6[%add3A_917, %dma_start3A_924] : memref<80x125xi32, #tpu.memory_space<vmem>> -> memref<1x125xi32, #tpu.memory_space<vmem>>
      %dma_start3A_926 = tpu.memref_squeeze %dma_start3A_925 : memref<1x125xi32, #tpu.memory_space<vmem>> -> memref<125xi32, #tpu.memory_space<vmem>>
      %dma_start3A_927 = arith.constant 0 : i32
      %dma_start3A_928 = arith.constant 0 : i32
      %dma_start3A_929 = tpu.memref_slice %arg2[%dma_start3A_927, %dma_start3A_928] : memref<10000x32xf32, #tpu.memory_space<hbm>> -> memref<10000x32xf32, #tpu.memory_space<hbm>>
      %dma_start3A_930 = tpu.memref_slice %arg11[%dma_start3A_919] : memref<8x!tpu.dma_semaphore, #tpu.memory_space<semaphore_mem>> -> memref<1x!tpu.dma_semaphore, #tpu.memory_space<semaphore_mem>>
      %dma_start3A_931 = tpu.memref_squeeze %dma_start3A_930 : memref<1x!tpu.dma_semaphore, #tpu.memory_space<semaphore_mem>> -> memref<!tpu.dma_semaphore, #tpu.memory_space<semaphore_mem>>
      tpu.enqueue_indirect_dma source(%dma_start3A_929 : memref<10000x32xf32, #tpu.memory_space<hbm>>) target(%dma_start3A_923 : memref<125x32xf32, #tpu.memory_space<vmem>>) offsets(%dma_start3A_926 : memref<125xi32, #tpu.memory_space<vmem>>) semaphore(%dma_start3A_931 : memref<!tpu.dma_semaphore, #tpu.memory_space<semaphore_mem>>)
      %mul3A_932 = arith.constant 8 : i32
      %mul3A_933 = arith.muli %scan3A_505, %mul3A_932 : i32
      %add3A_934 = arith.constant 5 : i32
      %add3A_935 = arith.addi %mul3A_933, %add3A_934 : i32
      %dma_wait3A_936 = arith.constant 5 : i32
      %dma_wait3A_937 = arith.constant 5 : i32
      %dma_wait3A_938 = arith.constant 0 : i32
      %dma_wait3A_939 = arith.constant 0 : i32
      %dma_wait3A_940 = tpu.memref_slice %arg8[%dma_wait3A_936, %dma_wait3A_938, %dma_wait3A_939] : memref<8x125x32xf32, #tpu.memory_space<vmem>> -> memref<1x125x32xf32, #tpu.memory_space<vmem>>
      %dma_wait3A_941 = tpu.memref_squeeze %dma_wait3A_940 : memref<1x125x32xf32, #tpu.memory_space<vmem>> -> memref<125x32xf32, #tpu.memory_space<vmem>>
      %dma_wait3A_942 = arith.constant 0 : i32
      %dma_wait3A_943 = tpu.memref_slice %arg6[%add3A_935, %dma_wait3A_942] : memref<80x125xi32, #tpu.memory_space<vmem>> -> memref<1x125xi32, #tpu.memory_space<vmem>>
      %dma_wait3A_944 = tpu.memref_squeeze %dma_wait3A_943 : memref<1x125xi32, #tpu.memory_space<vmem>> -> memref<125xi32, #tpu.memory_space<vmem>>
      %dma_wait3A_945 = arith.constant 0 : i32
      %dma_wait3A_946 = arith.constant 0 : i32
      %dma_wait3A_947 = tpu.memref_slice %arg2[%dma_wait3A_945, %dma_wait3A_946] : memref<10000x32xf32, #tpu.memory_space<hbm>> -> memref<10000x32xf32, #tpu.memory_space<hbm>>
      %dma_wait3A_948 = tpu.memref_slice %arg12[%dma_wait3A_937] : memref<8x!tpu.dma_semaphore, #tpu.memory_space<semaphore_mem>> -> memref<1x!tpu.dma_semaphore, #tpu.memory_space<semaphore_mem>>
      %dma_wait3A_949 = tpu.memref_squeeze %dma_wait3A_948 : memref<1x!tpu.dma_semaphore, #tpu.memory_space<semaphore_mem>> -> memref<!tpu.dma_semaphore, #tpu.memory_space<semaphore_mem>>
      tpu.wait_indirect_dma semaphore(%dma_wait3A_949 : memref<!tpu.dma_semaphore, #tpu.memory_space<semaphore_mem>>) src(%dma_wait3A_947 : memref<10000x32xf32, #tpu.memory_space<hbm>>) dst(%dma_wait3A_941 : memref<125x32xf32, #tpu.memory_space<vmem>>)
      %add3A_950 = arith.constant 8 : i32
      %add3A_951 = arith.addi %add3A_935, %add3A_950 : i32
      %dma_start3A_952 = arith.constant 5 : i32
      %dma_start3A_953 = arith.constant 5 : i32
      %dma_start3A_954 = arith.constant 0 : i32
      %dma_start3A_955 = arith.constant 0 : i32
      %dma_start3A_956 = tpu.memref_slice %arg8[%dma_start3A_952, %dma_start3A_954, %dma_start3A_955] : memref<8x125x32xf32, #tpu.memory_space<vmem>> -> memref<1x125x32xf32, #tpu.memory_space<vmem>>
      %dma_start3A_957 = tpu.memref_squeeze %dma_start3A_956 : memref<1x125x32xf32, #tpu.memory_space<vmem>> -> memref<125x32xf32, #tpu.memory_space<vmem>>
      %dma_start3A_958 = arith.constant 0 : i32
      %dma_start3A_959 = tpu.memref_slice %arg6[%add3A_951, %dma_start3A_958] : memref<80x125xi32, #tpu.memory_space<vmem>> -> memref<1x125xi32, #tpu.memory_space<vmem>>
      %dma_start3A_960 = tpu.memref_squeeze %dma_start3A_959 : memref<1x125xi32, #tpu.memory_space<vmem>> -> memref<125xi32, #tpu.memory_space<vmem>>
      %dma_start3A_961 = arith.constant 0 : i32
      %dma_start3A_962 = arith.constant 0 : i32
      %dma_start3A_963 = tpu.memref_slice %arg2[%dma_start3A_961, %dma_start3A_962] : memref<10000x32xf32, #tpu.memory_space<hbm>> -> memref<10000x32xf32, #tpu.memory_space<hbm>>
      %dma_start3A_964 = tpu.memref_slice %arg11[%dma_start3A_953] : memref<8x!tpu.dma_semaphore, #tpu.memory_space<semaphore_mem>> -> memref<1x!tpu.dma_semaphore, #tpu.memory_space<semaphore_mem>>
      %dma_start3A_965 = tpu.memref_squeeze %dma_start3A_964 : memref<1x!tpu.dma_semaphore, #tpu.memory_space<semaphore_mem>> -> memref<!tpu.dma_semaphore, #tpu.memory_space<semaphore_mem>>
      tpu.enqueue_indirect_dma source(%dma_start3A_963 : memref<10000x32xf32, #tpu.memory_space<hbm>>) target(%dma_start3A_957 : memref<125x32xf32, #tpu.memory_space<vmem>>) offsets(%dma_start3A_960 : memref<125xi32, #tpu.memory_space<vmem>>) semaphore(%dma_start3A_965 : memref<!tpu.dma_semaphore, #tpu.memory_space<semaphore_mem>>)
      %mul3A_966 = arith.constant 8 : i32
      %mul3A_967 = arith.muli %scan3A_505, %mul3A_966 : i32
      %add3A_968 = arith.constant 6 : i32
      %add3A_969 = arith.addi %mul3A_967, %add3A_968 : i32
      %dma_wait3A_970 = arith.constant 6 : i32
      %dma_wait3A_971 = arith.constant 6 : i32
      %dma_wait3A_972 = arith.constant 0 : i32
      %dma_wait3A_973 = arith.constant 0 : i32
      %dma_wait3A_974 = tpu.memref_slice %arg8[%dma_wait3A_970, %dma_wait3A_972, %dma_wait3A_973] : memref<8x125x32xf32, #tpu.memory_space<vmem>> -> memref<1x125x32xf32, #tpu.memory_space<vmem>>
      %dma_wait3A_975 = tpu.memref_squeeze %dma_wait3A_974 : memref<1x125x32xf32, #tpu.memory_space<vmem>> -> memref<125x32xf32, #tpu.memory_space<vmem>>
      %dma_wait3A_976 = arith.constant 0 : i32
      %dma_wait3A_977 = tpu.memref_slice %arg6[%add3A_969, %dma_wait3A_976] : memref<80x125xi32, #tpu.memory_space<vmem>> -> memref<1x125xi32, #tpu.memory_space<vmem>>
      %dma_wait3A_978 = tpu.memref_squeeze %dma_wait3A_977 : memref<1x125xi32, #tpu.memory_space<vmem>> -> memref<125xi32, #tpu.memory_space<vmem>>
      %dma_wait3A_979 = arith.constant 0 : i32
      %dma_wait3A_980 = arith.constant 0 : i32
      %dma_wait3A_981 = tpu.memref_slice %arg2[%dma_wait3A_979, %dma_wait3A_980] : memref<10000x32xf32, #tpu.memory_space<hbm>> -> memref<10000x32xf32, #tpu.memory_space<hbm>>
      %dma_wait3A_982 = tpu.memref_slice %arg12[%dma_wait3A_971] : memref<8x!tpu.dma_semaphore, #tpu.memory_space<semaphore_mem>> -> memref<1x!tpu.dma_semaphore, #tpu.memory_space<semaphore_mem>>
      %dma_wait3A_983 = tpu.memref_squeeze %dma_wait3A_982 : memref<1x!tpu.dma_semaphore, #tpu.memory_space<semaphore_mem>> -> memref<!tpu.dma_semaphore, #tpu.memory_space<semaphore_mem>>
      tpu.wait_indirect_dma semaphore(%dma_wait3A_983 : memref<!tpu.dma_semaphore, #tpu.memory_space<semaphore_mem>>) src(%dma_wait3A_981 : memref<10000x32xf32, #tpu.memory_space<hbm>>) dst(%dma_wait3A_975 : memref<125x32xf32, #tpu.memory_space<vmem>>)
      %add3A_984 = arith.constant 8 : i32
      %add3A_985 = arith.addi %add3A_969, %add3A_984 : i32
      %dma_start3A_986 = arith.constant 6 : i32
      %dma_start3A_987 = arith.constant 6 : i32
      %dma_start3A_988 = arith.constant 0 : i32
      %dma_start3A_989 = arith.constant 0 : i32
      %dma_start3A_990 = tpu.memref_slice %arg8[%dma_start3A_986, %dma_start3A_988, %dma_start3A_989] : memref<8x125x32xf32, #tpu.memory_space<vmem>> -> memref<1x125x32xf32, #tpu.memory_space<vmem>>
      %dma_start3A_991 = tpu.memref_squeeze %dma_start3A_990 : memref<1x125x32xf32, #tpu.memory_space<vmem>> -> memref<125x32xf32, #tpu.memory_space<vmem>>
      %dma_start3A_992 = arith.constant 0 : i32
      %dma_start3A_993 = tpu.memref_slice %arg6[%add3A_985, %dma_start3A_992] : memref<80x125xi32, #tpu.memory_space<vmem>> -> memref<1x125xi32, #tpu.memory_space<vmem>>
      %dma_start3A_994 = tpu.memref_squeeze %dma_start3A_993 : memref<1x125xi32, #tpu.memory_space<vmem>> -> memref<125xi32, #tpu.memory_space<vmem>>
      %dma_start3A_995 = arith.constant 0 : i32
      %dma_start3A_996 = arith.constant 0 : i32
      %dma_start3A_997 = tpu.memref_slice %arg2[%dma_start3A_995, %dma_start3A_996] : memref<10000x32xf32, #tpu.memory_space<hbm>> -> memref<10000x32xf32, #tpu.memory_space<hbm>>
      %dma_start3A_998 = tpu.memref_slice %arg11[%dma_start3A_987] : memref<8x!tpu.dma_semaphore, #tpu.memory_space<semaphore_mem>> -> memref<1x!tpu.dma_semaphore, #tpu.memory_space<semaphore_mem>>
      %dma_start3A_999 = tpu.memref_squeeze %dma_start3A_998 : memref<1x!tpu.dma_semaphore, #tpu.memory_space<semaphore_mem>> -> memref<!tpu.dma_semaphore, #tpu.memory_space<semaphore_mem>>
      tpu.enqueue_indirect_dma source(%dma_start3A_997 : memref<10000x32xf32, #tpu.memory_space<hbm>>) target(%dma_start3A_991 : memref<125x32xf32, #tpu.memory_space<vmem>>) offsets(%dma_start3A_994 : memref<125xi32, #tpu.memory_space<vmem>>) semaphore(%dma_start3A_999 : memref<!tpu.dma_semaphore, #tpu.memory_space<semaphore_mem>>)
      %mul3A_1000 = arith.constant 8 : i32
      %mul3A_1001 = arith.muli %scan3A_505, %mul3A_1000 : i32
      %add3A_1002 = arith.constant 7 : i32
      %add3A_1003 = arith.addi %mul3A_1001, %add3A_1002 : i32
      %dma_wait3A_1004 = arith.constant 7 : i32
      %dma_wait3A_1005 = arith.constant 7 : i32
      %dma_wait3A_1006 = arith.constant 0 : i32
      %dma_wait3A_1007 = arith.constant 0 : i32
      %dma_wait3A_1008 = tpu.memref_slice %arg8[%dma_wait3A_1004, %dma_wait3A_1006, %dma_wait3A_1007] : memref<8x125x32xf32, #tpu.memory_space<vmem>> -> memref<1x125x32xf32, #tpu.memory_space<vmem>>
      %dma_wait3A_1009 = tpu.memref_squeeze %dma_wait3A_1008 : memref<1x125x32xf32, #tpu.memory_space<vmem>> -> memref<125x32xf32, #tpu.memory_space<vmem>>
      %dma_wait3A_1010 = arith.constant 0 : i32
      %dma_wait3A_1011 = tpu.memref_slice %arg6[%add3A_1003, %dma_wait3A_1010] : memref<80x125xi32, #tpu.memory_space<vmem>> -> memref<1x125xi32, #tpu.memory_space<vmem>>
      %dma_wait3A_1012 = tpu.memref_squeeze %dma_wait3A_1011 : memref<1x125xi32, #tpu.memory_space<vmem>> -> memref<125xi32, #tpu.memory_space<vmem>>
      %dma_wait3A_1013 = arith.constant 0 : i32
      %dma_wait3A_1014 = arith.constant 0 : i32
      %dma_wait3A_1015 = tpu.memref_slice %arg2[%dma_wait3A_1013, %dma_wait3A_1014] : memref<10000x32xf32, #tpu.memory_space<hbm>> -> memref<10000x32xf32, #tpu.memory_space<hbm>>
      %dma_wait3A_1016 = tpu.memref_slice %arg12[%dma_wait3A_1005] : memref<8x!tpu.dma_semaphore, #tpu.memory_space<semaphore_mem>> -> memref<1x!tpu.dma_semaphore, #tpu.memory_space<semaphore_mem>>
      %dma_wait3A_1017 = tpu.memref_squeeze %dma_wait3A_1016 : memref<1x!tpu.dma_semaphore, #tpu.memory_space<semaphore_mem>> -> memref<!tpu.dma_semaphore, #tpu.memory_space<semaphore_mem>>
      tpu.wait_indirect_dma semaphore(%dma_wait3A_1017 : memref<!tpu.dma_semaphore, #tpu.memory_space<semaphore_mem>>) src(%dma_wait3A_1015 : memref<10000x32xf32, #tpu.memory_space<hbm>>) dst(%dma_wait3A_1009 : memref<125x32xf32, #tpu.memory_space<vmem>>)
      %add3A_1018 = arith.constant 8 : i32
      %add3A_1019 = arith.addi %add3A_1003, %add3A_1018 : i32
      %dma_start3A_1020 = arith.constant 7 : i32
      %dma_start3A_1021 = arith.constant 7 : i32
      %dma_start3A_1022 = arith.constant 0 : i32
      %dma_start3A_1023 = arith.constant 0 : i32
      %dma_start3A_1024 = tpu.memref_slice %arg8[%dma_start3A_1020, %dma_start3A_1022, %dma_start3A_1023] : memref<8x125x32xf32, #tpu.memory_space<vmem>> -> memref<1x125x32xf32, #tpu.memory_space<vmem>>
      %dma_start3A_1025 = tpu.memref_squeeze %dma_start3A_1024 : memref<1x125x32xf32, #tpu.memory_space<vmem>> -> memref<125x32xf32, #tpu.memory_space<vmem>>
      %dma_start3A_1026 = arith.constant 0 : i32
      %dma_start3A_1027 = tpu.memref_slice %arg6[%add3A_1019, %dma_start3A_1026] : memref<80x125xi32, #tpu.memory_space<vmem>> -> memref<1x125xi32, #tpu.memory_space<vmem>>
      %dma_start3A_1028 = tpu.memref_squeeze %dma_start3A_1027 : memref<1x125xi32, #tpu.memory_space<vmem>> -> memref<125xi32, #tpu.memory_space<vmem>>
      %dma_start3A_1029 = arith.constant 0 : i32
      %dma_start3A_1030 = arith.constant 0 : i32
      %dma_start3A_1031 = tpu.memref_slice %arg2[%dma_start3A_1029, %dma_start3A_1030] : memref<10000x32xf32, #tpu.memory_space<hbm>> -> memref<10000x32xf32, #tpu.memory_space<hbm>>
      %dma_start3A_1032 = tpu.memref_slice %arg11[%dma_start3A_1021] : memref<8x!tpu.dma_semaphore, #tpu.memory_space<semaphore_mem>> -> memref<1x!tpu.dma_semaphore, #tpu.memory_space<semaphore_mem>>
      %dma_start3A_1033 = tpu.memref_squeeze %dma_start3A_1032 : memref<1x!tpu.dma_semaphore, #tpu.memory_space<semaphore_mem>> -> memref<!tpu.dma_semaphore, #tpu.memory_space<semaphore_mem>>
      tpu.enqueue_indirect_dma source(%dma_start3A_1031 : memref<10000x32xf32, #tpu.memory_space<hbm>>) target(%dma_start3A_1025 : memref<125x32xf32, #tpu.memory_space<vmem>>) offsets(%dma_start3A_1028 : memref<125xi32, #tpu.memory_space<vmem>>) semaphore(%dma_start3A_1033 : memref<!tpu.dma_semaphore, #tpu.memory_space<semaphore_mem>>)
    }
    %scan3A_137 = arith.constant 9 : i32
    %dma_wait3A = arith.constant 72 : i32
    %dma_wait3A_138 = arith.constant 0 : i32
    %dma_wait3A_139 = arith.constant 0 : i32
    %dma_wait3A_140 = arith.constant 0 : i32
    %dma_wait3A_141 = arith.constant 0 : i32
    %dma_wait3A_142 = tpu.memref_slice %arg8[%dma_wait3A_138, %dma_wait3A_140, %dma_wait3A_141] : memref<8x125x32xf32, #tpu.memory_space<vmem>> -> memref<1x125x32xf32, #tpu.memory_space<vmem>>
    %dma_wait3A_143 = tpu.memref_squeeze %dma_wait3A_142 : memref<1x125x32xf32, #tpu.memory_space<vmem>> -> memref<125x32xf32, #tpu.memory_space<vmem>>
    %dma_wait3A_144 = arith.constant 0 : i32
    %dma_wait3A_145 = tpu.memref_slice %arg6[%dma_wait3A, %dma_wait3A_144] : memref<80x125xi32, #tpu.memory_space<vmem>> -> memref<1x125xi32, #tpu.memory_space<vmem>>
    %dma_wait3A_146 = tpu.memref_squeeze %dma_wait3A_145 : memref<1x125xi32, #tpu.memory_space<vmem>> -> memref<125xi32, #tpu.memory_space<vmem>>
    %dma_wait3A_147 = arith.constant 0 : i32
    %dma_wait3A_148 = arith.constant 0 : i32
    %dma_wait3A_149 = tpu.memref_slice %arg2[%dma_wait3A_147, %dma_wait3A_148] : memref<10000x32xf32, #tpu.memory_space<hbm>> -> memref<10000x32xf32, #tpu.memory_space<hbm>>
    %dma_wait3A_150 = tpu.memref_slice %arg11[%dma_wait3A_139] : memref<8x!tpu.dma_semaphore, #tpu.memory_space<semaphore_mem>> -> memref<1x!tpu.dma_semaphore, #tpu.memory_space<semaphore_mem>>
    %dma_wait3A_151 = tpu.memref_squeeze %dma_wait3A_150 : memref<1x!tpu.dma_semaphore, #tpu.memory_space<semaphore_mem>> -> memref<!tpu.dma_semaphore, #tpu.memory_space<semaphore_mem>>
    tpu.wait_indirect_dma semaphore(%dma_wait3A_151 : memref<!tpu.dma_semaphore, #tpu.memory_space<semaphore_mem>>) src(%dma_wait3A_149 : memref<10000x32xf32, #tpu.memory_space<hbm>>) dst(%dma_wait3A_143 : memref<125x32xf32, #tpu.memory_space<vmem>>)
    %dma_start3A_152 = arith.constant 0 : i32
    %dma_start3A_153 = arith.constant 72 : i32
    %dma_start3A_154 = arith.constant 0 : i32
    %dma_start3A_155 = arith.constant 0 : i32
    %dma_start3A_156 = arith.constant 0 : i32
    %dma_start3A_157 = tpu.memref_slice %arg8[%dma_start3A_152, %dma_start3A_155, %dma_start3A_156] : memref<8x125x32xf32, #tpu.memory_space<vmem>> -> memref<1x125x32xf32, #tpu.memory_space<vmem>>
    %dma_start3A_158 = tpu.memref_squeeze %dma_start3A_157 : memref<1x125x32xf32, #tpu.memory_space<vmem>> -> memref<125x32xf32, #tpu.memory_space<vmem>>
    %dma_start3A_159 = arith.constant 0 : i32
    %dma_start3A_160 = tpu.memref_slice %arg7[%dma_start3A_153, %dma_start3A_159] : memref<80x125xi32, #tpu.memory_space<vmem>> -> memref<1x125xi32, #tpu.memory_space<vmem>>
    %dma_start3A_161 = tpu.memref_squeeze %dma_start3A_160 : memref<1x125xi32, #tpu.memory_space<vmem>> -> memref<125xi32, #tpu.memory_space<vmem>>
    %dma_start3A_162 = arith.constant 0 : i32
    %dma_start3A_163 = arith.constant 0 : i32
    %dma_start3A_164 = tpu.memref_slice %arg10[%dma_start3A_162, %dma_start3A_163] : memref<10240x32xf32, #tpu.memory_space<vmem_shared>> -> memref<10240x32xf32, #tpu.memory_space<vmem_shared>>
    %dma_start3A_165 = tpu.memref_slice %arg12[%dma_start3A_154] : memref<8x!tpu.dma_semaphore, #tpu.memory_space<semaphore_mem>> -> memref<1x!tpu.dma_semaphore, #tpu.memory_space<semaphore_mem>>
    %dma_start3A_166 = tpu.memref_squeeze %dma_start3A_165 : memref<1x!tpu.dma_semaphore, #tpu.memory_space<semaphore_mem>> -> memref<!tpu.dma_semaphore, #tpu.memory_space<semaphore_mem>>
    tpu.enqueue_indirect_dma source(%dma_start3A_158 : memref<125x32xf32, #tpu.memory_space<vmem>>) target(%dma_start3A_164 : memref<10240x32xf32, #tpu.memory_space<vmem_shared>>) offsets(%dma_start3A_161 : memref<125xi32, #tpu.memory_space<vmem>>) semaphore(%dma_start3A_166 : memref<!tpu.dma_semaphore, #tpu.memory_space<semaphore_mem>>) {add = true}
    %dma_wait3A_167 = arith.constant 73 : i32
    %dma_wait3A_168 = arith.constant 1 : i32
    %dma_wait3A_169 = arith.constant 1 : i32
    %dma_wait3A_170 = arith.constant 0 : i32
    %dma_wait3A_171 = arith.constant 0 : i32
    %dma_wait3A_172 = tpu.memref_slice %arg8[%dma_wait3A_168, %dma_wait3A_170, %dma_wait3A_171] : memref<8x125x32xf32, #tpu.memory_space<vmem>> -> memref<1x125x32xf32, #tpu.memory_space<vmem>>
    %dma_wait3A_173 = tpu.memref_squeeze %dma_wait3A_172 : memref<1x125x32xf32, #tpu.memory_space<vmem>> -> memref<125x32xf32, #tpu.memory_space<vmem>>
    %dma_wait3A_174 = arith.constant 0 : i32
    %dma_wait3A_175 = tpu.memref_slice %arg6[%dma_wait3A_167, %dma_wait3A_174] : memref<80x125xi32, #tpu.memory_space<vmem>> -> memref<1x125xi32, #tpu.memory_space<vmem>>
    %dma_wait3A_176 = tpu.memref_squeeze %dma_wait3A_175 : memref<1x125xi32, #tpu.memory_space<vmem>> -> memref<125xi32, #tpu.memory_space<vmem>>
    %dma_wait3A_177 = arith.constant 0 : i32
    %dma_wait3A_178 = arith.constant 0 : i32
    %dma_wait3A_179 = tpu.memref_slice %arg2[%dma_wait3A_177, %dma_wait3A_178] : memref<10000x32xf32, #tpu.memory_space<hbm>> -> memref<10000x32xf32, #tpu.memory_space<hbm>>
    %dma_wait3A_180 = tpu.memref_slice %arg11[%dma_wait3A_169] : memref<8x!tpu.dma_semaphore, #tpu.memory_space<semaphore_mem>> -> memref<1x!tpu.dma_semaphore, #tpu.memory_space<semaphore_mem>>
    %dma_wait3A_181 = tpu.memref_squeeze %dma_wait3A_180 : memref<1x!tpu.dma_semaphore, #tpu.memory_space<semaphore_mem>> -> memref<!tpu.dma_semaphore, #tpu.memory_space<semaphore_mem>>
    tpu.wait_indirect_dma semaphore(%dma_wait3A_181 : memref<!tpu.dma_semaphore, #tpu.memory_space<semaphore_mem>>) src(%dma_wait3A_179 : memref<10000x32xf32, #tpu.memory_space<hbm>>) dst(%dma_wait3A_173 : memref<125x32xf32, #tpu.memory_space<vmem>>)
    %dma_start3A_182 = arith.constant 1 : i32
    %dma_start3A_183 = arith.constant 73 : i32
    %dma_start3A_184 = arith.constant 1 : i32
    %dma_start3A_185 = arith.constant 0 : i32
    %dma_start3A_186 = arith.constant 0 : i32
    %dma_start3A_187 = tpu.memref_slice %arg8[%dma_start3A_182, %dma_start3A_185, %dma_start3A_186] : memref<8x125x32xf32, #tpu.memory_space<vmem>> -> memref<1x125x32xf32, #tpu.memory_space<vmem>>
    %dma_start3A_188 = tpu.memref_squeeze %dma_start3A_187 : memref<1x125x32xf32, #tpu.memory_space<vmem>> -> memref<125x32xf32, #tpu.memory_space<vmem>>
    %dma_start3A_189 = arith.constant 0 : i32
    %dma_start3A_190 = tpu.memref_slice %arg7[%dma_start3A_183, %dma_start3A_189] : memref<80x125xi32, #tpu.memory_space<vmem>> -> memref<1x125xi32, #tpu.memory_space<vmem>>
    %dma_start3A_191 = tpu.memref_squeeze %dma_start3A_190 : memref<1x125xi32, #tpu.memory_space<vmem>> -> memref<125xi32, #tpu.memory_space<vmem>>
    %dma_start3A_192 = arith.constant 0 : i32
    %dma_start3A_193 = arith.constant 0 : i32
    %dma_start3A_194 = tpu.memref_slice %arg10[%dma_start3A_192, %dma_start3A_193] : memref<10240x32xf32, #tpu.memory_space<vmem_shared>> -> memref<10240x32xf32, #tpu.memory_space<vmem_shared>>
    %dma_start3A_195 = tpu.memref_slice %arg12[%dma_start3A_184] : memref<8x!tpu.dma_semaphore, #tpu.memory_space<semaphore_mem>> -> memref<1x!tpu.dma_semaphore, #tpu.memory_space<semaphore_mem>>
    %dma_start3A_196 = tpu.memref_squeeze %dma_start3A_195 : memref<1x!tpu.dma_semaphore, #tpu.memory_space<semaphore_mem>> -> memref<!tpu.dma_semaphore, #tpu.memory_space<semaphore_mem>>
    tpu.enqueue_indirect_dma source(%dma_start3A_188 : memref<125x32xf32, #tpu.memory_space<vmem>>) target(%dma_start3A_194 : memref<10240x32xf32, #tpu.memory_space<vmem_shared>>) offsets(%dma_start3A_191 : memref<125xi32, #tpu.memory_space<vmem>>) semaphore(%dma_start3A_196 : memref<!tpu.dma_semaphore, #tpu.memory_space<semaphore_mem>>) {add = true}
    %dma_wait3A_197 = arith.constant 74 : i32
    %dma_wait3A_198 = arith.constant 2 : i32
    %dma_wait3A_199 = arith.constant 2 : i32
    %dma_wait3A_200 = arith.constant 0 : i32
    %dma_wait3A_201 = arith.constant 0 : i32
    %dma_wait3A_202 = tpu.memref_slice %arg8[%dma_wait3A_198, %dma_wait3A_200, %dma_wait3A_201] : memref<8x125x32xf32, #tpu.memory_space<vmem>> -> memref<1x125x32xf32, #tpu.memory_space<vmem>>
    %dma_wait3A_203 = tpu.memref_squeeze %dma_wait3A_202 : memref<1x125x32xf32, #tpu.memory_space<vmem>> -> memref<125x32xf32, #tpu.memory_space<vmem>>
    %dma_wait3A_204 = arith.constant 0 : i32
    %dma_wait3A_205 = tpu.memref_slice %arg6[%dma_wait3A_197, %dma_wait3A_204] : memref<80x125xi32, #tpu.memory_space<vmem>> -> memref<1x125xi32, #tpu.memory_space<vmem>>
    %dma_wait3A_206 = tpu.memref_squeeze %dma_wait3A_205 : memref<1x125xi32, #tpu.memory_space<vmem>> -> memref<125xi32, #tpu.memory_space<vmem>>
    %dma_wait3A_207 = arith.constant 0 : i32
    %dma_wait3A_208 = arith.constant 0 : i32
    %dma_wait3A_209 = tpu.memref_slice %arg2[%dma_wait3A_207, %dma_wait3A_208] : memref<10000x32xf32, #tpu.memory_space<hbm>> -> memref<10000x32xf32, #tpu.memory_space<hbm>>
    %dma_wait3A_210 = tpu.memref_slice %arg11[%dma_wait3A_199] : memref<8x!tpu.dma_semaphore, #tpu.memory_space<semaphore_mem>> -> memref<1x!tpu.dma_semaphore, #tpu.memory_space<semaphore_mem>>
    %dma_wait3A_211 = tpu.memref_squeeze %dma_wait3A_210 : memref<1x!tpu.dma_semaphore, #tpu.memory_space<semaphore_mem>> -> memref<!tpu.dma_semaphore, #tpu.memory_space<semaphore_mem>>
    tpu.wait_indirect_dma semaphore(%dma_wait3A_211 : memref<!tpu.dma_semaphore, #tpu.memory_space<semaphore_mem>>) src(%dma_wait3A_209 : memref<10000x32xf32, #tpu.memory_space<hbm>>) dst(%dma_wait3A_203 : memref<125x32xf32, #tpu.memory_space<vmem>>)
    %dma_start3A_212 = arith.constant 2 : i32
    %dma_start3A_213 = arith.constant 74 : i32
    %dma_start3A_214 = arith.constant 2 : i32
    %dma_start3A_215 = arith.constant 0 : i32
    %dma_start3A_216 = arith.constant 0 : i32
    %dma_start3A_217 = tpu.memref_slice %arg8[%dma_start3A_212, %dma_start3A_215, %dma_start3A_216] : memref<8x125x32xf32, #tpu.memory_space<vmem>> -> memref<1x125x32xf32, #tpu.memory_space<vmem>>
    %dma_start3A_218 = tpu.memref_squeeze %dma_start3A_217 : memref<1x125x32xf32, #tpu.memory_space<vmem>> -> memref<125x32xf32, #tpu.memory_space<vmem>>
    %dma_start3A_219 = arith.constant 0 : i32
    %dma_start3A_220 = tpu.memref_slice %arg7[%dma_start3A_213, %dma_start3A_219] : memref<80x125xi32, #tpu.memory_space<vmem>> -> memref<1x125xi32, #tpu.memory_space<vmem>>
    %dma_start3A_221 = tpu.memref_squeeze %dma_start3A_220 : memref<1x125xi32, #tpu.memory_space<vmem>> -> memref<125xi32, #tpu.memory_space<vmem>>
    %dma_start3A_222 = arith.constant 0 : i32
    %dma_start3A_223 = arith.constant 0 : i32
    %dma_start3A_224 = tpu.memref_slice %arg10[%dma_start3A_222, %dma_start3A_223] : memref<10240x32xf32, #tpu.memory_space<vmem_shared>> -> memref<10240x32xf32, #tpu.memory_space<vmem_shared>>
    %dma_start3A_225 = tpu.memref_slice %arg12[%dma_start3A_214] : memref<8x!tpu.dma_semaphore, #tpu.memory_space<semaphore_mem>> -> memref<1x!tpu.dma_semaphore, #tpu.memory_space<semaphore_mem>>
    %dma_start3A_226 = tpu.memref_squeeze %dma_start3A_225 : memref<1x!tpu.dma_semaphore, #tpu.memory_space<semaphore_mem>> -> memref<!tpu.dma_semaphore, #tpu.memory_space<semaphore_mem>>
    tpu.enqueue_indirect_dma source(%dma_start3A_218 : memref<125x32xf32, #tpu.memory_space<vmem>>) target(%dma_start3A_224 : memref<10240x32xf32, #tpu.memory_space<vmem_shared>>) offsets(%dma_start3A_221 : memref<125xi32, #tpu.memory_space<vmem>>) semaphore(%dma_start3A_226 : memref<!tpu.dma_semaphore, #tpu.memory_space<semaphore_mem>>) {add = true}
    %dma_wait3A_227 = arith.constant 75 : i32
    %dma_wait3A_228 = arith.constant 3 : i32
    %dma_wait3A_229 = arith.constant 3 : i32
    %dma_wait3A_230 = arith.constant 0 : i32
    %dma_wait3A_231 = arith.constant 0 : i32
    %dma_wait3A_232 = tpu.memref_slice %arg8[%dma_wait3A_228, %dma_wait3A_230, %dma_wait3A_231] : memref<8x125x32xf32, #tpu.memory_space<vmem>> -> memref<1x125x32xf32, #tpu.memory_space<vmem>>
    %dma_wait3A_233 = tpu.memref_squeeze %dma_wait3A_232 : memref<1x125x32xf32, #tpu.memory_space<vmem>> -> memref<125x32xf32, #tpu.memory_space<vmem>>
    %dma_wait3A_234 = arith.constant 0 : i32
    %dma_wait3A_235 = tpu.memref_slice %arg6[%dma_wait3A_227, %dma_wait3A_234] : memref<80x125xi32, #tpu.memory_space<vmem>> -> memref<1x125xi32, #tpu.memory_space<vmem>>
    %dma_wait3A_236 = tpu.memref_squeeze %dma_wait3A_235 : memref<1x125xi32, #tpu.memory_space<vmem>> -> memref<125xi32, #tpu.memory_space<vmem>>
    %dma_wait3A_237 = arith.constant 0 : i32
    %dma_wait3A_238 = arith.constant 0 : i32
    %dma_wait3A_239 = tpu.memref_slice %arg2[%dma_wait3A_237, %dma_wait3A_238] : memref<10000x32xf32, #tpu.memory_space<hbm>> -> memref<10000x32xf32, #tpu.memory_space<hbm>>
    %dma_wait3A_240 = tpu.memref_slice %arg11[%dma_wait3A_229] : memref<8x!tpu.dma_semaphore, #tpu.memory_space<semaphore_mem>> -> memref<1x!tpu.dma_semaphore, #tpu.memory_space<semaphore_mem>>
    %dma_wait3A_241 = tpu.memref_squeeze %dma_wait3A_240 : memref<1x!tpu.dma_semaphore, #tpu.memory_space<semaphore_mem>> -> memref<!tpu.dma_semaphore, #tpu.memory_space<semaphore_mem>>
    tpu.wait_indirect_dma semaphore(%dma_wait3A_241 : memref<!tpu.dma_semaphore, #tpu.memory_space<semaphore_mem>>) src(%dma_wait3A_239 : memref<10000x32xf32, #tpu.memory_space<hbm>>) dst(%dma_wait3A_233 : memref<125x32xf32, #tpu.memory_space<vmem>>)
    %dma_start3A_242 = arith.constant 3 : i32
    %dma_start3A_243 = arith.constant 75 : i32
    %dma_start3A_244 = arith.constant 3 : i32
    %dma_start3A_245 = arith.constant 0 : i32
    %dma_start3A_246 = arith.constant 0 : i32
    %dma_start3A_247 = tpu.memref_slice %arg8[%dma_start3A_242, %dma_start3A_245, %dma_start3A_246] : memref<8x125x32xf32, #tpu.memory_space<vmem>> -> memref<1x125x32xf32, #tpu.memory_space<vmem>>
    %dma_start3A_248 = tpu.memref_squeeze %dma_start3A_247 : memref<1x125x32xf32, #tpu.memory_space<vmem>> -> memref<125x32xf32, #tpu.memory_space<vmem>>
    %dma_start3A_249 = arith.constant 0 : i32
    %dma_start3A_250 = tpu.memref_slice %arg7[%dma_start3A_243, %dma_start3A_249] : memref<80x125xi32, #tpu.memory_space<vmem>> -> memref<1x125xi32, #tpu.memory_space<vmem>>
    %dma_start3A_251 = tpu.memref_squeeze %dma_start3A_250 : memref<1x125xi32, #tpu.memory_space<vmem>> -> memref<125xi32, #tpu.memory_space<vmem>>
    %dma_start3A_252 = arith.constant 0 : i32
    %dma_start3A_253 = arith.constant 0 : i32
    %dma_start3A_254 = tpu.memref_slice %arg10[%dma_start3A_252, %dma_start3A_253] : memref<10240x32xf32, #tpu.memory_space<vmem_shared>> -> memref<10240x32xf32, #tpu.memory_space<vmem_shared>>
    %dma_start3A_255 = tpu.memref_slice %arg12[%dma_start3A_244] : memref<8x!tpu.dma_semaphore, #tpu.memory_space<semaphore_mem>> -> memref<1x!tpu.dma_semaphore, #tpu.memory_space<semaphore_mem>>
    %dma_start3A_256 = tpu.memref_squeeze %dma_start3A_255 : memref<1x!tpu.dma_semaphore, #tpu.memory_space<semaphore_mem>> -> memref<!tpu.dma_semaphore, #tpu.memory_space<semaphore_mem>>
    tpu.enqueue_indirect_dma source(%dma_start3A_248 : memref<125x32xf32, #tpu.memory_space<vmem>>) target(%dma_start3A_254 : memref<10240x32xf32, #tpu.memory_space<vmem_shared>>) offsets(%dma_start3A_251 : memref<125xi32, #tpu.memory_space<vmem>>) semaphore(%dma_start3A_256 : memref<!tpu.dma_semaphore, #tpu.memory_space<semaphore_mem>>) {add = true}
    %dma_wait3A_257 = arith.constant 76 : i32
    %dma_wait3A_258 = arith.constant 4 : i32
    %dma_wait3A_259 = arith.constant 4 : i32
    %dma_wait3A_260 = arith.constant 0 : i32
    %dma_wait3A_261 = arith.constant 0 : i32
    %dma_wait3A_262 = tpu.memref_slice %arg8[%dma_wait3A_258, %dma_wait3A_260, %dma_wait3A_261] : memref<8x125x32xf32, #tpu.memory_space<vmem>> -> memref<1x125x32xf32, #tpu.memory_space<vmem>>
    %dma_wait3A_263 = tpu.memref_squeeze %dma_wait3A_262 : memref<1x125x32xf32, #tpu.memory_space<vmem>> -> memref<125x32xf32, #tpu.memory_space<vmem>>
    %dma_wait3A_264 = arith.constant 0 : i32
    %dma_wait3A_265 = tpu.memref_slice %arg6[%dma_wait3A_257, %dma_wait3A_264] : memref<80x125xi32, #tpu.memory_space<vmem>> -> memref<1x125xi32, #tpu.memory_space<vmem>>
    %dma_wait3A_266 = tpu.memref_squeeze %dma_wait3A_265 : memref<1x125xi32, #tpu.memory_space<vmem>> -> memref<125xi32, #tpu.memory_space<vmem>>
    %dma_wait3A_267 = arith.constant 0 : i32
    %dma_wait3A_268 = arith.constant 0 : i32
    %dma_wait3A_269 = tpu.memref_slice %arg2[%dma_wait3A_267, %dma_wait3A_268] : memref<10000x32xf32, #tpu.memory_space<hbm>> -> memref<10000x32xf32, #tpu.memory_space<hbm>>
    %dma_wait3A_270 = tpu.memref_slice %arg11[%dma_wait3A_259] : memref<8x!tpu.dma_semaphore, #tpu.memory_space<semaphore_mem>> -> memref<1x!tpu.dma_semaphore, #tpu.memory_space<semaphore_mem>>
    %dma_wait3A_271 = tpu.memref_squeeze %dma_wait3A_270 : memref<1x!tpu.dma_semaphore, #tpu.memory_space<semaphore_mem>> -> memref<!tpu.dma_semaphore, #tpu.memory_space<semaphore_mem>>
    tpu.wait_indirect_dma semaphore(%dma_wait3A_271 : memref<!tpu.dma_semaphore, #tpu.memory_space<semaphore_mem>>) src(%dma_wait3A_269 : memref<10000x32xf32, #tpu.memory_space<hbm>>) dst(%dma_wait3A_263 : memref<125x32xf32, #tpu.memory_space<vmem>>)
    %dma_start3A_272 = arith.constant 4 : i32
    %dma_start3A_273 = arith.constant 76 : i32
    %dma_start3A_274 = arith.constant 4 : i32
    %dma_start3A_275 = arith.constant 0 : i32
    %dma_start3A_276 = arith.constant 0 : i32
    %dma_start3A_277 = tpu.memref_slice %arg8[%dma_start3A_272, %dma_start3A_275, %dma_start3A_276] : memref<8x125x32xf32, #tpu.memory_space<vmem>> -> memref<1x125x32xf32, #tpu.memory_space<vmem>>
    %dma_start3A_278 = tpu.memref_squeeze %dma_start3A_277 : memref<1x125x32xf32, #tpu.memory_space<vmem>> -> memref<125x32xf32, #tpu.memory_space<vmem>>
    %dma_start3A_279 = arith.constant 0 : i32
    %dma_start3A_280 = tpu.memref_slice %arg7[%dma_start3A_273, %dma_start3A_279] : memref<80x125xi32, #tpu.memory_space<vmem>> -> memref<1x125xi32, #tpu.memory_space<vmem>>
    %dma_start3A_281 = tpu.memref_squeeze %dma_start3A_280 : memref<1x125xi32, #tpu.memory_space<vmem>> -> memref<125xi32, #tpu.memory_space<vmem>>
    %dma_start3A_282 = arith.constant 0 : i32
    %dma_start3A_283 = arith.constant 0 : i32
    %dma_start3A_284 = tpu.memref_slice %arg10[%dma_start3A_282, %dma_start3A_283] : memref<10240x32xf32, #tpu.memory_space<vmem_shared>> -> memref<10240x32xf32, #tpu.memory_space<vmem_shared>>
    %dma_start3A_285 = tpu.memref_slice %arg12[%dma_start3A_274] : memref<8x!tpu.dma_semaphore, #tpu.memory_space<semaphore_mem>> -> memref<1x!tpu.dma_semaphore, #tpu.memory_space<semaphore_mem>>
    %dma_start3A_286 = tpu.memref_squeeze %dma_start3A_285 : memref<1x!tpu.dma_semaphore, #tpu.memory_space<semaphore_mem>> -> memref<!tpu.dma_semaphore, #tpu.memory_space<semaphore_mem>>
    tpu.enqueue_indirect_dma source(%dma_start3A_278 : memref<125x32xf32, #tpu.memory_space<vmem>>) target(%dma_start3A_284 : memref<10240x32xf32, #tpu.memory_space<vmem_shared>>) offsets(%dma_start3A_281 : memref<125xi32, #tpu.memory_space<vmem>>) semaphore(%dma_start3A_286 : memref<!tpu.dma_semaphore, #tpu.memory_space<semaphore_mem>>) {add = true}
    %dma_wait3A_287 = arith.constant 77 : i32
    %dma_wait3A_288 = arith.constant 5 : i32
    %dma_wait3A_289 = arith.constant 5 : i32
    %dma_wait3A_290 = arith.constant 0 : i32
    %dma_wait3A_291 = arith.constant 0 : i32
    %dma_wait3A_292 = tpu.memref_slice %arg8[%dma_wait3A_288, %dma_wait3A_290, %dma_wait3A_291] : memref<8x125x32xf32, #tpu.memory_space<vmem>> -> memref<1x125x32xf32, #tpu.memory_space<vmem>>
    %dma_wait3A_293 = tpu.memref_squeeze %dma_wait3A_292 : memref<1x125x32xf32, #tpu.memory_space<vmem>> -> memref<125x32xf32, #tpu.memory_space<vmem>>
    %dma_wait3A_294 = arith.constant 0 : i32
    %dma_wait3A_295 = tpu.memref_slice %arg6[%dma_wait3A_287, %dma_wait3A_294] : memref<80x125xi32, #tpu.memory_space<vmem>> -> memref<1x125xi32, #tpu.memory_space<vmem>>
    %dma_wait3A_296 = tpu.memref_squeeze %dma_wait3A_295 : memref<1x125xi32, #tpu.memory_space<vmem>> -> memref<125xi32, #tpu.memory_space<vmem>>
    %dma_wait3A_297 = arith.constant 0 : i32
    %dma_wait3A_298 = arith.constant 0 : i32
    %dma_wait3A_299 = tpu.memref_slice %arg2[%dma_wait3A_297, %dma_wait3A_298] : memref<10000x32xf32, #tpu.memory_space<hbm>> -> memref<10000x32xf32, #tpu.memory_space<hbm>>
    %dma_wait3A_300 = tpu.memref_slice %arg11[%dma_wait3A_289] : memref<8x!tpu.dma_semaphore, #tpu.memory_space<semaphore_mem>> -> memref<1x!tpu.dma_semaphore, #tpu.memory_space<semaphore_mem>>
    %dma_wait3A_301 = tpu.memref_squeeze %dma_wait3A_300 : memref<1x!tpu.dma_semaphore, #tpu.memory_space<semaphore_mem>> -> memref<!tpu.dma_semaphore, #tpu.memory_space<semaphore_mem>>
    tpu.wait_indirect_dma semaphore(%dma_wait3A_301 : memref<!tpu.dma_semaphore, #tpu.memory_space<semaphore_mem>>) src(%dma_wait3A_299 : memref<10000x32xf32, #tpu.memory_space<hbm>>) dst(%dma_wait3A_293 : memref<125x32xf32, #tpu.memory_space<vmem>>)
    %dma_start3A_302 = arith.constant 5 : i32
    %dma_start3A_303 = arith.constant 77 : i32
    %dma_start3A_304 = arith.constant 5 : i32
    %dma_start3A_305 = arith.constant 0 : i32
    %dma_start3A_306 = arith.constant 0 : i32
    %dma_start3A_307 = tpu.memref_slice %arg8[%dma_start3A_302, %dma_start3A_305, %dma_start3A_306] : memref<8x125x32xf32, #tpu.memory_space<vmem>> -> memref<1x125x32xf32, #tpu.memory_space<vmem>>
    %dma_start3A_308 = tpu.memref_squeeze %dma_start3A_307 : memref<1x125x32xf32, #tpu.memory_space<vmem>> -> memref<125x32xf32, #tpu.memory_space<vmem>>
    %dma_start3A_309 = arith.constant 0 : i32
    %dma_start3A_310 = tpu.memref_slice %arg7[%dma_start3A_303, %dma_start3A_309] : memref<80x125xi32, #tpu.memory_space<vmem>> -> memref<1x125xi32, #tpu.memory_space<vmem>>
    %dma_start3A_311 = tpu.memref_squeeze %dma_start3A_310 : memref<1x125xi32, #tpu.memory_space<vmem>> -> memref<125xi32, #tpu.memory_space<vmem>>
    %dma_start3A_312 = arith.constant 0 : i32
    %dma_start3A_313 = arith.constant 0 : i32
    %dma_start3A_314 = tpu.memref_slice %arg10[%dma_start3A_312, %dma_start3A_313] : memref<10240x32xf32, #tpu.memory_space<vmem_shared>> -> memref<10240x32xf32, #tpu.memory_space<vmem_shared>>
    %dma_start3A_315 = tpu.memref_slice %arg12[%dma_start3A_304] : memref<8x!tpu.dma_semaphore, #tpu.memory_space<semaphore_mem>> -> memref<1x!tpu.dma_semaphore, #tpu.memory_space<semaphore_mem>>
    %dma_start3A_316 = tpu.memref_squeeze %dma_start3A_315 : memref<1x!tpu.dma_semaphore, #tpu.memory_space<semaphore_mem>> -> memref<!tpu.dma_semaphore, #tpu.memory_space<semaphore_mem>>
    tpu.enqueue_indirect_dma source(%dma_start3A_308 : memref<125x32xf32, #tpu.memory_space<vmem>>) target(%dma_start3A_314 : memref<10240x32xf32, #tpu.memory_space<vmem_shared>>) offsets(%dma_start3A_311 : memref<125xi32, #tpu.memory_space<vmem>>) semaphore(%dma_start3A_316 : memref<!tpu.dma_semaphore, #tpu.memory_space<semaphore_mem>>) {add = true}
    %dma_wait3A_317 = arith.constant 78 : i32
    %dma_wait3A_318 = arith.constant 6 : i32
    %dma_wait3A_319 = arith.constant 6 : i32
    %dma_wait3A_320 = arith.constant 0 : i32
    %dma_wait3A_321 = arith.constant 0 : i32
    %dma_wait3A_322 = tpu.memref_slice %arg8[%dma_wait3A_318, %dma_wait3A_320, %dma_wait3A_321] : memref<8x125x32xf32, #tpu.memory_space<vmem>> -> memref<1x125x32xf32, #tpu.memory_space<vmem>>
    %dma_wait3A_323 = tpu.memref_squeeze %dma_wait3A_322 : memref<1x125x32xf32, #tpu.memory_space<vmem>> -> memref<125x32xf32, #tpu.memory_space<vmem>>
    %dma_wait3A_324 = arith.constant 0 : i32
    %dma_wait3A_325 = tpu.memref_slice %arg6[%dma_wait3A_317, %dma_wait3A_324] : memref<80x125xi32, #tpu.memory_space<vmem>> -> memref<1x125xi32, #tpu.memory_space<vmem>>
    %dma_wait3A_326 = tpu.memref_squeeze %dma_wait3A_325 : memref<1x125xi32, #tpu.memory_space<vmem>> -> memref<125xi32, #tpu.memory_space<vmem>>
    %dma_wait3A_327 = arith.constant 0 : i32
    %dma_wait3A_328 = arith.constant 0 : i32
    %dma_wait3A_329 = tpu.memref_slice %arg2[%dma_wait3A_327, %dma_wait3A_328] : memref<10000x32xf32, #tpu.memory_space<hbm>> -> memref<10000x32xf32, #tpu.memory_space<hbm>>
    %dma_wait3A_330 = tpu.memref_slice %arg11[%dma_wait3A_319] : memref<8x!tpu.dma_semaphore, #tpu.memory_space<semaphore_mem>> -> memref<1x!tpu.dma_semaphore, #tpu.memory_space<semaphore_mem>>
    %dma_wait3A_331 = tpu.memref_squeeze %dma_wait3A_330 : memref<1x!tpu.dma_semaphore, #tpu.memory_space<semaphore_mem>> -> memref<!tpu.dma_semaphore, #tpu.memory_space<semaphore_mem>>
    tpu.wait_indirect_dma semaphore(%dma_wait3A_331 : memref<!tpu.dma_semaphore, #tpu.memory_space<semaphore_mem>>) src(%dma_wait3A_329 : memref<10000x32xf32, #tpu.memory_space<hbm>>) dst(%dma_wait3A_323 : memref<125x32xf32, #tpu.memory_space<vmem>>)
    %dma_start3A_332 = arith.constant 6 : i32
    %dma_start3A_333 = arith.constant 78 : i32
    %dma_start3A_334 = arith.constant 6 : i32
    %dma_start3A_335 = arith.constant 0 : i32
    %dma_start3A_336 = arith.constant 0 : i32
    %dma_start3A_337 = tpu.memref_slice %arg8[%dma_start3A_332, %dma_start3A_335, %dma_start3A_336] : memref<8x125x32xf32, #tpu.memory_space<vmem>> -> memref<1x125x32xf32, #tpu.memory_space<vmem>>
    %dma_start3A_338 = tpu.memref_squeeze %dma_start3A_337 : memref<1x125x32xf32, #tpu.memory_space<vmem>> -> memref<125x32xf32, #tpu.memory_space<vmem>>
    %dma_start3A_339 = arith.constant 0 : i32
    %dma_start3A_340 = tpu.memref_slice %arg7[%dma_start3A_333, %dma_start3A_339] : memref<80x125xi32, #tpu.memory_space<vmem>> -> memref<1x125xi32, #tpu.memory_space<vmem>>
    %dma_start3A_341 = tpu.memref_squeeze %dma_start3A_340 : memref<1x125xi32, #tpu.memory_space<vmem>> -> memref<125xi32, #tpu.memory_space<vmem>>
    %dma_start3A_342 = arith.constant 0 : i32
    %dma_start3A_343 = arith.constant 0 : i32
    %dma_start3A_344 = tpu.memref_slice %arg10[%dma_start3A_342, %dma_start3A_343] : memref<10240x32xf32, #tpu.memory_space<vmem_shared>> -> memref<10240x32xf32, #tpu.memory_space<vmem_shared>>
    %dma_start3A_345 = tpu.memref_slice %arg12[%dma_start3A_334] : memref<8x!tpu.dma_semaphore, #tpu.memory_space<semaphore_mem>> -> memref<1x!tpu.dma_semaphore, #tpu.memory_space<semaphore_mem>>
    %dma_start3A_346 = tpu.memref_squeeze %dma_start3A_345 : memref<1x!tpu.dma_semaphore, #tpu.memory_space<semaphore_mem>> -> memref<!tpu.dma_semaphore, #tpu.memory_space<semaphore_mem>>
    tpu.enqueue_indirect_dma source(%dma_start3A_338 : memref<125x32xf32, #tpu.memory_space<vmem>>) target(%dma_start3A_344 : memref<10240x32xf32, #tpu.memory_space<vmem_shared>>) offsets(%dma_start3A_341 : memref<125xi32, #tpu.memory_space<vmem>>) semaphore(%dma_start3A_346 : memref<!tpu.dma_semaphore, #tpu.memory_space<semaphore_mem>>) {add = true}
    %dma_wait3A_347 = arith.constant 79 : i32
    %dma_wait3A_348 = arith.constant 7 : i32
    %dma_wait3A_349 = arith.constant 7 : i32
    %dma_wait3A_350 = arith.constant 0 : i32
    %dma_wait3A_351 = arith.constant 0 : i32
    %dma_wait3A_352 = tpu.memref_slice %arg8[%dma_wait3A_348, %dma_wait3A_350, %dma_wait3A_351] : memref<8x125x32xf32, #tpu.memory_space<vmem>> -> memref<1x125x32xf32, #tpu.memory_space<vmem>>
    %dma_wait3A_353 = tpu.memref_squeeze %dma_wait3A_352 : memref<1x125x32xf32, #tpu.memory_space<vmem>> -> memref<125x32xf32, #tpu.memory_space<vmem>>
    %dma_wait3A_354 = arith.constant 0 : i32
    %dma_wait3A_355 = tpu.memref_slice %arg6[%dma_wait3A_347, %dma_wait3A_354] : memref<80x125xi32, #tpu.memory_space<vmem>> -> memref<1x125xi32, #tpu.memory_space<vmem>>
    %dma_wait3A_356 = tpu.memref_squeeze %dma_wait3A_355 : memref<1x125xi32, #tpu.memory_space<vmem>> -> memref<125xi32, #tpu.memory_space<vmem>>
    %dma_wait3A_357 = arith.constant 0 : i32
    %dma_wait3A_358 = arith.constant 0 : i32
    %dma_wait3A_359 = tpu.memref_slice %arg2[%dma_wait3A_357, %dma_wait3A_358] : memref<10000x32xf32, #tpu.memory_space<hbm>> -> memref<10000x32xf32, #tpu.memory_space<hbm>>
    %dma_wait3A_360 = tpu.memref_slice %arg11[%dma_wait3A_349] : memref<8x!tpu.dma_semaphore, #tpu.memory_space<semaphore_mem>> -> memref<1x!tpu.dma_semaphore, #tpu.memory_space<semaphore_mem>>
    %dma_wait3A_361 = tpu.memref_squeeze %dma_wait3A_360 : memref<1x!tpu.dma_semaphore, #tpu.memory_space<semaphore_mem>> -> memref<!tpu.dma_semaphore, #tpu.memory_space<semaphore_mem>>
    tpu.wait_indirect_dma semaphore(%dma_wait3A_361 : memref<!tpu.dma_semaphore, #tpu.memory_space<semaphore_mem>>) src(%dma_wait3A_359 : memref<10000x32xf32, #tpu.memory_space<hbm>>) dst(%dma_wait3A_353 : memref<125x32xf32, #tpu.memory_space<vmem>>)
    %dma_start3A_362 = arith.constant 7 : i32
    %dma_start3A_363 = arith.constant 79 : i32
    %dma_start3A_364 = arith.constant 7 : i32
    %dma_start3A_365 = arith.constant 0 : i32
    %dma_start3A_366 = arith.constant 0 : i32
    %dma_start3A_367 = tpu.memref_slice %arg8[%dma_start3A_362, %dma_start3A_365, %dma_start3A_366] : memref<8x125x32xf32, #tpu.memory_space<vmem>> -> memref<1x125x32xf32, #tpu.memory_space<vmem>>
    %dma_start3A_368 = tpu.memref_squeeze %dma_start3A_367 : memref<1x125x32xf32, #tpu.memory_space<vmem>> -> memref<125x32xf32, #tpu.memory_space<vmem>>
    %dma_start3A_369 = arith.constant 0 : i32
    %dma_start3A_370 = tpu.memref_slice %arg7[%dma_start3A_363, %dma_start3A_369] : memref<80x125xi32, #tpu.memory_space<vmem>> -> memref<1x125xi32, #tpu.memory_space<vmem>>
    %dma_start3A_371 = tpu.memref_squeeze %dma_start3A_370 : memref<1x125xi32, #tpu.memory_space<vmem>> -> memref<125xi32, #tpu.memory_space<vmem>>
    %dma_start3A_372 = arith.constant 0 : i32
    %dma_start3A_373 = arith.constant 0 : i32
    %dma_start3A_374 = tpu.memref_slice %arg10[%dma_start3A_372, %dma_start3A_373] : memref<10240x32xf32, #tpu.memory_space<vmem_shared>> -> memref<10240x32xf32, #tpu.memory_space<vmem_shared>>
    %dma_start3A_375 = tpu.memref_slice %arg12[%dma_start3A_364] : memref<8x!tpu.dma_semaphore, #tpu.memory_space<semaphore_mem>> -> memref<1x!tpu.dma_semaphore, #tpu.memory_space<semaphore_mem>>
    %dma_start3A_376 = tpu.memref_squeeze %dma_start3A_375 : memref<1x!tpu.dma_semaphore, #tpu.memory_space<semaphore_mem>> -> memref<!tpu.dma_semaphore, #tpu.memory_space<semaphore_mem>>
    tpu.enqueue_indirect_dma source(%dma_start3A_368 : memref<125x32xf32, #tpu.memory_space<vmem>>) target(%dma_start3A_374 : memref<10240x32xf32, #tpu.memory_space<vmem_shared>>) offsets(%dma_start3A_371 : memref<125xi32, #tpu.memory_space<vmem>>) semaphore(%dma_start3A_376 : memref<!tpu.dma_semaphore, #tpu.memory_space<semaphore_mem>>) {add = true}
    %dma_wait3A_377 = arith.constant 72 : i32
    %dma_wait3A_378 = arith.constant 0 : i32
    %dma_wait3A_379 = arith.constant 0 : i32
    %dma_wait3A_380 = arith.constant 0 : i32
    %dma_wait3A_381 = arith.constant 0 : i32
    %dma_wait3A_382 = tpu.memref_slice %arg8[%dma_wait3A_378, %dma_wait3A_380, %dma_wait3A_381] : memref<8x125x32xf32, #tpu.memory_space<vmem>> -> memref<1x125x32xf32, #tpu.memory_space<vmem>>
    %dma_wait3A_383 = tpu.memref_squeeze %dma_wait3A_382 : memref<1x125x32xf32, #tpu.memory_space<vmem>> -> memref<125x32xf32, #tpu.memory_space<vmem>>
    %dma_wait3A_384 = arith.constant 0 : i32
    %dma_wait3A_385 = tpu.memref_slice %arg6[%dma_wait3A_377, %dma_wait3A_384] : memref<80x125xi32, #tpu.memory_space<vmem>> -> memref<1x125xi32, #tpu.memory_space<vmem>>
    %dma_wait3A_386 = tpu.memref_squeeze %dma_wait3A_385 : memref<1x125xi32, #tpu.memory_space<vmem>> -> memref<125xi32, #tpu.memory_space<vmem>>
    %dma_wait3A_387 = arith.constant 0 : i32
    %dma_wait3A_388 = arith.constant 0 : i32
    %dma_wait3A_389 = tpu.memref_slice %arg2[%dma_wait3A_387, %dma_wait3A_388] : memref<10000x32xf32, #tpu.memory_space<hbm>> -> memref<10000x32xf32, #tpu.memory_space<hbm>>
    %dma_wait3A_390 = tpu.memref_slice %arg12[%dma_wait3A_379] : memref<8x!tpu.dma_semaphore, #tpu.memory_space<semaphore_mem>> -> memref<1x!tpu.dma_semaphore, #tpu.memory_space<semaphore_mem>>
    %dma_wait3A_391 = tpu.memref_squeeze %dma_wait3A_390 : memref<1x!tpu.dma_semaphore, #tpu.memory_space<semaphore_mem>> -> memref<!tpu.dma_semaphore, #tpu.memory_space<semaphore_mem>>
    tpu.wait_indirect_dma semaphore(%dma_wait3A_391 : memref<!tpu.dma_semaphore, #tpu.memory_space<semaphore_mem>>) src(%dma_wait3A_389 : memref<10000x32xf32, #tpu.memory_space<hbm>>) dst(%dma_wait3A_383 : memref<125x32xf32, #tpu.memory_space<vmem>>)
    %dma_wait3A_392 = arith.constant 73 : i32
    %dma_wait3A_393 = arith.constant 1 : i32
    %dma_wait3A_394 = arith.constant 1 : i32
    %dma_wait3A_395 = arith.constant 0 : i32
    %dma_wait3A_396 = arith.constant 0 : i32
    %dma_wait3A_397 = tpu.memref_slice %arg8[%dma_wait3A_393, %dma_wait3A_395, %dma_wait3A_396] : memref<8x125x32xf32, #tpu.memory_space<vmem>> -> memref<1x125x32xf32, #tpu.memory_space<vmem>>
    %dma_wait3A_398 = tpu.memref_squeeze %dma_wait3A_397 : memref<1x125x32xf32, #tpu.memory_space<vmem>> -> memref<125x32xf32, #tpu.memory_space<vmem>>
    %dma_wait3A_399 = arith.constant 0 : i32
    %dma_wait3A_400 = tpu.memref_slice %arg6[%dma_wait3A_392, %dma_wait3A_399] : memref<80x125xi32, #tpu.memory_space<vmem>> -> memref<1x125xi32, #tpu.memory_space<vmem>>
    %dma_wait3A_401 = tpu.memref_squeeze %dma_wait3A_400 : memref<1x125xi32, #tpu.memory_space<vmem>> -> memref<125xi32, #tpu.memory_space<vmem>>
    %dma_wait3A_402 = arith.constant 0 : i32
    %dma_wait3A_403 = arith.constant 0 : i32
    %dma_wait3A_404 = tpu.memref_slice %arg2[%dma_wait3A_402, %dma_wait3A_403] : memref<10000x32xf32, #tpu.memory_space<hbm>> -> memref<10000x32xf32, #tpu.memory_space<hbm>>
    %dma_wait3A_405 = tpu.memref_slice %arg12[%dma_wait3A_394] : memref<8x!tpu.dma_semaphore, #tpu.memory_space<semaphore_mem>> -> memref<1x!tpu.dma_semaphore, #tpu.memory_space<semaphore_mem>>
    %dma_wait3A_406 = tpu.memref_squeeze %dma_wait3A_405 : memref<1x!tpu.dma_semaphore, #tpu.memory_space<semaphore_mem>> -> memref<!tpu.dma_semaphore, #tpu.memory_space<semaphore_mem>>
    tpu.wait_indirect_dma semaphore(%dma_wait3A_406 : memref<!tpu.dma_semaphore, #tpu.memory_space<semaphore_mem>>) src(%dma_wait3A_404 : memref<10000x32xf32, #tpu.memory_space<hbm>>) dst(%dma_wait3A_398 : memref<125x32xf32, #tpu.memory_space<vmem>>)
    %dma_wait3A_407 = arith.constant 74 : i32
    %dma_wait3A_408 = arith.constant 2 : i32
    %dma_wait3A_409 = arith.constant 2 : i32
    %dma_wait3A_410 = arith.constant 0 : i32
    %dma_wait3A_411 = arith.constant 0 : i32
    %dma_wait3A_412 = tpu.memref_slice %arg8[%dma_wait3A_408, %dma_wait3A_410, %dma_wait3A_411] : memref<8x125x32xf32, #tpu.memory_space<vmem>> -> memref<1x125x32xf32, #tpu.memory_space<vmem>>
    %dma_wait3A_413 = tpu.memref_squeeze %dma_wait3A_412 : memref<1x125x32xf32, #tpu.memory_space<vmem>> -> memref<125x32xf32, #tpu.memory_space<vmem>>
    %dma_wait3A_414 = arith.constant 0 : i32
    %dma_wait3A_415 = tpu.memref_slice %arg6[%dma_wait3A_407, %dma_wait3A_414] : memref<80x125xi32, #tpu.memory_space<vmem>> -> memref<1x125xi32, #tpu.memory_space<vmem>>
    %dma_wait3A_416 = tpu.memref_squeeze %dma_wait3A_415 : memref<1x125xi32, #tpu.memory_space<vmem>> -> memref<125xi32, #tpu.memory_space<vmem>>
    %dma_wait3A_417 = arith.constant 0 : i32
    %dma_wait3A_418 = arith.constant 0 : i32
    %dma_wait3A_419 = tpu.memref_slice %arg2[%dma_wait3A_417, %dma_wait3A_418] : memref<10000x32xf32, #tpu.memory_space<hbm>> -> memref<10000x32xf32, #tpu.memory_space<hbm>>
    %dma_wait3A_420 = tpu.memref_slice %arg12[%dma_wait3A_409] : memref<8x!tpu.dma_semaphore, #tpu.memory_space<semaphore_mem>> -> memref<1x!tpu.dma_semaphore, #tpu.memory_space<semaphore_mem>>
    %dma_wait3A_421 = tpu.memref_squeeze %dma_wait3A_420 : memref<1x!tpu.dma_semaphore, #tpu.memory_space<semaphore_mem>> -> memref<!tpu.dma_semaphore, #tpu.memory_space<semaphore_mem>>
    tpu.wait_indirect_dma semaphore(%dma_wait3A_421 : memref<!tpu.dma_semaphore, #tpu.memory_space<semaphore_mem>>) src(%dma_wait3A_419 : memref<10000x32xf32, #tpu.memory_space<hbm>>) dst(%dma_wait3A_413 : memref<125x32xf32, #tpu.memory_space<vmem>>)
    %dma_wait3A_422 = arith.constant 75 : i32
    %dma_wait3A_423 = arith.constant 3 : i32
    %dma_wait3A_424 = arith.constant 3 : i32
    %dma_wait3A_425 = arith.constant 0 : i32
    %dma_wait3A_426 = arith.constant 0 : i32
    %dma_wait3A_427 = tpu.memref_slice %arg8[%dma_wait3A_423, %dma_wait3A_425, %dma_wait3A_426] : memref<8x125x32xf32, #tpu.memory_space<vmem>> -> memref<1x125x32xf32, #tpu.memory_space<vmem>>
    %dma_wait3A_428 = tpu.memref_squeeze %dma_wait3A_427 : memref<1x125x32xf32, #tpu.memory_space<vmem>> -> memref<125x32xf32, #tpu.memory_space<vmem>>
    %dma_wait3A_429 = arith.constant 0 : i32
    %dma_wait3A_430 = tpu.memref_slice %arg6[%dma_wait3A_422, %dma_wait3A_429] : memref<80x125xi32, #tpu.memory_space<vmem>> -> memref<1x125xi32, #tpu.memory_space<vmem>>
    %dma_wait3A_431 = tpu.memref_squeeze %dma_wait3A_430 : memref<1x125xi32, #tpu.memory_space<vmem>> -> memref<125xi32, #tpu.memory_space<vmem>>
    %dma_wait3A_432 = arith.constant 0 : i32
    %dma_wait3A_433 = arith.constant 0 : i32
    %dma_wait3A_434 = tpu.memref_slice %arg2[%dma_wait3A_432, %dma_wait3A_433] : memref<10000x32xf32, #tpu.memory_space<hbm>> -> memref<10000x32xf32, #tpu.memory_space<hbm>>
    %dma_wait3A_435 = tpu.memref_slice %arg12[%dma_wait3A_424] : memref<8x!tpu.dma_semaphore, #tpu.memory_space<semaphore_mem>> -> memref<1x!tpu.dma_semaphore, #tpu.memory_space<semaphore_mem>>
    %dma_wait3A_436 = tpu.memref_squeeze %dma_wait3A_435 : memref<1x!tpu.dma_semaphore, #tpu.memory_space<semaphore_mem>> -> memref<!tpu.dma_semaphore, #tpu.memory_space<semaphore_mem>>
    tpu.wait_indirect_dma semaphore(%dma_wait3A_436 : memref<!tpu.dma_semaphore, #tpu.memory_space<semaphore_mem>>) src(%dma_wait3A_434 : memref<10000x32xf32, #tpu.memory_space<hbm>>) dst(%dma_wait3A_428 : memref<125x32xf32, #tpu.memory_space<vmem>>)
    %dma_wait3A_437 = arith.constant 76 : i32
    %dma_wait3A_438 = arith.constant 4 : i32
    %dma_wait3A_439 = arith.constant 4 : i32
    %dma_wait3A_440 = arith.constant 0 : i32
    %dma_wait3A_441 = arith.constant 0 : i32
    %dma_wait3A_442 = tpu.memref_slice %arg8[%dma_wait3A_438, %dma_wait3A_440, %dma_wait3A_441] : memref<8x125x32xf32, #tpu.memory_space<vmem>> -> memref<1x125x32xf32, #tpu.memory_space<vmem>>
    %dma_wait3A_443 = tpu.memref_squeeze %dma_wait3A_442 : memref<1x125x32xf32, #tpu.memory_space<vmem>> -> memref<125x32xf32, #tpu.memory_space<vmem>>
    %dma_wait3A_444 = arith.constant 0 : i32
    %dma_wait3A_445 = tpu.memref_slice %arg6[%dma_wait3A_437, %dma_wait3A_444] : memref<80x125xi32, #tpu.memory_space<vmem>> -> memref<1x125xi32, #tpu.memory_space<vmem>>
    %dma_wait3A_446 = tpu.memref_squeeze %dma_wait3A_445 : memref<1x125xi32, #tpu.memory_space<vmem>> -> memref<125xi32, #tpu.memory_space<vmem>>
    %dma_wait3A_447 = arith.constant 0 : i32
    %dma_wait3A_448 = arith.constant 0 : i32
    %dma_wait3A_449 = tpu.memref_slice %arg2[%dma_wait3A_447, %dma_wait3A_448] : memref<10000x32xf32, #tpu.memory_space<hbm>> -> memref<10000x32xf32, #tpu.memory_space<hbm>>
    %dma_wait3A_450 = tpu.memref_slice %arg12[%dma_wait3A_439] : memref<8x!tpu.dma_semaphore, #tpu.memory_space<semaphore_mem>> -> memref<1x!tpu.dma_semaphore, #tpu.memory_space<semaphore_mem>>
    %dma_wait3A_451 = tpu.memref_squeeze %dma_wait3A_450 : memref<1x!tpu.dma_semaphore, #tpu.memory_space<semaphore_mem>> -> memref<!tpu.dma_semaphore, #tpu.memory_space<semaphore_mem>>
    tpu.wait_indirect_dma semaphore(%dma_wait3A_451 : memref<!tpu.dma_semaphore, #tpu.memory_space<semaphore_mem>>) src(%dma_wait3A_449 : memref<10000x32xf32, #tpu.memory_space<hbm>>) dst(%dma_wait3A_443 : memref<125x32xf32, #tpu.memory_space<vmem>>)
    %dma_wait3A_452 = arith.constant 77 : i32
    %dma_wait3A_453 = arith.constant 5 : i32
    %dma_wait3A_454 = arith.constant 5 : i32
    %dma_wait3A_455 = arith.constant 0 : i32
    %dma_wait3A_456 = arith.constant 0 : i32
    %dma_wait3A_457 = tpu.memref_slice %arg8[%dma_wait3A_453, %dma_wait3A_455, %dma_wait3A_456] : memref<8x125x32xf32, #tpu.memory_space<vmem>> -> memref<1x125x32xf32, #tpu.memory_space<vmem>>
    %dma_wait3A_458 = tpu.memref_squeeze %dma_wait3A_457 : memref<1x125x32xf32, #tpu.memory_space<vmem>> -> memref<125x32xf32, #tpu.memory_space<vmem>>
    %dma_wait3A_459 = arith.constant 0 : i32
    %dma_wait3A_460 = tpu.memref_slice %arg6[%dma_wait3A_452, %dma_wait3A_459] : memref<80x125xi32, #tpu.memory_space<vmem>> -> memref<1x125xi32, #tpu.memory_space<vmem>>
    %dma_wait3A_461 = tpu.memref_squeeze %dma_wait3A_460 : memref<1x125xi32, #tpu.memory_space<vmem>> -> memref<125xi32, #tpu.memory_space<vmem>>
    %dma_wait3A_462 = arith.constant 0 : i32
    %dma_wait3A_463 = arith.constant 0 : i32
    %dma_wait3A_464 = tpu.memref_slice %arg2[%dma_wait3A_462, %dma_wait3A_463] : memref<10000x32xf32, #tpu.memory_space<hbm>> -> memref<10000x32xf32, #tpu.memory_space<hbm>>
    %dma_wait3A_465 = tpu.memref_slice %arg12[%dma_wait3A_454] : memref<8x!tpu.dma_semaphore, #tpu.memory_space<semaphore_mem>> -> memref<1x!tpu.dma_semaphore, #tpu.memory_space<semaphore_mem>>
    %dma_wait3A_466 = tpu.memref_squeeze %dma_wait3A_465 : memref<1x!tpu.dma_semaphore, #tpu.memory_space<semaphore_mem>> -> memref<!tpu.dma_semaphore, #tpu.memory_space<semaphore_mem>>
    tpu.wait_indirect_dma semaphore(%dma_wait3A_466 : memref<!tpu.dma_semaphore, #tpu.memory_space<semaphore_mem>>) src(%dma_wait3A_464 : memref<10000x32xf32, #tpu.memory_space<hbm>>) dst(%dma_wait3A_458 : memref<125x32xf32, #tpu.memory_space<vmem>>)
    %dma_wait3A_467 = arith.constant 78 : i32
    %dma_wait3A_468 = arith.constant 6 : i32
    %dma_wait3A_469 = arith.constant 6 : i32
    %dma_wait3A_470 = arith.constant 0 : i32
    %dma_wait3A_471 = arith.constant 0 : i32
    %dma_wait3A_472 = tpu.memref_slice %arg8[%dma_wait3A_468, %dma_wait3A_470, %dma_wait3A_471] : memref<8x125x32xf32, #tpu.memory_space<vmem>> -> memref<1x125x32xf32, #tpu.memory_space<vmem>>
    %dma_wait3A_473 = tpu.memref_squeeze %dma_wait3A_472 : memref<1x125x32xf32, #tpu.memory_space<vmem>> -> memref<125x32xf32, #tpu.memory_space<vmem>>
    %dma_wait3A_474 = arith.constant 0 : i32
    %dma_wait3A_475 = tpu.memref_slice %arg6[%dma_wait3A_467, %dma_wait3A_474] : memref<80x125xi32, #tpu.memory_space<vmem>> -> memref<1x125xi32, #tpu.memory_space<vmem>>
    %dma_wait3A_476 = tpu.memref_squeeze %dma_wait3A_475 : memref<1x125xi32, #tpu.memory_space<vmem>> -> memref<125xi32, #tpu.memory_space<vmem>>
    %dma_wait3A_477 = arith.constant 0 : i32
    %dma_wait3A_478 = arith.constant 0 : i32
    %dma_wait3A_479 = tpu.memref_slice %arg2[%dma_wait3A_477, %dma_wait3A_478] : memref<10000x32xf32, #tpu.memory_space<hbm>> -> memref<10000x32xf32, #tpu.memory_space<hbm>>
    %dma_wait3A_480 = tpu.memref_slice %arg12[%dma_wait3A_469] : memref<8x!tpu.dma_semaphore, #tpu.memory_space<semaphore_mem>> -> memref<1x!tpu.dma_semaphore, #tpu.memory_space<semaphore_mem>>
    %dma_wait3A_481 = tpu.memref_squeeze %dma_wait3A_480 : memref<1x!tpu.dma_semaphore, #tpu.memory_space<semaphore_mem>> -> memref<!tpu.dma_semaphore, #tpu.memory_space<semaphore_mem>>
    tpu.wait_indirect_dma semaphore(%dma_wait3A_481 : memref<!tpu.dma_semaphore, #tpu.memory_space<semaphore_mem>>) src(%dma_wait3A_479 : memref<10000x32xf32, #tpu.memory_space<hbm>>) dst(%dma_wait3A_473 : memref<125x32xf32, #tpu.memory_space<vmem>>)
    %dma_wait3A_482 = arith.constant 79 : i32
    %dma_wait3A_483 = arith.constant 7 : i32
    %dma_wait3A_484 = arith.constant 7 : i32
    %dma_wait3A_485 = arith.constant 0 : i32
    %dma_wait3A_486 = arith.constant 0 : i32
    %dma_wait3A_487 = tpu.memref_slice %arg8[%dma_wait3A_483, %dma_wait3A_485, %dma_wait3A_486] : memref<8x125x32xf32, #tpu.memory_space<vmem>> -> memref<1x125x32xf32, #tpu.memory_space<vmem>>
    %dma_wait3A_488 = tpu.memref_squeeze %dma_wait3A_487 : memref<1x125x32xf32, #tpu.memory_space<vmem>> -> memref<125x32xf32, #tpu.memory_space<vmem>>
    %dma_wait3A_489 = arith.constant 0 : i32
    %dma_wait3A_490 = tpu.memref_slice %arg6[%dma_wait3A_482, %dma_wait3A_489] : memref<80x125xi32, #tpu.memory_space<vmem>> -> memref<1x125xi32, #tpu.memory_space<vmem>>
    %dma_wait3A_491 = tpu.memref_squeeze %dma_wait3A_490 : memref<1x125xi32, #tpu.memory_space<vmem>> -> memref<125xi32, #tpu.memory_space<vmem>>
    %dma_wait3A_492 = arith.constant 0 : i32
    %dma_wait3A_493 = arith.constant 0 : i32
    %dma_wait3A_494 = tpu.memref_slice %arg2[%dma_wait3A_492, %dma_wait3A_493] : memref<10000x32xf32, #tpu.memory_space<hbm>> -> memref<10000x32xf32, #tpu.memory_space<hbm>>
    %dma_wait3A_495 = tpu.memref_slice %arg12[%dma_wait3A_484] : memref<8x!tpu.dma_semaphore, #tpu.memory_space<semaphore_mem>> -> memref<1x!tpu.dma_semaphore, #tpu.memory_space<semaphore_mem>>
    %dma_wait3A_496 = tpu.memref_squeeze %dma_wait3A_495 : memref<1x!tpu.dma_semaphore, #tpu.memory_space<semaphore_mem>> -> memref<!tpu.dma_semaphore, #tpu.memory_space<semaphore_mem>>
    tpu.wait_indirect_dma semaphore(%dma_wait3A_496 : memref<!tpu.dma_semaphore, #tpu.memory_space<semaphore_mem>>) src(%dma_wait3A_494 : memref<10000x32xf32, #tpu.memory_space<hbm>>) dst(%dma_wait3A_488 : memref<125x32xf32, #tpu.memory_space<vmem>>)
    %barrier3A_497 = arith.constant 0 : index
    tpu.barrier barrier_id(%barrier3A_497)
    %eq3A = arith.constant 0 : i32
    %eq3A_498 = arith.cmpi eq, %arg0, %eq3A : i32
    %convert_element_type3A = arith.extui %eq3A_498 : i1 to i32
    %cond3A = arith.constant 0 : i32
    %cond3A_499 = arith.cmpi ne, %convert_element_type3A, %cond3A : i32
    scf.if %cond3A_499 {
      %mul3A_505 = arith.constant 640 : i32
      %mul3A_506 = arith.muli %arg1, %mul3A_505 : i32
      %mul3A_507 = arith.constant 640 : i32
      %mul3A_508 = arith.muli %arg1, %mul3A_507 : i32
      "tpu.region"() ({
        %run_scoped3A_509 = tpu.sem_alloc : memref<!tpu.dma_semaphore, #tpu.memory_space<semaphore_mem>>
        %dma_start3A_510 = arith.constant 0 : i32
        %dma_start3A_511 = tpu.memref_slice %arg4[%mul3A_508, %dma_start3A_510] : memref<10240x32xf32, #tpu.memory_space<hbm>> -> memref<640x32xf32, #tpu.memory_space<hbm>>
        %dma_start3A_512 = arith.constant 0 : i32
        %dma_start3A_513 = tpu.memref_slice %arg10[%mul3A_506, %dma_start3A_512] : memref<10240x32xf32, #tpu.memory_space<vmem_shared>> -> memref<640x32xf32, #tpu.memory_space<vmem_shared>>
        tpu.enqueue_dma source(%dma_start3A_513 : memref<640x32xf32, #tpu.memory_space<vmem_shared>>) target(%dma_start3A_511 : memref<640x32xf32, #tpu.memory_space<hbm>>) target_semaphore(%run_scoped3A_509 : memref<!tpu.dma_semaphore, #tpu.memory_space<semaphore_mem>>)
        %dma_wait3A_514 = arith.constant 0 : i32
        %dma_wait3A_515 = tpu.memref_slice %arg4[%mul3A_508, %dma_wait3A_514] : memref<10240x32xf32, #tpu.memory_space<hbm>> -> memref<640x32xf32, #tpu.memory_space<hbm>>
        %dma_wait3A_516 = arith.constant 0 : i32
        %dma_wait3A_517 = tpu.memref_slice %arg10[%mul3A_506, %dma_wait3A_516] : memref<10240x32xf32, #tpu.memory_space<vmem_shared>> -> memref<640x32xf32, #tpu.memory_space<vmem_shared>>
        tpu.wait_dma2 semaphore(%run_scoped3A_509 : memref<!tpu.dma_semaphore, #tpu.memory_space<semaphore_mem>>) src(%dma_wait3A_517 : memref<640x32xf32, #tpu.memory_space<vmem_shared>>) dst(%dma_wait3A_515 : memref<640x32xf32, #tpu.memory_space<hbm>>)
        tpu.yield
      }) : () -> ()
    } else {
    }
    %eq3A_500 = arith.constant 1 : i32
    %eq3A_501 = arith.cmpi eq, %arg0, %eq3A_500 : i32
    %convert_element_type3A_502 = arith.extui %eq3A_501 : i1 to i32
    %cond3A_503 = arith.constant 0 : i32
    %cond3A_504 = arith.cmpi ne, %convert_element_type3A_502, %cond3A_503 : i32
    scf.if %cond3A_504 {
      %mul3A_505 = arith.constant 640 : i32
      %mul3A_506 = arith.muli %arg1, %mul3A_505 : i32
      %mul3A_507 = arith.constant 640 : i32
      %mul3A_508 = arith.muli %arg1, %mul3A_507 : i32
      "tpu.region"() ({
        %run_scoped3A_509 = tpu.sem_alloc : memref<!tpu.dma_semaphore, #tpu.memory_space<semaphore_mem>>
        %dma_start3A_510 = arith.constant 0 : i32
        %dma_start3A_511 = tpu.memref_slice %arg5[%mul3A_508, %dma_start3A_510] : memref<10240x32xf32, #tpu.memory_space<hbm>> -> memref<640x32xf32, #tpu.memory_space<hbm>>
        %dma_start3A_512 = arith.constant 0 : i32
        %dma_start3A_513 = tpu.memref_slice %arg10[%mul3A_506, %dma_start3A_512] : memref<10240x32xf32, #tpu.memory_space<vmem_shared>> -> memref<640x32xf32, #tpu.memory_space<vmem_shared>>
        tpu.enqueue_dma source(%dma_start3A_513 : memref<640x32xf32, #tpu.memory_space<vmem_shared>>) target(%dma_start3A_511 : memref<640x32xf32, #tpu.memory_space<hbm>>) target_semaphore(%run_scoped3A_509 : memref<!tpu.dma_semaphore, #tpu.memory_space<semaphore_mem>>)
        %dma_wait3A_514 = arith.constant 0 : i32
        %dma_wait3A_515 = tpu.memref_slice %arg5[%mul3A_508, %dma_wait3A_514] : memref<10240x32xf32, #tpu.memory_space<hbm>> -> memref<640x32xf32, #tpu.memory_space<hbm>>
        %dma_wait3A_516 = arith.constant 0 : i32
        %dma_wait3A_517 = tpu.memref_slice %arg10[%mul3A_506, %dma_wait3A_516] : memref<10240x32xf32, #tpu.memory_space<vmem_shared>> -> memref<640x32xf32, #tpu.memory_space<vmem_shared>>
        tpu.wait_dma2 semaphore(%run_scoped3A_509 : memref<!tpu.dma_semaphore, #tpu.memory_space<semaphore_mem>>) src(%dma_wait3A_517 : memref<640x32xf32, #tpu.memory_space<vmem_shared>>) dst(%dma_wait3A_515 : memref<640x32xf32, #tpu.memory_space<hbm>>)
        tpu.yield
      }) : () -> ()
    } else {
    }
    return
  }
}

#map = affine_map<(d0, d1) -> (0, 0)>
#map1 = affine_map<(d0, d1) -> (0, 0, 0)>
module attributes {stable_mosaic.version = 14 : i64} {
  func.func @scat_kernel(%arg0: i32, %arg1: i32, %arg2: memref<10000x16xf32, #tpu.memory_space<hbm>>, %arg3: memref<2x2560x125xi32, #tpu.memory_space<hbm>>, %arg4: memref<10240x16xf32, #tpu.memory_space<hbm>>, %arg5: memref<10240x16xf32, #tpu.memory_space<hbm>>, %arg6: memref<80x125xi32, #tpu.memory_space<vmem>>, %arg7: memref<80x125xi32, #tpu.memory_space<vmem>>, %arg8: memref<8x125x16xf32, #tpu.memory_space<vmem>>, %arg9: memref<640x16xf32, #tpu.memory_space<vmem>>, %arg10: memref<10240x16xf32, #tpu.memory_space<vmem_shared>>, %arg11: memref<8x!tpu.dma_semaphore, #tpu.memory_space<semaphore_mem>>, %arg12: memref<8x!tpu.dma_semaphore, #tpu.memory_space<semaphore_mem>>) attributes {dimension_semantics = [#tpu.dimension_semantics<core_parallel>, #tpu.dimension_semantics<subcore_parallel>], iteration_bounds = array<i64: 2, 16>, scalar_prefetch = 0 : i64, scratch_operands = 7 : i64, tpu.core_type = #tpu.core_type<sc_vector_subcore>, window_params = [{transform_indices = #map}, {transform_indices = #map1}, {transform_indices = #map}, {transform_indices = #map}]} {
    %mul3A = arith.constant 16 : i32
    %mul3A_0 = arith.muli %arg0, %mul3A : i32
    %add3A = arith.addi %mul3A_0, %arg1 : i32
    %scan3A = arith.constant 0 : i32
    %scan3A_1 = arith.constant 0 : i32
    %scan3A_2 = arith.constant 640 : i32
    %scan3A_3 = arith.addi %scan3A_1, %scan3A_2 : i32
    %scan3A_4 = arith.constant 1 : i32
    scf.for %scan3A_505 = %scan3A_1 to %scan3A_3 step %scan3A_4  : i32 {
      %broadcast_in_dim3A = arith.constant 0.000000e+00 : f32
      %broadcast_in_dim3A_506 = vector.broadcast %broadcast_in_dim3A : f32 to vector<16xf32>
      %swap3A = arith.index_cast %scan3A_505 : i32 to index
      %swap3A_507 = arith.constant 0 : index
      %swap3A_508 = tpu.vector_load %arg9[%swap3A, %swap3A_507] {strides = array<i32>} : memref<640x16xf32, #tpu.memory_space<vmem>>, vector<1x16xf32>,
      %swap3A_509 = vector.shape_cast %swap3A_508 : vector<1x16xf32> to vector<16xf32>
      %swap3A_510 = vector.shape_cast %broadcast_in_dim3A_506 : vector<16xf32> to vector<1x16xf32>
      tpu.vector_store %arg9[%swap3A, %swap3A_507], %swap3A_510 {strides = array<i32>} : memref<640x16xf32, #tpu.memory_space<vmem>>, vector<1x16xf32>,
    }
    %scan3A_5 = arith.constant 640 : i32
    %mul3A_6 = arith.constant 640 : i32
    %mul3A_7 = arith.muli %arg1, %mul3A_6 : i32
    "tpu.region"() ({
      %run_scoped3A_505 = tpu.sem_alloc : memref<!tpu.dma_semaphore, #tpu.memory_space<semaphore_mem>>
      %dma_start3A_506 = arith.constant 0 : i32
      %dma_start3A_507 = tpu.memref_slice %arg10[%mul3A_7, %dma_start3A_506] : memref<10240x16xf32, #tpu.memory_space<vmem_shared>> -> memref<640x16xf32, #tpu.memory_space<vmem_shared>>
      %dma_start3A_508 = arith.constant 0 : i32
      %dma_start3A_509 = tpu.memref_slice %arg10[%mul3A_7, %dma_start3A_508] : memref<10240x16xf32, #tpu.memory_space<vmem_shared>> -> memref<640x16xf32, #tpu.memory_space<vmem_shared>>
      tpu.enqueue_dma source(%arg9 : memref<640x16xf32, #tpu.memory_space<vmem>>) target(%dma_start3A_509 : memref<640x16xf32, #tpu.memory_space<vmem_shared>>) target_semaphore(%run_scoped3A_505 : memref<!tpu.dma_semaphore, #tpu.memory_space<semaphore_mem>>)
      %dma_wait3A_510 = arith.constant 0 : i32
      %dma_wait3A_511 = tpu.memref_slice %arg10[%mul3A_7, %dma_wait3A_510] : memref<10240x16xf32, #tpu.memory_space<vmem_shared>> -> memref<640x16xf32, #tpu.memory_space<vmem_shared>>
      %dma_wait3A_512 = arith.constant 0 : i32
      %dma_wait3A_513 = tpu.memref_slice %arg10[%mul3A_7, %dma_wait3A_512] : memref<10240x16xf32, #tpu.memory_space<vmem_shared>> -> memref<640x16xf32, #tpu.memory_space<vmem_shared>>
      tpu.wait_dma2 semaphore(%run_scoped3A_505 : memref<!tpu.dma_semaphore, #tpu.memory_space<semaphore_mem>>) src(%arg9 : memref<640x16xf32, #tpu.memory_space<vmem>>) dst(%dma_wait3A_513 : memref<640x16xf32, #tpu.memory_space<vmem_shared>>)
      tpu.yield
    }) : () -> ()
    %barrier3A = arith.constant 0 : index
    tpu.barrier barrier_id(%barrier3A)
    %mul3A_8 = arith.constant 80 : i32
    %mul3A_9 = arith.muli %add3A, %mul3A_8 : i32
    %run_scoped3A = arith.constant 0 : i32
    "tpu.region"() ({
      %run_scoped3A_505 = tpu.sem_alloc : memref<!tpu.dma_semaphore, #tpu.memory_space<semaphore_mem>>
      %dma_start3A_506 = arith.constant 0 : i32
      %dma_start3A_507 = tpu.memref_slice %arg3[%run_scoped3A, %mul3A_9, %dma_start3A_506] : memref<2x2560x125xi32, #tpu.memory_space<hbm>> -> memref<1x80x125xi32, #tpu.memory_space<hbm>>
      %dma_start3A_508 = tpu.memref_squeeze %dma_start3A_507 : memref<1x80x125xi32, #tpu.memory_space<hbm>> -> memref<80x125xi32, #tpu.memory_space<hbm>>
      %dma_start3A_509 = arith.constant 0 : i32
      %dma_start3A_510 = tpu.memref_slice %arg3[%run_scoped3A, %mul3A_9, %dma_start3A_509] : memref<2x2560x125xi32, #tpu.memory_space<hbm>> -> memref<1x80x125xi32, #tpu.memory_space<hbm>>
      %dma_start3A_511 = tpu.memref_squeeze %dma_start3A_510 : memref<1x80x125xi32, #tpu.memory_space<hbm>> -> memref<80x125xi32, #tpu.memory_space<hbm>>
      tpu.enqueue_dma source(%dma_start3A_511 : memref<80x125xi32, #tpu.memory_space<hbm>>) target(%arg6 : memref<80x125xi32, #tpu.memory_space<vmem>>) target_semaphore(%run_scoped3A_505 : memref<!tpu.dma_semaphore, #tpu.memory_space<semaphore_mem>>)
      %dma_wait3A_512 = arith.constant 0 : i32
      %dma_wait3A_513 = tpu.memref_slice %arg3[%run_scoped3A, %mul3A_9, %dma_wait3A_512] : memref<2x2560x125xi32, #tpu.memory_space<hbm>> -> memref<1x80x125xi32, #tpu.memory_space<hbm>>
      %dma_wait3A_514 = tpu.memref_squeeze %dma_wait3A_513 : memref<1x80x125xi32, #tpu.memory_space<hbm>> -> memref<80x125xi32, #tpu.memory_space<hbm>>
      %dma_wait3A_515 = arith.constant 0 : i32
      %dma_wait3A_516 = tpu.memref_slice %arg3[%run_scoped3A, %mul3A_9, %dma_wait3A_515] : memref<2x2560x125xi32, #tpu.memory_space<hbm>> -> memref<1x80x125xi32, #tpu.memory_space<hbm>>
      %dma_wait3A_517 = tpu.memref_squeeze %dma_wait3A_516 : memref<1x80x125xi32, #tpu.memory_space<hbm>> -> memref<80x125xi32, #tpu.memory_space<hbm>>
      tpu.wait_dma2 semaphore(%run_scoped3A_505 : memref<!tpu.dma_semaphore, #tpu.memory_space<semaphore_mem>>) src(%dma_wait3A_517 : memref<80x125xi32, #tpu.memory_space<hbm>>) dst(%arg6 : memref<80x125xi32, #tpu.memory_space<vmem>>)
      tpu.yield
    }) : () -> ()
    %mul3A_10 = arith.constant 80 : i32
    %mul3A_11 = arith.muli %add3A, %mul3A_10 : i32
    %run_scoped3A_12 = arith.constant 1 : i32
    "tpu.region"() ({
      %run_scoped3A_505 = tpu.sem_alloc : memref<!tpu.dma_semaphore, #tpu.memory_space<semaphore_mem>>
      %dma_start3A_506 = arith.constant 0 : i32
      %dma_start3A_507 = tpu.memref_slice %arg3[%run_scoped3A_12, %mul3A_11, %dma_start3A_506] : memref<2x2560x125xi32, #tpu.memory_space<hbm>> -> memref<1x80x125xi32, #tpu.memory_space<hbm>>
      %dma_start3A_508 = tpu.memref_squeeze %dma_start3A_507 : memref<1x80x125xi32, #tpu.memory_space<hbm>> -> memref<80x125xi32, #tpu.memory_space<hbm>>
      %dma_start3A_509 = arith.constant 0 : i32
      %dma_start3A_510 = tpu.memref_slice %arg3[%run_scoped3A_12, %mul3A_11, %dma_start3A_509] : memref<2x2560x125xi32, #tpu.memory_space<hbm>> -> memref<1x80x125xi32, #tpu.memory_space<hbm>>
      %dma_start3A_511 = tpu.memref_squeeze %dma_start3A_510 : memref<1x80x125xi32, #tpu.memory_space<hbm>> -> memref<80x125xi32, #tpu.memory_space<hbm>>
      tpu.enqueue_dma source(%dma_start3A_511 : memref<80x125xi32, #tpu.memory_space<hbm>>) target(%arg7 : memref<80x125xi32, #tpu.memory_space<vmem>>) target_semaphore(%run_scoped3A_505 : memref<!tpu.dma_semaphore, #tpu.memory_space<semaphore_mem>>)
      %dma_wait3A_512 = arith.constant 0 : i32
      %dma_wait3A_513 = tpu.memref_slice %arg3[%run_scoped3A_12, %mul3A_11, %dma_wait3A_512] : memref<2x2560x125xi32, #tpu.memory_space<hbm>> -> memref<1x80x125xi32, #tpu.memory_space<hbm>>
      %dma_wait3A_514 = tpu.memref_squeeze %dma_wait3A_513 : memref<1x80x125xi32, #tpu.memory_space<hbm>> -> memref<80x125xi32, #tpu.memory_space<hbm>>
      %dma_wait3A_515 = arith.constant 0 : i32
      %dma_wait3A_516 = tpu.memref_slice %arg3[%run_scoped3A_12, %mul3A_11, %dma_wait3A_515] : memref<2x2560x125xi32, #tpu.memory_space<hbm>> -> memref<1x80x125xi32, #tpu.memory_space<hbm>>
      %dma_wait3A_517 = tpu.memref_squeeze %dma_wait3A_516 : memref<1x80x125xi32, #tpu.memory_space<hbm>> -> memref<80x125xi32, #tpu.memory_space<hbm>>
      tpu.wait_dma2 semaphore(%run_scoped3A_505 : memref<!tpu.dma_semaphore, #tpu.memory_space<semaphore_mem>>) src(%dma_wait3A_517 : memref<80x125xi32, #tpu.memory_space<hbm>>) dst(%arg7 : memref<80x125xi32, #tpu.memory_space<vmem>>)
      tpu.yield
    }) : () -> ()
    %dma_start3A = arith.constant 0 : i32
    %dma_start3A_13 = arith.constant 0 : i32
    %dma_start3A_14 = arith.constant 0 : i32
    %dma_start3A_15 = arith.constant 0 : i32
    %dma_start3A_16 = arith.constant 0 : i32
    %dma_start3A_17 = tpu.memref_slice %arg8[%dma_start3A_13, %dma_start3A_15, %dma_start3A_16] : memref<8x125x16xf32, #tpu.memory_space<vmem>> -> memref<1x125x16xf32, #tpu.memory_space<vmem>>
    %dma_start3A_18 = tpu.memref_squeeze %dma_start3A_17 : memref<1x125x16xf32, #tpu.memory_space<vmem>> -> memref<125x16xf32, #tpu.memory_space<vmem>>
    %dma_start3A_19 = arith.constant 0 : i32
    %dma_start3A_20 = tpu.memref_slice %arg6[%dma_start3A, %dma_start3A_19] : memref<80x125xi32, #tpu.memory_space<vmem>> -> memref<1x125xi32, #tpu.memory_space<vmem>>
    %dma_start3A_21 = tpu.memref_squeeze %dma_start3A_20 : memref<1x125xi32, #tpu.memory_space<vmem>> -> memref<125xi32, #tpu.memory_space<vmem>>
    %dma_start3A_22 = arith.constant 0 : i32
    %dma_start3A_23 = arith.constant 0 : i32
    %dma_start3A_24 = tpu.memref_slice %arg2[%dma_start3A_22, %dma_start3A_23] : memref<10000x16xf32, #tpu.memory_space<hbm>> -> memref<10000x16xf32, #tpu.memory_space<hbm>>
    %dma_start3A_25 = tpu.memref_slice %arg11[%dma_start3A_14] : memref<8x!tpu.dma_semaphore, #tpu.memory_space<semaphore_mem>> -> memref<1x!tpu.dma_semaphore, #tpu.memory_space<semaphore_mem>>
    %dma_start3A_26 = tpu.memref_squeeze %dma_start3A_25 : memref<1x!tpu.dma_semaphore, #tpu.memory_space<semaphore_mem>> -> memref<!tpu.dma_semaphore, #tpu.memory_space<semaphore_mem>>
    tpu.enqueue_indirect_dma source(%dma_start3A_24 : memref<10000x16xf32, #tpu.memory_space<hbm>>) target(%dma_start3A_18 : memref<125x16xf32, #tpu.memory_space<vmem>>) offsets(%dma_start3A_21 : memref<125xi32, #tpu.memory_space<vmem>>) semaphore(%dma_start3A_26 : memref<!tpu.dma_semaphore, #tpu.memory_space<semaphore_mem>>)
    %dma_start3A_27 = arith.constant 1 : i32
    %dma_start3A_28 = arith.constant 1 : i32
    %dma_start3A_29 = arith.constant 1 : i32
    %dma_start3A_30 = arith.constant 0 : i32
    %dma_start3A_31 = arith.constant 0 : i32
    %dma_start3A_32 = tpu.memref_slice %arg8[%dma_start3A_28, %dma_start3A_30, %dma_start3A_31] : memref<8x125x16xf32, #tpu.memory_space<vmem>> -> memref<1x125x16xf32, #tpu.memory_space<vmem>>
    %dma_start3A_33 = tpu.memref_squeeze %dma_start3A_32 : memref<1x125x16xf32, #tpu.memory_space<vmem>> -> memref<125x16xf32, #tpu.memory_space<vmem>>
    %dma_start3A_34 = arith.constant 0 : i32
    %dma_start3A_35 = tpu.memref_slice %arg6[%dma_start3A_27, %dma_start3A_34] : memref<80x125xi32, #tpu.memory_space<vmem>> -> memref<1x125xi32, #tpu.memory_space<vmem>>
    %dma_start3A_36 = tpu.memref_squeeze %dma_start3A_35 : memref<1x125xi32, #tpu.memory_space<vmem>> -> memref<125xi32, #tpu.memory_space<vmem>>
    %dma_start3A_37 = arith.constant 0 : i32
    %dma_start3A_38 = arith.constant 0 : i32
    %dma_start3A_39 = tpu.memref_slice %arg2[%dma_start3A_37, %dma_start3A_38] : memref<10000x16xf32, #tpu.memory_space<hbm>> -> memref<10000x16xf32, #tpu.memory_space<hbm>>
    %dma_start3A_40 = tpu.memref_slice %arg11[%dma_start3A_29] : memref<8x!tpu.dma_semaphore, #tpu.memory_space<semaphore_mem>> -> memref<1x!tpu.dma_semaphore, #tpu.memory_space<semaphore_mem>>
    %dma_start3A_41 = tpu.memref_squeeze %dma_start3A_40 : memref<1x!tpu.dma_semaphore, #tpu.memory_space<semaphore_mem>> -> memref<!tpu.dma_semaphore, #tpu.memory_space<semaphore_mem>>
    tpu.enqueue_indirect_dma source(%dma_start3A_39 : memref<10000x16xf32, #tpu.memory_space<hbm>>) target(%dma_start3A_33 : memref<125x16xf32, #tpu.memory_space<vmem>>) offsets(%dma_start3A_36 : memref<125xi32, #tpu.memory_space<vmem>>) semaphore(%dma_start3A_41 : memref<!tpu.dma_semaphore, #tpu.memory_space<semaphore_mem>>)
    %dma_start3A_42 = arith.constant 2 : i32
    %dma_start3A_43 = arith.constant 2 : i32
    %dma_start3A_44 = arith.constant 2 : i32
    %dma_start3A_45 = arith.constant 0 : i32
    %dma_start3A_46 = arith.constant 0 : i32
    %dma_start3A_47 = tpu.memref_slice %arg8[%dma_start3A_43, %dma_start3A_45, %dma_start3A_46] : memref<8x125x16xf32, #tpu.memory_space<vmem>> -> memref<1x125x16xf32, #tpu.memory_space<vmem>>
    %dma_start3A_48 = tpu.memref_squeeze %dma_start3A_47 : memref<1x125x16xf32, #tpu.memory_space<vmem>> -> memref<125x16xf32, #tpu.memory_space<vmem>>
    %dma_start3A_49 = arith.constant 0 : i32
    %dma_start3A_50 = tpu.memref_slice %arg6[%dma_start3A_42, %dma_start3A_49] : memref<80x125xi32, #tpu.memory_space<vmem>> -> memref<1x125xi32, #tpu.memory_space<vmem>>
    %dma_start3A_51 = tpu.memref_squeeze %dma_start3A_50 : memref<1x125xi32, #tpu.memory_space<vmem>> -> memref<125xi32, #tpu.memory_space<vmem>>
    %dma_start3A_52 = arith.constant 0 : i32
    %dma_start3A_53 = arith.constant 0 : i32
    %dma_start3A_54 = tpu.memref_slice %arg2[%dma_start3A_52, %dma_start3A_53] : memref<10000x16xf32, #tpu.memory_space<hbm>> -> memref<10000x16xf32, #tpu.memory_space<hbm>>
    %dma_start3A_55 = tpu.memref_slice %arg11[%dma_start3A_44] : memref<8x!tpu.dma_semaphore, #tpu.memory_space<semaphore_mem>> -> memref<1x!tpu.dma_semaphore, #tpu.memory_space<semaphore_mem>>
    %dma_start3A_56 = tpu.memref_squeeze %dma_start3A_55 : memref<1x!tpu.dma_semaphore, #tpu.memory_space<semaphore_mem>> -> memref<!tpu.dma_semaphore, #tpu.memory_space<semaphore_mem>>
    tpu.enqueue_indirect_dma source(%dma_start3A_54 : memref<10000x16xf32, #tpu.memory_space<hbm>>) target(%dma_start3A_48 : memref<125x16xf32, #tpu.memory_space<vmem>>) offsets(%dma_start3A_51 : memref<125xi32, #tpu.memory_space<vmem>>) semaphore(%dma_start3A_56 : memref<!tpu.dma_semaphore, #tpu.memory_space<semaphore_mem>>)
    %dma_start3A_57 = arith.constant 3 : i32
    %dma_start3A_58 = arith.constant 3 : i32
    %dma_start3A_59 = arith.constant 3 : i32
    %dma_start3A_60 = arith.constant 0 : i32
    %dma_start3A_61 = arith.constant 0 : i32
    %dma_start3A_62 = tpu.memref_slice %arg8[%dma_start3A_58, %dma_start3A_60, %dma_start3A_61] : memref<8x125x16xf32, #tpu.memory_space<vmem>> -> memref<1x125x16xf32, #tpu.memory_space<vmem>>
    %dma_start3A_63 = tpu.memref_squeeze %dma_start3A_62 : memref<1x125x16xf32, #tpu.memory_space<vmem>> -> memref<125x16xf32, #tpu.memory_space<vmem>>
    %dma_start3A_64 = arith.constant 0 : i32
    %dma_start3A_65 = tpu.memref_slice %arg6[%dma_start3A_57, %dma_start3A_64] : memref<80x125xi32, #tpu.memory_space<vmem>> -> memref<1x125xi32, #tpu.memory_space<vmem>>
    %dma_start3A_66 = tpu.memref_squeeze %dma_start3A_65 : memref<1x125xi32, #tpu.memory_space<vmem>> -> memref<125xi32, #tpu.memory_space<vmem>>
    %dma_start3A_67 = arith.constant 0 : i32
    %dma_start3A_68 = arith.constant 0 : i32
    %dma_start3A_69 = tpu.memref_slice %arg2[%dma_start3A_67, %dma_start3A_68] : memref<10000x16xf32, #tpu.memory_space<hbm>> -> memref<10000x16xf32, #tpu.memory_space<hbm>>
    %dma_start3A_70 = tpu.memref_slice %arg11[%dma_start3A_59] : memref<8x!tpu.dma_semaphore, #tpu.memory_space<semaphore_mem>> -> memref<1x!tpu.dma_semaphore, #tpu.memory_space<semaphore_mem>>
    %dma_start3A_71 = tpu.memref_squeeze %dma_start3A_70 : memref<1x!tpu.dma_semaphore, #tpu.memory_space<semaphore_mem>> -> memref<!tpu.dma_semaphore, #tpu.memory_space<semaphore_mem>>
    tpu.enqueue_indirect_dma source(%dma_start3A_69 : memref<10000x16xf32, #tpu.memory_space<hbm>>) target(%dma_start3A_63 : memref<125x16xf32, #tpu.memory_space<vmem>>) offsets(%dma_start3A_66 : memref<125xi32, #tpu.memory_space<vmem>>) semaphore(%dma_start3A_71 : memref<!tpu.dma_semaphore, #tpu.memory_space<semaphore_mem>>)
    %dma_start3A_72 = arith.constant 4 : i32
    %dma_start3A_73 = arith.constant 4 : i32
    %dma_start3A_74 = arith.constant 4 : i32
    %dma_start3A_75 = arith.constant 0 : i32
    %dma_start3A_76 = arith.constant 0 : i32
    %dma_start3A_77 = tpu.memref_slice %arg8[%dma_start3A_73, %dma_start3A_75, %dma_start3A_76] : memref<8x125x16xf32, #tpu.memory_space<vmem>> -> memref<1x125x16xf32, #tpu.memory_space<vmem>>
    %dma_start3A_78 = tpu.memref_squeeze %dma_start3A_77 : memref<1x125x16xf32, #tpu.memory_space<vmem>> -> memref<125x16xf32, #tpu.memory_space<vmem>>
    %dma_start3A_79 = arith.constant 0 : i32
    %dma_start3A_80 = tpu.memref_slice %arg6[%dma_start3A_72, %dma_start3A_79] : memref<80x125xi32, #tpu.memory_space<vmem>> -> memref<1x125xi32, #tpu.memory_space<vmem>>
    %dma_start3A_81 = tpu.memref_squeeze %dma_start3A_80 : memref<1x125xi32, #tpu.memory_space<vmem>> -> memref<125xi32, #tpu.memory_space<vmem>>
    %dma_start3A_82 = arith.constant 0 : i32
    %dma_start3A_83 = arith.constant 0 : i32
    %dma_start3A_84 = tpu.memref_slice %arg2[%dma_start3A_82, %dma_start3A_83] : memref<10000x16xf32, #tpu.memory_space<hbm>> -> memref<10000x16xf32, #tpu.memory_space<hbm>>
    %dma_start3A_85 = tpu.memref_slice %arg11[%dma_start3A_74] : memref<8x!tpu.dma_semaphore, #tpu.memory_space<semaphore_mem>> -> memref<1x!tpu.dma_semaphore, #tpu.memory_space<semaphore_mem>>
    %dma_start3A_86 = tpu.memref_squeeze %dma_start3A_85 : memref<1x!tpu.dma_semaphore, #tpu.memory_space<semaphore_mem>> -> memref<!tpu.dma_semaphore, #tpu.memory_space<semaphore_mem>>
    tpu.enqueue_indirect_dma source(%dma_start3A_84 : memref<10000x16xf32, #tpu.memory_space<hbm>>) target(%dma_start3A_78 : memref<125x16xf32, #tpu.memory_space<vmem>>) offsets(%dma_start3A_81 : memref<125xi32, #tpu.memory_space<vmem>>) semaphore(%dma_start3A_86 : memref<!tpu.dma_semaphore, #tpu.memory_space<semaphore_mem>>)
    %dma_start3A_87 = arith.constant 5 : i32
    %dma_start3A_88 = arith.constant 5 : i32
    %dma_start3A_89 = arith.constant 5 : i32
    %dma_start3A_90 = arith.constant 0 : i32
    %dma_start3A_91 = arith.constant 0 : i32
    %dma_start3A_92 = tpu.memref_slice %arg8[%dma_start3A_88, %dma_start3A_90, %dma_start3A_91] : memref<8x125x16xf32, #tpu.memory_space<vmem>> -> memref<1x125x16xf32, #tpu.memory_space<vmem>>
    %dma_start3A_93 = tpu.memref_squeeze %dma_start3A_92 : memref<1x125x16xf32, #tpu.memory_space<vmem>> -> memref<125x16xf32, #tpu.memory_space<vmem>>
    %dma_start3A_94 = arith.constant 0 : i32
    %dma_start3A_95 = tpu.memref_slice %arg6[%dma_start3A_87, %dma_start3A_94] : memref<80x125xi32, #tpu.memory_space<vmem>> -> memref<1x125xi32, #tpu.memory_space<vmem>>
    %dma_start3A_96 = tpu.memref_squeeze %dma_start3A_95 : memref<1x125xi32, #tpu.memory_space<vmem>> -> memref<125xi32, #tpu.memory_space<vmem>>
    %dma_start3A_97 = arith.constant 0 : i32
    %dma_start3A_98 = arith.constant 0 : i32
    %dma_start3A_99 = tpu.memref_slice %arg2[%dma_start3A_97, %dma_start3A_98] : memref<10000x16xf32, #tpu.memory_space<hbm>> -> memref<10000x16xf32, #tpu.memory_space<hbm>>
    %dma_start3A_100 = tpu.memref_slice %arg11[%dma_start3A_89] : memref<8x!tpu.dma_semaphore, #tpu.memory_space<semaphore_mem>> -> memref<1x!tpu.dma_semaphore, #tpu.memory_space<semaphore_mem>>
    %dma_start3A_101 = tpu.memref_squeeze %dma_start3A_100 : memref<1x!tpu.dma_semaphore, #tpu.memory_space<semaphore_mem>> -> memref<!tpu.dma_semaphore, #tpu.memory_space<semaphore_mem>>
    tpu.enqueue_indirect_dma source(%dma_start3A_99 : memref<10000x16xf32, #tpu.memory_space<hbm>>) target(%dma_start3A_93 : memref<125x16xf32, #tpu.memory_space<vmem>>) offsets(%dma_start3A_96 : memref<125xi32, #tpu.memory_space<vmem>>) semaphore(%dma_start3A_101 : memref<!tpu.dma_semaphore, #tpu.memory_space<semaphore_mem>>)
    %dma_start3A_102 = arith.constant 6 : i32
    %dma_start3A_103 = arith.constant 6 : i32
    %dma_start3A_104 = arith.constant 6 : i32
    %dma_start3A_105 = arith.constant 0 : i32
    %dma_start3A_106 = arith.constant 0 : i32
    %dma_start3A_107 = tpu.memref_slice %arg8[%dma_start3A_103, %dma_start3A_105, %dma_start3A_106] : memref<8x125x16xf32, #tpu.memory_space<vmem>> -> memref<1x125x16xf32, #tpu.memory_space<vmem>>
    %dma_start3A_108 = tpu.memref_squeeze %dma_start3A_107 : memref<1x125x16xf32, #tpu.memory_space<vmem>> -> memref<125x16xf32, #tpu.memory_space<vmem>>
    %dma_start3A_109 = arith.constant 0 : i32
    %dma_start3A_110 = tpu.memref_slice %arg6[%dma_start3A_102, %dma_start3A_109] : memref<80x125xi32, #tpu.memory_space<vmem>> -> memref<1x125xi32, #tpu.memory_space<vmem>>
    %dma_start3A_111 = tpu.memref_squeeze %dma_start3A_110 : memref<1x125xi32, #tpu.memory_space<vmem>> -> memref<125xi32, #tpu.memory_space<vmem>>
    %dma_start3A_112 = arith.constant 0 : i32
    %dma_start3A_113 = arith.constant 0 : i32
    %dma_start3A_114 = tpu.memref_slice %arg2[%dma_start3A_112, %dma_start3A_113] : memref<10000x16xf32, #tpu.memory_space<hbm>> -> memref<10000x16xf32, #tpu.memory_space<hbm>>
    %dma_start3A_115 = tpu.memref_slice %arg11[%dma_start3A_104] : memref<8x!tpu.dma_semaphore, #tpu.memory_space<semaphore_mem>> -> memref<1x!tpu.dma_semaphore, #tpu.memory_space<semaphore_mem>>
    %dma_start3A_116 = tpu.memref_squeeze %dma_start3A_115 : memref<1x!tpu.dma_semaphore, #tpu.memory_space<semaphore_mem>> -> memref<!tpu.dma_semaphore, #tpu.memory_space<semaphore_mem>>
    tpu.enqueue_indirect_dma source(%dma_start3A_114 : memref<10000x16xf32, #tpu.memory_space<hbm>>) target(%dma_start3A_108 : memref<125x16xf32, #tpu.memory_space<vmem>>) offsets(%dma_start3A_111 : memref<125xi32, #tpu.memory_space<vmem>>) semaphore(%dma_start3A_116 : memref<!tpu.dma_semaphore, #tpu.memory_space<semaphore_mem>>)
    %dma_start3A_117 = arith.constant 7 : i32
    %dma_start3A_118 = arith.constant 7 : i32
    %dma_start3A_119 = arith.constant 7 : i32
    %dma_start3A_120 = arith.constant 0 : i32
    %dma_start3A_121 = arith.constant 0 : i32
    %dma_start3A_122 = tpu.memref_slice %arg8[%dma_start3A_118, %dma_start3A_120, %dma_start3A_121] : memref<8x125x16xf32, #tpu.memory_space<vmem>> -> memref<1x125x16xf32, #tpu.memory_space<vmem>>
    %dma_start3A_123 = tpu.memref_squeeze %dma_start3A_122 : memref<1x125x16xf32, #tpu.memory_space<vmem>> -> memref<125x16xf32, #tpu.memory_space<vmem>>
    %dma_start3A_124 = arith.constant 0 : i32
    %dma_start3A_125 = tpu.memref_slice %arg6[%dma_start3A_117, %dma_start3A_124] : memref<80x125xi32, #tpu.memory_space<vmem>> -> memref<1x125xi32, #tpu.memory_space<vmem>>
    %dma_start3A_126 = tpu.memref_squeeze %dma_start3A_125 : memref<1x125xi32, #tpu.memory_space<vmem>> -> memref<125xi32, #tpu.memory_space<vmem>>
    %dma_start3A_127 = arith.constant 0 : i32
    %dma_start3A_128 = arith.constant 0 : i32
    %dma_start3A_129 = tpu.memref_slice %arg2[%dma_start3A_127, %dma_start3A_128] : memref<10000x16xf32, #tpu.memory_space<hbm>> -> memref<10000x16xf32, #tpu.memory_space<hbm>>
    %dma_start3A_130 = tpu.memref_slice %arg11[%dma_start3A_119] : memref<8x!tpu.dma_semaphore, #tpu.memory_space<semaphore_mem>> -> memref<1x!tpu.dma_semaphore, #tpu.memory_space<semaphore_mem>>
    %dma_start3A_131 = tpu.memref_squeeze %dma_start3A_130 : memref<1x!tpu.dma_semaphore, #tpu.memory_space<semaphore_mem>> -> memref<!tpu.dma_semaphore, #tpu.memory_space<semaphore_mem>>
    tpu.enqueue_indirect_dma source(%dma_start3A_129 : memref<10000x16xf32, #tpu.memory_space<hbm>>) target(%dma_start3A_123 : memref<125x16xf32, #tpu.memory_space<vmem>>) offsets(%dma_start3A_126 : memref<125xi32, #tpu.memory_space<vmem>>) semaphore(%dma_start3A_131 : memref<!tpu.dma_semaphore, #tpu.memory_space<semaphore_mem>>)
    %scan3A_132 = arith.constant 0 : i32
    %scan3A_133 = arith.constant 0 : i32
    %scan3A_134 = arith.constant 9 : i32
    %scan3A_135 = arith.addi %scan3A_133, %scan3A_134 : i32
    %scan3A_136 = arith.constant 1 : i32
    scf.for %scan3A_505 = %scan3A_133 to %scan3A_135 step %scan3A_136  : i32 {
      %mul3A_506 = arith.constant 8 : i32
      %mul3A_507 = arith.muli %scan3A_505, %mul3A_506 : i32
      %add3A_508 = arith.constant 0 : i32
      %add3A_509 = arith.addi %mul3A_507, %add3A_508 : i32
      %dma_wait3A_510 = arith.constant 0 : i32
      %dma_wait3A_511 = arith.constant 0 : i32
      %dma_wait3A_512 = arith.constant 0 : i32
      %dma_wait3A_513 = arith.constant 0 : i32
      %dma_wait3A_514 = tpu.memref_slice %arg8[%dma_wait3A_510, %dma_wait3A_512, %dma_wait3A_513] : memref<8x125x16xf32, #tpu.memory_space<vmem>> -> memref<1x125x16xf32, #tpu.memory_space<vmem>>
      %dma_wait3A_515 = tpu.memref_squeeze %dma_wait3A_514 : memref<1x125x16xf32, #tpu.memory_space<vmem>> -> memref<125x16xf32, #tpu.memory_space<vmem>>
      %dma_wait3A_516 = arith.constant 0 : i32
      %dma_wait3A_517 = tpu.memref_slice %arg6[%add3A_509, %dma_wait3A_516] : memref<80x125xi32, #tpu.memory_space<vmem>> -> memref<1x125xi32, #tpu.memory_space<vmem>>
      %dma_wait3A_518 = tpu.memref_squeeze %dma_wait3A_517 : memref<1x125xi32, #tpu.memory_space<vmem>> -> memref<125xi32, #tpu.memory_space<vmem>>
      %dma_wait3A_519 = arith.constant 0 : i32
      %dma_wait3A_520 = arith.constant 0 : i32
      %dma_wait3A_521 = tpu.memref_slice %arg2[%dma_wait3A_519, %dma_wait3A_520] : memref<10000x16xf32, #tpu.memory_space<hbm>> -> memref<10000x16xf32, #tpu.memory_space<hbm>>
      %dma_wait3A_522 = tpu.memref_slice %arg11[%dma_wait3A_511] : memref<8x!tpu.dma_semaphore, #tpu.memory_space<semaphore_mem>> -> memref<1x!tpu.dma_semaphore, #tpu.memory_space<semaphore_mem>>
      %dma_wait3A_523 = tpu.memref_squeeze %dma_wait3A_522 : memref<1x!tpu.dma_semaphore, #tpu.memory_space<semaphore_mem>> -> memref<!tpu.dma_semaphore, #tpu.memory_space<semaphore_mem>>
      tpu.wait_indirect_dma semaphore(%dma_wait3A_523 : memref<!tpu.dma_semaphore, #tpu.memory_space<semaphore_mem>>) src(%dma_wait3A_521 : memref<10000x16xf32, #tpu.memory_space<hbm>>) dst(%dma_wait3A_515 : memref<125x16xf32, #tpu.memory_space<vmem>>)
      %dma_start3A_524 = arith.constant 0 : i32
      %dma_start3A_525 = arith.constant 0 : i32
      %dma_start3A_526 = arith.constant 0 : i32
      %dma_start3A_527 = arith.constant 0 : i32
      %dma_start3A_528 = tpu.memref_slice %arg8[%dma_start3A_524, %dma_start3A_526, %dma_start3A_527] : memref<8x125x16xf32, #tpu.memory_space<vmem>> -> memref<1x125x16xf32, #tpu.memory_space<vmem>>
      %dma_start3A_529 = tpu.memref_squeeze %dma_start3A_528 : memref<1x125x16xf32, #tpu.memory_space<vmem>> -> memref<125x16xf32, #tpu.memory_space<vmem>>
      %dma_start3A_530 = arith.constant 0 : i32
      %dma_start3A_531 = tpu.memref_slice %arg7[%add3A_509, %dma_start3A_530] : memref<80x125xi32, #tpu.memory_space<vmem>> -> memref<1x125xi32, #tpu.memory_space<vmem>>
      %dma_start3A_532 = tpu.memref_squeeze %dma_start3A_531 : memref<1x125xi32, #tpu.memory_space<vmem>> -> memref<125xi32, #tpu.memory_space<vmem>>
      %dma_start3A_533 = arith.constant 0 : i32
      %dma_start3A_534 = arith.constant 0 : i32
      %dma_start3A_535 = tpu.memref_slice %arg10[%dma_start3A_533, %dma_start3A_534] : memref<10240x16xf32, #tpu.memory_space<vmem_shared>> -> memref<10240x16xf32, #tpu.memory_space<vmem_shared>>
      %dma_start3A_536 = tpu.memref_slice %arg12[%dma_start3A_525] : memref<8x!tpu.dma_semaphore, #tpu.memory_space<semaphore_mem>> -> memref<1x!tpu.dma_semaphore, #tpu.memory_space<semaphore_mem>>
      %dma_start3A_537 = tpu.memref_squeeze %dma_start3A_536 : memref<1x!tpu.dma_semaphore, #tpu.memory_space<semaphore_mem>> -> memref<!tpu.dma_semaphore, #tpu.memory_space<semaphore_mem>>
      tpu.enqueue_indirect_dma source(%dma_start3A_529 : memref<125x16xf32, #tpu.memory_space<vmem>>) target(%dma_start3A_535 : memref<10240x16xf32, #tpu.memory_space<vmem_shared>>) offsets(%dma_start3A_532 : memref<125xi32, #tpu.memory_space<vmem>>) semaphore(%dma_start3A_537 : memref<!tpu.dma_semaphore, #tpu.memory_space<semaphore_mem>>) {add = true}
      %mul3A_538 = arith.constant 8 : i32
      %mul3A_539 = arith.muli %scan3A_505, %mul3A_538 : i32
      %add3A_540 = arith.constant 1 : i32
      %add3A_541 = arith.addi %mul3A_539, %add3A_540 : i32
      %dma_wait3A_542 = arith.constant 1 : i32
      %dma_wait3A_543 = arith.constant 1 : i32
      %dma_wait3A_544 = arith.constant 0 : i32
      %dma_wait3A_545 = arith.constant 0 : i32
      %dma_wait3A_546 = tpu.memref_slice %arg8[%dma_wait3A_542, %dma_wait3A_544, %dma_wait3A_545] : memref<8x125x16xf32, #tpu.memory_space<vmem>> -> memref<1x125x16xf32, #tpu.memory_space<vmem>>
      %dma_wait3A_547 = tpu.memref_squeeze %dma_wait3A_546 : memref<1x125x16xf32, #tpu.memory_space<vmem>> -> memref<125x16xf32, #tpu.memory_space<vmem>>
      %dma_wait3A_548 = arith.constant 0 : i32
      %dma_wait3A_549 = tpu.memref_slice %arg6[%add3A_541, %dma_wait3A_548] : memref<80x125xi32, #tpu.memory_space<vmem>> -> memref<1x125xi32, #tpu.memory_space<vmem>>
      %dma_wait3A_550 = tpu.memref_squeeze %dma_wait3A_549 : memref<1x125xi32, #tpu.memory_space<vmem>> -> memref<125xi32, #tpu.memory_space<vmem>>
      %dma_wait3A_551 = arith.constant 0 : i32
      %dma_wait3A_552 = arith.constant 0 : i32
      %dma_wait3A_553 = tpu.memref_slice %arg2[%dma_wait3A_551, %dma_wait3A_552] : memref<10000x16xf32, #tpu.memory_space<hbm>> -> memref<10000x16xf32, #tpu.memory_space<hbm>>
      %dma_wait3A_554 = tpu.memref_slice %arg11[%dma_wait3A_543] : memref<8x!tpu.dma_semaphore, #tpu.memory_space<semaphore_mem>> -> memref<1x!tpu.dma_semaphore, #tpu.memory_space<semaphore_mem>>
      %dma_wait3A_555 = tpu.memref_squeeze %dma_wait3A_554 : memref<1x!tpu.dma_semaphore, #tpu.memory_space<semaphore_mem>> -> memref<!tpu.dma_semaphore, #tpu.memory_space<semaphore_mem>>
      tpu.wait_indirect_dma semaphore(%dma_wait3A_555 : memref<!tpu.dma_semaphore, #tpu.memory_space<semaphore_mem>>) src(%dma_wait3A_553 : memref<10000x16xf32, #tpu.memory_space<hbm>>) dst(%dma_wait3A_547 : memref<125x16xf32, #tpu.memory_space<vmem>>)
      %dma_start3A_556 = arith.constant 1 : i32
      %dma_start3A_557 = arith.constant 1 : i32
      %dma_start3A_558 = arith.constant 0 : i32
      %dma_start3A_559 = arith.constant 0 : i32
      %dma_start3A_560 = tpu.memref_slice %arg8[%dma_start3A_556, %dma_start3A_558, %dma_start3A_559] : memref<8x125x16xf32, #tpu.memory_space<vmem>> -> memref<1x125x16xf32, #tpu.memory_space<vmem>>
      %dma_start3A_561 = tpu.memref_squeeze %dma_start3A_560 : memref<1x125x16xf32, #tpu.memory_space<vmem>> -> memref<125x16xf32, #tpu.memory_space<vmem>>
      %dma_start3A_562 = arith.constant 0 : i32
      %dma_start3A_563 = tpu.memref_slice %arg7[%add3A_541, %dma_start3A_562] : memref<80x125xi32, #tpu.memory_space<vmem>> -> memref<1x125xi32, #tpu.memory_space<vmem>>
      %dma_start3A_564 = tpu.memref_squeeze %dma_start3A_563 : memref<1x125xi32, #tpu.memory_space<vmem>> -> memref<125xi32, #tpu.memory_space<vmem>>
      %dma_start3A_565 = arith.constant 0 : i32
      %dma_start3A_566 = arith.constant 0 : i32
      %dma_start3A_567 = tpu.memref_slice %arg10[%dma_start3A_565, %dma_start3A_566] : memref<10240x16xf32, #tpu.memory_space<vmem_shared>> -> memref<10240x16xf32, #tpu.memory_space<vmem_shared>>
      %dma_start3A_568 = tpu.memref_slice %arg12[%dma_start3A_557] : memref<8x!tpu.dma_semaphore, #tpu.memory_space<semaphore_mem>> -> memref<1x!tpu.dma_semaphore, #tpu.memory_space<semaphore_mem>>
      %dma_start3A_569 = tpu.memref_squeeze %dma_start3A_568 : memref<1x!tpu.dma_semaphore, #tpu.memory_space<semaphore_mem>> -> memref<!tpu.dma_semaphore, #tpu.memory_space<semaphore_mem>>
      tpu.enqueue_indirect_dma source(%dma_start3A_561 : memref<125x16xf32, #tpu.memory_space<vmem>>) target(%dma_start3A_567 : memref<10240x16xf32, #tpu.memory_space<vmem_shared>>) offsets(%dma_start3A_564 : memref<125xi32, #tpu.memory_space<vmem>>) semaphore(%dma_start3A_569 : memref<!tpu.dma_semaphore, #tpu.memory_space<semaphore_mem>>) {add = true}
      %mul3A_570 = arith.constant 8 : i32
      %mul3A_571 = arith.muli %scan3A_505, %mul3A_570 : i32
      %add3A_572 = arith.constant 2 : i32
      %add3A_573 = arith.addi %mul3A_571, %add3A_572 : i32
      %dma_wait3A_574 = arith.constant 2 : i32
      %dma_wait3A_575 = arith.constant 2 : i32
      %dma_wait3A_576 = arith.constant 0 : i32
      %dma_wait3A_577 = arith.constant 0 : i32
      %dma_wait3A_578 = tpu.memref_slice %arg8[%dma_wait3A_574, %dma_wait3A_576, %dma_wait3A_577] : memref<8x125x16xf32, #tpu.memory_space<vmem>> -> memref<1x125x16xf32, #tpu.memory_space<vmem>>
      %dma_wait3A_579 = tpu.memref_squeeze %dma_wait3A_578 : memref<1x125x16xf32, #tpu.memory_space<vmem>> -> memref<125x16xf32, #tpu.memory_space<vmem>>
      %dma_wait3A_580 = arith.constant 0 : i32
      %dma_wait3A_581 = tpu.memref_slice %arg6[%add3A_573, %dma_wait3A_580] : memref<80x125xi32, #tpu.memory_space<vmem>> -> memref<1x125xi32, #tpu.memory_space<vmem>>
      %dma_wait3A_582 = tpu.memref_squeeze %dma_wait3A_581 : memref<1x125xi32, #tpu.memory_space<vmem>> -> memref<125xi32, #tpu.memory_space<vmem>>
      %dma_wait3A_583 = arith.constant 0 : i32
      %dma_wait3A_584 = arith.constant 0 : i32
      %dma_wait3A_585 = tpu.memref_slice %arg2[%dma_wait3A_583, %dma_wait3A_584] : memref<10000x16xf32, #tpu.memory_space<hbm>> -> memref<10000x16xf32, #tpu.memory_space<hbm>>
      %dma_wait3A_586 = tpu.memref_slice %arg11[%dma_wait3A_575] : memref<8x!tpu.dma_semaphore, #tpu.memory_space<semaphore_mem>> -> memref<1x!tpu.dma_semaphore, #tpu.memory_space<semaphore_mem>>
      %dma_wait3A_587 = tpu.memref_squeeze %dma_wait3A_586 : memref<1x!tpu.dma_semaphore, #tpu.memory_space<semaphore_mem>> -> memref<!tpu.dma_semaphore, #tpu.memory_space<semaphore_mem>>
      tpu.wait_indirect_dma semaphore(%dma_wait3A_587 : memref<!tpu.dma_semaphore, #tpu.memory_space<semaphore_mem>>) src(%dma_wait3A_585 : memref<10000x16xf32, #tpu.memory_space<hbm>>) dst(%dma_wait3A_579 : memref<125x16xf32, #tpu.memory_space<vmem>>)
      %dma_start3A_588 = arith.constant 2 : i32
      %dma_start3A_589 = arith.constant 2 : i32
      %dma_start3A_590 = arith.constant 0 : i32
      %dma_start3A_591 = arith.constant 0 : i32
      %dma_start3A_592 = tpu.memref_slice %arg8[%dma_start3A_588, %dma_start3A_590, %dma_start3A_591] : memref<8x125x16xf32, #tpu.memory_space<vmem>> -> memref<1x125x16xf32, #tpu.memory_space<vmem>>
      %dma_start3A_593 = tpu.memref_squeeze %dma_start3A_592 : memref<1x125x16xf32, #tpu.memory_space<vmem>> -> memref<125x16xf32, #tpu.memory_space<vmem>>
      %dma_start3A_594 = arith.constant 0 : i32
      %dma_start3A_595 = tpu.memref_slice %arg7[%add3A_573, %dma_start3A_594] : memref<80x125xi32, #tpu.memory_space<vmem>> -> memref<1x125xi32, #tpu.memory_space<vmem>>
      %dma_start3A_596 = tpu.memref_squeeze %dma_start3A_595 : memref<1x125xi32, #tpu.memory_space<vmem>> -> memref<125xi32, #tpu.memory_space<vmem>>
      %dma_start3A_597 = arith.constant 0 : i32
      %dma_start3A_598 = arith.constant 0 : i32
      %dma_start3A_599 = tpu.memref_slice %arg10[%dma_start3A_597, %dma_start3A_598] : memref<10240x16xf32, #tpu.memory_space<vmem_shared>> -> memref<10240x16xf32, #tpu.memory_space<vmem_shared>>
      %dma_start3A_600 = tpu.memref_slice %arg12[%dma_start3A_589] : memref<8x!tpu.dma_semaphore, #tpu.memory_space<semaphore_mem>> -> memref<1x!tpu.dma_semaphore, #tpu.memory_space<semaphore_mem>>
      %dma_start3A_601 = tpu.memref_squeeze %dma_start3A_600 : memref<1x!tpu.dma_semaphore, #tpu.memory_space<semaphore_mem>> -> memref<!tpu.dma_semaphore, #tpu.memory_space<semaphore_mem>>
      tpu.enqueue_indirect_dma source(%dma_start3A_593 : memref<125x16xf32, #tpu.memory_space<vmem>>) target(%dma_start3A_599 : memref<10240x16xf32, #tpu.memory_space<vmem_shared>>) offsets(%dma_start3A_596 : memref<125xi32, #tpu.memory_space<vmem>>) semaphore(%dma_start3A_601 : memref<!tpu.dma_semaphore, #tpu.memory_space<semaphore_mem>>) {add = true}
      %mul3A_602 = arith.constant 8 : i32
      %mul3A_603 = arith.muli %scan3A_505, %mul3A_602 : i32
      %add3A_604 = arith.constant 3 : i32
      %add3A_605 = arith.addi %mul3A_603, %add3A_604 : i32
      %dma_wait3A_606 = arith.constant 3 : i32
      %dma_wait3A_607 = arith.constant 3 : i32
      %dma_wait3A_608 = arith.constant 0 : i32
      %dma_wait3A_609 = arith.constant 0 : i32
      %dma_wait3A_610 = tpu.memref_slice %arg8[%dma_wait3A_606, %dma_wait3A_608, %dma_wait3A_609] : memref<8x125x16xf32, #tpu.memory_space<vmem>> -> memref<1x125x16xf32, #tpu.memory_space<vmem>>
      %dma_wait3A_611 = tpu.memref_squeeze %dma_wait3A_610 : memref<1x125x16xf32, #tpu.memory_space<vmem>> -> memref<125x16xf32, #tpu.memory_space<vmem>>
      %dma_wait3A_612 = arith.constant 0 : i32
      %dma_wait3A_613 = tpu.memref_slice %arg6[%add3A_605, %dma_wait3A_612] : memref<80x125xi32, #tpu.memory_space<vmem>> -> memref<1x125xi32, #tpu.memory_space<vmem>>
      %dma_wait3A_614 = tpu.memref_squeeze %dma_wait3A_613 : memref<1x125xi32, #tpu.memory_space<vmem>> -> memref<125xi32, #tpu.memory_space<vmem>>
      %dma_wait3A_615 = arith.constant 0 : i32
      %dma_wait3A_616 = arith.constant 0 : i32
      %dma_wait3A_617 = tpu.memref_slice %arg2[%dma_wait3A_615, %dma_wait3A_616] : memref<10000x16xf32, #tpu.memory_space<hbm>> -> memref<10000x16xf32, #tpu.memory_space<hbm>>
      %dma_wait3A_618 = tpu.memref_slice %arg11[%dma_wait3A_607] : memref<8x!tpu.dma_semaphore, #tpu.memory_space<semaphore_mem>> -> memref<1x!tpu.dma_semaphore, #tpu.memory_space<semaphore_mem>>
      %dma_wait3A_619 = tpu.memref_squeeze %dma_wait3A_618 : memref<1x!tpu.dma_semaphore, #tpu.memory_space<semaphore_mem>> -> memref<!tpu.dma_semaphore, #tpu.memory_space<semaphore_mem>>
      tpu.wait_indirect_dma semaphore(%dma_wait3A_619 : memref<!tpu.dma_semaphore, #tpu.memory_space<semaphore_mem>>) src(%dma_wait3A_617 : memref<10000x16xf32, #tpu.memory_space<hbm>>) dst(%dma_wait3A_611 : memref<125x16xf32, #tpu.memory_space<vmem>>)
      %dma_start3A_620 = arith.constant 3 : i32
      %dma_start3A_621 = arith.constant 3 : i32
      %dma_start3A_622 = arith.constant 0 : i32
      %dma_start3A_623 = arith.constant 0 : i32
      %dma_start3A_624 = tpu.memref_slice %arg8[%dma_start3A_620, %dma_start3A_622, %dma_start3A_623] : memref<8x125x16xf32, #tpu.memory_space<vmem>> -> memref<1x125x16xf32, #tpu.memory_space<vmem>>
      %dma_start3A_625 = tpu.memref_squeeze %dma_start3A_624 : memref<1x125x16xf32, #tpu.memory_space<vmem>> -> memref<125x16xf32, #tpu.memory_space<vmem>>
      %dma_start3A_626 = arith.constant 0 : i32
      %dma_start3A_627 = tpu.memref_slice %arg7[%add3A_605, %dma_start3A_626] : memref<80x125xi32, #tpu.memory_space<vmem>> -> memref<1x125xi32, #tpu.memory_space<vmem>>
      %dma_start3A_628 = tpu.memref_squeeze %dma_start3A_627 : memref<1x125xi32, #tpu.memory_space<vmem>> -> memref<125xi32, #tpu.memory_space<vmem>>
      %dma_start3A_629 = arith.constant 0 : i32
      %dma_start3A_630 = arith.constant 0 : i32
      %dma_start3A_631 = tpu.memref_slice %arg10[%dma_start3A_629, %dma_start3A_630] : memref<10240x16xf32, #tpu.memory_space<vmem_shared>> -> memref<10240x16xf32, #tpu.memory_space<vmem_shared>>
      %dma_start3A_632 = tpu.memref_slice %arg12[%dma_start3A_621] : memref<8x!tpu.dma_semaphore, #tpu.memory_space<semaphore_mem>> -> memref<1x!tpu.dma_semaphore, #tpu.memory_space<semaphore_mem>>
      %dma_start3A_633 = tpu.memref_squeeze %dma_start3A_632 : memref<1x!tpu.dma_semaphore, #tpu.memory_space<semaphore_mem>> -> memref<!tpu.dma_semaphore, #tpu.memory_space<semaphore_mem>>
      tpu.enqueue_indirect_dma source(%dma_start3A_625 : memref<125x16xf32, #tpu.memory_space<vmem>>) target(%dma_start3A_631 : memref<10240x16xf32, #tpu.memory_space<vmem_shared>>) offsets(%dma_start3A_628 : memref<125xi32, #tpu.memory_space<vmem>>) semaphore(%dma_start3A_633 : memref<!tpu.dma_semaphore, #tpu.memory_space<semaphore_mem>>) {add = true}
      %mul3A_634 = arith.constant 8 : i32
      %mul3A_635 = arith.muli %scan3A_505, %mul3A_634 : i32
      %add3A_636 = arith.constant 4 : i32
      %add3A_637 = arith.addi %mul3A_635, %add3A_636 : i32
      %dma_wait3A_638 = arith.constant 4 : i32
      %dma_wait3A_639 = arith.constant 4 : i32
      %dma_wait3A_640 = arith.constant 0 : i32
      %dma_wait3A_641 = arith.constant 0 : i32
      %dma_wait3A_642 = tpu.memref_slice %arg8[%dma_wait3A_638, %dma_wait3A_640, %dma_wait3A_641] : memref<8x125x16xf32, #tpu.memory_space<vmem>> -> memref<1x125x16xf32, #tpu.memory_space<vmem>>
      %dma_wait3A_643 = tpu.memref_squeeze %dma_wait3A_642 : memref<1x125x16xf32, #tpu.memory_space<vmem>> -> memref<125x16xf32, #tpu.memory_space<vmem>>
      %dma_wait3A_644 = arith.constant 0 : i32
      %dma_wait3A_645 = tpu.memref_slice %arg6[%add3A_637, %dma_wait3A_644] : memref<80x125xi32, #tpu.memory_space<vmem>> -> memref<1x125xi32, #tpu.memory_space<vmem>>
      %dma_wait3A_646 = tpu.memref_squeeze %dma_wait3A_645 : memref<1x125xi32, #tpu.memory_space<vmem>> -> memref<125xi32, #tpu.memory_space<vmem>>
      %dma_wait3A_647 = arith.constant 0 : i32
      %dma_wait3A_648 = arith.constant 0 : i32
      %dma_wait3A_649 = tpu.memref_slice %arg2[%dma_wait3A_647, %dma_wait3A_648] : memref<10000x16xf32, #tpu.memory_space<hbm>> -> memref<10000x16xf32, #tpu.memory_space<hbm>>
      %dma_wait3A_650 = tpu.memref_slice %arg11[%dma_wait3A_639] : memref<8x!tpu.dma_semaphore, #tpu.memory_space<semaphore_mem>> -> memref<1x!tpu.dma_semaphore, #tpu.memory_space<semaphore_mem>>
      %dma_wait3A_651 = tpu.memref_squeeze %dma_wait3A_650 : memref<1x!tpu.dma_semaphore, #tpu.memory_space<semaphore_mem>> -> memref<!tpu.dma_semaphore, #tpu.memory_space<semaphore_mem>>
      tpu.wait_indirect_dma semaphore(%dma_wait3A_651 : memref<!tpu.dma_semaphore, #tpu.memory_space<semaphore_mem>>) src(%dma_wait3A_649 : memref<10000x16xf32, #tpu.memory_space<hbm>>) dst(%dma_wait3A_643 : memref<125x16xf32, #tpu.memory_space<vmem>>)
      %dma_start3A_652 = arith.constant 4 : i32
      %dma_start3A_653 = arith.constant 4 : i32
      %dma_start3A_654 = arith.constant 0 : i32
      %dma_start3A_655 = arith.constant 0 : i32
      %dma_start3A_656 = tpu.memref_slice %arg8[%dma_start3A_652, %dma_start3A_654, %dma_start3A_655] : memref<8x125x16xf32, #tpu.memory_space<vmem>> -> memref<1x125x16xf32, #tpu.memory_space<vmem>>
      %dma_start3A_657 = tpu.memref_squeeze %dma_start3A_656 : memref<1x125x16xf32, #tpu.memory_space<vmem>> -> memref<125x16xf32, #tpu.memory_space<vmem>>
      %dma_start3A_658 = arith.constant 0 : i32
      %dma_start3A_659 = tpu.memref_slice %arg7[%add3A_637, %dma_start3A_658] : memref<80x125xi32, #tpu.memory_space<vmem>> -> memref<1x125xi32, #tpu.memory_space<vmem>>
      %dma_start3A_660 = tpu.memref_squeeze %dma_start3A_659 : memref<1x125xi32, #tpu.memory_space<vmem>> -> memref<125xi32, #tpu.memory_space<vmem>>
      %dma_start3A_661 = arith.constant 0 : i32
      %dma_start3A_662 = arith.constant 0 : i32
      %dma_start3A_663 = tpu.memref_slice %arg10[%dma_start3A_661, %dma_start3A_662] : memref<10240x16xf32, #tpu.memory_space<vmem_shared>> -> memref<10240x16xf32, #tpu.memory_space<vmem_shared>>
      %dma_start3A_664 = tpu.memref_slice %arg12[%dma_start3A_653] : memref<8x!tpu.dma_semaphore, #tpu.memory_space<semaphore_mem>> -> memref<1x!tpu.dma_semaphore, #tpu.memory_space<semaphore_mem>>
      %dma_start3A_665 = tpu.memref_squeeze %dma_start3A_664 : memref<1x!tpu.dma_semaphore, #tpu.memory_space<semaphore_mem>> -> memref<!tpu.dma_semaphore, #tpu.memory_space<semaphore_mem>>
      tpu.enqueue_indirect_dma source(%dma_start3A_657 : memref<125x16xf32, #tpu.memory_space<vmem>>) target(%dma_start3A_663 : memref<10240x16xf32, #tpu.memory_space<vmem_shared>>) offsets(%dma_start3A_660 : memref<125xi32, #tpu.memory_space<vmem>>) semaphore(%dma_start3A_665 : memref<!tpu.dma_semaphore, #tpu.memory_space<semaphore_mem>>) {add = true}
      %mul3A_666 = arith.constant 8 : i32
      %mul3A_667 = arith.muli %scan3A_505, %mul3A_666 : i32
      %add3A_668 = arith.constant 5 : i32
      %add3A_669 = arith.addi %mul3A_667, %add3A_668 : i32
      %dma_wait3A_670 = arith.constant 5 : i32
      %dma_wait3A_671 = arith.constant 5 : i32
      %dma_wait3A_672 = arith.constant 0 : i32
      %dma_wait3A_673 = arith.constant 0 : i32
      %dma_wait3A_674 = tpu.memref_slice %arg8[%dma_wait3A_670, %dma_wait3A_672, %dma_wait3A_673] : memref<8x125x16xf32, #tpu.memory_space<vmem>> -> memref<1x125x16xf32, #tpu.memory_space<vmem>>
      %dma_wait3A_675 = tpu.memref_squeeze %dma_wait3A_674 : memref<1x125x16xf32, #tpu.memory_space<vmem>> -> memref<125x16xf32, #tpu.memory_space<vmem>>
      %dma_wait3A_676 = arith.constant 0 : i32
      %dma_wait3A_677 = tpu.memref_slice %arg6[%add3A_669, %dma_wait3A_676] : memref<80x125xi32, #tpu.memory_space<vmem>> -> memref<1x125xi32, #tpu.memory_space<vmem>>
      %dma_wait3A_678 = tpu.memref_squeeze %dma_wait3A_677 : memref<1x125xi32, #tpu.memory_space<vmem>> -> memref<125xi32, #tpu.memory_space<vmem>>
      %dma_wait3A_679 = arith.constant 0 : i32
      %dma_wait3A_680 = arith.constant 0 : i32
      %dma_wait3A_681 = tpu.memref_slice %arg2[%dma_wait3A_679, %dma_wait3A_680] : memref<10000x16xf32, #tpu.memory_space<hbm>> -> memref<10000x16xf32, #tpu.memory_space<hbm>>
      %dma_wait3A_682 = tpu.memref_slice %arg11[%dma_wait3A_671] : memref<8x!tpu.dma_semaphore, #tpu.memory_space<semaphore_mem>> -> memref<1x!tpu.dma_semaphore, #tpu.memory_space<semaphore_mem>>
      %dma_wait3A_683 = tpu.memref_squeeze %dma_wait3A_682 : memref<1x!tpu.dma_semaphore, #tpu.memory_space<semaphore_mem>> -> memref<!tpu.dma_semaphore, #tpu.memory_space<semaphore_mem>>
      tpu.wait_indirect_dma semaphore(%dma_wait3A_683 : memref<!tpu.dma_semaphore, #tpu.memory_space<semaphore_mem>>) src(%dma_wait3A_681 : memref<10000x16xf32, #tpu.memory_space<hbm>>) dst(%dma_wait3A_675 : memref<125x16xf32, #tpu.memory_space<vmem>>)
      %dma_start3A_684 = arith.constant 5 : i32
      %dma_start3A_685 = arith.constant 5 : i32
      %dma_start3A_686 = arith.constant 0 : i32
      %dma_start3A_687 = arith.constant 0 : i32
      %dma_start3A_688 = tpu.memref_slice %arg8[%dma_start3A_684, %dma_start3A_686, %dma_start3A_687] : memref<8x125x16xf32, #tpu.memory_space<vmem>> -> memref<1x125x16xf32, #tpu.memory_space<vmem>>
      %dma_start3A_689 = tpu.memref_squeeze %dma_start3A_688 : memref<1x125x16xf32, #tpu.memory_space<vmem>> -> memref<125x16xf32, #tpu.memory_space<vmem>>
      %dma_start3A_690 = arith.constant 0 : i32
      %dma_start3A_691 = tpu.memref_slice %arg7[%add3A_669, %dma_start3A_690] : memref<80x125xi32, #tpu.memory_space<vmem>> -> memref<1x125xi32, #tpu.memory_space<vmem>>
      %dma_start3A_692 = tpu.memref_squeeze %dma_start3A_691 : memref<1x125xi32, #tpu.memory_space<vmem>> -> memref<125xi32, #tpu.memory_space<vmem>>
      %dma_start3A_693 = arith.constant 0 : i32
      %dma_start3A_694 = arith.constant 0 : i32
      %dma_start3A_695 = tpu.memref_slice %arg10[%dma_start3A_693, %dma_start3A_694] : memref<10240x16xf32, #tpu.memory_space<vmem_shared>> -> memref<10240x16xf32, #tpu.memory_space<vmem_shared>>
      %dma_start3A_696 = tpu.memref_slice %arg12[%dma_start3A_685] : memref<8x!tpu.dma_semaphore, #tpu.memory_space<semaphore_mem>> -> memref<1x!tpu.dma_semaphore, #tpu.memory_space<semaphore_mem>>
      %dma_start3A_697 = tpu.memref_squeeze %dma_start3A_696 : memref<1x!tpu.dma_semaphore, #tpu.memory_space<semaphore_mem>> -> memref<!tpu.dma_semaphore, #tpu.memory_space<semaphore_mem>>
      tpu.enqueue_indirect_dma source(%dma_start3A_689 : memref<125x16xf32, #tpu.memory_space<vmem>>) target(%dma_start3A_695 : memref<10240x16xf32, #tpu.memory_space<vmem_shared>>) offsets(%dma_start3A_692 : memref<125xi32, #tpu.memory_space<vmem>>) semaphore(%dma_start3A_697 : memref<!tpu.dma_semaphore, #tpu.memory_space<semaphore_mem>>) {add = true}
      %mul3A_698 = arith.constant 8 : i32
      %mul3A_699 = arith.muli %scan3A_505, %mul3A_698 : i32
      %add3A_700 = arith.constant 6 : i32
      %add3A_701 = arith.addi %mul3A_699, %add3A_700 : i32
      %dma_wait3A_702 = arith.constant 6 : i32
      %dma_wait3A_703 = arith.constant 6 : i32
      %dma_wait3A_704 = arith.constant 0 : i32
      %dma_wait3A_705 = arith.constant 0 : i32
      %dma_wait3A_706 = tpu.memref_slice %arg8[%dma_wait3A_702, %dma_wait3A_704, %dma_wait3A_705] : memref<8x125x16xf32, #tpu.memory_space<vmem>> -> memref<1x125x16xf32, #tpu.memory_space<vmem>>
      %dma_wait3A_707 = tpu.memref_squeeze %dma_wait3A_706 : memref<1x125x16xf32, #tpu.memory_space<vmem>> -> memref<125x16xf32, #tpu.memory_space<vmem>>
      %dma_wait3A_708 = arith.constant 0 : i32
      %dma_wait3A_709 = tpu.memref_slice %arg6[%add3A_701, %dma_wait3A_708] : memref<80x125xi32, #tpu.memory_space<vmem>> -> memref<1x125xi32, #tpu.memory_space<vmem>>
      %dma_wait3A_710 = tpu.memref_squeeze %dma_wait3A_709 : memref<1x125xi32, #tpu.memory_space<vmem>> -> memref<125xi32, #tpu.memory_space<vmem>>
      %dma_wait3A_711 = arith.constant 0 : i32
      %dma_wait3A_712 = arith.constant 0 : i32
      %dma_wait3A_713 = tpu.memref_slice %arg2[%dma_wait3A_711, %dma_wait3A_712] : memref<10000x16xf32, #tpu.memory_space<hbm>> -> memref<10000x16xf32, #tpu.memory_space<hbm>>
      %dma_wait3A_714 = tpu.memref_slice %arg11[%dma_wait3A_703] : memref<8x!tpu.dma_semaphore, #tpu.memory_space<semaphore_mem>> -> memref<1x!tpu.dma_semaphore, #tpu.memory_space<semaphore_mem>>
      %dma_wait3A_715 = tpu.memref_squeeze %dma_wait3A_714 : memref<1x!tpu.dma_semaphore, #tpu.memory_space<semaphore_mem>> -> memref<!tpu.dma_semaphore, #tpu.memory_space<semaphore_mem>>
      tpu.wait_indirect_dma semaphore(%dma_wait3A_715 : memref<!tpu.dma_semaphore, #tpu.memory_space<semaphore_mem>>) src(%dma_wait3A_713 : memref<10000x16xf32, #tpu.memory_space<hbm>>) dst(%dma_wait3A_707 : memref<125x16xf32, #tpu.memory_space<vmem>>)
      %dma_start3A_716 = arith.constant 6 : i32
      %dma_start3A_717 = arith.constant 6 : i32
      %dma_start3A_718 = arith.constant 0 : i32
      %dma_start3A_719 = arith.constant 0 : i32
      %dma_start3A_720 = tpu.memref_slice %arg8[%dma_start3A_716, %dma_start3A_718, %dma_start3A_719] : memref<8x125x16xf32, #tpu.memory_space<vmem>> -> memref<1x125x16xf32, #tpu.memory_space<vmem>>
      %dma_start3A_721 = tpu.memref_squeeze %dma_start3A_720 : memref<1x125x16xf32, #tpu.memory_space<vmem>> -> memref<125x16xf32, #tpu.memory_space<vmem>>
      %dma_start3A_722 = arith.constant 0 : i32
      %dma_start3A_723 = tpu.memref_slice %arg7[%add3A_701, %dma_start3A_722] : memref<80x125xi32, #tpu.memory_space<vmem>> -> memref<1x125xi32, #tpu.memory_space<vmem>>
      %dma_start3A_724 = tpu.memref_squeeze %dma_start3A_723 : memref<1x125xi32, #tpu.memory_space<vmem>> -> memref<125xi32, #tpu.memory_space<vmem>>
      %dma_start3A_725 = arith.constant 0 : i32
      %dma_start3A_726 = arith.constant 0 : i32
      %dma_start3A_727 = tpu.memref_slice %arg10[%dma_start3A_725, %dma_start3A_726] : memref<10240x16xf32, #tpu.memory_space<vmem_shared>> -> memref<10240x16xf32, #tpu.memory_space<vmem_shared>>
      %dma_start3A_728 = tpu.memref_slice %arg12[%dma_start3A_717] : memref<8x!tpu.dma_semaphore, #tpu.memory_space<semaphore_mem>> -> memref<1x!tpu.dma_semaphore, #tpu.memory_space<semaphore_mem>>
      %dma_start3A_729 = tpu.memref_squeeze %dma_start3A_728 : memref<1x!tpu.dma_semaphore, #tpu.memory_space<semaphore_mem>> -> memref<!tpu.dma_semaphore, #tpu.memory_space<semaphore_mem>>
      tpu.enqueue_indirect_dma source(%dma_start3A_721 : memref<125x16xf32, #tpu.memory_space<vmem>>) target(%dma_start3A_727 : memref<10240x16xf32, #tpu.memory_space<vmem_shared>>) offsets(%dma_start3A_724 : memref<125xi32, #tpu.memory_space<vmem>>) semaphore(%dma_start3A_729 : memref<!tpu.dma_semaphore, #tpu.memory_space<semaphore_mem>>) {add = true}
      %mul3A_730 = arith.constant 8 : i32
      %mul3A_731 = arith.muli %scan3A_505, %mul3A_730 : i32
      %add3A_732 = arith.constant 7 : i32
      %add3A_733 = arith.addi %mul3A_731, %add3A_732 : i32
      %dma_wait3A_734 = arith.constant 7 : i32
      %dma_wait3A_735 = arith.constant 7 : i32
      %dma_wait3A_736 = arith.constant 0 : i32
      %dma_wait3A_737 = arith.constant 0 : i32
      %dma_wait3A_738 = tpu.memref_slice %arg8[%dma_wait3A_734, %dma_wait3A_736, %dma_wait3A_737] : memref<8x125x16xf32, #tpu.memory_space<vmem>> -> memref<1x125x16xf32, #tpu.memory_space<vmem>>
      %dma_wait3A_739 = tpu.memref_squeeze %dma_wait3A_738 : memref<1x125x16xf32, #tpu.memory_space<vmem>> -> memref<125x16xf32, #tpu.memory_space<vmem>>
      %dma_wait3A_740 = arith.constant 0 : i32
      %dma_wait3A_741 = tpu.memref_slice %arg6[%add3A_733, %dma_wait3A_740] : memref<80x125xi32, #tpu.memory_space<vmem>> -> memref<1x125xi32, #tpu.memory_space<vmem>>
      %dma_wait3A_742 = tpu.memref_squeeze %dma_wait3A_741 : memref<1x125xi32, #tpu.memory_space<vmem>> -> memref<125xi32, #tpu.memory_space<vmem>>
      %dma_wait3A_743 = arith.constant 0 : i32
      %dma_wait3A_744 = arith.constant 0 : i32
      %dma_wait3A_745 = tpu.memref_slice %arg2[%dma_wait3A_743, %dma_wait3A_744] : memref<10000x16xf32, #tpu.memory_space<hbm>> -> memref<10000x16xf32, #tpu.memory_space<hbm>>
      %dma_wait3A_746 = tpu.memref_slice %arg11[%dma_wait3A_735] : memref<8x!tpu.dma_semaphore, #tpu.memory_space<semaphore_mem>> -> memref<1x!tpu.dma_semaphore, #tpu.memory_space<semaphore_mem>>
      %dma_wait3A_747 = tpu.memref_squeeze %dma_wait3A_746 : memref<1x!tpu.dma_semaphore, #tpu.memory_space<semaphore_mem>> -> memref<!tpu.dma_semaphore, #tpu.memory_space<semaphore_mem>>
      tpu.wait_indirect_dma semaphore(%dma_wait3A_747 : memref<!tpu.dma_semaphore, #tpu.memory_space<semaphore_mem>>) src(%dma_wait3A_745 : memref<10000x16xf32, #tpu.memory_space<hbm>>) dst(%dma_wait3A_739 : memref<125x16xf32, #tpu.memory_space<vmem>>)
      %dma_start3A_748 = arith.constant 7 : i32
      %dma_start3A_749 = arith.constant 7 : i32
      %dma_start3A_750 = arith.constant 0 : i32
      %dma_start3A_751 = arith.constant 0 : i32
      %dma_start3A_752 = tpu.memref_slice %arg8[%dma_start3A_748, %dma_start3A_750, %dma_start3A_751] : memref<8x125x16xf32, #tpu.memory_space<vmem>> -> memref<1x125x16xf32, #tpu.memory_space<vmem>>
      %dma_start3A_753 = tpu.memref_squeeze %dma_start3A_752 : memref<1x125x16xf32, #tpu.memory_space<vmem>> -> memref<125x16xf32, #tpu.memory_space<vmem>>
      %dma_start3A_754 = arith.constant 0 : i32
      %dma_start3A_755 = tpu.memref_slice %arg7[%add3A_733, %dma_start3A_754] : memref<80x125xi32, #tpu.memory_space<vmem>> -> memref<1x125xi32, #tpu.memory_space<vmem>>
      %dma_start3A_756 = tpu.memref_squeeze %dma_start3A_755 : memref<1x125xi32, #tpu.memory_space<vmem>> -> memref<125xi32, #tpu.memory_space<vmem>>
      %dma_start3A_757 = arith.constant 0 : i32
      %dma_start3A_758 = arith.constant 0 : i32
      %dma_start3A_759 = tpu.memref_slice %arg10[%dma_start3A_757, %dma_start3A_758] : memref<10240x16xf32, #tpu.memory_space<vmem_shared>> -> memref<10240x16xf32, #tpu.memory_space<vmem_shared>>
      %dma_start3A_760 = tpu.memref_slice %arg12[%dma_start3A_749] : memref<8x!tpu.dma_semaphore, #tpu.memory_space<semaphore_mem>> -> memref<1x!tpu.dma_semaphore, #tpu.memory_space<semaphore_mem>>
      %dma_start3A_761 = tpu.memref_squeeze %dma_start3A_760 : memref<1x!tpu.dma_semaphore, #tpu.memory_space<semaphore_mem>> -> memref<!tpu.dma_semaphore, #tpu.memory_space<semaphore_mem>>
      tpu.enqueue_indirect_dma source(%dma_start3A_753 : memref<125x16xf32, #tpu.memory_space<vmem>>) target(%dma_start3A_759 : memref<10240x16xf32, #tpu.memory_space<vmem_shared>>) offsets(%dma_start3A_756 : memref<125xi32, #tpu.memory_space<vmem>>) semaphore(%dma_start3A_761 : memref<!tpu.dma_semaphore, #tpu.memory_space<semaphore_mem>>) {add = true}
      %mul3A_762 = arith.constant 8 : i32
      %mul3A_763 = arith.muli %scan3A_505, %mul3A_762 : i32
      %add3A_764 = arith.constant 0 : i32
      %add3A_765 = arith.addi %mul3A_763, %add3A_764 : i32
      %dma_wait3A_766 = arith.constant 0 : i32
      %dma_wait3A_767 = arith.constant 0 : i32
      %dma_wait3A_768 = arith.constant 0 : i32
      %dma_wait3A_769 = arith.constant 0 : i32
      %dma_wait3A_770 = tpu.memref_slice %arg8[%dma_wait3A_766, %dma_wait3A_768, %dma_wait3A_769] : memref<8x125x16xf32, #tpu.memory_space<vmem>> -> memref<1x125x16xf32, #tpu.memory_space<vmem>>
      %dma_wait3A_771 = tpu.memref_squeeze %dma_wait3A_770 : memref<1x125x16xf32, #tpu.memory_space<vmem>> -> memref<125x16xf32, #tpu.memory_space<vmem>>
      %dma_wait3A_772 = arith.constant 0 : i32
      %dma_wait3A_773 = tpu.memref_slice %arg6[%add3A_765, %dma_wait3A_772] : memref<80x125xi32, #tpu.memory_space<vmem>> -> memref<1x125xi32, #tpu.memory_space<vmem>>
      %dma_wait3A_774 = tpu.memref_squeeze %dma_wait3A_773 : memref<1x125xi32, #tpu.memory_space<vmem>> -> memref<125xi32, #tpu.memory_space<vmem>>
      %dma_wait3A_775 = arith.constant 0 : i32
      %dma_wait3A_776 = arith.constant 0 : i32
      %dma_wait3A_777 = tpu.memref_slice %arg2[%dma_wait3A_775, %dma_wait3A_776] : memref<10000x16xf32, #tpu.memory_space<hbm>> -> memref<10000x16xf32, #tpu.memory_space<hbm>>
      %dma_wait3A_778 = tpu.memref_slice %arg12[%dma_wait3A_767] : memref<8x!tpu.dma_semaphore, #tpu.memory_space<semaphore_mem>> -> memref<1x!tpu.dma_semaphore, #tpu.memory_space<semaphore_mem>>
      %dma_wait3A_779 = tpu.memref_squeeze %dma_wait3A_778 : memref<1x!tpu.dma_semaphore, #tpu.memory_space<semaphore_mem>> -> memref<!tpu.dma_semaphore, #tpu.memory_space<semaphore_mem>>
      tpu.wait_indirect_dma semaphore(%dma_wait3A_779 : memref<!tpu.dma_semaphore, #tpu.memory_space<semaphore_mem>>) src(%dma_wait3A_777 : memref<10000x16xf32, #tpu.memory_space<hbm>>) dst(%dma_wait3A_771 : memref<125x16xf32, #tpu.memory_space<vmem>>)
      %add3A_780 = arith.constant 8 : i32
      %add3A_781 = arith.addi %add3A_765, %add3A_780 : i32
      %dma_start3A_782 = arith.constant 0 : i32
      %dma_start3A_783 = arith.constant 0 : i32
      %dma_start3A_784 = arith.constant 0 : i32
      %dma_start3A_785 = arith.constant 0 : i32
      %dma_start3A_786 = tpu.memref_slice %arg8[%dma_start3A_782, %dma_start3A_784, %dma_start3A_785] : memref<8x125x16xf32, #tpu.memory_space<vmem>> -> memref<1x125x16xf32, #tpu.memory_space<vmem>>
      %dma_start3A_787 = tpu.memref_squeeze %dma_start3A_786 : memref<1x125x16xf32, #tpu.memory_space<vmem>> -> memref<125x16xf32, #tpu.memory_space<vmem>>
      %dma_start3A_788 = arith.constant 0 : i32
      %dma_start3A_789 = tpu.memref_slice %arg6[%add3A_781, %dma_start3A_788] : memref<80x125xi32, #tpu.memory_space<vmem>> -> memref<1x125xi32, #tpu.memory_space<vmem>>
      %dma_start3A_790 = tpu.memref_squeeze %dma_start3A_789 : memref<1x125xi32, #tpu.memory_space<vmem>> -> memref<125xi32, #tpu.memory_space<vmem>>
      %dma_start3A_791 = arith.constant 0 : i32
      %dma_start3A_792 = arith.constant 0 : i32
      %dma_start3A_793 = tpu.memref_slice %arg2[%dma_start3A_791, %dma_start3A_792] : memref<10000x16xf32, #tpu.memory_space<hbm>> -> memref<10000x16xf32, #tpu.memory_space<hbm>>
      %dma_start3A_794 = tpu.memref_slice %arg11[%dma_start3A_783] : memref<8x!tpu.dma_semaphore, #tpu.memory_space<semaphore_mem>> -> memref<1x!tpu.dma_semaphore, #tpu.memory_space<semaphore_mem>>
      %dma_start3A_795 = tpu.memref_squeeze %dma_start3A_794 : memref<1x!tpu.dma_semaphore, #tpu.memory_space<semaphore_mem>> -> memref<!tpu.dma_semaphore, #tpu.memory_space<semaphore_mem>>
      tpu.enqueue_indirect_dma source(%dma_start3A_793 : memref<10000x16xf32, #tpu.memory_space<hbm>>) target(%dma_start3A_787 : memref<125x16xf32, #tpu.memory_space<vmem>>) offsets(%dma_start3A_790 : memref<125xi32, #tpu.memory_space<vmem>>) semaphore(%dma_start3A_795 : memref<!tpu.dma_semaphore, #tpu.memory_space<semaphore_mem>>)
      %mul3A_796 = arith.constant 8 : i32
      %mul3A_797 = arith.muli %scan3A_505, %mul3A_796 : i32
      %add3A_798 = arith.constant 1 : i32
      %add3A_799 = arith.addi %mul3A_797, %add3A_798 : i32
      %dma_wait3A_800 = arith.constant 1 : i32
      %dma_wait3A_801 = arith.constant 1 : i32
      %dma_wait3A_802 = arith.constant 0 : i32
      %dma_wait3A_803 = arith.constant 0 : i32
      %dma_wait3A_804 = tpu.memref_slice %arg8[%dma_wait3A_800, %dma_wait3A_802, %dma_wait3A_803] : memref<8x125x16xf32, #tpu.memory_space<vmem>> -> memref<1x125x16xf32, #tpu.memory_space<vmem>>
      %dma_wait3A_805 = tpu.memref_squeeze %dma_wait3A_804 : memref<1x125x16xf32, #tpu.memory_space<vmem>> -> memref<125x16xf32, #tpu.memory_space<vmem>>
      %dma_wait3A_806 = arith.constant 0 : i32
      %dma_wait3A_807 = tpu.memref_slice %arg6[%add3A_799, %dma_wait3A_806] : memref<80x125xi32, #tpu.memory_space<vmem>> -> memref<1x125xi32, #tpu.memory_space<vmem>>
      %dma_wait3A_808 = tpu.memref_squeeze %dma_wait3A_807 : memref<1x125xi32, #tpu.memory_space<vmem>> -> memref<125xi32, #tpu.memory_space<vmem>>
      %dma_wait3A_809 = arith.constant 0 : i32
      %dma_wait3A_810 = arith.constant 0 : i32
      %dma_wait3A_811 = tpu.memref_slice %arg2[%dma_wait3A_809, %dma_wait3A_810] : memref<10000x16xf32, #tpu.memory_space<hbm>> -> memref<10000x16xf32, #tpu.memory_space<hbm>>
      %dma_wait3A_812 = tpu.memref_slice %arg12[%dma_wait3A_801] : memref<8x!tpu.dma_semaphore, #tpu.memory_space<semaphore_mem>> -> memref<1x!tpu.dma_semaphore, #tpu.memory_space<semaphore_mem>>
      %dma_wait3A_813 = tpu.memref_squeeze %dma_wait3A_812 : memref<1x!tpu.dma_semaphore, #tpu.memory_space<semaphore_mem>> -> memref<!tpu.dma_semaphore, #tpu.memory_space<semaphore_mem>>
      tpu.wait_indirect_dma semaphore(%dma_wait3A_813 : memref<!tpu.dma_semaphore, #tpu.memory_space<semaphore_mem>>) src(%dma_wait3A_811 : memref<10000x16xf32, #tpu.memory_space<hbm>>) dst(%dma_wait3A_805 : memref<125x16xf32, #tpu.memory_space<vmem>>)
      %add3A_814 = arith.constant 8 : i32
      %add3A_815 = arith.addi %add3A_799, %add3A_814 : i32
      %dma_start3A_816 = arith.constant 1 : i32
      %dma_start3A_817 = arith.constant 1 : i32
      %dma_start3A_818 = arith.constant 0 : i32
      %dma_start3A_819 = arith.constant 0 : i32
      %dma_start3A_820 = tpu.memref_slice %arg8[%dma_start3A_816, %dma_start3A_818, %dma_start3A_819] : memref<8x125x16xf32, #tpu.memory_space<vmem>> -> memref<1x125x16xf32, #tpu.memory_space<vmem>>
      %dma_start3A_821 = tpu.memref_squeeze %dma_start3A_820 : memref<1x125x16xf32, #tpu.memory_space<vmem>> -> memref<125x16xf32, #tpu.memory_space<vmem>>
      %dma_start3A_822 = arith.constant 0 : i32
      %dma_start3A_823 = tpu.memref_slice %arg6[%add3A_815, %dma_start3A_822] : memref<80x125xi32, #tpu.memory_space<vmem>> -> memref<1x125xi32, #tpu.memory_space<vmem>>
      %dma_start3A_824 = tpu.memref_squeeze %dma_start3A_823 : memref<1x125xi32, #tpu.memory_space<vmem>> -> memref<125xi32, #tpu.memory_space<vmem>>
      %dma_start3A_825 = arith.constant 0 : i32
      %dma_start3A_826 = arith.constant 0 : i32
      %dma_start3A_827 = tpu.memref_slice %arg2[%dma_start3A_825, %dma_start3A_826] : memref<10000x16xf32, #tpu.memory_space<hbm>> -> memref<10000x16xf32, #tpu.memory_space<hbm>>
      %dma_start3A_828 = tpu.memref_slice %arg11[%dma_start3A_817] : memref<8x!tpu.dma_semaphore, #tpu.memory_space<semaphore_mem>> -> memref<1x!tpu.dma_semaphore, #tpu.memory_space<semaphore_mem>>
      %dma_start3A_829 = tpu.memref_squeeze %dma_start3A_828 : memref<1x!tpu.dma_semaphore, #tpu.memory_space<semaphore_mem>> -> memref<!tpu.dma_semaphore, #tpu.memory_space<semaphore_mem>>
      tpu.enqueue_indirect_dma source(%dma_start3A_827 : memref<10000x16xf32, #tpu.memory_space<hbm>>) target(%dma_start3A_821 : memref<125x16xf32, #tpu.memory_space<vmem>>) offsets(%dma_start3A_824 : memref<125xi32, #tpu.memory_space<vmem>>) semaphore(%dma_start3A_829 : memref<!tpu.dma_semaphore, #tpu.memory_space<semaphore_mem>>)
      %mul3A_830 = arith.constant 8 : i32
      %mul3A_831 = arith.muli %scan3A_505, %mul3A_830 : i32
      %add3A_832 = arith.constant 2 : i32
      %add3A_833 = arith.addi %mul3A_831, %add3A_832 : i32
      %dma_wait3A_834 = arith.constant 2 : i32
      %dma_wait3A_835 = arith.constant 2 : i32
      %dma_wait3A_836 = arith.constant 0 : i32
      %dma_wait3A_837 = arith.constant 0 : i32
      %dma_wait3A_838 = tpu.memref_slice %arg8[%dma_wait3A_834, %dma_wait3A_836, %dma_wait3A_837] : memref<8x125x16xf32, #tpu.memory_space<vmem>> -> memref<1x125x16xf32, #tpu.memory_space<vmem>>
      %dma_wait3A_839 = tpu.memref_squeeze %dma_wait3A_838 : memref<1x125x16xf32, #tpu.memory_space<vmem>> -> memref<125x16xf32, #tpu.memory_space<vmem>>
      %dma_wait3A_840 = arith.constant 0 : i32
      %dma_wait3A_841 = tpu.memref_slice %arg6[%add3A_833, %dma_wait3A_840] : memref<80x125xi32, #tpu.memory_space<vmem>> -> memref<1x125xi32, #tpu.memory_space<vmem>>
      %dma_wait3A_842 = tpu.memref_squeeze %dma_wait3A_841 : memref<1x125xi32, #tpu.memory_space<vmem>> -> memref<125xi32, #tpu.memory_space<vmem>>
      %dma_wait3A_843 = arith.constant 0 : i32
      %dma_wait3A_844 = arith.constant 0 : i32
      %dma_wait3A_845 = tpu.memref_slice %arg2[%dma_wait3A_843, %dma_wait3A_844] : memref<10000x16xf32, #tpu.memory_space<hbm>> -> memref<10000x16xf32, #tpu.memory_space<hbm>>
      %dma_wait3A_846 = tpu.memref_slice %arg12[%dma_wait3A_835] : memref<8x!tpu.dma_semaphore, #tpu.memory_space<semaphore_mem>> -> memref<1x!tpu.dma_semaphore, #tpu.memory_space<semaphore_mem>>
      %dma_wait3A_847 = tpu.memref_squeeze %dma_wait3A_846 : memref<1x!tpu.dma_semaphore, #tpu.memory_space<semaphore_mem>> -> memref<!tpu.dma_semaphore, #tpu.memory_space<semaphore_mem>>
      tpu.wait_indirect_dma semaphore(%dma_wait3A_847 : memref<!tpu.dma_semaphore, #tpu.memory_space<semaphore_mem>>) src(%dma_wait3A_845 : memref<10000x16xf32, #tpu.memory_space<hbm>>) dst(%dma_wait3A_839 : memref<125x16xf32, #tpu.memory_space<vmem>>)
      %add3A_848 = arith.constant 8 : i32
      %add3A_849 = arith.addi %add3A_833, %add3A_848 : i32
      %dma_start3A_850 = arith.constant 2 : i32
      %dma_start3A_851 = arith.constant 2 : i32
      %dma_start3A_852 = arith.constant 0 : i32
      %dma_start3A_853 = arith.constant 0 : i32
      %dma_start3A_854 = tpu.memref_slice %arg8[%dma_start3A_850, %dma_start3A_852, %dma_start3A_853] : memref<8x125x16xf32, #tpu.memory_space<vmem>> -> memref<1x125x16xf32, #tpu.memory_space<vmem>>
      %dma_start3A_855 = tpu.memref_squeeze %dma_start3A_854 : memref<1x125x16xf32, #tpu.memory_space<vmem>> -> memref<125x16xf32, #tpu.memory_space<vmem>>
      %dma_start3A_856 = arith.constant 0 : i32
      %dma_start3A_857 = tpu.memref_slice %arg6[%add3A_849, %dma_start3A_856] : memref<80x125xi32, #tpu.memory_space<vmem>> -> memref<1x125xi32, #tpu.memory_space<vmem>>
      %dma_start3A_858 = tpu.memref_squeeze %dma_start3A_857 : memref<1x125xi32, #tpu.memory_space<vmem>> -> memref<125xi32, #tpu.memory_space<vmem>>
      %dma_start3A_859 = arith.constant 0 : i32
      %dma_start3A_860 = arith.constant 0 : i32
      %dma_start3A_861 = tpu.memref_slice %arg2[%dma_start3A_859, %dma_start3A_860] : memref<10000x16xf32, #tpu.memory_space<hbm>> -> memref<10000x16xf32, #tpu.memory_space<hbm>>
      %dma_start3A_862 = tpu.memref_slice %arg11[%dma_start3A_851] : memref<8x!tpu.dma_semaphore, #tpu.memory_space<semaphore_mem>> -> memref<1x!tpu.dma_semaphore, #tpu.memory_space<semaphore_mem>>
      %dma_start3A_863 = tpu.memref_squeeze %dma_start3A_862 : memref<1x!tpu.dma_semaphore, #tpu.memory_space<semaphore_mem>> -> memref<!tpu.dma_semaphore, #tpu.memory_space<semaphore_mem>>
      tpu.enqueue_indirect_dma source(%dma_start3A_861 : memref<10000x16xf32, #tpu.memory_space<hbm>>) target(%dma_start3A_855 : memref<125x16xf32, #tpu.memory_space<vmem>>) offsets(%dma_start3A_858 : memref<125xi32, #tpu.memory_space<vmem>>) semaphore(%dma_start3A_863 : memref<!tpu.dma_semaphore, #tpu.memory_space<semaphore_mem>>)
      %mul3A_864 = arith.constant 8 : i32
      %mul3A_865 = arith.muli %scan3A_505, %mul3A_864 : i32
      %add3A_866 = arith.constant 3 : i32
      %add3A_867 = arith.addi %mul3A_865, %add3A_866 : i32
      %dma_wait3A_868 = arith.constant 3 : i32
      %dma_wait3A_869 = arith.constant 3 : i32
      %dma_wait3A_870 = arith.constant 0 : i32
      %dma_wait3A_871 = arith.constant 0 : i32
      %dma_wait3A_872 = tpu.memref_slice %arg8[%dma_wait3A_868, %dma_wait3A_870, %dma_wait3A_871] : memref<8x125x16xf32, #tpu.memory_space<vmem>> -> memref<1x125x16xf32, #tpu.memory_space<vmem>>
      %dma_wait3A_873 = tpu.memref_squeeze %dma_wait3A_872 : memref<1x125x16xf32, #tpu.memory_space<vmem>> -> memref<125x16xf32, #tpu.memory_space<vmem>>
      %dma_wait3A_874 = arith.constant 0 : i32
      %dma_wait3A_875 = tpu.memref_slice %arg6[%add3A_867, %dma_wait3A_874] : memref<80x125xi32, #tpu.memory_space<vmem>> -> memref<1x125xi32, #tpu.memory_space<vmem>>
      %dma_wait3A_876 = tpu.memref_squeeze %dma_wait3A_875 : memref<1x125xi32, #tpu.memory_space<vmem>> -> memref<125xi32, #tpu.memory_space<vmem>>
      %dma_wait3A_877 = arith.constant 0 : i32
      %dma_wait3A_878 = arith.constant 0 : i32
      %dma_wait3A_879 = tpu.memref_slice %arg2[%dma_wait3A_877, %dma_wait3A_878] : memref<10000x16xf32, #tpu.memory_space<hbm>> -> memref<10000x16xf32, #tpu.memory_space<hbm>>
      %dma_wait3A_880 = tpu.memref_slice %arg12[%dma_wait3A_869] : memref<8x!tpu.dma_semaphore, #tpu.memory_space<semaphore_mem>> -> memref<1x!tpu.dma_semaphore, #tpu.memory_space<semaphore_mem>>
      %dma_wait3A_881 = tpu.memref_squeeze %dma_wait3A_880 : memref<1x!tpu.dma_semaphore, #tpu.memory_space<semaphore_mem>> -> memref<!tpu.dma_semaphore, #tpu.memory_space<semaphore_mem>>
      tpu.wait_indirect_dma semaphore(%dma_wait3A_881 : memref<!tpu.dma_semaphore, #tpu.memory_space<semaphore_mem>>) src(%dma_wait3A_879 : memref<10000x16xf32, #tpu.memory_space<hbm>>) dst(%dma_wait3A_873 : memref<125x16xf32, #tpu.memory_space<vmem>>)
      %add3A_882 = arith.constant 8 : i32
      %add3A_883 = arith.addi %add3A_867, %add3A_882 : i32
      %dma_start3A_884 = arith.constant 3 : i32
      %dma_start3A_885 = arith.constant 3 : i32
      %dma_start3A_886 = arith.constant 0 : i32
      %dma_start3A_887 = arith.constant 0 : i32
      %dma_start3A_888 = tpu.memref_slice %arg8[%dma_start3A_884, %dma_start3A_886, %dma_start3A_887] : memref<8x125x16xf32, #tpu.memory_space<vmem>> -> memref<1x125x16xf32, #tpu.memory_space<vmem>>
      %dma_start3A_889 = tpu.memref_squeeze %dma_start3A_888 : memref<1x125x16xf32, #tpu.memory_space<vmem>> -> memref<125x16xf32, #tpu.memory_space<vmem>>
      %dma_start3A_890 = arith.constant 0 : i32
      %dma_start3A_891 = tpu.memref_slice %arg6[%add3A_883, %dma_start3A_890] : memref<80x125xi32, #tpu.memory_space<vmem>> -> memref<1x125xi32, #tpu.memory_space<vmem>>
      %dma_start3A_892 = tpu.memref_squeeze %dma_start3A_891 : memref<1x125xi32, #tpu.memory_space<vmem>> -> memref<125xi32, #tpu.memory_space<vmem>>
      %dma_start3A_893 = arith.constant 0 : i32
      %dma_start3A_894 = arith.constant 0 : i32
      %dma_start3A_895 = tpu.memref_slice %arg2[%dma_start3A_893, %dma_start3A_894] : memref<10000x16xf32, #tpu.memory_space<hbm>> -> memref<10000x16xf32, #tpu.memory_space<hbm>>
      %dma_start3A_896 = tpu.memref_slice %arg11[%dma_start3A_885] : memref<8x!tpu.dma_semaphore, #tpu.memory_space<semaphore_mem>> -> memref<1x!tpu.dma_semaphore, #tpu.memory_space<semaphore_mem>>
      %dma_start3A_897 = tpu.memref_squeeze %dma_start3A_896 : memref<1x!tpu.dma_semaphore, #tpu.memory_space<semaphore_mem>> -> memref<!tpu.dma_semaphore, #tpu.memory_space<semaphore_mem>>
      tpu.enqueue_indirect_dma source(%dma_start3A_895 : memref<10000x16xf32, #tpu.memory_space<hbm>>) target(%dma_start3A_889 : memref<125x16xf32, #tpu.memory_space<vmem>>) offsets(%dma_start3A_892 : memref<125xi32, #tpu.memory_space<vmem>>) semaphore(%dma_start3A_897 : memref<!tpu.dma_semaphore, #tpu.memory_space<semaphore_mem>>)
      %mul3A_898 = arith.constant 8 : i32
      %mul3A_899 = arith.muli %scan3A_505, %mul3A_898 : i32
      %add3A_900 = arith.constant 4 : i32
      %add3A_901 = arith.addi %mul3A_899, %add3A_900 : i32
      %dma_wait3A_902 = arith.constant 4 : i32
      %dma_wait3A_903 = arith.constant 4 : i32
      %dma_wait3A_904 = arith.constant 0 : i32
      %dma_wait3A_905 = arith.constant 0 : i32
      %dma_wait3A_906 = tpu.memref_slice %arg8[%dma_wait3A_902, %dma_wait3A_904, %dma_wait3A_905] : memref<8x125x16xf32, #tpu.memory_space<vmem>> -> memref<1x125x16xf32, #tpu.memory_space<vmem>>
      %dma_wait3A_907 = tpu.memref_squeeze %dma_wait3A_906 : memref<1x125x16xf32, #tpu.memory_space<vmem>> -> memref<125x16xf32, #tpu.memory_space<vmem>>
      %dma_wait3A_908 = arith.constant 0 : i32
      %dma_wait3A_909 = tpu.memref_slice %arg6[%add3A_901, %dma_wait3A_908] : memref<80x125xi32, #tpu.memory_space<vmem>> -> memref<1x125xi32, #tpu.memory_space<vmem>>
      %dma_wait3A_910 = tpu.memref_squeeze %dma_wait3A_909 : memref<1x125xi32, #tpu.memory_space<vmem>> -> memref<125xi32, #tpu.memory_space<vmem>>
      %dma_wait3A_911 = arith.constant 0 : i32
      %dma_wait3A_912 = arith.constant 0 : i32
      %dma_wait3A_913 = tpu.memref_slice %arg2[%dma_wait3A_911, %dma_wait3A_912] : memref<10000x16xf32, #tpu.memory_space<hbm>> -> memref<10000x16xf32, #tpu.memory_space<hbm>>
      %dma_wait3A_914 = tpu.memref_slice %arg12[%dma_wait3A_903] : memref<8x!tpu.dma_semaphore, #tpu.memory_space<semaphore_mem>> -> memref<1x!tpu.dma_semaphore, #tpu.memory_space<semaphore_mem>>
      %dma_wait3A_915 = tpu.memref_squeeze %dma_wait3A_914 : memref<1x!tpu.dma_semaphore, #tpu.memory_space<semaphore_mem>> -> memref<!tpu.dma_semaphore, #tpu.memory_space<semaphore_mem>>
      tpu.wait_indirect_dma semaphore(%dma_wait3A_915 : memref<!tpu.dma_semaphore, #tpu.memory_space<semaphore_mem>>) src(%dma_wait3A_913 : memref<10000x16xf32, #tpu.memory_space<hbm>>) dst(%dma_wait3A_907 : memref<125x16xf32, #tpu.memory_space<vmem>>)
      %add3A_916 = arith.constant 8 : i32
      %add3A_917 = arith.addi %add3A_901, %add3A_916 : i32
      %dma_start3A_918 = arith.constant 4 : i32
      %dma_start3A_919 = arith.constant 4 : i32
      %dma_start3A_920 = arith.constant 0 : i32
      %dma_start3A_921 = arith.constant 0 : i32
      %dma_start3A_922 = tpu.memref_slice %arg8[%dma_start3A_918, %dma_start3A_920, %dma_start3A_921] : memref<8x125x16xf32, #tpu.memory_space<vmem>> -> memref<1x125x16xf32, #tpu.memory_space<vmem>>
      %dma_start3A_923 = tpu.memref_squeeze %dma_start3A_922 : memref<1x125x16xf32, #tpu.memory_space<vmem>> -> memref<125x16xf32, #tpu.memory_space<vmem>>
      %dma_start3A_924 = arith.constant 0 : i32
      %dma_start3A_925 = tpu.memref_slice %arg6[%add3A_917, %dma_start3A_924] : memref<80x125xi32, #tpu.memory_space<vmem>> -> memref<1x125xi32, #tpu.memory_space<vmem>>
      %dma_start3A_926 = tpu.memref_squeeze %dma_start3A_925 : memref<1x125xi32, #tpu.memory_space<vmem>> -> memref<125xi32, #tpu.memory_space<vmem>>
      %dma_start3A_927 = arith.constant 0 : i32
      %dma_start3A_928 = arith.constant 0 : i32
      %dma_start3A_929 = tpu.memref_slice %arg2[%dma_start3A_927, %dma_start3A_928] : memref<10000x16xf32, #tpu.memory_space<hbm>> -> memref<10000x16xf32, #tpu.memory_space<hbm>>
      %dma_start3A_930 = tpu.memref_slice %arg11[%dma_start3A_919] : memref<8x!tpu.dma_semaphore, #tpu.memory_space<semaphore_mem>> -> memref<1x!tpu.dma_semaphore, #tpu.memory_space<semaphore_mem>>
      %dma_start3A_931 = tpu.memref_squeeze %dma_start3A_930 : memref<1x!tpu.dma_semaphore, #tpu.memory_space<semaphore_mem>> -> memref<!tpu.dma_semaphore, #tpu.memory_space<semaphore_mem>>
      tpu.enqueue_indirect_dma source(%dma_start3A_929 : memref<10000x16xf32, #tpu.memory_space<hbm>>) target(%dma_start3A_923 : memref<125x16xf32, #tpu.memory_space<vmem>>) offsets(%dma_start3A_926 : memref<125xi32, #tpu.memory_space<vmem>>) semaphore(%dma_start3A_931 : memref<!tpu.dma_semaphore, #tpu.memory_space<semaphore_mem>>)
      %mul3A_932 = arith.constant 8 : i32
      %mul3A_933 = arith.muli %scan3A_505, %mul3A_932 : i32
      %add3A_934 = arith.constant 5 : i32
      %add3A_935 = arith.addi %mul3A_933, %add3A_934 : i32
      %dma_wait3A_936 = arith.constant 5 : i32
      %dma_wait3A_937 = arith.constant 5 : i32
      %dma_wait3A_938 = arith.constant 0 : i32
      %dma_wait3A_939 = arith.constant 0 : i32
      %dma_wait3A_940 = tpu.memref_slice %arg8[%dma_wait3A_936, %dma_wait3A_938, %dma_wait3A_939] : memref<8x125x16xf32, #tpu.memory_space<vmem>> -> memref<1x125x16xf32, #tpu.memory_space<vmem>>
      %dma_wait3A_941 = tpu.memref_squeeze %dma_wait3A_940 : memref<1x125x16xf32, #tpu.memory_space<vmem>> -> memref<125x16xf32, #tpu.memory_space<vmem>>
      %dma_wait3A_942 = arith.constant 0 : i32
      %dma_wait3A_943 = tpu.memref_slice %arg6[%add3A_935, %dma_wait3A_942] : memref<80x125xi32, #tpu.memory_space<vmem>> -> memref<1x125xi32, #tpu.memory_space<vmem>>
      %dma_wait3A_944 = tpu.memref_squeeze %dma_wait3A_943 : memref<1x125xi32, #tpu.memory_space<vmem>> -> memref<125xi32, #tpu.memory_space<vmem>>
      %dma_wait3A_945 = arith.constant 0 : i32
      %dma_wait3A_946 = arith.constant 0 : i32
      %dma_wait3A_947 = tpu.memref_slice %arg2[%dma_wait3A_945, %dma_wait3A_946] : memref<10000x16xf32, #tpu.memory_space<hbm>> -> memref<10000x16xf32, #tpu.memory_space<hbm>>
      %dma_wait3A_948 = tpu.memref_slice %arg12[%dma_wait3A_937] : memref<8x!tpu.dma_semaphore, #tpu.memory_space<semaphore_mem>> -> memref<1x!tpu.dma_semaphore, #tpu.memory_space<semaphore_mem>>
      %dma_wait3A_949 = tpu.memref_squeeze %dma_wait3A_948 : memref<1x!tpu.dma_semaphore, #tpu.memory_space<semaphore_mem>> -> memref<!tpu.dma_semaphore, #tpu.memory_space<semaphore_mem>>
      tpu.wait_indirect_dma semaphore(%dma_wait3A_949 : memref<!tpu.dma_semaphore, #tpu.memory_space<semaphore_mem>>) src(%dma_wait3A_947 : memref<10000x16xf32, #tpu.memory_space<hbm>>) dst(%dma_wait3A_941 : memref<125x16xf32, #tpu.memory_space<vmem>>)
      %add3A_950 = arith.constant 8 : i32
      %add3A_951 = arith.addi %add3A_935, %add3A_950 : i32
      %dma_start3A_952 = arith.constant 5 : i32
      %dma_start3A_953 = arith.constant 5 : i32
      %dma_start3A_954 = arith.constant 0 : i32
      %dma_start3A_955 = arith.constant 0 : i32
      %dma_start3A_956 = tpu.memref_slice %arg8[%dma_start3A_952, %dma_start3A_954, %dma_start3A_955] : memref<8x125x16xf32, #tpu.memory_space<vmem>> -> memref<1x125x16xf32, #tpu.memory_space<vmem>>
      %dma_start3A_957 = tpu.memref_squeeze %dma_start3A_956 : memref<1x125x16xf32, #tpu.memory_space<vmem>> -> memref<125x16xf32, #tpu.memory_space<vmem>>
      %dma_start3A_958 = arith.constant 0 : i32
      %dma_start3A_959 = tpu.memref_slice %arg6[%add3A_951, %dma_start3A_958] : memref<80x125xi32, #tpu.memory_space<vmem>> -> memref<1x125xi32, #tpu.memory_space<vmem>>
      %dma_start3A_960 = tpu.memref_squeeze %dma_start3A_959 : memref<1x125xi32, #tpu.memory_space<vmem>> -> memref<125xi32, #tpu.memory_space<vmem>>
      %dma_start3A_961 = arith.constant 0 : i32
      %dma_start3A_962 = arith.constant 0 : i32
      %dma_start3A_963 = tpu.memref_slice %arg2[%dma_start3A_961, %dma_start3A_962] : memref<10000x16xf32, #tpu.memory_space<hbm>> -> memref<10000x16xf32, #tpu.memory_space<hbm>>
      %dma_start3A_964 = tpu.memref_slice %arg11[%dma_start3A_953] : memref<8x!tpu.dma_semaphore, #tpu.memory_space<semaphore_mem>> -> memref<1x!tpu.dma_semaphore, #tpu.memory_space<semaphore_mem>>
      %dma_start3A_965 = tpu.memref_squeeze %dma_start3A_964 : memref<1x!tpu.dma_semaphore, #tpu.memory_space<semaphore_mem>> -> memref<!tpu.dma_semaphore, #tpu.memory_space<semaphore_mem>>
      tpu.enqueue_indirect_dma source(%dma_start3A_963 : memref<10000x16xf32, #tpu.memory_space<hbm>>) target(%dma_start3A_957 : memref<125x16xf32, #tpu.memory_space<vmem>>) offsets(%dma_start3A_960 : memref<125xi32, #tpu.memory_space<vmem>>) semaphore(%dma_start3A_965 : memref<!tpu.dma_semaphore, #tpu.memory_space<semaphore_mem>>)
      %mul3A_966 = arith.constant 8 : i32
      %mul3A_967 = arith.muli %scan3A_505, %mul3A_966 : i32
      %add3A_968 = arith.constant 6 : i32
      %add3A_969 = arith.addi %mul3A_967, %add3A_968 : i32
      %dma_wait3A_970 = arith.constant 6 : i32
      %dma_wait3A_971 = arith.constant 6 : i32
      %dma_wait3A_972 = arith.constant 0 : i32
      %dma_wait3A_973 = arith.constant 0 : i32
      %dma_wait3A_974 = tpu.memref_slice %arg8[%dma_wait3A_970, %dma_wait3A_972, %dma_wait3A_973] : memref<8x125x16xf32, #tpu.memory_space<vmem>> -> memref<1x125x16xf32, #tpu.memory_space<vmem>>
      %dma_wait3A_975 = tpu.memref_squeeze %dma_wait3A_974 : memref<1x125x16xf32, #tpu.memory_space<vmem>> -> memref<125x16xf32, #tpu.memory_space<vmem>>
      %dma_wait3A_976 = arith.constant 0 : i32
      %dma_wait3A_977 = tpu.memref_slice %arg6[%add3A_969, %dma_wait3A_976] : memref<80x125xi32, #tpu.memory_space<vmem>> -> memref<1x125xi32, #tpu.memory_space<vmem>>
      %dma_wait3A_978 = tpu.memref_squeeze %dma_wait3A_977 : memref<1x125xi32, #tpu.memory_space<vmem>> -> memref<125xi32, #tpu.memory_space<vmem>>
      %dma_wait3A_979 = arith.constant 0 : i32
      %dma_wait3A_980 = arith.constant 0 : i32
      %dma_wait3A_981 = tpu.memref_slice %arg2[%dma_wait3A_979, %dma_wait3A_980] : memref<10000x16xf32, #tpu.memory_space<hbm>> -> memref<10000x16xf32, #tpu.memory_space<hbm>>
      %dma_wait3A_982 = tpu.memref_slice %arg12[%dma_wait3A_971] : memref<8x!tpu.dma_semaphore, #tpu.memory_space<semaphore_mem>> -> memref<1x!tpu.dma_semaphore, #tpu.memory_space<semaphore_mem>>
      %dma_wait3A_983 = tpu.memref_squeeze %dma_wait3A_982 : memref<1x!tpu.dma_semaphore, #tpu.memory_space<semaphore_mem>> -> memref<!tpu.dma_semaphore, #tpu.memory_space<semaphore_mem>>
      tpu.wait_indirect_dma semaphore(%dma_wait3A_983 : memref<!tpu.dma_semaphore, #tpu.memory_space<semaphore_mem>>) src(%dma_wait3A_981 : memref<10000x16xf32, #tpu.memory_space<hbm>>) dst(%dma_wait3A_975 : memref<125x16xf32, #tpu.memory_space<vmem>>)
      %add3A_984 = arith.constant 8 : i32
      %add3A_985 = arith.addi %add3A_969, %add3A_984 : i32
      %dma_start3A_986 = arith.constant 6 : i32
      %dma_start3A_987 = arith.constant 6 : i32
      %dma_start3A_988 = arith.constant 0 : i32
      %dma_start3A_989 = arith.constant 0 : i32
      %dma_start3A_990 = tpu.memref_slice %arg8[%dma_start3A_986, %dma_start3A_988, %dma_start3A_989] : memref<8x125x16xf32, #tpu.memory_space<vmem>> -> memref<1x125x16xf32, #tpu.memory_space<vmem>>
      %dma_start3A_991 = tpu.memref_squeeze %dma_start3A_990 : memref<1x125x16xf32, #tpu.memory_space<vmem>> -> memref<125x16xf32, #tpu.memory_space<vmem>>
      %dma_start3A_992 = arith.constant 0 : i32
      %dma_start3A_993 = tpu.memref_slice %arg6[%add3A_985, %dma_start3A_992] : memref<80x125xi32, #tpu.memory_space<vmem>> -> memref<1x125xi32, #tpu.memory_space<vmem>>
      %dma_start3A_994 = tpu.memref_squeeze %dma_start3A_993 : memref<1x125xi32, #tpu.memory_space<vmem>> -> memref<125xi32, #tpu.memory_space<vmem>>
      %dma_start3A_995 = arith.constant 0 : i32
      %dma_start3A_996 = arith.constant 0 : i32
      %dma_start3A_997 = tpu.memref_slice %arg2[%dma_start3A_995, %dma_start3A_996] : memref<10000x16xf32, #tpu.memory_space<hbm>> -> memref<10000x16xf32, #tpu.memory_space<hbm>>
      %dma_start3A_998 = tpu.memref_slice %arg11[%dma_start3A_987] : memref<8x!tpu.dma_semaphore, #tpu.memory_space<semaphore_mem>> -> memref<1x!tpu.dma_semaphore, #tpu.memory_space<semaphore_mem>>
      %dma_start3A_999 = tpu.memref_squeeze %dma_start3A_998 : memref<1x!tpu.dma_semaphore, #tpu.memory_space<semaphore_mem>> -> memref<!tpu.dma_semaphore, #tpu.memory_space<semaphore_mem>>
      tpu.enqueue_indirect_dma source(%dma_start3A_997 : memref<10000x16xf32, #tpu.memory_space<hbm>>) target(%dma_start3A_991 : memref<125x16xf32, #tpu.memory_space<vmem>>) offsets(%dma_start3A_994 : memref<125xi32, #tpu.memory_space<vmem>>) semaphore(%dma_start3A_999 : memref<!tpu.dma_semaphore, #tpu.memory_space<semaphore_mem>>)
      %mul3A_1000 = arith.constant 8 : i32
      %mul3A_1001 = arith.muli %scan3A_505, %mul3A_1000 : i32
      %add3A_1002 = arith.constant 7 : i32
      %add3A_1003 = arith.addi %mul3A_1001, %add3A_1002 : i32
      %dma_wait3A_1004 = arith.constant 7 : i32
      %dma_wait3A_1005 = arith.constant 7 : i32
      %dma_wait3A_1006 = arith.constant 0 : i32
      %dma_wait3A_1007 = arith.constant 0 : i32
      %dma_wait3A_1008 = tpu.memref_slice %arg8[%dma_wait3A_1004, %dma_wait3A_1006, %dma_wait3A_1007] : memref<8x125x16xf32, #tpu.memory_space<vmem>> -> memref<1x125x16xf32, #tpu.memory_space<vmem>>
      %dma_wait3A_1009 = tpu.memref_squeeze %dma_wait3A_1008 : memref<1x125x16xf32, #tpu.memory_space<vmem>> -> memref<125x16xf32, #tpu.memory_space<vmem>>
      %dma_wait3A_1010 = arith.constant 0 : i32
      %dma_wait3A_1011 = tpu.memref_slice %arg6[%add3A_1003, %dma_wait3A_1010] : memref<80x125xi32, #tpu.memory_space<vmem>> -> memref<1x125xi32, #tpu.memory_space<vmem>>
      %dma_wait3A_1012 = tpu.memref_squeeze %dma_wait3A_1011 : memref<1x125xi32, #tpu.memory_space<vmem>> -> memref<125xi32, #tpu.memory_space<vmem>>
      %dma_wait3A_1013 = arith.constant 0 : i32
      %dma_wait3A_1014 = arith.constant 0 : i32
      %dma_wait3A_1015 = tpu.memref_slice %arg2[%dma_wait3A_1013, %dma_wait3A_1014] : memref<10000x16xf32, #tpu.memory_space<hbm>> -> memref<10000x16xf32, #tpu.memory_space<hbm>>
      %dma_wait3A_1016 = tpu.memref_slice %arg12[%dma_wait3A_1005] : memref<8x!tpu.dma_semaphore, #tpu.memory_space<semaphore_mem>> -> memref<1x!tpu.dma_semaphore, #tpu.memory_space<semaphore_mem>>
      %dma_wait3A_1017 = tpu.memref_squeeze %dma_wait3A_1016 : memref<1x!tpu.dma_semaphore, #tpu.memory_space<semaphore_mem>> -> memref<!tpu.dma_semaphore, #tpu.memory_space<semaphore_mem>>
      tpu.wait_indirect_dma semaphore(%dma_wait3A_1017 : memref<!tpu.dma_semaphore, #tpu.memory_space<semaphore_mem>>) src(%dma_wait3A_1015 : memref<10000x16xf32, #tpu.memory_space<hbm>>) dst(%dma_wait3A_1009 : memref<125x16xf32, #tpu.memory_space<vmem>>)
      %add3A_1018 = arith.constant 8 : i32
      %add3A_1019 = arith.addi %add3A_1003, %add3A_1018 : i32
      %dma_start3A_1020 = arith.constant 7 : i32
      %dma_start3A_1021 = arith.constant 7 : i32
      %dma_start3A_1022 = arith.constant 0 : i32
      %dma_start3A_1023 = arith.constant 0 : i32
      %dma_start3A_1024 = tpu.memref_slice %arg8[%dma_start3A_1020, %dma_start3A_1022, %dma_start3A_1023] : memref<8x125x16xf32, #tpu.memory_space<vmem>> -> memref<1x125x16xf32, #tpu.memory_space<vmem>>
      %dma_start3A_1025 = tpu.memref_squeeze %dma_start3A_1024 : memref<1x125x16xf32, #tpu.memory_space<vmem>> -> memref<125x16xf32, #tpu.memory_space<vmem>>
      %dma_start3A_1026 = arith.constant 0 : i32
      %dma_start3A_1027 = tpu.memref_slice %arg6[%add3A_1019, %dma_start3A_1026] : memref<80x125xi32, #tpu.memory_space<vmem>> -> memref<1x125xi32, #tpu.memory_space<vmem>>
      %dma_start3A_1028 = tpu.memref_squeeze %dma_start3A_1027 : memref<1x125xi32, #tpu.memory_space<vmem>> -> memref<125xi32, #tpu.memory_space<vmem>>
      %dma_start3A_1029 = arith.constant 0 : i32
      %dma_start3A_1030 = arith.constant 0 : i32
      %dma_start3A_1031 = tpu.memref_slice %arg2[%dma_start3A_1029, %dma_start3A_1030] : memref<10000x16xf32, #tpu.memory_space<hbm>> -> memref<10000x16xf32, #tpu.memory_space<hbm>>
      %dma_start3A_1032 = tpu.memref_slice %arg11[%dma_start3A_1021] : memref<8x!tpu.dma_semaphore, #tpu.memory_space<semaphore_mem>> -> memref<1x!tpu.dma_semaphore, #tpu.memory_space<semaphore_mem>>
      %dma_start3A_1033 = tpu.memref_squeeze %dma_start3A_1032 : memref<1x!tpu.dma_semaphore, #tpu.memory_space<semaphore_mem>> -> memref<!tpu.dma_semaphore, #tpu.memory_space<semaphore_mem>>
      tpu.enqueue_indirect_dma source(%dma_start3A_1031 : memref<10000x16xf32, #tpu.memory_space<hbm>>) target(%dma_start3A_1025 : memref<125x16xf32, #tpu.memory_space<vmem>>) offsets(%dma_start3A_1028 : memref<125xi32, #tpu.memory_space<vmem>>) semaphore(%dma_start3A_1033 : memref<!tpu.dma_semaphore, #tpu.memory_space<semaphore_mem>>)
    }
    %scan3A_137 = arith.constant 9 : i32
    %dma_wait3A = arith.constant 72 : i32
    %dma_wait3A_138 = arith.constant 0 : i32
    %dma_wait3A_139 = arith.constant 0 : i32
    %dma_wait3A_140 = arith.constant 0 : i32
    %dma_wait3A_141 = arith.constant 0 : i32
    %dma_wait3A_142 = tpu.memref_slice %arg8[%dma_wait3A_138, %dma_wait3A_140, %dma_wait3A_141] : memref<8x125x16xf32, #tpu.memory_space<vmem>> -> memref<1x125x16xf32, #tpu.memory_space<vmem>>
    %dma_wait3A_143 = tpu.memref_squeeze %dma_wait3A_142 : memref<1x125x16xf32, #tpu.memory_space<vmem>> -> memref<125x16xf32, #tpu.memory_space<vmem>>
    %dma_wait3A_144 = arith.constant 0 : i32
    %dma_wait3A_145 = tpu.memref_slice %arg6[%dma_wait3A, %dma_wait3A_144] : memref<80x125xi32, #tpu.memory_space<vmem>> -> memref<1x125xi32, #tpu.memory_space<vmem>>
    %dma_wait3A_146 = tpu.memref_squeeze %dma_wait3A_145 : memref<1x125xi32, #tpu.memory_space<vmem>> -> memref<125xi32, #tpu.memory_space<vmem>>
    %dma_wait3A_147 = arith.constant 0 : i32
    %dma_wait3A_148 = arith.constant 0 : i32
    %dma_wait3A_149 = tpu.memref_slice %arg2[%dma_wait3A_147, %dma_wait3A_148] : memref<10000x16xf32, #tpu.memory_space<hbm>> -> memref<10000x16xf32, #tpu.memory_space<hbm>>
    %dma_wait3A_150 = tpu.memref_slice %arg11[%dma_wait3A_139] : memref<8x!tpu.dma_semaphore, #tpu.memory_space<semaphore_mem>> -> memref<1x!tpu.dma_semaphore, #tpu.memory_space<semaphore_mem>>
    %dma_wait3A_151 = tpu.memref_squeeze %dma_wait3A_150 : memref<1x!tpu.dma_semaphore, #tpu.memory_space<semaphore_mem>> -> memref<!tpu.dma_semaphore, #tpu.memory_space<semaphore_mem>>
    tpu.wait_indirect_dma semaphore(%dma_wait3A_151 : memref<!tpu.dma_semaphore, #tpu.memory_space<semaphore_mem>>) src(%dma_wait3A_149 : memref<10000x16xf32, #tpu.memory_space<hbm>>) dst(%dma_wait3A_143 : memref<125x16xf32, #tpu.memory_space<vmem>>)
    %dma_start3A_152 = arith.constant 0 : i32
    %dma_start3A_153 = arith.constant 72 : i32
    %dma_start3A_154 = arith.constant 0 : i32
    %dma_start3A_155 = arith.constant 0 : i32
    %dma_start3A_156 = arith.constant 0 : i32
    %dma_start3A_157 = tpu.memref_slice %arg8[%dma_start3A_152, %dma_start3A_155, %dma_start3A_156] : memref<8x125x16xf32, #tpu.memory_space<vmem>> -> memref<1x125x16xf32, #tpu.memory_space<vmem>>
    %dma_start3A_158 = tpu.memref_squeeze %dma_start3A_157 : memref<1x125x16xf32, #tpu.memory_space<vmem>> -> memref<125x16xf32, #tpu.memory_space<vmem>>
    %dma_start3A_159 = arith.constant 0 : i32
    %dma_start3A_160 = tpu.memref_slice %arg7[%dma_start3A_153, %dma_start3A_159] : memref<80x125xi32, #tpu.memory_space<vmem>> -> memref<1x125xi32, #tpu.memory_space<vmem>>
    %dma_start3A_161 = tpu.memref_squeeze %dma_start3A_160 : memref<1x125xi32, #tpu.memory_space<vmem>> -> memref<125xi32, #tpu.memory_space<vmem>>
    %dma_start3A_162 = arith.constant 0 : i32
    %dma_start3A_163 = arith.constant 0 : i32
    %dma_start3A_164 = tpu.memref_slice %arg10[%dma_start3A_162, %dma_start3A_163] : memref<10240x16xf32, #tpu.memory_space<vmem_shared>> -> memref<10240x16xf32, #tpu.memory_space<vmem_shared>>
    %dma_start3A_165 = tpu.memref_slice %arg12[%dma_start3A_154] : memref<8x!tpu.dma_semaphore, #tpu.memory_space<semaphore_mem>> -> memref<1x!tpu.dma_semaphore, #tpu.memory_space<semaphore_mem>>
    %dma_start3A_166 = tpu.memref_squeeze %dma_start3A_165 : memref<1x!tpu.dma_semaphore, #tpu.memory_space<semaphore_mem>> -> memref<!tpu.dma_semaphore, #tpu.memory_space<semaphore_mem>>
    tpu.enqueue_indirect_dma source(%dma_start3A_158 : memref<125x16xf32, #tpu.memory_space<vmem>>) target(%dma_start3A_164 : memref<10240x16xf32, #tpu.memory_space<vmem_shared>>) offsets(%dma_start3A_161 : memref<125xi32, #tpu.memory_space<vmem>>) semaphore(%dma_start3A_166 : memref<!tpu.dma_semaphore, #tpu.memory_space<semaphore_mem>>) {add = true}
    %dma_wait3A_167 = arith.constant 73 : i32
    %dma_wait3A_168 = arith.constant 1 : i32
    %dma_wait3A_169 = arith.constant 1 : i32
    %dma_wait3A_170 = arith.constant 0 : i32
    %dma_wait3A_171 = arith.constant 0 : i32
    %dma_wait3A_172 = tpu.memref_slice %arg8[%dma_wait3A_168, %dma_wait3A_170, %dma_wait3A_171] : memref<8x125x16xf32, #tpu.memory_space<vmem>> -> memref<1x125x16xf32, #tpu.memory_space<vmem>>
    %dma_wait3A_173 = tpu.memref_squeeze %dma_wait3A_172 : memref<1x125x16xf32, #tpu.memory_space<vmem>> -> memref<125x16xf32, #tpu.memory_space<vmem>>
    %dma_wait3A_174 = arith.constant 0 : i32
    %dma_wait3A_175 = tpu.memref_slice %arg6[%dma_wait3A_167, %dma_wait3A_174] : memref<80x125xi32, #tpu.memory_space<vmem>> -> memref<1x125xi32, #tpu.memory_space<vmem>>
    %dma_wait3A_176 = tpu.memref_squeeze %dma_wait3A_175 : memref<1x125xi32, #tpu.memory_space<vmem>> -> memref<125xi32, #tpu.memory_space<vmem>>
    %dma_wait3A_177 = arith.constant 0 : i32
    %dma_wait3A_178 = arith.constant 0 : i32
    %dma_wait3A_179 = tpu.memref_slice %arg2[%dma_wait3A_177, %dma_wait3A_178] : memref<10000x16xf32, #tpu.memory_space<hbm>> -> memref<10000x16xf32, #tpu.memory_space<hbm>>
    %dma_wait3A_180 = tpu.memref_slice %arg11[%dma_wait3A_169] : memref<8x!tpu.dma_semaphore, #tpu.memory_space<semaphore_mem>> -> memref<1x!tpu.dma_semaphore, #tpu.memory_space<semaphore_mem>>
    %dma_wait3A_181 = tpu.memref_squeeze %dma_wait3A_180 : memref<1x!tpu.dma_semaphore, #tpu.memory_space<semaphore_mem>> -> memref<!tpu.dma_semaphore, #tpu.memory_space<semaphore_mem>>
    tpu.wait_indirect_dma semaphore(%dma_wait3A_181 : memref<!tpu.dma_semaphore, #tpu.memory_space<semaphore_mem>>) src(%dma_wait3A_179 : memref<10000x16xf32, #tpu.memory_space<hbm>>) dst(%dma_wait3A_173 : memref<125x16xf32, #tpu.memory_space<vmem>>)
    %dma_start3A_182 = arith.constant 1 : i32
    %dma_start3A_183 = arith.constant 73 : i32
    %dma_start3A_184 = arith.constant 1 : i32
    %dma_start3A_185 = arith.constant 0 : i32
    %dma_start3A_186 = arith.constant 0 : i32
    %dma_start3A_187 = tpu.memref_slice %arg8[%dma_start3A_182, %dma_start3A_185, %dma_start3A_186] : memref<8x125x16xf32, #tpu.memory_space<vmem>> -> memref<1x125x16xf32, #tpu.memory_space<vmem>>
    %dma_start3A_188 = tpu.memref_squeeze %dma_start3A_187 : memref<1x125x16xf32, #tpu.memory_space<vmem>> -> memref<125x16xf32, #tpu.memory_space<vmem>>
    %dma_start3A_189 = arith.constant 0 : i32
    %dma_start3A_190 = tpu.memref_slice %arg7[%dma_start3A_183, %dma_start3A_189] : memref<80x125xi32, #tpu.memory_space<vmem>> -> memref<1x125xi32, #tpu.memory_space<vmem>>
    %dma_start3A_191 = tpu.memref_squeeze %dma_start3A_190 : memref<1x125xi32, #tpu.memory_space<vmem>> -> memref<125xi32, #tpu.memory_space<vmem>>
    %dma_start3A_192 = arith.constant 0 : i32
    %dma_start3A_193 = arith.constant 0 : i32
    %dma_start3A_194 = tpu.memref_slice %arg10[%dma_start3A_192, %dma_start3A_193] : memref<10240x16xf32, #tpu.memory_space<vmem_shared>> -> memref<10240x16xf32, #tpu.memory_space<vmem_shared>>
    %dma_start3A_195 = tpu.memref_slice %arg12[%dma_start3A_184] : memref<8x!tpu.dma_semaphore, #tpu.memory_space<semaphore_mem>> -> memref<1x!tpu.dma_semaphore, #tpu.memory_space<semaphore_mem>>
    %dma_start3A_196 = tpu.memref_squeeze %dma_start3A_195 : memref<1x!tpu.dma_semaphore, #tpu.memory_space<semaphore_mem>> -> memref<!tpu.dma_semaphore, #tpu.memory_space<semaphore_mem>>
    tpu.enqueue_indirect_dma source(%dma_start3A_188 : memref<125x16xf32, #tpu.memory_space<vmem>>) target(%dma_start3A_194 : memref<10240x16xf32, #tpu.memory_space<vmem_shared>>) offsets(%dma_start3A_191 : memref<125xi32, #tpu.memory_space<vmem>>) semaphore(%dma_start3A_196 : memref<!tpu.dma_semaphore, #tpu.memory_space<semaphore_mem>>) {add = true}
    %dma_wait3A_197 = arith.constant 74 : i32
    %dma_wait3A_198 = arith.constant 2 : i32
    %dma_wait3A_199 = arith.constant 2 : i32
    %dma_wait3A_200 = arith.constant 0 : i32
    %dma_wait3A_201 = arith.constant 0 : i32
    %dma_wait3A_202 = tpu.memref_slice %arg8[%dma_wait3A_198, %dma_wait3A_200, %dma_wait3A_201] : memref<8x125x16xf32, #tpu.memory_space<vmem>> -> memref<1x125x16xf32, #tpu.memory_space<vmem>>
    %dma_wait3A_203 = tpu.memref_squeeze %dma_wait3A_202 : memref<1x125x16xf32, #tpu.memory_space<vmem>> -> memref<125x16xf32, #tpu.memory_space<vmem>>
    %dma_wait3A_204 = arith.constant 0 : i32
    %dma_wait3A_205 = tpu.memref_slice %arg6[%dma_wait3A_197, %dma_wait3A_204] : memref<80x125xi32, #tpu.memory_space<vmem>> -> memref<1x125xi32, #tpu.memory_space<vmem>>
    %dma_wait3A_206 = tpu.memref_squeeze %dma_wait3A_205 : memref<1x125xi32, #tpu.memory_space<vmem>> -> memref<125xi32, #tpu.memory_space<vmem>>
    %dma_wait3A_207 = arith.constant 0 : i32
    %dma_wait3A_208 = arith.constant 0 : i32
    %dma_wait3A_209 = tpu.memref_slice %arg2[%dma_wait3A_207, %dma_wait3A_208] : memref<10000x16xf32, #tpu.memory_space<hbm>> -> memref<10000x16xf32, #tpu.memory_space<hbm>>
    %dma_wait3A_210 = tpu.memref_slice %arg11[%dma_wait3A_199] : memref<8x!tpu.dma_semaphore, #tpu.memory_space<semaphore_mem>> -> memref<1x!tpu.dma_semaphore, #tpu.memory_space<semaphore_mem>>
    %dma_wait3A_211 = tpu.memref_squeeze %dma_wait3A_210 : memref<1x!tpu.dma_semaphore, #tpu.memory_space<semaphore_mem>> -> memref<!tpu.dma_semaphore, #tpu.memory_space<semaphore_mem>>
    tpu.wait_indirect_dma semaphore(%dma_wait3A_211 : memref<!tpu.dma_semaphore, #tpu.memory_space<semaphore_mem>>) src(%dma_wait3A_209 : memref<10000x16xf32, #tpu.memory_space<hbm>>) dst(%dma_wait3A_203 : memref<125x16xf32, #tpu.memory_space<vmem>>)
    %dma_start3A_212 = arith.constant 2 : i32
    %dma_start3A_213 = arith.constant 74 : i32
    %dma_start3A_214 = arith.constant 2 : i32
    %dma_start3A_215 = arith.constant 0 : i32
    %dma_start3A_216 = arith.constant 0 : i32
    %dma_start3A_217 = tpu.memref_slice %arg8[%dma_start3A_212, %dma_start3A_215, %dma_start3A_216] : memref<8x125x16xf32, #tpu.memory_space<vmem>> -> memref<1x125x16xf32, #tpu.memory_space<vmem>>
    %dma_start3A_218 = tpu.memref_squeeze %dma_start3A_217 : memref<1x125x16xf32, #tpu.memory_space<vmem>> -> memref<125x16xf32, #tpu.memory_space<vmem>>
    %dma_start3A_219 = arith.constant 0 : i32
    %dma_start3A_220 = tpu.memref_slice %arg7[%dma_start3A_213, %dma_start3A_219] : memref<80x125xi32, #tpu.memory_space<vmem>> -> memref<1x125xi32, #tpu.memory_space<vmem>>
    %dma_start3A_221 = tpu.memref_squeeze %dma_start3A_220 : memref<1x125xi32, #tpu.memory_space<vmem>> -> memref<125xi32, #tpu.memory_space<vmem>>
    %dma_start3A_222 = arith.constant 0 : i32
    %dma_start3A_223 = arith.constant 0 : i32
    %dma_start3A_224 = tpu.memref_slice %arg10[%dma_start3A_222, %dma_start3A_223] : memref<10240x16xf32, #tpu.memory_space<vmem_shared>> -> memref<10240x16xf32, #tpu.memory_space<vmem_shared>>
    %dma_start3A_225 = tpu.memref_slice %arg12[%dma_start3A_214] : memref<8x!tpu.dma_semaphore, #tpu.memory_space<semaphore_mem>> -> memref<1x!tpu.dma_semaphore, #tpu.memory_space<semaphore_mem>>
    %dma_start3A_226 = tpu.memref_squeeze %dma_start3A_225 : memref<1x!tpu.dma_semaphore, #tpu.memory_space<semaphore_mem>> -> memref<!tpu.dma_semaphore, #tpu.memory_space<semaphore_mem>>
    tpu.enqueue_indirect_dma source(%dma_start3A_218 : memref<125x16xf32, #tpu.memory_space<vmem>>) target(%dma_start3A_224 : memref<10240x16xf32, #tpu.memory_space<vmem_shared>>) offsets(%dma_start3A_221 : memref<125xi32, #tpu.memory_space<vmem>>) semaphore(%dma_start3A_226 : memref<!tpu.dma_semaphore, #tpu.memory_space<semaphore_mem>>) {add = true}
    %dma_wait3A_227 = arith.constant 75 : i32
    %dma_wait3A_228 = arith.constant 3 : i32
    %dma_wait3A_229 = arith.constant 3 : i32
    %dma_wait3A_230 = arith.constant 0 : i32
    %dma_wait3A_231 = arith.constant 0 : i32
    %dma_wait3A_232 = tpu.memref_slice %arg8[%dma_wait3A_228, %dma_wait3A_230, %dma_wait3A_231] : memref<8x125x16xf32, #tpu.memory_space<vmem>> -> memref<1x125x16xf32, #tpu.memory_space<vmem>>
    %dma_wait3A_233 = tpu.memref_squeeze %dma_wait3A_232 : memref<1x125x16xf32, #tpu.memory_space<vmem>> -> memref<125x16xf32, #tpu.memory_space<vmem>>
    %dma_wait3A_234 = arith.constant 0 : i32
    %dma_wait3A_235 = tpu.memref_slice %arg6[%dma_wait3A_227, %dma_wait3A_234] : memref<80x125xi32, #tpu.memory_space<vmem>> -> memref<1x125xi32, #tpu.memory_space<vmem>>
    %dma_wait3A_236 = tpu.memref_squeeze %dma_wait3A_235 : memref<1x125xi32, #tpu.memory_space<vmem>> -> memref<125xi32, #tpu.memory_space<vmem>>
    %dma_wait3A_237 = arith.constant 0 : i32
    %dma_wait3A_238 = arith.constant 0 : i32
    %dma_wait3A_239 = tpu.memref_slice %arg2[%dma_wait3A_237, %dma_wait3A_238] : memref<10000x16xf32, #tpu.memory_space<hbm>> -> memref<10000x16xf32, #tpu.memory_space<hbm>>
    %dma_wait3A_240 = tpu.memref_slice %arg11[%dma_wait3A_229] : memref<8x!tpu.dma_semaphore, #tpu.memory_space<semaphore_mem>> -> memref<1x!tpu.dma_semaphore, #tpu.memory_space<semaphore_mem>>
    %dma_wait3A_241 = tpu.memref_squeeze %dma_wait3A_240 : memref<1x!tpu.dma_semaphore, #tpu.memory_space<semaphore_mem>> -> memref<!tpu.dma_semaphore, #tpu.memory_space<semaphore_mem>>
    tpu.wait_indirect_dma semaphore(%dma_wait3A_241 : memref<!tpu.dma_semaphore, #tpu.memory_space<semaphore_mem>>) src(%dma_wait3A_239 : memref<10000x16xf32, #tpu.memory_space<hbm>>) dst(%dma_wait3A_233 : memref<125x16xf32, #tpu.memory_space<vmem>>)
    %dma_start3A_242 = arith.constant 3 : i32
    %dma_start3A_243 = arith.constant 75 : i32
    %dma_start3A_244 = arith.constant 3 : i32
    %dma_start3A_245 = arith.constant 0 : i32
    %dma_start3A_246 = arith.constant 0 : i32
    %dma_start3A_247 = tpu.memref_slice %arg8[%dma_start3A_242, %dma_start3A_245, %dma_start3A_246] : memref<8x125x16xf32, #tpu.memory_space<vmem>> -> memref<1x125x16xf32, #tpu.memory_space<vmem>>
    %dma_start3A_248 = tpu.memref_squeeze %dma_start3A_247 : memref<1x125x16xf32, #tpu.memory_space<vmem>> -> memref<125x16xf32, #tpu.memory_space<vmem>>
    %dma_start3A_249 = arith.constant 0 : i32
    %dma_start3A_250 = tpu.memref_slice %arg7[%dma_start3A_243, %dma_start3A_249] : memref<80x125xi32, #tpu.memory_space<vmem>> -> memref<1x125xi32, #tpu.memory_space<vmem>>
    %dma_start3A_251 = tpu.memref_squeeze %dma_start3A_250 : memref<1x125xi32, #tpu.memory_space<vmem>> -> memref<125xi32, #tpu.memory_space<vmem>>
    %dma_start3A_252 = arith.constant 0 : i32
    %dma_start3A_253 = arith.constant 0 : i32
    %dma_start3A_254 = tpu.memref_slice %arg10[%dma_start3A_252, %dma_start3A_253] : memref<10240x16xf32, #tpu.memory_space<vmem_shared>> -> memref<10240x16xf32, #tpu.memory_space<vmem_shared>>
    %dma_start3A_255 = tpu.memref_slice %arg12[%dma_start3A_244] : memref<8x!tpu.dma_semaphore, #tpu.memory_space<semaphore_mem>> -> memref<1x!tpu.dma_semaphore, #tpu.memory_space<semaphore_mem>>
    %dma_start3A_256 = tpu.memref_squeeze %dma_start3A_255 : memref<1x!tpu.dma_semaphore, #tpu.memory_space<semaphore_mem>> -> memref<!tpu.dma_semaphore, #tpu.memory_space<semaphore_mem>>
    tpu.enqueue_indirect_dma source(%dma_start3A_248 : memref<125x16xf32, #tpu.memory_space<vmem>>) target(%dma_start3A_254 : memref<10240x16xf32, #tpu.memory_space<vmem_shared>>) offsets(%dma_start3A_251 : memref<125xi32, #tpu.memory_space<vmem>>) semaphore(%dma_start3A_256 : memref<!tpu.dma_semaphore, #tpu.memory_space<semaphore_mem>>) {add = true}
    %dma_wait3A_257 = arith.constant 76 : i32
    %dma_wait3A_258 = arith.constant 4 : i32
    %dma_wait3A_259 = arith.constant 4 : i32
    %dma_wait3A_260 = arith.constant 0 : i32
    %dma_wait3A_261 = arith.constant 0 : i32
    %dma_wait3A_262 = tpu.memref_slice %arg8[%dma_wait3A_258, %dma_wait3A_260, %dma_wait3A_261] : memref<8x125x16xf32, #tpu.memory_space<vmem>> -> memref<1x125x16xf32, #tpu.memory_space<vmem>>
    %dma_wait3A_263 = tpu.memref_squeeze %dma_wait3A_262 : memref<1x125x16xf32, #tpu.memory_space<vmem>> -> memref<125x16xf32, #tpu.memory_space<vmem>>
    %dma_wait3A_264 = arith.constant 0 : i32
    %dma_wait3A_265 = tpu.memref_slice %arg6[%dma_wait3A_257, %dma_wait3A_264] : memref<80x125xi32, #tpu.memory_space<vmem>> -> memref<1x125xi32, #tpu.memory_space<vmem>>
    %dma_wait3A_266 = tpu.memref_squeeze %dma_wait3A_265 : memref<1x125xi32, #tpu.memory_space<vmem>> -> memref<125xi32, #tpu.memory_space<vmem>>
    %dma_wait3A_267 = arith.constant 0 : i32
    %dma_wait3A_268 = arith.constant 0 : i32
    %dma_wait3A_269 = tpu.memref_slice %arg2[%dma_wait3A_267, %dma_wait3A_268] : memref<10000x16xf32, #tpu.memory_space<hbm>> -> memref<10000x16xf32, #tpu.memory_space<hbm>>
    %dma_wait3A_270 = tpu.memref_slice %arg11[%dma_wait3A_259] : memref<8x!tpu.dma_semaphore, #tpu.memory_space<semaphore_mem>> -> memref<1x!tpu.dma_semaphore, #tpu.memory_space<semaphore_mem>>
    %dma_wait3A_271 = tpu.memref_squeeze %dma_wait3A_270 : memref<1x!tpu.dma_semaphore, #tpu.memory_space<semaphore_mem>> -> memref<!tpu.dma_semaphore, #tpu.memory_space<semaphore_mem>>
    tpu.wait_indirect_dma semaphore(%dma_wait3A_271 : memref<!tpu.dma_semaphore, #tpu.memory_space<semaphore_mem>>) src(%dma_wait3A_269 : memref<10000x16xf32, #tpu.memory_space<hbm>>) dst(%dma_wait3A_263 : memref<125x16xf32, #tpu.memory_space<vmem>>)
    %dma_start3A_272 = arith.constant 4 : i32
    %dma_start3A_273 = arith.constant 76 : i32
    %dma_start3A_274 = arith.constant 4 : i32
    %dma_start3A_275 = arith.constant 0 : i32
    %dma_start3A_276 = arith.constant 0 : i32
    %dma_start3A_277 = tpu.memref_slice %arg8[%dma_start3A_272, %dma_start3A_275, %dma_start3A_276] : memref<8x125x16xf32, #tpu.memory_space<vmem>> -> memref<1x125x16xf32, #tpu.memory_space<vmem>>
    %dma_start3A_278 = tpu.memref_squeeze %dma_start3A_277 : memref<1x125x16xf32, #tpu.memory_space<vmem>> -> memref<125x16xf32, #tpu.memory_space<vmem>>
    %dma_start3A_279 = arith.constant 0 : i32
    %dma_start3A_280 = tpu.memref_slice %arg7[%dma_start3A_273, %dma_start3A_279] : memref<80x125xi32, #tpu.memory_space<vmem>> -> memref<1x125xi32, #tpu.memory_space<vmem>>
    %dma_start3A_281 = tpu.memref_squeeze %dma_start3A_280 : memref<1x125xi32, #tpu.memory_space<vmem>> -> memref<125xi32, #tpu.memory_space<vmem>>
    %dma_start3A_282 = arith.constant 0 : i32
    %dma_start3A_283 = arith.constant 0 : i32
    %dma_start3A_284 = tpu.memref_slice %arg10[%dma_start3A_282, %dma_start3A_283] : memref<10240x16xf32, #tpu.memory_space<vmem_shared>> -> memref<10240x16xf32, #tpu.memory_space<vmem_shared>>
    %dma_start3A_285 = tpu.memref_slice %arg12[%dma_start3A_274] : memref<8x!tpu.dma_semaphore, #tpu.memory_space<semaphore_mem>> -> memref<1x!tpu.dma_semaphore, #tpu.memory_space<semaphore_mem>>
    %dma_start3A_286 = tpu.memref_squeeze %dma_start3A_285 : memref<1x!tpu.dma_semaphore, #tpu.memory_space<semaphore_mem>> -> memref<!tpu.dma_semaphore, #tpu.memory_space<semaphore_mem>>
    tpu.enqueue_indirect_dma source(%dma_start3A_278 : memref<125x16xf32, #tpu.memory_space<vmem>>) target(%dma_start3A_284 : memref<10240x16xf32, #tpu.memory_space<vmem_shared>>) offsets(%dma_start3A_281 : memref<125xi32, #tpu.memory_space<vmem>>) semaphore(%dma_start3A_286 : memref<!tpu.dma_semaphore, #tpu.memory_space<semaphore_mem>>) {add = true}
    %dma_wait3A_287 = arith.constant 77 : i32
    %dma_wait3A_288 = arith.constant 5 : i32
    %dma_wait3A_289 = arith.constant 5 : i32
    %dma_wait3A_290 = arith.constant 0 : i32
    %dma_wait3A_291 = arith.constant 0 : i32
    %dma_wait3A_292 = tpu.memref_slice %arg8[%dma_wait3A_288, %dma_wait3A_290, %dma_wait3A_291] : memref<8x125x16xf32, #tpu.memory_space<vmem>> -> memref<1x125x16xf32, #tpu.memory_space<vmem>>
    %dma_wait3A_293 = tpu.memref_squeeze %dma_wait3A_292 : memref<1x125x16xf32, #tpu.memory_space<vmem>> -> memref<125x16xf32, #tpu.memory_space<vmem>>
    %dma_wait3A_294 = arith.constant 0 : i32
    %dma_wait3A_295 = tpu.memref_slice %arg6[%dma_wait3A_287, %dma_wait3A_294] : memref<80x125xi32, #tpu.memory_space<vmem>> -> memref<1x125xi32, #tpu.memory_space<vmem>>
    %dma_wait3A_296 = tpu.memref_squeeze %dma_wait3A_295 : memref<1x125xi32, #tpu.memory_space<vmem>> -> memref<125xi32, #tpu.memory_space<vmem>>
    %dma_wait3A_297 = arith.constant 0 : i32
    %dma_wait3A_298 = arith.constant 0 : i32
    %dma_wait3A_299 = tpu.memref_slice %arg2[%dma_wait3A_297, %dma_wait3A_298] : memref<10000x16xf32, #tpu.memory_space<hbm>> -> memref<10000x16xf32, #tpu.memory_space<hbm>>
    %dma_wait3A_300 = tpu.memref_slice %arg11[%dma_wait3A_289] : memref<8x!tpu.dma_semaphore, #tpu.memory_space<semaphore_mem>> -> memref<1x!tpu.dma_semaphore, #tpu.memory_space<semaphore_mem>>
    %dma_wait3A_301 = tpu.memref_squeeze %dma_wait3A_300 : memref<1x!tpu.dma_semaphore, #tpu.memory_space<semaphore_mem>> -> memref<!tpu.dma_semaphore, #tpu.memory_space<semaphore_mem>>
    tpu.wait_indirect_dma semaphore(%dma_wait3A_301 : memref<!tpu.dma_semaphore, #tpu.memory_space<semaphore_mem>>) src(%dma_wait3A_299 : memref<10000x16xf32, #tpu.memory_space<hbm>>) dst(%dma_wait3A_293 : memref<125x16xf32, #tpu.memory_space<vmem>>)
    %dma_start3A_302 = arith.constant 5 : i32
    %dma_start3A_303 = arith.constant 77 : i32
    %dma_start3A_304 = arith.constant 5 : i32
    %dma_start3A_305 = arith.constant 0 : i32
    %dma_start3A_306 = arith.constant 0 : i32
    %dma_start3A_307 = tpu.memref_slice %arg8[%dma_start3A_302, %dma_start3A_305, %dma_start3A_306] : memref<8x125x16xf32, #tpu.memory_space<vmem>> -> memref<1x125x16xf32, #tpu.memory_space<vmem>>
    %dma_start3A_308 = tpu.memref_squeeze %dma_start3A_307 : memref<1x125x16xf32, #tpu.memory_space<vmem>> -> memref<125x16xf32, #tpu.memory_space<vmem>>
    %dma_start3A_309 = arith.constant 0 : i32
    %dma_start3A_310 = tpu.memref_slice %arg7[%dma_start3A_303, %dma_start3A_309] : memref<80x125xi32, #tpu.memory_space<vmem>> -> memref<1x125xi32, #tpu.memory_space<vmem>>
    %dma_start3A_311 = tpu.memref_squeeze %dma_start3A_310 : memref<1x125xi32, #tpu.memory_space<vmem>> -> memref<125xi32, #tpu.memory_space<vmem>>
    %dma_start3A_312 = arith.constant 0 : i32
    %dma_start3A_313 = arith.constant 0 : i32
    %dma_start3A_314 = tpu.memref_slice %arg10[%dma_start3A_312, %dma_start3A_313] : memref<10240x16xf32, #tpu.memory_space<vmem_shared>> -> memref<10240x16xf32, #tpu.memory_space<vmem_shared>>
    %dma_start3A_315 = tpu.memref_slice %arg12[%dma_start3A_304] : memref<8x!tpu.dma_semaphore, #tpu.memory_space<semaphore_mem>> -> memref<1x!tpu.dma_semaphore, #tpu.memory_space<semaphore_mem>>
    %dma_start3A_316 = tpu.memref_squeeze %dma_start3A_315 : memref<1x!tpu.dma_semaphore, #tpu.memory_space<semaphore_mem>> -> memref<!tpu.dma_semaphore, #tpu.memory_space<semaphore_mem>>
    tpu.enqueue_indirect_dma source(%dma_start3A_308 : memref<125x16xf32, #tpu.memory_space<vmem>>) target(%dma_start3A_314 : memref<10240x16xf32, #tpu.memory_space<vmem_shared>>) offsets(%dma_start3A_311 : memref<125xi32, #tpu.memory_space<vmem>>) semaphore(%dma_start3A_316 : memref<!tpu.dma_semaphore, #tpu.memory_space<semaphore_mem>>) {add = true}
    %dma_wait3A_317 = arith.constant 78 : i32
    %dma_wait3A_318 = arith.constant 6 : i32
    %dma_wait3A_319 = arith.constant 6 : i32
    %dma_wait3A_320 = arith.constant 0 : i32
    %dma_wait3A_321 = arith.constant 0 : i32
    %dma_wait3A_322 = tpu.memref_slice %arg8[%dma_wait3A_318, %dma_wait3A_320, %dma_wait3A_321] : memref<8x125x16xf32, #tpu.memory_space<vmem>> -> memref<1x125x16xf32, #tpu.memory_space<vmem>>
    %dma_wait3A_323 = tpu.memref_squeeze %dma_wait3A_322 : memref<1x125x16xf32, #tpu.memory_space<vmem>> -> memref<125x16xf32, #tpu.memory_space<vmem>>
    %dma_wait3A_324 = arith.constant 0 : i32
    %dma_wait3A_325 = tpu.memref_slice %arg6[%dma_wait3A_317, %dma_wait3A_324] : memref<80x125xi32, #tpu.memory_space<vmem>> -> memref<1x125xi32, #tpu.memory_space<vmem>>
    %dma_wait3A_326 = tpu.memref_squeeze %dma_wait3A_325 : memref<1x125xi32, #tpu.memory_space<vmem>> -> memref<125xi32, #tpu.memory_space<vmem>>
    %dma_wait3A_327 = arith.constant 0 : i32
    %dma_wait3A_328 = arith.constant 0 : i32
    %dma_wait3A_329 = tpu.memref_slice %arg2[%dma_wait3A_327, %dma_wait3A_328] : memref<10000x16xf32, #tpu.memory_space<hbm>> -> memref<10000x16xf32, #tpu.memory_space<hbm>>
    %dma_wait3A_330 = tpu.memref_slice %arg11[%dma_wait3A_319] : memref<8x!tpu.dma_semaphore, #tpu.memory_space<semaphore_mem>> -> memref<1x!tpu.dma_semaphore, #tpu.memory_space<semaphore_mem>>
    %dma_wait3A_331 = tpu.memref_squeeze %dma_wait3A_330 : memref<1x!tpu.dma_semaphore, #tpu.memory_space<semaphore_mem>> -> memref<!tpu.dma_semaphore, #tpu.memory_space<semaphore_mem>>
    tpu.wait_indirect_dma semaphore(%dma_wait3A_331 : memref<!tpu.dma_semaphore, #tpu.memory_space<semaphore_mem>>) src(%dma_wait3A_329 : memref<10000x16xf32, #tpu.memory_space<hbm>>) dst(%dma_wait3A_323 : memref<125x16xf32, #tpu.memory_space<vmem>>)
    %dma_start3A_332 = arith.constant 6 : i32
    %dma_start3A_333 = arith.constant 78 : i32
    %dma_start3A_334 = arith.constant 6 : i32
    %dma_start3A_335 = arith.constant 0 : i32
    %dma_start3A_336 = arith.constant 0 : i32
    %dma_start3A_337 = tpu.memref_slice %arg8[%dma_start3A_332, %dma_start3A_335, %dma_start3A_336] : memref<8x125x16xf32, #tpu.memory_space<vmem>> -> memref<1x125x16xf32, #tpu.memory_space<vmem>>
    %dma_start3A_338 = tpu.memref_squeeze %dma_start3A_337 : memref<1x125x16xf32, #tpu.memory_space<vmem>> -> memref<125x16xf32, #tpu.memory_space<vmem>>
    %dma_start3A_339 = arith.constant 0 : i32
    %dma_start3A_340 = tpu.memref_slice %arg7[%dma_start3A_333, %dma_start3A_339] : memref<80x125xi32, #tpu.memory_space<vmem>> -> memref<1x125xi32, #tpu.memory_space<vmem>>
    %dma_start3A_341 = tpu.memref_squeeze %dma_start3A_340 : memref<1x125xi32, #tpu.memory_space<vmem>> -> memref<125xi32, #tpu.memory_space<vmem>>
    %dma_start3A_342 = arith.constant 0 : i32
    %dma_start3A_343 = arith.constant 0 : i32
    %dma_start3A_344 = tpu.memref_slice %arg10[%dma_start3A_342, %dma_start3A_343] : memref<10240x16xf32, #tpu.memory_space<vmem_shared>> -> memref<10240x16xf32, #tpu.memory_space<vmem_shared>>
    %dma_start3A_345 = tpu.memref_slice %arg12[%dma_start3A_334] : memref<8x!tpu.dma_semaphore, #tpu.memory_space<semaphore_mem>> -> memref<1x!tpu.dma_semaphore, #tpu.memory_space<semaphore_mem>>
    %dma_start3A_346 = tpu.memref_squeeze %dma_start3A_345 : memref<1x!tpu.dma_semaphore, #tpu.memory_space<semaphore_mem>> -> memref<!tpu.dma_semaphore, #tpu.memory_space<semaphore_mem>>
    tpu.enqueue_indirect_dma source(%dma_start3A_338 : memref<125x16xf32, #tpu.memory_space<vmem>>) target(%dma_start3A_344 : memref<10240x16xf32, #tpu.memory_space<vmem_shared>>) offsets(%dma_start3A_341 : memref<125xi32, #tpu.memory_space<vmem>>) semaphore(%dma_start3A_346 : memref<!tpu.dma_semaphore, #tpu.memory_space<semaphore_mem>>) {add = true}
    %dma_wait3A_347 = arith.constant 79 : i32
    %dma_wait3A_348 = arith.constant 7 : i32
    %dma_wait3A_349 = arith.constant 7 : i32
    %dma_wait3A_350 = arith.constant 0 : i32
    %dma_wait3A_351 = arith.constant 0 : i32
    %dma_wait3A_352 = tpu.memref_slice %arg8[%dma_wait3A_348, %dma_wait3A_350, %dma_wait3A_351] : memref<8x125x16xf32, #tpu.memory_space<vmem>> -> memref<1x125x16xf32, #tpu.memory_space<vmem>>
    %dma_wait3A_353 = tpu.memref_squeeze %dma_wait3A_352 : memref<1x125x16xf32, #tpu.memory_space<vmem>> -> memref<125x16xf32, #tpu.memory_space<vmem>>
    %dma_wait3A_354 = arith.constant 0 : i32
    %dma_wait3A_355 = tpu.memref_slice %arg6[%dma_wait3A_347, %dma_wait3A_354] : memref<80x125xi32, #tpu.memory_space<vmem>> -> memref<1x125xi32, #tpu.memory_space<vmem>>
    %dma_wait3A_356 = tpu.memref_squeeze %dma_wait3A_355 : memref<1x125xi32, #tpu.memory_space<vmem>> -> memref<125xi32, #tpu.memory_space<vmem>>
    %dma_wait3A_357 = arith.constant 0 : i32
    %dma_wait3A_358 = arith.constant 0 : i32
    %dma_wait3A_359 = tpu.memref_slice %arg2[%dma_wait3A_357, %dma_wait3A_358] : memref<10000x16xf32, #tpu.memory_space<hbm>> -> memref<10000x16xf32, #tpu.memory_space<hbm>>
    %dma_wait3A_360 = tpu.memref_slice %arg11[%dma_wait3A_349] : memref<8x!tpu.dma_semaphore, #tpu.memory_space<semaphore_mem>> -> memref<1x!tpu.dma_semaphore, #tpu.memory_space<semaphore_mem>>
    %dma_wait3A_361 = tpu.memref_squeeze %dma_wait3A_360 : memref<1x!tpu.dma_semaphore, #tpu.memory_space<semaphore_mem>> -> memref<!tpu.dma_semaphore, #tpu.memory_space<semaphore_mem>>
    tpu.wait_indirect_dma semaphore(%dma_wait3A_361 : memref<!tpu.dma_semaphore, #tpu.memory_space<semaphore_mem>>) src(%dma_wait3A_359 : memref<10000x16xf32, #tpu.memory_space<hbm>>) dst(%dma_wait3A_353 : memref<125x16xf32, #tpu.memory_space<vmem>>)
    %dma_start3A_362 = arith.constant 7 : i32
    %dma_start3A_363 = arith.constant 79 : i32
    %dma_start3A_364 = arith.constant 7 : i32
    %dma_start3A_365 = arith.constant 0 : i32
    %dma_start3A_366 = arith.constant 0 : i32
    %dma_start3A_367 = tpu.memref_slice %arg8[%dma_start3A_362, %dma_start3A_365, %dma_start3A_366] : memref<8x125x16xf32, #tpu.memory_space<vmem>> -> memref<1x125x16xf32, #tpu.memory_space<vmem>>
    %dma_start3A_368 = tpu.memref_squeeze %dma_start3A_367 : memref<1x125x16xf32, #tpu.memory_space<vmem>> -> memref<125x16xf32, #tpu.memory_space<vmem>>
    %dma_start3A_369 = arith.constant 0 : i32
    %dma_start3A_370 = tpu.memref_slice %arg7[%dma_start3A_363, %dma_start3A_369] : memref<80x125xi32, #tpu.memory_space<vmem>> -> memref<1x125xi32, #tpu.memory_space<vmem>>
    %dma_start3A_371 = tpu.memref_squeeze %dma_start3A_370 : memref<1x125xi32, #tpu.memory_space<vmem>> -> memref<125xi32, #tpu.memory_space<vmem>>
    %dma_start3A_372 = arith.constant 0 : i32
    %dma_start3A_373 = arith.constant 0 : i32
    %dma_start3A_374 = tpu.memref_slice %arg10[%dma_start3A_372, %dma_start3A_373] : memref<10240x16xf32, #tpu.memory_space<vmem_shared>> -> memref<10240x16xf32, #tpu.memory_space<vmem_shared>>
    %dma_start3A_375 = tpu.memref_slice %arg12[%dma_start3A_364] : memref<8x!tpu.dma_semaphore, #tpu.memory_space<semaphore_mem>> -> memref<1x!tpu.dma_semaphore, #tpu.memory_space<semaphore_mem>>
    %dma_start3A_376 = tpu.memref_squeeze %dma_start3A_375 : memref<1x!tpu.dma_semaphore, #tpu.memory_space<semaphore_mem>> -> memref<!tpu.dma_semaphore, #tpu.memory_space<semaphore_mem>>
    tpu.enqueue_indirect_dma source(%dma_start3A_368 : memref<125x16xf32, #tpu.memory_space<vmem>>) target(%dma_start3A_374 : memref<10240x16xf32, #tpu.memory_space<vmem_shared>>) offsets(%dma_start3A_371 : memref<125xi32, #tpu.memory_space<vmem>>) semaphore(%dma_start3A_376 : memref<!tpu.dma_semaphore, #tpu.memory_space<semaphore_mem>>) {add = true}
    %dma_wait3A_377 = arith.constant 72 : i32
    %dma_wait3A_378 = arith.constant 0 : i32
    %dma_wait3A_379 = arith.constant 0 : i32
    %dma_wait3A_380 = arith.constant 0 : i32
    %dma_wait3A_381 = arith.constant 0 : i32
    %dma_wait3A_382 = tpu.memref_slice %arg8[%dma_wait3A_378, %dma_wait3A_380, %dma_wait3A_381] : memref<8x125x16xf32, #tpu.memory_space<vmem>> -> memref<1x125x16xf32, #tpu.memory_space<vmem>>
    %dma_wait3A_383 = tpu.memref_squeeze %dma_wait3A_382 : memref<1x125x16xf32, #tpu.memory_space<vmem>> -> memref<125x16xf32, #tpu.memory_space<vmem>>
    %dma_wait3A_384 = arith.constant 0 : i32
    %dma_wait3A_385 = tpu.memref_slice %arg6[%dma_wait3A_377, %dma_wait3A_384] : memref<80x125xi32, #tpu.memory_space<vmem>> -> memref<1x125xi32, #tpu.memory_space<vmem>>
    %dma_wait3A_386 = tpu.memref_squeeze %dma_wait3A_385 : memref<1x125xi32, #tpu.memory_space<vmem>> -> memref<125xi32, #tpu.memory_space<vmem>>
    %dma_wait3A_387 = arith.constant 0 : i32
    %dma_wait3A_388 = arith.constant 0 : i32
    %dma_wait3A_389 = tpu.memref_slice %arg2[%dma_wait3A_387, %dma_wait3A_388] : memref<10000x16xf32, #tpu.memory_space<hbm>> -> memref<10000x16xf32, #tpu.memory_space<hbm>>
    %dma_wait3A_390 = tpu.memref_slice %arg12[%dma_wait3A_379] : memref<8x!tpu.dma_semaphore, #tpu.memory_space<semaphore_mem>> -> memref<1x!tpu.dma_semaphore, #tpu.memory_space<semaphore_mem>>
    %dma_wait3A_391 = tpu.memref_squeeze %dma_wait3A_390 : memref<1x!tpu.dma_semaphore, #tpu.memory_space<semaphore_mem>> -> memref<!tpu.dma_semaphore, #tpu.memory_space<semaphore_mem>>
    tpu.wait_indirect_dma semaphore(%dma_wait3A_391 : memref<!tpu.dma_semaphore, #tpu.memory_space<semaphore_mem>>) src(%dma_wait3A_389 : memref<10000x16xf32, #tpu.memory_space<hbm>>) dst(%dma_wait3A_383 : memref<125x16xf32, #tpu.memory_space<vmem>>)
    %dma_wait3A_392 = arith.constant 73 : i32
    %dma_wait3A_393 = arith.constant 1 : i32
    %dma_wait3A_394 = arith.constant 1 : i32
    %dma_wait3A_395 = arith.constant 0 : i32
    %dma_wait3A_396 = arith.constant 0 : i32
    %dma_wait3A_397 = tpu.memref_slice %arg8[%dma_wait3A_393, %dma_wait3A_395, %dma_wait3A_396] : memref<8x125x16xf32, #tpu.memory_space<vmem>> -> memref<1x125x16xf32, #tpu.memory_space<vmem>>
    %dma_wait3A_398 = tpu.memref_squeeze %dma_wait3A_397 : memref<1x125x16xf32, #tpu.memory_space<vmem>> -> memref<125x16xf32, #tpu.memory_space<vmem>>
    %dma_wait3A_399 = arith.constant 0 : i32
    %dma_wait3A_400 = tpu.memref_slice %arg6[%dma_wait3A_392, %dma_wait3A_399] : memref<80x125xi32, #tpu.memory_space<vmem>> -> memref<1x125xi32, #tpu.memory_space<vmem>>
    %dma_wait3A_401 = tpu.memref_squeeze %dma_wait3A_400 : memref<1x125xi32, #tpu.memory_space<vmem>> -> memref<125xi32, #tpu.memory_space<vmem>>
    %dma_wait3A_402 = arith.constant 0 : i32
    %dma_wait3A_403 = arith.constant 0 : i32
    %dma_wait3A_404 = tpu.memref_slice %arg2[%dma_wait3A_402, %dma_wait3A_403] : memref<10000x16xf32, #tpu.memory_space<hbm>> -> memref<10000x16xf32, #tpu.memory_space<hbm>>
    %dma_wait3A_405 = tpu.memref_slice %arg12[%dma_wait3A_394] : memref<8x!tpu.dma_semaphore, #tpu.memory_space<semaphore_mem>> -> memref<1x!tpu.dma_semaphore, #tpu.memory_space<semaphore_mem>>
    %dma_wait3A_406 = tpu.memref_squeeze %dma_wait3A_405 : memref<1x!tpu.dma_semaphore, #tpu.memory_space<semaphore_mem>> -> memref<!tpu.dma_semaphore, #tpu.memory_space<semaphore_mem>>
    tpu.wait_indirect_dma semaphore(%dma_wait3A_406 : memref<!tpu.dma_semaphore, #tpu.memory_space<semaphore_mem>>) src(%dma_wait3A_404 : memref<10000x16xf32, #tpu.memory_space<hbm>>) dst(%dma_wait3A_398 : memref<125x16xf32, #tpu.memory_space<vmem>>)
    %dma_wait3A_407 = arith.constant 74 : i32
    %dma_wait3A_408 = arith.constant 2 : i32
    %dma_wait3A_409 = arith.constant 2 : i32
    %dma_wait3A_410 = arith.constant 0 : i32
    %dma_wait3A_411 = arith.constant 0 : i32
    %dma_wait3A_412 = tpu.memref_slice %arg8[%dma_wait3A_408, %dma_wait3A_410, %dma_wait3A_411] : memref<8x125x16xf32, #tpu.memory_space<vmem>> -> memref<1x125x16xf32, #tpu.memory_space<vmem>>
    %dma_wait3A_413 = tpu.memref_squeeze %dma_wait3A_412 : memref<1x125x16xf32, #tpu.memory_space<vmem>> -> memref<125x16xf32, #tpu.memory_space<vmem>>
    %dma_wait3A_414 = arith.constant 0 : i32
    %dma_wait3A_415 = tpu.memref_slice %arg6[%dma_wait3A_407, %dma_wait3A_414] : memref<80x125xi32, #tpu.memory_space<vmem>> -> memref<1x125xi32, #tpu.memory_space<vmem>>
    %dma_wait3A_416 = tpu.memref_squeeze %dma_wait3A_415 : memref<1x125xi32, #tpu.memory_space<vmem>> -> memref<125xi32, #tpu.memory_space<vmem>>
    %dma_wait3A_417 = arith.constant 0 : i32
    %dma_wait3A_418 = arith.constant 0 : i32
    %dma_wait3A_419 = tpu.memref_slice %arg2[%dma_wait3A_417, %dma_wait3A_418] : memref<10000x16xf32, #tpu.memory_space<hbm>> -> memref<10000x16xf32, #tpu.memory_space<hbm>>
    %dma_wait3A_420 = tpu.memref_slice %arg12[%dma_wait3A_409] : memref<8x!tpu.dma_semaphore, #tpu.memory_space<semaphore_mem>> -> memref<1x!tpu.dma_semaphore, #tpu.memory_space<semaphore_mem>>
    %dma_wait3A_421 = tpu.memref_squeeze %dma_wait3A_420 : memref<1x!tpu.dma_semaphore, #tpu.memory_space<semaphore_mem>> -> memref<!tpu.dma_semaphore, #tpu.memory_space<semaphore_mem>>
    tpu.wait_indirect_dma semaphore(%dma_wait3A_421 : memref<!tpu.dma_semaphore, #tpu.memory_space<semaphore_mem>>) src(%dma_wait3A_419 : memref<10000x16xf32, #tpu.memory_space<hbm>>) dst(%dma_wait3A_413 : memref<125x16xf32, #tpu.memory_space<vmem>>)
    %dma_wait3A_422 = arith.constant 75 : i32
    %dma_wait3A_423 = arith.constant 3 : i32
    %dma_wait3A_424 = arith.constant 3 : i32
    %dma_wait3A_425 = arith.constant 0 : i32
    %dma_wait3A_426 = arith.constant 0 : i32
    %dma_wait3A_427 = tpu.memref_slice %arg8[%dma_wait3A_423, %dma_wait3A_425, %dma_wait3A_426] : memref<8x125x16xf32, #tpu.memory_space<vmem>> -> memref<1x125x16xf32, #tpu.memory_space<vmem>>
    %dma_wait3A_428 = tpu.memref_squeeze %dma_wait3A_427 : memref<1x125x16xf32, #tpu.memory_space<vmem>> -> memref<125x16xf32, #tpu.memory_space<vmem>>
    %dma_wait3A_429 = arith.constant 0 : i32
    %dma_wait3A_430 = tpu.memref_slice %arg6[%dma_wait3A_422, %dma_wait3A_429] : memref<80x125xi32, #tpu.memory_space<vmem>> -> memref<1x125xi32, #tpu.memory_space<vmem>>
    %dma_wait3A_431 = tpu.memref_squeeze %dma_wait3A_430 : memref<1x125xi32, #tpu.memory_space<vmem>> -> memref<125xi32, #tpu.memory_space<vmem>>
    %dma_wait3A_432 = arith.constant 0 : i32
    %dma_wait3A_433 = arith.constant 0 : i32
    %dma_wait3A_434 = tpu.memref_slice %arg2[%dma_wait3A_432, %dma_wait3A_433] : memref<10000x16xf32, #tpu.memory_space<hbm>> -> memref<10000x16xf32, #tpu.memory_space<hbm>>
    %dma_wait3A_435 = tpu.memref_slice %arg12[%dma_wait3A_424] : memref<8x!tpu.dma_semaphore, #tpu.memory_space<semaphore_mem>> -> memref<1x!tpu.dma_semaphore, #tpu.memory_space<semaphore_mem>>
    %dma_wait3A_436 = tpu.memref_squeeze %dma_wait3A_435 : memref<1x!tpu.dma_semaphore, #tpu.memory_space<semaphore_mem>> -> memref<!tpu.dma_semaphore, #tpu.memory_space<semaphore_mem>>
    tpu.wait_indirect_dma semaphore(%dma_wait3A_436 : memref<!tpu.dma_semaphore, #tpu.memory_space<semaphore_mem>>) src(%dma_wait3A_434 : memref<10000x16xf32, #tpu.memory_space<hbm>>) dst(%dma_wait3A_428 : memref<125x16xf32, #tpu.memory_space<vmem>>)
    %dma_wait3A_437 = arith.constant 76 : i32
    %dma_wait3A_438 = arith.constant 4 : i32
    %dma_wait3A_439 = arith.constant 4 : i32
    %dma_wait3A_440 = arith.constant 0 : i32
    %dma_wait3A_441 = arith.constant 0 : i32
    %dma_wait3A_442 = tpu.memref_slice %arg8[%dma_wait3A_438, %dma_wait3A_440, %dma_wait3A_441] : memref<8x125x16xf32, #tpu.memory_space<vmem>> -> memref<1x125x16xf32, #tpu.memory_space<vmem>>
    %dma_wait3A_443 = tpu.memref_squeeze %dma_wait3A_442 : memref<1x125x16xf32, #tpu.memory_space<vmem>> -> memref<125x16xf32, #tpu.memory_space<vmem>>
    %dma_wait3A_444 = arith.constant 0 : i32
    %dma_wait3A_445 = tpu.memref_slice %arg6[%dma_wait3A_437, %dma_wait3A_444] : memref<80x125xi32, #tpu.memory_space<vmem>> -> memref<1x125xi32, #tpu.memory_space<vmem>>
    %dma_wait3A_446 = tpu.memref_squeeze %dma_wait3A_445 : memref<1x125xi32, #tpu.memory_space<vmem>> -> memref<125xi32, #tpu.memory_space<vmem>>
    %dma_wait3A_447 = arith.constant 0 : i32
    %dma_wait3A_448 = arith.constant 0 : i32
    %dma_wait3A_449 = tpu.memref_slice %arg2[%dma_wait3A_447, %dma_wait3A_448] : memref<10000x16xf32, #tpu.memory_space<hbm>> -> memref<10000x16xf32, #tpu.memory_space<hbm>>
    %dma_wait3A_450 = tpu.memref_slice %arg12[%dma_wait3A_439] : memref<8x!tpu.dma_semaphore, #tpu.memory_space<semaphore_mem>> -> memref<1x!tpu.dma_semaphore, #tpu.memory_space<semaphore_mem>>
    %dma_wait3A_451 = tpu.memref_squeeze %dma_wait3A_450 : memref<1x!tpu.dma_semaphore, #tpu.memory_space<semaphore_mem>> -> memref<!tpu.dma_semaphore, #tpu.memory_space<semaphore_mem>>
    tpu.wait_indirect_dma semaphore(%dma_wait3A_451 : memref<!tpu.dma_semaphore, #tpu.memory_space<semaphore_mem>>) src(%dma_wait3A_449 : memref<10000x16xf32, #tpu.memory_space<hbm>>) dst(%dma_wait3A_443 : memref<125x16xf32, #tpu.memory_space<vmem>>)
    %dma_wait3A_452 = arith.constant 77 : i32
    %dma_wait3A_453 = arith.constant 5 : i32
    %dma_wait3A_454 = arith.constant 5 : i32
    %dma_wait3A_455 = arith.constant 0 : i32
    %dma_wait3A_456 = arith.constant 0 : i32
    %dma_wait3A_457 = tpu.memref_slice %arg8[%dma_wait3A_453, %dma_wait3A_455, %dma_wait3A_456] : memref<8x125x16xf32, #tpu.memory_space<vmem>> -> memref<1x125x16xf32, #tpu.memory_space<vmem>>
    %dma_wait3A_458 = tpu.memref_squeeze %dma_wait3A_457 : memref<1x125x16xf32, #tpu.memory_space<vmem>> -> memref<125x16xf32, #tpu.memory_space<vmem>>
    %dma_wait3A_459 = arith.constant 0 : i32
    %dma_wait3A_460 = tpu.memref_slice %arg6[%dma_wait3A_452, %dma_wait3A_459] : memref<80x125xi32, #tpu.memory_space<vmem>> -> memref<1x125xi32, #tpu.memory_space<vmem>>
    %dma_wait3A_461 = tpu.memref_squeeze %dma_wait3A_460 : memref<1x125xi32, #tpu.memory_space<vmem>> -> memref<125xi32, #tpu.memory_space<vmem>>
    %dma_wait3A_462 = arith.constant 0 : i32
    %dma_wait3A_463 = arith.constant 0 : i32
    %dma_wait3A_464 = tpu.memref_slice %arg2[%dma_wait3A_462, %dma_wait3A_463] : memref<10000x16xf32, #tpu.memory_space<hbm>> -> memref<10000x16xf32, #tpu.memory_space<hbm>>
    %dma_wait3A_465 = tpu.memref_slice %arg12[%dma_wait3A_454] : memref<8x!tpu.dma_semaphore, #tpu.memory_space<semaphore_mem>> -> memref<1x!tpu.dma_semaphore, #tpu.memory_space<semaphore_mem>>
    %dma_wait3A_466 = tpu.memref_squeeze %dma_wait3A_465 : memref<1x!tpu.dma_semaphore, #tpu.memory_space<semaphore_mem>> -> memref<!tpu.dma_semaphore, #tpu.memory_space<semaphore_mem>>
    tpu.wait_indirect_dma semaphore(%dma_wait3A_466 : memref<!tpu.dma_semaphore, #tpu.memory_space<semaphore_mem>>) src(%dma_wait3A_464 : memref<10000x16xf32, #tpu.memory_space<hbm>>) dst(%dma_wait3A_458 : memref<125x16xf32, #tpu.memory_space<vmem>>)
    %dma_wait3A_467 = arith.constant 78 : i32
    %dma_wait3A_468 = arith.constant 6 : i32
    %dma_wait3A_469 = arith.constant 6 : i32
    %dma_wait3A_470 = arith.constant 0 : i32
    %dma_wait3A_471 = arith.constant 0 : i32
    %dma_wait3A_472 = tpu.memref_slice %arg8[%dma_wait3A_468, %dma_wait3A_470, %dma_wait3A_471] : memref<8x125x16xf32, #tpu.memory_space<vmem>> -> memref<1x125x16xf32, #tpu.memory_space<vmem>>
    %dma_wait3A_473 = tpu.memref_squeeze %dma_wait3A_472 : memref<1x125x16xf32, #tpu.memory_space<vmem>> -> memref<125x16xf32, #tpu.memory_space<vmem>>
    %dma_wait3A_474 = arith.constant 0 : i32
    %dma_wait3A_475 = tpu.memref_slice %arg6[%dma_wait3A_467, %dma_wait3A_474] : memref<80x125xi32, #tpu.memory_space<vmem>> -> memref<1x125xi32, #tpu.memory_space<vmem>>
    %dma_wait3A_476 = tpu.memref_squeeze %dma_wait3A_475 : memref<1x125xi32, #tpu.memory_space<vmem>> -> memref<125xi32, #tpu.memory_space<vmem>>
    %dma_wait3A_477 = arith.constant 0 : i32
    %dma_wait3A_478 = arith.constant 0 : i32
    %dma_wait3A_479 = tpu.memref_slice %arg2[%dma_wait3A_477, %dma_wait3A_478] : memref<10000x16xf32, #tpu.memory_space<hbm>> -> memref<10000x16xf32, #tpu.memory_space<hbm>>
    %dma_wait3A_480 = tpu.memref_slice %arg12[%dma_wait3A_469] : memref<8x!tpu.dma_semaphore, #tpu.memory_space<semaphore_mem>> -> memref<1x!tpu.dma_semaphore, #tpu.memory_space<semaphore_mem>>
    %dma_wait3A_481 = tpu.memref_squeeze %dma_wait3A_480 : memref<1x!tpu.dma_semaphore, #tpu.memory_space<semaphore_mem>> -> memref<!tpu.dma_semaphore, #tpu.memory_space<semaphore_mem>>
    tpu.wait_indirect_dma semaphore(%dma_wait3A_481 : memref<!tpu.dma_semaphore, #tpu.memory_space<semaphore_mem>>) src(%dma_wait3A_479 : memref<10000x16xf32, #tpu.memory_space<hbm>>) dst(%dma_wait3A_473 : memref<125x16xf32, #tpu.memory_space<vmem>>)
    %dma_wait3A_482 = arith.constant 79 : i32
    %dma_wait3A_483 = arith.constant 7 : i32
    %dma_wait3A_484 = arith.constant 7 : i32
    %dma_wait3A_485 = arith.constant 0 : i32
    %dma_wait3A_486 = arith.constant 0 : i32
    %dma_wait3A_487 = tpu.memref_slice %arg8[%dma_wait3A_483, %dma_wait3A_485, %dma_wait3A_486] : memref<8x125x16xf32, #tpu.memory_space<vmem>> -> memref<1x125x16xf32, #tpu.memory_space<vmem>>
    %dma_wait3A_488 = tpu.memref_squeeze %dma_wait3A_487 : memref<1x125x16xf32, #tpu.memory_space<vmem>> -> memref<125x16xf32, #tpu.memory_space<vmem>>
    %dma_wait3A_489 = arith.constant 0 : i32
    %dma_wait3A_490 = tpu.memref_slice %arg6[%dma_wait3A_482, %dma_wait3A_489] : memref<80x125xi32, #tpu.memory_space<vmem>> -> memref<1x125xi32, #tpu.memory_space<vmem>>
    %dma_wait3A_491 = tpu.memref_squeeze %dma_wait3A_490 : memref<1x125xi32, #tpu.memory_space<vmem>> -> memref<125xi32, #tpu.memory_space<vmem>>
    %dma_wait3A_492 = arith.constant 0 : i32
    %dma_wait3A_493 = arith.constant 0 : i32
    %dma_wait3A_494 = tpu.memref_slice %arg2[%dma_wait3A_492, %dma_wait3A_493] : memref<10000x16xf32, #tpu.memory_space<hbm>> -> memref<10000x16xf32, #tpu.memory_space<hbm>>
    %dma_wait3A_495 = tpu.memref_slice %arg12[%dma_wait3A_484] : memref<8x!tpu.dma_semaphore, #tpu.memory_space<semaphore_mem>> -> memref<1x!tpu.dma_semaphore, #tpu.memory_space<semaphore_mem>>
    %dma_wait3A_496 = tpu.memref_squeeze %dma_wait3A_495 : memref<1x!tpu.dma_semaphore, #tpu.memory_space<semaphore_mem>> -> memref<!tpu.dma_semaphore, #tpu.memory_space<semaphore_mem>>
    tpu.wait_indirect_dma semaphore(%dma_wait3A_496 : memref<!tpu.dma_semaphore, #tpu.memory_space<semaphore_mem>>) src(%dma_wait3A_494 : memref<10000x16xf32, #tpu.memory_space<hbm>>) dst(%dma_wait3A_488 : memref<125x16xf32, #tpu.memory_space<vmem>>)
    %barrier3A_497 = arith.constant 0 : index
    tpu.barrier barrier_id(%barrier3A_497)
    %eq3A = arith.constant 0 : i32
    %eq3A_498 = arith.cmpi eq, %arg0, %eq3A : i32
    %convert_element_type3A = arith.extui %eq3A_498 : i1 to i32
    %cond3A = arith.constant 0 : i32
    %cond3A_499 = arith.cmpi ne, %convert_element_type3A, %cond3A : i32
    scf.if %cond3A_499 {
      %mul3A_505 = arith.constant 640 : i32
      %mul3A_506 = arith.muli %arg1, %mul3A_505 : i32
      %mul3A_507 = arith.constant 640 : i32
      %mul3A_508 = arith.muli %arg1, %mul3A_507 : i32
      "tpu.region"() ({
        %run_scoped3A_509 = tpu.sem_alloc : memref<!tpu.dma_semaphore, #tpu.memory_space<semaphore_mem>>
        %dma_start3A_510 = arith.constant 0 : i32
        %dma_start3A_511 = tpu.memref_slice %arg4[%mul3A_508, %dma_start3A_510] : memref<10240x16xf32, #tpu.memory_space<hbm>> -> memref<640x16xf32, #tpu.memory_space<hbm>>
        %dma_start3A_512 = arith.constant 0 : i32
        %dma_start3A_513 = tpu.memref_slice %arg10[%mul3A_506, %dma_start3A_512] : memref<10240x16xf32, #tpu.memory_space<vmem_shared>> -> memref<640x16xf32, #tpu.memory_space<vmem_shared>>
        tpu.enqueue_dma source(%dma_start3A_513 : memref<640x16xf32, #tpu.memory_space<vmem_shared>>) target(%dma_start3A_511 : memref<640x16xf32, #tpu.memory_space<hbm>>) target_semaphore(%run_scoped3A_509 : memref<!tpu.dma_semaphore, #tpu.memory_space<semaphore_mem>>)
        %dma_wait3A_514 = arith.constant 0 : i32
        %dma_wait3A_515 = tpu.memref_slice %arg4[%mul3A_508, %dma_wait3A_514] : memref<10240x16xf32, #tpu.memory_space<hbm>> -> memref<640x16xf32, #tpu.memory_space<hbm>>
        %dma_wait3A_516 = arith.constant 0 : i32
        %dma_wait3A_517 = tpu.memref_slice %arg10[%mul3A_506, %dma_wait3A_516] : memref<10240x16xf32, #tpu.memory_space<vmem_shared>> -> memref<640x16xf32, #tpu.memory_space<vmem_shared>>
        tpu.wait_dma2 semaphore(%run_scoped3A_509 : memref<!tpu.dma_semaphore, #tpu.memory_space<semaphore_mem>>) src(%dma_wait3A_517 : memref<640x16xf32, #tpu.memory_space<vmem_shared>>) dst(%dma_wait3A_515 : memref<640x16xf32, #tpu.memory_space<hbm>>)
        tpu.yield
      }) : () -> ()
    } else {
    }
    %eq3A_500 = arith.constant 1 : i32
    %eq3A_501 = arith.cmpi eq, %arg0, %eq3A_500 : i32
    %convert_element_type3A_502 = arith.extui %eq3A_501 : i1 to i32
    %cond3A_503 = arith.constant 0 : i32
    %cond3A_504 = arith.cmpi ne, %convert_element_type3A_502, %cond3A_503 : i32
    scf.if %cond3A_504 {
      %mul3A_505 = arith.constant 640 : i32
      %mul3A_506 = arith.muli %arg1, %mul3A_505 : i32
      %mul3A_507 = arith.constant 640 : i32
      %mul3A_508 = arith.muli %arg1, %mul3A_507 : i32
      "tpu.region"() ({
        %run_scoped3A_509 = tpu.sem_alloc : memref<!tpu.dma_semaphore, #tpu.memory_space<semaphore_mem>>
        %dma_start3A_510 = arith.constant 0 : i32
        %dma_start3A_511 = tpu.memref_slice %arg5[%mul3A_508, %dma_start3A_510] : memref<10240x16xf32, #tpu.memory_space<hbm>> -> memref<640x16xf32, #tpu.memory_space<hbm>>
        %dma_start3A_512 = arith.constant 0 : i32
        %dma_start3A_513 = tpu.memref_slice %arg10[%mul3A_506, %dma_start3A_512] : memref<10240x16xf32, #tpu.memory_space<vmem_shared>> -> memref<640x16xf32, #tpu.memory_space<vmem_shared>>
        tpu.enqueue_dma source(%dma_start3A_513 : memref<640x16xf32, #tpu.memory_space<vmem_shared>>) target(%dma_start3A_511 : memref<640x16xf32, #tpu.memory_space<hbm>>) target_semaphore(%run_scoped3A_509 : memref<!tpu.dma_semaphore, #tpu.memory_space<semaphore_mem>>)
        %dma_wait3A_514 = arith.constant 0 : i32
        %dma_wait3A_515 = tpu.memref_slice %arg5[%mul3A_508, %dma_wait3A_514] : memref<10240x16xf32, #tpu.memory_space<hbm>> -> memref<640x16xf32, #tpu.memory_space<hbm>>
        %dma_wait3A_516 = arith.constant 0 : i32
        %dma_wait3A_517 = tpu.memref_slice %arg10[%mul3A_506, %dma_wait3A_516] : memref<10240x16xf32, #tpu.memory_space<vmem_shared>> -> memref<640x16xf32, #tpu.memory_space<vmem_shared>>
        tpu.wait_dma2 semaphore(%run_scoped3A_509 : memref<!tpu.dma_semaphore, #tpu.memory_space<semaphore_mem>>) src(%dma_wait3A_517 : memref<640x16xf32, #tpu.memory_space<vmem_shared>>) dst(%dma_wait3A_515 : memref<640x16xf32, #tpu.memory_space<hbm>>)
        tpu.yield
      }) : () -> ()
    } else {
    }
    return
  }
}

#map = affine_map<(d0, d1) -> (0, 0, 0)>
#map1 = affine_map<(d0, d1) -> (0)>
module attributes {stable_mosaic.version = 14 : i64} {
  func.func @deg_kernel(%arg0: i32, %arg1: i32, %arg2: memref<2x2560x125xi32, #tpu.memory_space<hbm>>, %arg3: memref<10240xf32, #tpu.memory_space<hbm>>, %arg4: memref<10240xf32, #tpu.memory_space<hbm>>, %arg5: memref<80x125xi32, #tpu.memory_space<vmem>>, %arg6: memref<128xf32, #tpu.memory_space<vmem>>, %arg7: memref<640xf32, #tpu.memory_space<vmem>>, %arg8: memref<10240xf32, #tpu.memory_space<vmem_shared>>, %arg9: memref<!tpu.dma_semaphore, #tpu.memory_space<semaphore_mem>>) attributes {dimension_semantics = [#tpu.dimension_semantics<core_parallel>, #tpu.dimension_semantics<subcore_parallel>], iteration_bounds = array<i64: 2, 16>, scalar_prefetch = 0 : i64, scratch_operands = 5 : i64, tpu.core_type = #tpu.core_type<sc_vector_subcore>, window_params = [{transform_indices = #map}, {transform_indices = #map1}, {transform_indices = #map1}]} {
    %mul3A = arith.constant 16 : i32
    %mul3A_0 = arith.muli %arg0, %mul3A : i32
    %add3A = arith.addi %mul3A_0, %arg1 : i32
    %scan3A = arith.constant 0 : i32
    %scan3A_1 = arith.constant 0 : i32
    %scan3A_2 = arith.constant 40 : i32
    %scan3A_3 = arith.addi %scan3A_1, %scan3A_2 : i32
    %scan3A_4 = arith.constant 1 : i32
    scf.for %scan3A_70 = %scan3A_1 to %scan3A_3 step %scan3A_4  : i32 {
      %broadcast_in_dim3A_71 = arith.constant 0.000000e+00 : f32
      %broadcast_in_dim3A_72 = vector.broadcast %broadcast_in_dim3A_71 : f32 to vector<16xf32>
      %mul3A_73 = arith.constant 16 : i32
      %mul3A_74 = arith.muli %scan3A_70, %mul3A_73 : i32
      %swap3A_75 = arith.index_cast %mul3A_74 : i32 to index
      %swap3A_76 = tpu.vector_load %arg7[%swap3A_75] {strides = array<i32>} : memref<640xf32, #tpu.memory_space<vmem>>, vector<16xf32>,
      %swap3A_77 = vector.shape_cast %swap3A_76 : vector<16xf32> to vector<16xf32>
      %swap3A_78 = vector.shape_cast %broadcast_in_dim3A_72 : vector<16xf32> to vector<16xf32>
      tpu.vector_store %arg7[%swap3A_75], %swap3A_78 {strides = array<i32>} : memref<640xf32, #tpu.memory_space<vmem>>, vector<16xf32>,
    }
    %scan3A_5 = arith.constant 40 : i32
    %broadcast_in_dim3A = arith.constant 1.000000e+00 : f32
    %broadcast_in_dim3A_6 = vector.broadcast %broadcast_in_dim3A : f32 to vector<16xf32>
    %swap3A = arith.constant 0 : index
    %swap3A_7 = tpu.vector_load %arg6[%swap3A] {strides = array<i32>} : memref<128xf32, #tpu.memory_space<vmem>>, vector<16xf32>,
    %swap3A_8 = vector.shape_cast %swap3A_7 : vector<16xf32> to vector<16xf32>
    %swap3A_9 = vector.shape_cast %broadcast_in_dim3A_6 : vector<16xf32> to vector<16xf32>
    tpu.vector_store %arg6[%swap3A], %swap3A_9 {strides = array<i32>} : memref<128xf32, #tpu.memory_space<vmem>>, vector<16xf32>,
    %broadcast_in_dim3A_10 = arith.constant 1.000000e+00 : f32
    %broadcast_in_dim3A_11 = vector.broadcast %broadcast_in_dim3A_10 : f32 to vector<16xf32>
    %swap3A_12 = arith.constant 16 : index
    %swap3A_13 = tpu.vector_load %arg6[%swap3A_12] {strides = array<i32>} : memref<128xf32, #tpu.memory_space<vmem>>, vector<16xf32>,
    %swap3A_14 = vector.shape_cast %swap3A_13 : vector<16xf32> to vector<16xf32>
    %swap3A_15 = vector.shape_cast %broadcast_in_dim3A_11 : vector<16xf32> to vector<16xf32>
    tpu.vector_store %arg6[%swap3A_12], %swap3A_15 {strides = array<i32>} : memref<128xf32, #tpu.memory_space<vmem>>, vector<16xf32>,
    %broadcast_in_dim3A_16 = arith.constant 1.000000e+00 : f32
    %broadcast_in_dim3A_17 = vector.broadcast %broadcast_in_dim3A_16 : f32 to vector<16xf32>
    %swap3A_18 = arith.constant 32 : index
    %swap3A_19 = tpu.vector_load %arg6[%swap3A_18] {strides = array<i32>} : memref<128xf32, #tpu.memory_space<vmem>>, vector<16xf32>,
    %swap3A_20 = vector.shape_cast %swap3A_19 : vector<16xf32> to vector<16xf32>
    %swap3A_21 = vector.shape_cast %broadcast_in_dim3A_17 : vector<16xf32> to vector<16xf32>
    tpu.vector_store %arg6[%swap3A_18], %swap3A_21 {strides = array<i32>} : memref<128xf32, #tpu.memory_space<vmem>>, vector<16xf32>,
    %broadcast_in_dim3A_22 = arith.constant 1.000000e+00 : f32
    %broadcast_in_dim3A_23 = vector.broadcast %broadcast_in_dim3A_22 : f32 to vector<16xf32>
    %swap3A_24 = arith.constant 48 : index
    %swap3A_25 = tpu.vector_load %arg6[%swap3A_24] {strides = array<i32>} : memref<128xf32, #tpu.memory_space<vmem>>, vector<16xf32>,
    %swap3A_26 = vector.shape_cast %swap3A_25 : vector<16xf32> to vector<16xf32>
    %swap3A_27 = vector.shape_cast %broadcast_in_dim3A_23 : vector<16xf32> to vector<16xf32>
    tpu.vector_store %arg6[%swap3A_24], %swap3A_27 {strides = array<i32>} : memref<128xf32, #tpu.memory_space<vmem>>, vector<16xf32>,
    %broadcast_in_dim3A_28 = arith.constant 1.000000e+00 : f32
    %broadcast_in_dim3A_29 = vector.broadcast %broadcast_in_dim3A_28 : f32 to vector<16xf32>
    %swap3A_30 = arith.constant 64 : index
    %swap3A_31 = tpu.vector_load %arg6[%swap3A_30] {strides = array<i32>} : memref<128xf32, #tpu.memory_space<vmem>>, vector<16xf32>,
    %swap3A_32 = vector.shape_cast %swap3A_31 : vector<16xf32> to vector<16xf32>
    %swap3A_33 = vector.shape_cast %broadcast_in_dim3A_29 : vector<16xf32> to vector<16xf32>
    tpu.vector_store %arg6[%swap3A_30], %swap3A_33 {strides = array<i32>} : memref<128xf32, #tpu.memory_space<vmem>>, vector<16xf32>,
    %broadcast_in_dim3A_34 = arith.constant 1.000000e+00 : f32
    %broadcast_in_dim3A_35 = vector.broadcast %broadcast_in_dim3A_34 : f32 to vector<16xf32>
    %swap3A_36 = arith.constant 80 : index
    %swap3A_37 = tpu.vector_load %arg6[%swap3A_36] {strides = array<i32>} : memref<128xf32, #tpu.memory_space<vmem>>, vector<16xf32>,
    %swap3A_38 = vector.shape_cast %swap3A_37 : vector<16xf32> to vector<16xf32>
    %swap3A_39 = vector.shape_cast %broadcast_in_dim3A_35 : vector<16xf32> to vector<16xf32>
    tpu.vector_store %arg6[%swap3A_36], %swap3A_39 {strides = array<i32>} : memref<128xf32, #tpu.memory_space<vmem>>, vector<16xf32>,
    %broadcast_in_dim3A_40 = arith.constant 1.000000e+00 : f32
    %broadcast_in_dim3A_41 = vector.broadcast %broadcast_in_dim3A_40 : f32 to vector<16xf32>
    %swap3A_42 = arith.constant 96 : index
    %swap3A_43 = tpu.vector_load %arg6[%swap3A_42] {strides = array<i32>} : memref<128xf32, #tpu.memory_space<vmem>>, vector<16xf32>,
    %swap3A_44 = vector.shape_cast %swap3A_43 : vector<16xf32> to vector<16xf32>
    %swap3A_45 = vector.shape_cast %broadcast_in_dim3A_41 : vector<16xf32> to vector<16xf32>
    tpu.vector_store %arg6[%swap3A_42], %swap3A_45 {strides = array<i32>} : memref<128xf32, #tpu.memory_space<vmem>>, vector<16xf32>,
    %broadcast_in_dim3A_46 = arith.constant 1.000000e+00 : f32
    %broadcast_in_dim3A_47 = vector.broadcast %broadcast_in_dim3A_46 : f32 to vector<16xf32>
    %swap3A_48 = arith.constant 112 : index
    %swap3A_49 = tpu.vector_load %arg6[%swap3A_48] {strides = array<i32>} : memref<128xf32, #tpu.memory_space<vmem>>, vector<16xf32>,
    %swap3A_50 = vector.shape_cast %swap3A_49 : vector<16xf32> to vector<16xf32>
    %swap3A_51 = vector.shape_cast %broadcast_in_dim3A_47 : vector<16xf32> to vector<16xf32>
    tpu.vector_store %arg6[%swap3A_48], %swap3A_51 {strides = array<i32>} : memref<128xf32, #tpu.memory_space<vmem>>, vector<16xf32>,
    %mul3A_52 = arith.constant 640 : i32
    %mul3A_53 = arith.muli %arg1, %mul3A_52 : i32
    "tpu.region"() ({
      %run_scoped3A_70 = tpu.sem_alloc : memref<!tpu.dma_semaphore, #tpu.memory_space<semaphore_mem>>
      %dma_start3A = tpu.memref_slice %arg8[%mul3A_53] : memref<10240xf32, #tpu.memory_space<vmem_shared>> -> memref<640xf32, #tpu.memory_space<vmem_shared>>
      %dma_start3A_71 = tpu.memref_slice %arg8[%mul3A_53] : memref<10240xf32, #tpu.memory_space<vmem_shared>> -> memref<640xf32, #tpu.memory_space<vmem_shared>>
      tpu.enqueue_dma source(%arg7 : memref<640xf32, #tpu.memory_space<vmem>>) target(%dma_start3A_71 : memref<640xf32, #tpu.memory_space<vmem_shared>>) target_semaphore(%run_scoped3A_70 : memref<!tpu.dma_semaphore, #tpu.memory_space<semaphore_mem>>)
      %dma_wait3A = tpu.memref_slice %arg8[%mul3A_53] : memref<10240xf32, #tpu.memory_space<vmem_shared>> -> memref<640xf32, #tpu.memory_space<vmem_shared>>
      %dma_wait3A_72 = tpu.memref_slice %arg8[%mul3A_53] : memref<10240xf32, #tpu.memory_space<vmem_shared>> -> memref<640xf32, #tpu.memory_space<vmem_shared>>
      tpu.wait_dma2 semaphore(%run_scoped3A_70 : memref<!tpu.dma_semaphore, #tpu.memory_space<semaphore_mem>>) src(%arg7 : memref<640xf32, #tpu.memory_space<vmem>>) dst(%dma_wait3A_72 : memref<640xf32, #tpu.memory_space<vmem_shared>>)
      tpu.yield
    }) : () -> ()
    %barrier3A = arith.constant 0 : index
    tpu.barrier barrier_id(%barrier3A)
    %mul3A_54 = arith.constant 80 : i32
    %mul3A_55 = arith.muli %add3A, %mul3A_54 : i32
    %run_scoped3A = arith.constant 1 : i32
    "tpu.region"() ({
      %run_scoped3A_70 = tpu.sem_alloc : memref<!tpu.dma_semaphore, #tpu.memory_space<semaphore_mem>>
      %dma_start3A = arith.constant 0 : i32
      %dma_start3A_71 = tpu.memref_slice %arg2[%run_scoped3A, %mul3A_55, %dma_start3A] : memref<2x2560x125xi32, #tpu.memory_space<hbm>> -> memref<1x80x125xi32, #tpu.memory_space<hbm>>
      %dma_start3A_72 = tpu.memref_squeeze %dma_start3A_71 : memref<1x80x125xi32, #tpu.memory_space<hbm>> -> memref<80x125xi32, #tpu.memory_space<hbm>>
      %dma_start3A_73 = arith.constant 0 : i32
      %dma_start3A_74 = tpu.memref_slice %arg2[%run_scoped3A, %mul3A_55, %dma_start3A_73] : memref<2x2560x125xi32, #tpu.memory_space<hbm>> -> memref<1x80x125xi32, #tpu.memory_space<hbm>>
      %dma_start3A_75 = tpu.memref_squeeze %dma_start3A_74 : memref<1x80x125xi32, #tpu.memory_space<hbm>> -> memref<80x125xi32, #tpu.memory_space<hbm>>
      tpu.enqueue_dma source(%dma_start3A_75 : memref<80x125xi32, #tpu.memory_space<hbm>>) target(%arg5 : memref<80x125xi32, #tpu.memory_space<vmem>>) target_semaphore(%run_scoped3A_70 : memref<!tpu.dma_semaphore, #tpu.memory_space<semaphore_mem>>)
      %dma_wait3A = arith.constant 0 : i32
      %dma_wait3A_76 = tpu.memref_slice %arg2[%run_scoped3A, %mul3A_55, %dma_wait3A] : memref<2x2560x125xi32, #tpu.memory_space<hbm>> -> memref<1x80x125xi32, #tpu.memory_space<hbm>>
      %dma_wait3A_77 = tpu.memref_squeeze %dma_wait3A_76 : memref<1x80x125xi32, #tpu.memory_space<hbm>> -> memref<80x125xi32, #tpu.memory_space<hbm>>
      %dma_wait3A_78 = arith.constant 0 : i32
      %dma_wait3A_79 = tpu.memref_slice %arg2[%run_scoped3A, %mul3A_55, %dma_wait3A_78] : memref<2x2560x125xi32, #tpu.memory_space<hbm>> -> memref<1x80x125xi32, #tpu.memory_space<hbm>>
      %dma_wait3A_80 = tpu.memref_squeeze %dma_wait3A_79 : memref<1x80x125xi32, #tpu.memory_space<hbm>> -> memref<80x125xi32, #tpu.memory_space<hbm>>
      tpu.wait_dma2 semaphore(%run_scoped3A_70 : memref<!tpu.dma_semaphore, #tpu.memory_space<semaphore_mem>>) src(%dma_wait3A_80 : memref<80x125xi32, #tpu.memory_space<hbm>>) dst(%arg5 : memref<80x125xi32, #tpu.memory_space<vmem>>)
      tpu.yield
    }) : () -> ()
    %scan3A_56 = arith.constant 0 : i32
    %scan3A_57 = arith.constant 0 : i32
    %scan3A_58 = arith.constant 80 : i32
    %scan3A_59 = arith.addi %scan3A_57, %scan3A_58 : i32
    %scan3A_60 = arith.constant 1 : i32
    scf.for %scan3A_70 = %scan3A_57 to %scan3A_59 step %scan3A_60  : i32 {
      "tpu.region"() ({
        %run_scoped3A_71 = tpu.sem_alloc : memref<!tpu.dma_semaphore, #tpu.memory_space<semaphore_mem>>
        %dma_start3A = arith.constant 0 : i32
        %dma_start3A_72 = tpu.memref_slice %arg6[%dma_start3A] : memref<128xf32, #tpu.memory_space<vmem>> -> memref<125xf32, #tpu.memory_space<vmem>>
        %dma_start3A_73 = arith.constant 0 : i32
        %dma_start3A_74 = tpu.memref_slice %arg5[%scan3A_70, %dma_start3A_73] : memref<80x125xi32, #tpu.memory_space<vmem>> -> memref<1x125xi32, #tpu.memory_space<vmem>>
        %dma_start3A_75 = tpu.memref_squeeze %dma_start3A_74 : memref<1x125xi32, #tpu.memory_space<vmem>> -> memref<125xi32, #tpu.memory_space<vmem>>
        %dma_start3A_76 = arith.constant 0 : i32
        %dma_start3A_77 = tpu.memref_slice %arg8[%dma_start3A_76] : memref<10240xf32, #tpu.memory_space<vmem_shared>> -> memref<10240xf32, #tpu.memory_space<vmem_shared>>
        tpu.enqueue_indirect_dma source(%dma_start3A_72 : memref<125xf32, #tpu.memory_space<vmem>>) target(%dma_start3A_77 : memref<10240xf32, #tpu.memory_space<vmem_shared>>) offsets(%dma_start3A_75 : memref<125xi32, #tpu.memory_space<vmem>>) semaphore(%run_scoped3A_71 : memref<!tpu.dma_semaphore, #tpu.memory_space<semaphore_mem>>) {add = true}
        %dma_wait3A = arith.constant 0 : i32
        %dma_wait3A_78 = tpu.memref_slice %arg6[%dma_wait3A] : memref<128xf32, #tpu.memory_space<vmem>> -> memref<125xf32, #tpu.memory_space<vmem>>
        %dma_wait3A_79 = arith.constant 0 : i32
        %dma_wait3A_80 = tpu.memref_slice %arg5[%scan3A_70, %dma_wait3A_79] : memref<80x125xi32, #tpu.memory_space<vmem>> -> memref<1x125xi32, #tpu.memory_space<vmem>>
        %dma_wait3A_81 = tpu.memref_squeeze %dma_wait3A_80 : memref<1x125xi32, #tpu.memory_space<vmem>> -> memref<125xi32, #tpu.memory_space<vmem>>
        %dma_wait3A_82 = arith.constant 0 : i32
        %dma_wait3A_83 = tpu.memref_slice %arg8[%dma_wait3A_82] : memref<10240xf32, #tpu.memory_space<vmem_shared>> -> memref<10240xf32, #tpu.memory_space<vmem_shared>>
        tpu.wait_indirect_dma semaphore(%run_scoped3A_71 : memref<!tpu.dma_semaphore, #tpu.memory_space<semaphore_mem>>) src(%dma_wait3A_78 : memref<125xf32, #tpu.memory_space<vmem>>) dst(%dma_wait3A_83 : memref<10240xf32, #tpu.memory_space<vmem_shared>>)
        tpu.yield
      }) : () -> ()
    }
    %scan3A_61 = arith.constant 80 : i32
    %barrier3A_62 = arith.constant 0 : index
    tpu.barrier barrier_id(%barrier3A_62)
    %eq3A = arith.constant 0 : i32
    %eq3A_63 = arith.cmpi eq, %arg0, %eq3A : i32
    %convert_element_type3A = arith.extui %eq3A_63 : i1 to i32
    %cond3A = arith.constant 0 : i32
    %cond3A_64 = arith.cmpi ne, %convert_element_type3A, %cond3A : i32
    scf.if %cond3A_64 {
      %mul3A_70 = arith.constant 640 : i32
      %mul3A_71 = arith.muli %arg1, %mul3A_70 : i32
      %mul3A_72 = arith.constant 640 : i32
      %mul3A_73 = arith.muli %arg1, %mul3A_72 : i32
      "tpu.region"() ({
        %run_scoped3A_74 = tpu.sem_alloc : memref<!tpu.dma_semaphore, #tpu.memory_space<semaphore_mem>>
        %dma_start3A = tpu.memref_slice %arg3[%mul3A_73] : memref<10240xf32, #tpu.memory_space<hbm>> -> memref<640xf32, #tpu.memory_space<hbm>>
        %dma_start3A_75 = tpu.memref_slice %arg8[%mul3A_71] : memref<10240xf32, #tpu.memory_space<vmem_shared>> -> memref<640xf32, #tpu.memory_space<vmem_shared>>
        tpu.enqueue_dma source(%dma_start3A_75 : memref<640xf32, #tpu.memory_space<vmem_shared>>) target(%dma_start3A : memref<640xf32, #tpu.memory_space<hbm>>) target_semaphore(%run_scoped3A_74 : memref<!tpu.dma_semaphore, #tpu.memory_space<semaphore_mem>>)
        %dma_wait3A = tpu.memref_slice %arg3[%mul3A_73] : memref<10240xf32, #tpu.memory_space<hbm>> -> memref<640xf32, #tpu.memory_space<hbm>>
        %dma_wait3A_76 = tpu.memref_slice %arg8[%mul3A_71] : memref<10240xf32, #tpu.memory_space<vmem_shared>> -> memref<640xf32, #tpu.memory_space<vmem_shared>>
        tpu.wait_dma2 semaphore(%run_scoped3A_74 : memref<!tpu.dma_semaphore, #tpu.memory_space<semaphore_mem>>) src(%dma_wait3A_76 : memref<640xf32, #tpu.memory_space<vmem_shared>>) dst(%dma_wait3A : memref<640xf32, #tpu.memory_space<hbm>>)
        tpu.yield
      }) : () -> ()
    } else {
    }
    %eq3A_65 = arith.constant 1 : i32
    %eq3A_66 = arith.cmpi eq, %arg0, %eq3A_65 : i32
    %convert_element_type3A_67 = arith.extui %eq3A_66 : i1 to i32
    %cond3A_68 = arith.constant 0 : i32
    %cond3A_69 = arith.cmpi ne, %convert_element_type3A_67, %cond3A_68 : i32
    scf.if %cond3A_69 {
      %mul3A_70 = arith.constant 640 : i32
      %mul3A_71 = arith.muli %arg1, %mul3A_70 : i32
      %mul3A_72 = arith.constant 640 : i32
      %mul3A_73 = arith.muli %arg1, %mul3A_72 : i32
      "tpu.region"() ({
        %run_scoped3A_74 = tpu.sem_alloc : memref<!tpu.dma_semaphore, #tpu.memory_space<semaphore_mem>>
        %dma_start3A = tpu.memref_slice %arg4[%mul3A_73] : memref<10240xf32, #tpu.memory_space<hbm>> -> memref<640xf32, #tpu.memory_space<hbm>>
        %dma_start3A_75 = tpu.memref_slice %arg8[%mul3A_71] : memref<10240xf32, #tpu.memory_space<vmem_shared>> -> memref<640xf32, #tpu.memory_space<vmem_shared>>
        tpu.enqueue_dma source(%dma_start3A_75 : memref<640xf32, #tpu.memory_space<vmem_shared>>) target(%dma_start3A : memref<640xf32, #tpu.memory_space<hbm>>) target_semaphore(%run_scoped3A_74 : memref<!tpu.dma_semaphore, #tpu.memory_space<semaphore_mem>>)
        %dma_wait3A = tpu.memref_slice %arg4[%mul3A_73] : memref<10240xf32, #tpu.memory_space<hbm>> -> memref<640xf32, #tpu.memory_space<hbm>>
        %dma_wait3A_76 = tpu.memref_slice %arg8[%mul3A_71] : memref<10240xf32, #tpu.memory_space<vmem_shared>> -> memref<640xf32, #tpu.memory_space<vmem_shared>>
        tpu.wait_dma2 semaphore(%run_scoped3A_74 : memref<!tpu.dma_semaphore, #tpu.memory_space<semaphore_mem>>) src(%dma_wait3A_76 : memref<640xf32, #tpu.memory_space<vmem_shared>>) dst(%dma_wait3A : memref<640xf32, #tpu.memory_space<hbm>>)
        tpu.yield
      }) : () -> ()
    } else {
    }
    return
  }
}

module attributes {stable_mosaic.version = 14 : i64} {
  func.func @body(%arg0: memref<10000x128xf32, #tpu.memory_space<vmem>>, %arg1: memref<128x32xf32, #tpu.memory_space<vmem>>, %arg2: memref<10000x32xf32, #tpu.memory_space<vmem>>) attributes {dimension_semantics = [], scalar_prefetch = 0 : i64, scratch_operands = 0 : i64, tpu.core_type = #tpu.core_type<tc>} {
    %get3A = arith.constant 0 : index
    %get3A_0 = arith.constant 0 : index
    %get3A_1 = vector.load %arg0[%get3A, %get3A_0] : memref<10000x128xf32, #tpu.memory_space<vmem>>, vector<10000x128xf32>
    %get3A_2 = arith.constant 0 : index
    %get3A_3 = arith.constant 0 : index
    %get3A_4 = vector.load %arg1[%get3A_2, %get3A_3] : memref<128x32xf32, #tpu.memory_space<vmem>>, vector<128x32xf32>
    %dot_general3A = arith.constant dense<0.000000e+00> : vector<10000x32xf32>
    %dot_general3A_5 = tpu.matmul %get3A_1, %get3A_4, %dot_general3A {dimension_numbers = #tpu.dot_dimension_numbers<[1], [0], [0], [1], [0, 0, 1, 1], [], []>, transpose_lhs_hint = false} : vector<10000x128xf32>, vector<128x32xf32>, vector<10000x32xf32> -> vector<10000x32xf32>
    %swap3A = arith.constant 0 : index
    %swap3A_6 = arith.constant 0 : index
    %swap3A_7 = vector.load %arg2[%swap3A, %swap3A_6] : memref<10000x32xf32, #tpu.memory_space<vmem>>, vector<10000x32xf32>
    tpu.vector_store %arg2[%swap3A, %swap3A_6], %dot_general3A_5 {strides = array<i32>} : memref<10000x32xf32, #tpu.memory_space<vmem>>, vector<10000x32xf32>,
    return
  }
}

module attributes {stable_mosaic.version = 14 : i64} {
  func.func @body(%arg0: memref<10000x32xf32, #tpu.memory_space<vmem>>, %arg1: memref<10240xf32, #tpu.memory_space<vmem>>, %arg2: memref<10240xf32, #tpu.memory_space<vmem>>, %arg3: memref<10000x32xf32, #tpu.memory_space<vmem>>, %arg4: memref<10000x1xf32, #tpu.memory_space<vmem>>) attributes {dimension_semantics = [], scalar_prefetch = 0 : i64, scratch_operands = 0 : i64, tpu.core_type = #tpu.core_type<tc>} {
    %get3A = arith.constant 0 : index
    %get3A_0 = vector.load %arg1[%get3A] : memref<10240xf32, #tpu.memory_space<vmem>>, vector<10240xf32>
    %get3A_1 = arith.constant 0 : index
    %get3A_2 = vector.load %arg2[%get3A_1] : memref<10240xf32, #tpu.memory_space<vmem>>, vector<10240xf32>
    %add3A = arith.addf %get3A_0, %get3A_2 : vector<10240xf32>
    %add3A_3 = arith.constant 1.000000e+00 : f32
    %add3A_4 = vector.broadcast %add3A_3 : f32 to vector<10240xf32>
    %add3A_5 = arith.addf %add3A, %add3A_4 : vector<10240xf32>
    %rsqrt3A = math.rsqrt %add3A_5 : vector<10240xf32>
    %slice3A = vector.extract_strided_slice %rsqrt3A {offsets = [0], sizes = [10000], strides = [1]} : vector<10240xf32> to vector<10000xf32>
    %broadcast_in_dim3A = vector.shape_cast %slice3A : vector<10000xf32> to vector<10000x1xf32>
    %swap3A = arith.constant 0 : index
    %swap3A_6 = arith.constant 0 : index
    %swap3A_7 = vector.load %arg4[%swap3A, %swap3A_6] : memref<10000x1xf32, #tpu.memory_space<vmem>>, vector<10000x1xf32>
    tpu.vector_store %arg4[%swap3A, %swap3A_6], %broadcast_in_dim3A {strides = array<i32>} : memref<10000x1xf32, #tpu.memory_space<vmem>>, vector<10000x1xf32>,
    %get3A_8 = arith.constant 0 : index
    %get3A_9 = arith.constant 0 : index
    %get3A_10 = vector.load %arg0[%get3A_8, %get3A_9] : memref<10000x32xf32, #tpu.memory_space<vmem>>, vector<10000x32xf32>
    %mul3A = vector.broadcast %broadcast_in_dim3A : vector<10000x1xf32> to vector<10000x32xf32>
    %mul3A_11 = arith.mulf %get3A_10, %mul3A : vector<10000x32xf32>
    %swap3A_12 = arith.constant 0 : index
    %swap3A_13 = arith.constant 0 : index
    %swap3A_14 = vector.load %arg3[%swap3A_12, %swap3A_13] : memref<10000x32xf32, #tpu.memory_space<vmem>>, vector<10000x32xf32>
    tpu.vector_store %arg3[%swap3A_12, %swap3A_13], %mul3A_11 {strides = array<i32>} : memref<10000x32xf32, #tpu.memory_space<vmem>>, vector<10000x32xf32>,
    return
  }
}

module attributes {stable_mosaic.version = 14 : i64} {
  func.func @body(%arg0: memref<10240x32xf32, #tpu.memory_space<vmem>>, %arg1: memref<10240x32xf32, #tpu.memory_space<vmem>>, %arg2: memref<10000x32xf32, #tpu.memory_space<vmem>>, %arg3: memref<10000x1xf32, #tpu.memory_space<vmem>>, %arg4: memref<1x32xf32, #tpu.memory_space<vmem>>, %arg5: memref<32x16xf32, #tpu.memory_space<vmem>>, %arg6: memref<10000x16xf32, #tpu.memory_space<vmem>>) attributes {dimension_semantics = [], scalar_prefetch = 0 : i64, scratch_operands = 0 : i64, tpu.core_type = #tpu.core_type<tc>} {
    %get3A = arith.constant 0 : index
    %get3A_0 = arith.constant 0 : index
    %get3A_1 = vector.load %arg3[%get3A, %get3A_0] : memref<10000x1xf32, #tpu.memory_space<vmem>>, vector<10000x1xf32>
    %get3A_2 = arith.constant 0 : index
    %get3A_3 = arith.constant 0 : index
    %get3A_4 = vector.load %arg0[%get3A_2, %get3A_3] : memref<10240x32xf32, #tpu.memory_space<vmem>>, vector<10000x32xf32>
    %get3A_5 = arith.constant 0 : index
    %get3A_6 = arith.constant 0 : index
    %get3A_7 = vector.load %arg1[%get3A_5, %get3A_6] : memref<10240x32xf32, #tpu.memory_space<vmem>>, vector<10000x32xf32>
    %add3A = arith.addf %get3A_4, %get3A_7 : vector<10000x32xf32>
    %get3A_8 = arith.constant 0 : index
    %get3A_9 = arith.constant 0 : index
    %get3A_10 = vector.load %arg2[%get3A_8, %get3A_9] : memref<10000x32xf32, #tpu.memory_space<vmem>>, vector<10000x32xf32>
    %add3A_11 = arith.addf %add3A, %get3A_10 : vector<10000x32xf32>
    %mul3A = vector.broadcast %get3A_1 : vector<10000x1xf32> to vector<10000x32xf32>
    %mul3A_12 = arith.mulf %mul3A, %add3A_11 : vector<10000x32xf32>
    %get3A_13 = arith.constant 0 : index
    %get3A_14 = arith.constant 0 : index
    %get3A_15 = vector.load %arg4[%get3A_13, %get3A_14] : memref<1x32xf32, #tpu.memory_space<vmem>>, vector<1x32xf32>
    %add3A_16 = vector.broadcast %get3A_15 : vector<1x32xf32> to vector<10000x32xf32>
    %add3A_17 = arith.addf %mul3A_12, %add3A_16 : vector<10000x32xf32>
    %max3A = arith.constant 0.000000e+00 : f32
    %max3A_18 = vector.broadcast %max3A : f32 to vector<10000x32xf32>
    %max3A_19 = arith.maximumf %add3A_17, %max3A_18 : vector<10000x32xf32>
    %get3A_20 = arith.constant 0 : index
    %get3A_21 = arith.constant 0 : index
    %get3A_22 = vector.load %arg5[%get3A_20, %get3A_21] : memref<32x16xf32, #tpu.memory_space<vmem>>, vector<32x16xf32>
    %dot_general3A = arith.constant dense<0.000000e+00> : vector<10000x16xf32>
    %dot_general3A_23 = tpu.matmul %max3A_19, %get3A_22, %dot_general3A {dimension_numbers = #tpu.dot_dimension_numbers<[1], [0], [0], [1], [0, 0, 1, 1], [], []>, transpose_lhs_hint = false} : vector<10000x32xf32>, vector<32x16xf32>, vector<10000x16xf32> -> vector<10000x16xf32>
    %mul3A_24 = vector.broadcast %get3A_1 : vector<10000x1xf32> to vector<10000x16xf32>
    %mul3A_25 = arith.mulf %dot_general3A_23, %mul3A_24 : vector<10000x16xf32>
    %swap3A = arith.constant 0 : index
    %swap3A_26 = arith.constant 0 : index
    %swap3A_27 = vector.load %arg6[%swap3A, %swap3A_26] : memref<10000x16xf32, #tpu.memory_space<vmem>>, vector<10000x16xf32>
    tpu.vector_store %arg6[%swap3A, %swap3A_26], %mul3A_25 {strides = array<i32>} : memref<10000x16xf32, #tpu.memory_space<vmem>>, vector<10000x16xf32>,
    return
  }
}

module attributes {stable_mosaic.version = 14 : i64} {
  func.func @body(%arg0: memref<10240x16xf32, #tpu.memory_space<vmem>>, %arg1: memref<10240x16xf32, #tpu.memory_space<vmem>>, %arg2: memref<10000x16xf32, #tpu.memory_space<vmem>>, %arg3: memref<10000x1xf32, #tpu.memory_space<vmem>>, %arg4: memref<1x16xf32, #tpu.memory_space<vmem>>, %arg5: memref<16x1xf32, #tpu.memory_space<vmem>>, %arg6: memref<1x1xf32, #tpu.memory_space<vmem>>, %arg7: memref<10000xf32, #tpu.memory_space<vmem>>) attributes {dimension_semantics = [], scalar_prefetch = 0 : i64, scratch_operands = 0 : i64, tpu.core_type = #tpu.core_type<tc>} {
    %get3A = arith.constant 0 : index
    %get3A_0 = arith.constant 0 : index
    %get3A_1 = vector.load %arg3[%get3A, %get3A_0] : memref<10000x1xf32, #tpu.memory_space<vmem>>, vector<10000x1xf32>
    %get3A_2 = arith.constant 0 : index
    %get3A_3 = arith.constant 0 : index
    %get3A_4 = vector.load %arg0[%get3A_2, %get3A_3] : memref<10240x16xf32, #tpu.memory_space<vmem>>, vector<10000x16xf32>
    %get3A_5 = arith.constant 0 : index
    %get3A_6 = arith.constant 0 : index
    %get3A_7 = vector.load %arg1[%get3A_5, %get3A_6] : memref<10240x16xf32, #tpu.memory_space<vmem>>, vector<10000x16xf32>
    %add3A = arith.addf %get3A_4, %get3A_7 : vector<10000x16xf32>
    %get3A_8 = arith.constant 0 : index
    %get3A_9 = arith.constant 0 : index
    %get3A_10 = vector.load %arg2[%get3A_8, %get3A_9] : memref<10000x16xf32, #tpu.memory_space<vmem>>, vector<10000x16xf32>
    %add3A_11 = arith.addf %add3A, %get3A_10 : vector<10000x16xf32>
    %mul3A = vector.broadcast %get3A_1 : vector<10000x1xf32> to vector<10000x16xf32>
    %mul3A_12 = arith.mulf %mul3A, %add3A_11 : vector<10000x16xf32>
    %get3A_13 = arith.constant 0 : index
    %get3A_14 = arith.constant 0 : index
    %get3A_15 = vector.load %arg4[%get3A_13, %get3A_14] : memref<1x16xf32, #tpu.memory_space<vmem>>, vector<1x16xf32>
    %add3A_16 = vector.broadcast %get3A_15 : vector<1x16xf32> to vector<10000x16xf32>
    %add3A_17 = arith.addf %mul3A_12, %add3A_16 : vector<10000x16xf32>
    %max3A = arith.constant 0.000000e+00 : f32
    %max3A_18 = vector.broadcast %max3A : f32 to vector<10000x16xf32>
    %max3A_19 = arith.maximumf %add3A_17, %max3A_18 : vector<10000x16xf32>
    %get3A_20 = arith.constant 0 : index
    %get3A_21 = arith.constant 0 : index
    %get3A_22 = vector.load %arg5[%get3A_20, %get3A_21] : memref<16x1xf32, #tpu.memory_space<vmem>>, vector<16x1xf32>
    %dot_general3A = arith.constant dense<0.000000e+00> : vector<10000x1xf32>
    %dot_general3A_23 = tpu.matmul %max3A_19, %get3A_22, %dot_general3A {dimension_numbers = #tpu.dot_dimension_numbers<[1], [0], [0], [1], [0, 0, 1, 1], [], []>, transpose_lhs_hint = false} : vector<10000x16xf32>, vector<16x1xf32>, vector<10000x1xf32> -> vector<10000x1xf32>
    %get3A_24 = arith.constant 0 : index
    %get3A_25 = arith.constant 0 : index
    %get3A_26 = vector.load %arg6[%get3A_24, %get3A_25] : memref<1x1xf32, #tpu.memory_space<vmem>>, vector<1x1xf32>
    %add3A_27 = vector.broadcast %get3A_26 : vector<1x1xf32> to vector<10000x1xf32>
    %add3A_28 = arith.addf %dot_general3A_23, %add3A_27 : vector<10000x1xf32>
    %squeeze3A = vector.shape_cast %add3A_28 : vector<10000x1xf32> to vector<10000xf32>
    %swap3A = arith.constant 0 : index
    %swap3A_29 = vector.load %arg7[%swap3A] : memref<10000xf32, #tpu.memory_space<vmem>>, vector<10000xf32>
    tpu.vector_store %arg7[%swap3A], %squeeze3A {strides = array<i32>} : memref<10000xf32, #tpu.memory_space<vmem>>, vector<10000xf32>,
    return
  }
}

</mosaic_0001>

<sc_bundles>
// kernel: kernel.12.cloned.1.call-start
scs
__scs_entry_jumppad:
0x0: {  	(pc) =	sbr.rel $0x88, $3  }
0x1: {  	(tag) =	ssettag $0x0;
	lr =	simm.s32 $0x1  }
0x2: {  	[smem:$0x3F99] =	sst lr;
	_ =	strace $0xD0000000  }
0x3: {  	_ = 	snop  }
0x4: {  	_ = 	snop  }
0x5: {  	_ = 	snop  }
0x6: {  	_ = 	snop  }
0x7: {  	_ = 	snop  }
__scs_overlays_trampoline_lowered:
0x8: {  	[smem:$0x3FA8] =	sst s0  }
0x9: {  	[smem:$0x3FA9] =	sst s1  }
0xa: {  	[smem:$0x3FAA] =	sst s2  }
0xb: {  	[smem:$0x3FAB] =	sst s3  }
0xc: {  	[smem:$0x3FAC] =	sst s4  }
0xd: {  	[smem:$0x3FAD] =	sst s5  }
0xe: {  	[smem:$0x3FAE] =	sst s6  }
0xf: {  	[smem:$0x3FAF] =	sst s7  }
0x10: {  	[smem:$0x3FB0] =	sst s8  }
0x11: {  	[smem:$0x3FB1] =	sst s9;
	s0 =	simm.s32 @!p0 $0x0  }
0x12: {  	s1 =	sld [smem:$0x3F97];
	s0 =	simm.s32 @p0 $0x1  }
0x13: {  	[smem:$0x3FB2] =	sst s0;
	s0 =	simm.s32 @!p1 $0x0  }
0x14: {  	s2 =	sld [smem:$0x3F96];
	s0 =	simm.s32 @p1 $0x1  }
0x15: {  	[smem:$0x3FB3] =	sst s0;
	s0 =	simm.s32 @!p2 $0x0  }
0x16: {  	s3 =	sld [smem:$0x3FDB];
	s0 =	simm.s32 @p2 $0x1  }
0x17: {  	s4 =	simm.s32 $0x1BF5;
	[smem:$0x3FB5] =	sst s0  }
0x18: {  	s0 =	sld [smem:$0x3F98];
	_ =	swait.ge [sflag:s4], $0x0  }
0x19: {  	s7 =	sld [smem:$0x3F99]  }
0x1a: {  	s8 =	sadd.s32 $0xFFFFE003, lr  }
0x1b: {  	s9 =	sadd.s32 $0xFFFFFEF7, lr;
	s5 =	simm.s32 $0xFFFFFFFF;
	p2 =	slt.u32 s8, $0xFFFFF086  }
0x1c: {  	p1 =	slt.u32 s9, $0xF7A;
	s5 =	simm.s32 @!p2 $0x0  }
0x1d: {  	s5 =	simm.s32 @p1 $0x1;
	p0 =	seq.s32 s7, s2  }
0x1e: {  	s7 =	smul.u32 @!p0 $0xF7A, s2;
	p2 =	seq.s32 @!p0 s5, $0x0  }
0x1f: {  	s9 =	smul.u32 $0xF7A, s1;
	s8 =	simm.s32 @!p0 $0x1BF5;
	p2 =	por !p2, p0  }
0x20: {  	[sflag:s8] =	ssyncset.s32 @!p0 $0xFFFFF086;
	s6 =	sadd.s32 @!p0 s3, s7;
	s7 =	simm.s32 @!p0 $0x108  }
0x21: {  	s3 =	sadd.s32 s3, s9;
	s6 =	sadd.s32 @!p0 $0x88, s6;
	s7 =	simm.s32 @p2 $0x1082  }
0x22: {  	[simem:s7], [sflag:s8] =	dma.local @!p0 [hbm:s6], $0xF7A  }
0x23: {  	s9 =	sor.u32 $0xD0000000, s2;
	s6 =	simm.s32 $0x108;
	_ =	swait.ge @!p0 [sflag:s8], $0x0  }
0x24: {  	s3 =	sadd.s32 $0x88, s3;
	s6 =	simm.s32 @!p1 $0x1082;
	[sflag:s4] =	ssyncset.s32 $0xFFFFF086  }
0x25: {  	[simem:s6], [sflag:s4] =	dma.local [hbm:s3], $0xF7A  }
0x26: {  	[smem:$0x3F99] =	sst s1;
	(tag) =	ssettag s2;
	_ =	strace s9  }
0x27: {  	s1 =	sld [smem:$0x3FA9]  }
0x28: {  	s2 =	sld [smem:$0x3FAA]  }
0x29: {  	s4 =	sld [smem:$0x3FAC]  }
0x2a: {  	p0 =	seq.s32 s5, $0x0;
	s5 =	sld [smem:$0x3FAD]  }
0x2b: {  	s6 =	sld [smem:$0x3FAE]  }
0x2c: {  	s7 =	sld [smem:$0x3FAF]  }
0x2d: {  	s3 =	simm.s32 $0x108;
	s8 =	sld [smem:$0x3FB0]  }
0x2e: {  	s3 =	simm.s32 @!p0 $0x1082;
	s9 =	sld [smem:$0x3FB1]  }
0x2f: {  	lr =	sadd.s32 s0, s3;
	s0 =	sld [smem:$0x3FA8]  }
0x30: {  	s3 =	sld [smem:$0x3FAB]  }
0x31: {  	[smem:$0x3FB4] =	sst s10  }
0x32: {  	s10 =	sld [smem:$0x3FB2];
	_ =	sdelay $0x3  }
0x33: {  	p0 =	seq.s32 s10, $0x1;
	s10 =	sld [smem:$0x3FB4];
	_ =	sdelay $0x3  }
0x34: {  	[smem:$0x3FB4] =	sst s10  }
0x35: {  	s10 =	sld [smem:$0x3FB3];
	_ =	sdelay $0x3  }
0x36: {  	p1 =	seq.s32 s10, $0x1;
	s10 =	sld [smem:$0x3FB4];
	_ =	sdelay $0x3  }
0x37: {  	[smem:$0x3FB4] =	sst s10  }
0x38: {  	s10 =	sld [smem:$0x3FB5]  }
0x39: {  	_ = 	snop;
	(pc) =	sbr.ind lr, $3  }
0x3a: {  	_ = 	snop  }
0x3b: {  	_ = 	snop  }
0x3c: {  	p2 =	seq.s32 s10, $0x1;
	s10 =	sld [smem:$0x3FB4]  }
0x3d: {  	_ =	shalt  }
0x3e: {  	_ =	shalt  }
0x3f: {  	_ =	shalt  }
0x40: {  	_ =	shalt  }
0x41: {  	_ =	shalt  }
0x42: {  	_ =	shalt  }
0x43: {  	_ =	shalt  }
0x44: {  	_ =	shalt  }
0x45: {  	_ =	shalt  }
0x46: {  	_ =	shalt  }
0x47: {  	_ =	shalt  }
0x48: {  	_ =	shalt  }
0x49: {  	_ =	shalt  }
0x4a: {  	_ =	shalt  }
0x4b: {  	_ =	shalt  }
0x4c: {  	_ =	shalt  }
0x4d: {  	_ =	shalt  }
0x4e: {  	_ =	shalt  }
0x4f: {  	_ =	shalt  }
0x50: {  	_ =	shalt  }
0x51: {  	_ =	shalt  }
0x52: {  	_ =	shalt  }
0x53: {  	_ =	shalt  }
0x54: {  	_ =	shalt  }
0x55: {  	_ =	shalt  }
0x56: {  	_ =	shalt  }
0x57: {  	_ =	shalt  }
0x58: {  	_ =	shalt  }
0x59: {  	_ =	shalt  }
0x5a: {  	_ =	shalt  }
0x5b: {  	_ =	shalt  }
0x5c: {  	_ =	shalt  }
0x5d: {  	_ =	shalt  }
0x5e: {  	_ =	shalt  }
0x5f: {  	_ =	shalt  }
0x60: {  	_ =	shalt  }
0x61: {  	_ =	shalt  }
0x62: {  	_ =	shalt  }
0x63: {  	_ =	shalt  }
0x64: {  	_ =	shalt  }
0x65: {  	_ =	shalt  }
0x66: {  	_ =	shalt  }
0x67: {  	_ =	shalt  }
0x68: {  	_ =	shalt  }
0x69: {  	_ =	shalt  }
0x6a: {  	_ =	shalt  }
0x6b: {  	_ =	shalt  }
0x6c: {  	_ =	shalt  }
0x6d: {  	_ =	shalt  }
0x6e: {  	_ =	shalt  }
0x6f: {  	_ =	shalt  }
0x70: {  	_ =	shalt  }
0x71: {  	_ =	shalt  }
0x72: {  	_ =	shalt  }
0x73: {  	_ =	shalt  }
0x74: {  	_ =	shalt  }
0x75: {  	_ =	shalt  }
0x76: {  	_ =	shalt  }
0x77: {  	_ =	shalt  }
0x78: {  	_ =	shalt  }
0x79: {  	_ =	shalt  }
0x7a: {  	_ =	shalt  }
0x7b: {  	_ =	shalt  }
0x7c: {  	_ =	shalt  }
0x7d: {  	_ =	shalt  }
0x7e: {  	_ =	shalt  }
0x7f: {  	_ =	shalt  }
0x80: {  	_ =	shalt  }
0x81: {  	_ =	shalt  }
0x82: {  	_ =	shalt  }
0x83: {  	_ =	shalt  }
0x84: {  	_ =	shalt  }
0x85: {  	_ =	shalt  }
0x86: {  	_ =	shalt  }
0x87: {  	_ =	shalt  }
.Lfunc_end0:
.L_simem_size_0:
called_computation.1_lowered:
.L_overlay_start_0:
0x88: {  	s2 =	sld [smem:$0x3FD9]  }
0x89: {  	s3 =	sld [smem:$0x3FFE];
	_ =	sdelay $0x1  }
0x8a: {  	s1 =	srdreg.scid  }
0x8b: {  	s0 =	sand.u32 $0x1, s1  }
0x8c: {  	s16 =	sshll.u32 s0, $0xA;
	s2 =	sadd.s32 s3, s2  }
0x8d: {  	s2 =	sadd.s32 s2, s16  }
0x8e: {  	[smem:$0x3FC0] =	sst s2  }
0x8f: {  	_ = 	snop  }
0x90: {  	(tm) =	ssettm $0x1  }
0x91: {  	s17 =	sld [smem:$0x3FFB];
	_ =	sdelay $0x3  }
0x92: {  	_ =	strace s17  }
0x93: {  	s2 =	sld [smem:$0x3FFC];
	_ =	sdelay $0x3  }
0x94: {  	_ =	strace s2  }
0x95: {  	s2 =	sld [smem:$0x3FFD];
	_ =	sdelay $0x3  }
0x96: {  	_ =	strace s2  }
0x97: {  	_ =	strace $0x8FFFFFFF  }
0x98: {  	s18 =	sld [smem:$0x3FDB];
	_ =	sdelay $0x1  }
0x99: {  	s19 =	simm.s32 $_scs_section_size  }
0x9a: {  	s4 =	simm.s32 $_size__tile_overlayer_lowered;
	s5 =	simm.s32 $_tile_overlayer_lowered  }
0x9b: {  	s22 =	simm.s32 $0x1BFF;
	s21 =	sshll.u32 s5, $0x1;
	s2 =	sadd.s32 s19, s18  }
0x9c: {  	s6 =	simm.s32 $0x0;
	s20 =	sshll.u32 s4, $0x1;
	s4 =	sadd.s32 s21, s2  }
0x9d: {  	[timem:s6], [sflag:s22] =	dma.local [hbm:s4], s20  }
0x9e: {  	_ =	swait.ge [sflag:s22], s20  }
0x9f: {  	s3 =	ssub.s32 $0x0, s20;
	[sflag:s22] =	ssyncset.done $0x0  }
0xa0: {  	[sflag:s22] =	ssyncadd.s32 s3;
	_ =	sdelay $0x1  }
0xa1: {  	s23 =	simm.s32 $0x1B8B  }
0xa2: {  	_ =	swait.ge [sflag:s23], $0x1  }
0xa3: {  	[sflag:s23] =	ssyncset.done $0x0  }
0xa4: {  	s25 =	simm.s32 $0x1B8E;
	s24 =	sld [smem:$0x3FFE];
	[sflag:s23] =	ssyncadd.s32 $0xFFFFFFFF  }
0xa5: {  	s26 =	simm.s32 $execute0_lowered;
	[smem:$0x3FD2] =	sst s25  }
0xa6: {  	s4 =	sshll.u32 s26, $0x1;
	_ =	strace $0x80000049;
	[dreg:$0x1] =	wrdreg $0xFFFFFFFF  }
0xa7: {  	s28 =	simm.s32 $_size_execute0_lowered;
	s2 =	sadd.s32 s2, s4;
	[dreg:$0x0] =	wrdreg $0x0  }
0xa8: {  	s4 =	sshll.u32 s28, $0x1;
	[dreg:$0x2] =	wrdreg s2  }
0xa9: {  	[dreg:$0x3] =	wrdreg s4  }
0xaa: {  	[dreg:$0x4] =	wrdreg $0xC0  }
0xab: {  	_ =	task [dreg:s6], $0x5FFFF  }
0xac: {  	[dreg:$0x1] =	wrdreg $0xFFFFFFFF  }
0xad: {  	[dreg:$0x0] =	wrdreg $0x60  }
0xae: {  	[dreg:$0x2] =	wrdreg s24  }
0xaf: {  	[dreg:$0x3] =	wrdreg $0x11D000  }
0xb0: {  	[dreg:$0x4] =	wrdreg $0x9  }
0xb1: {  	_ =	task.clear_ibuf [dreg:s6], $0x5FFFF;
	_ =	strace $0x90000049  }
0xb2: {  	s29 =	simm.s32 $0x9;
	_ =	strace $0x8000004B  }
0xb3: {  	_ =	swait.ge [sflag:s29], $0x1  }
0xb4: {  	[sflag:s29] =	ssyncadd.s32 $0xFFFFFFFF  }
0xb5: {  	_ =	strace $0x9000004B  }
0xb6: {  	_ =	sfence  }
0xb7: {  	s30 =	sld [smem:$0x0];
	_ =	sdelay $0x2  }
0xb8: {  	s31 =	sshll.u32 s1, $0xD;
	s1 =	sshrl.u32 s1, $0x2  }
0xb9: {  	s3 =	sand.u32 $0x4000, s31;
	s1 =	sadd.s32 s1, s30  }
0xba: {  	s0 =	sor.u32 s3, s0;
	s1 =	sshll.u32 s1, $0x11  }
0xbb: {  	s0 =	sor.u32 s1, s0  }
0xbc: {  	s0 =	sadd.s32 $0x8F2B, s0  }
0xbd: {  	[sflag:s0] =	ssyncadd.remote.s32 $0x1  }
0xbe: {  	_ =	sfence.sel $0xFFFF  }
0xbf: {  	[dreg:$0x0] =	wrdreg $0xFFFFFFFF;
	(pc) =	sbr.abs _section_cstart, $3  }
0xc0: {  	[dreg:$0x1] =	wrdreg $0xFFFFFFFF  }
0xc1: {  	_ =	task.clear_ibuf [dreg:s6], $0x2FFFF;
	_ =	strace $0x9FFFFFFF  }
0xc2: {  	(tm) =	ssettm $0x7FFFFFFF  }
0xc3: {  	_ =	shalt  }
tec
execute0_lowered:
.L_overlay_start_1:
0x0: {  	(tag) =	ssettag $0x1  }
0x1: {  	s0 =	srdreg.scid;
	s1 =	rddreg [dreg:$0x0]  }
0x2: {  	s2 =	rddreg [dreg:$0x1];
	s8 =	stileid.u32  }
0x3: {  	s3 =	simm.s32 $0x0;
	s13 =	simm.s32 $0x7D;
	s14 =	simm.s32 $0x5000  }
0x4: {  	s16 =	simm.s32 $0x5FA0;
	s18 =	simm.s32 $0x6F40;
	s20 =	simm.s32 $0x7EE0  }
0x5: {  	s22 =	simm.s32 $0x8E80;
	s29 =	simm.s32 $0xBD60;
	s30 =	simm.s32 $0x1  }
0x6: {  	s31 =	simm.s32 $0x2;
	s10 =	simm.s32 $0x4;
	s12 =	simm.s32 $0x5  }
0x7: {  	s15 =	simm.s32 $0x6;
	s17 =	simm.s32 $0x7;
	s19 =	simm.s32 $0x9  }
0x8: {  	s21 =	simm.s32 $0xA;
	s0 =	sand.u32 $0x1, s0;
	[smem:$0x7FF] =	sst s3  }
0x9: {  	s28 =	simm.s32 $0xD;
	s4 =	sshll.u32 s0, $0x4;
	_ =	strace $0x8000004A  }
0xa: {  	s6 =	ssub.s32 $0x2, s0;
	p0 =	seq.s32 s0, $0x1;
	s0 =	simm.s32 $0x48E00  }
0xb: {  	s4 =	sor.u32 s8, s4;
	s7 =	sshrl.u32 s6, $0x1;
	s8 =	smul.u32 $0x5000, s8  }
0xc: {  	s0 =	simm.s32 @!p0 $0x52E00;
	s5 =	smul.u32 $0x2800, s4;
	s4 =	sadd.s32 $0x3F000, s1  }
0xd: {  	s6 =	ssub.s32 s6, s7;
	s0 =	sadd.s32 s0, s1;
	s7 =	simm.s32 $0xF  }
0xe: {  	s23 =	sadd.s32 s8, s2;
	s25 =	sshrl.u32 s8, $0x3;
	s26 =	smax.u32 s6, $0x1  }
0xf: {  	s6 =	simm.s32 $0xE;
	s8 =	simm.s32 $0x10;
	[dreg:$0x3] =	wrdreg s23  }
0x10: {  	s5 =	sshrl.u32 s5, $0x3;
	[dreg:$0x6] =	wrdreg s26;
	s0 =	sadd.s32 s0, s25  }
0x11: {  	s26 =	simm.s32 $0xADC0;
	s23 =	simm.s32 $0xB;
	s5 =	sadd.s32 s5, s1  }
0x12: {  	s25 =	simm.s32 $0xC;
	[dreg:$0x7] =	wrdreg s0;
	s24 =	sadd.s32 $0x3E00, s5  }
0x13: {  	s0 =	simm.s32 $0x3;
	s5 =	sadd.s32 $0xDE00, s5;
	[dreg:$0x4] =	wrdreg s24  }
0x14: {  	v0 =	vimm.f32 $0.0e+00;
	s1 =	simm.s32 $0x8;
	[dreg:$0x5] =	wrdreg s5;
	s24 =	simm.s32 $0x9E20  }
.LBB2_1:
0x15: {  	[dreg:$0x8] =	wrdreg s3;
	s5 =	simm.s32 $0x80;
	s9 =	simm.s32 $0x0  }
.LBB2_2:
0x16: {  	p0 =	sne.s32 s5, $0x13F80;
	[tilespmem:s9+$0xCD00] =	vst v0;
	s11 =	smov.u32 s5;
	s5 =	sadd.s32 $0x80, s5  }
.Ltmp0:
0x17: {  	[tilespmem:s9+$0xCD10] =	vst v0;
	(pc) =	sbr.rel @p0 .LBB2_2-.Ltmp0, $2  }
0x18: {  	_ =	sdelay $0x2  }
0x19: {  	s9 =	sshra.s32 s11, $0x2  }
0x1a: {  	[tilespmem:s9+$0xCD00] =	vst v0  }
0x1b: {  	[tilespmem:s9+$0xCD10] =	vst v0;
	s5 =	rddreg [dreg:$0x3];
	s11 =	simm.s32 $0xCD00  }
0x1c: {  	[spmem:s5] =	stream.linear.scatter [tilespmem:s11], [sflag:$0x11], $0x5000, $0x38;
	[tilespmem:$0x16D00] =	vst v63  }
0x1d: {  	s11 =	simm.s32 $0x11  }
0x1e: {  	_ =	swait.ge [sflag:s11], $0x5000  }
0x1f: {  	[sflag:s11] =	ssyncset.done $0x0  }
0x20: {  	[sflag:s11] =	ssyncadd.s32 $0xFFFFB000  }
0x21: {  	[bflag:$0x0] =	sbarrier.arrive $0xFFFF  }
0x22: {  	s5 =	simm.s32 $0x0;
	s3 =	rddreg [dreg:$0x4]  }
0x23: {  	[tilespmem:s5], [sflag:$0x11] =	stream.linear.gather [hbm4b:s3+s5], $0x2800, $0x38;
	[tilespmem:$0x16D00] =	vst v63  }
0x24: {  	_ =	swait.ge [sflag:s11], $0x2800  }
0x25: {  	[sflag:s11] =	ssyncset.done $0x0  }
0x26: {  	s3 =	simm.s32 $0x2800;
	s9 =	rddreg [dreg:$0x5];
	[sflag:s11] =	ssyncadd.s32 $0xFFFFD800  }
0x27: {  	[tilespmem:s3], [sflag:$0x11] =	stream.linear.gather [hbm4b:s9+s5], $0x2800, $0x38;
	[tilespmem:$0x16D00] =	vst v63  }
0x28: {  	_ =	swait.ge [sflag:s11], $0x2800  }
0x29: {  	[sflag:s11] =	ssyncset.done $0x0  }
0x2a: {  	[sflag:s11] =	ssyncadd.s32 $0xFFFFD800  }
0x2b: {  	[tilespmem:s14], [sflag:$0x1] =	stream.indirect.gather [hbm4b:s4+s13], $0x20, s5, s13, $0xb8;
	[tilespmem:$0x16D00] =	vst v63  }
0x2c: {  	s11 =	simm.s32 $0x80  }
0x2d: {  	[tilespmem:s16], [sflag:$0x2] =	stream.indirect.gather [hbm4b:s4+s13], $0x20, s11, s13, $0xb8;
	[tilespmem:$0x16D00] =	vst v63  }
0x2e: {  	s5 =	simm.s32 $0x100  }
0x2f: {  	[tilespmem:s18], [sflag:$0x3] =	stream.indirect.gather [hbm4b:s4+s13], $0x20, s5, s13, $0xb8;
	[tilespmem:$0x16D00] =	vst v63  }
0x30: {  	s9 =	simm.s32 $0x180  }
0x31: {  	[tilespmem:s20], [sflag:$0x4] =	stream.indirect.gather [hbm4b:s4+s13], $0x20, s9, s13, $0xb8;
	[tilespmem:$0x16D00] =	vst v63  }
0x32: {  	s11 =	simm.s32 $0x200  }
0x33: {  	[tilespmem:s22], [sflag:$0x5] =	stream.indirect.gather [hbm4b:s4+s13], $0x20, s11, s13, $0xb8;
	[tilespmem:$0x16D00] =	vst v63  }
0x34: {  	s5 =	simm.s32 $0x280  }
0x35: {  	[tilespmem:s24], [sflag:$0x6] =	stream.indirect.gather [hbm4b:s4+s13], $0x20, s5, s13, $0xb8;
	[tilespmem:$0x16D00] =	vst v63  }
0x36: {  	s9 =	simm.s32 $0x300  }
0x37: {  	[tilespmem:s26], [sflag:$0x7] =	stream.indirect.gather [hbm4b:s4+s13], $0x20, s9, s13, $0xb8;
	[tilespmem:$0x16D00] =	vst v63  }
0x38: {  	s11 =	simm.s32 $0x380  }
0x39: {  	[tilespmem:s29], [sflag:$0x8] =	stream.indirect.gather [hbm4b:s4+s13], $0x20, s11, s13, $0xb8;
	[tilespmem:$0x16D00] =	vst v63  }
0x3a: {  	_ =	swait.ge [sflag:s30], $0xFA0  }
0x3b: {  	[sflag:s30] =	ssyncset.done $0x0  }
0x3c: {  	s3 =	simm.s32 $0x2800;
	[sflag:s30] =	ssyncadd.s32 $0xFFFFF060  }
0x3d: {  	[spmem:s2] =	stream.indirect.scatter.add.f32 [tilespmem:s14], [sflag:$0x9], $0x20, s3, s13, $0xb8;
	[tilespmem:$0x16D00] =	vst v63  }
0x3e: {  	_ =	swait.ge [sflag:s31], $0xFA0  }
0x3f: {  	[sflag:s31] =	ssyncset.done $0x0  }
0x40: {  	s9 =	simm.s32 $0x2880;
	[sflag:s31] =	ssyncadd.s32 $0xFFFFF060  }
0x41: {  	[spmem:s2] =	stream.indirect.scatter.add.f32 [tilespmem:s16], [sflag:$0xA], $0x20, s9, s13, $0xb8;
	[tilespmem:$0x16D00] =	vst v63  }
0x42: {  	_ =	swait.ge [sflag:s0], $0xFA0  }
0x43: {  	[sflag:s0] =	ssyncset.done $0x0  }
0x44: {  	s11 =	simm.s32 $0x2900;
	[sflag:s0] =	ssyncadd.s32 $0xFFFFF060  }
0x45: {  	[spmem:s2] =	stream.indirect.scatter.add.f32 [tilespmem:s18], [sflag:$0xB], $0x20, s11, s13, $0xb8;
	[tilespmem:$0x16D00] =	vst v63  }
0x46: {  	_ =	swait.ge [sflag:s10], $0xFA0  }
0x47: {  	[sflag:s10] =	ssyncset.done $0x0  }
0x48: {  	s3 =	simm.s32 $0x2980;
	[sflag:s10] =	ssyncadd.s32 $0xFFFFF060  }
0x49: {  	[spmem:s2] =	stream.indirect.scatter.add.f32 [tilespmem:s20], [sflag:$0xC], $0x20, s3, s13, $0xb8;
	[tilespmem:$0x16D00] =	vst v63  }
0x4a: {  	_ =	swait.ge [sflag:s12], $0xFA0  }
0x4b: {  	[sflag:s12] =	ssyncset.done $0x0  }
0x4c: {  	s9 =	simm.s32 $0x2A00;
	[sflag:s12] =	ssyncadd.s32 $0xFFFFF060  }
0x4d: {  	[spmem:s2] =	stream.indirect.scatter.add.f32 [tilespmem:s22], [sflag:$0xD], $0x20, s9, s13, $0xb8;
	[tilespmem:$0x16D00] =	vst v63  }
0x4e: {  	_ =	swait.ge [sflag:s15], $0xFA0  }
0x4f: {  	[sflag:s15] =	ssyncset.done $0x0  }
0x50: {  	s11 =	simm.s32 $0x2A80;
	[sflag:s15] =	ssyncadd.s32 $0xFFFFF060  }
0x51: {  	[spmem:s2] =	stream.indirect.scatter.add.f32 [tilespmem:s24], [sflag:$0xE], $0x20, s11, s13, $0xb8;
	[tilespmem:$0x16D00] =	vst v63  }
0x52: {  	_ =	swait.ge [sflag:s17], $0xFA0  }
0x53: {  	[sflag:s17] =	ssyncset.done $0x0  }
0x54: {  	s3 =	simm.s32 $0x2B00;
	[sflag:s17] =	ssyncadd.s32 $0xFFFFF060  }
0x55: {  	[spmem:s2] =	stream.indirect.scatter.add.f32 [tilespmem:s26], [sflag:$0xF], $0x20, s3, s13, $0xb8;
	[tilespmem:$0x16D00] =	vst v63  }
0x56: {  	_ =	swait.ge [sflag:s1], $0xFA0  }
0x57: {  	[sflag:s1] =	ssyncset.done $0x0  }
0x58: {  	s9 =	simm.s32 $0x2B80;
	[sflag:s1] =	ssyncadd.s32 $0xFFFFF060  }
0x59: {  	[spmem:s2] =	stream.indirect.scatter.add.f32 [tilespmem:s29], [sflag:$0x10], $0x20, s9, s13, $0xb8;
	[tilespmem:$0x16D00] =	vst v63  }
0x5a: {  	_ =	swait.ge [sflag:s19], $0xFA0  }
0x5b: {  	[sflag:s19] =	ssyncset.done $0x0  }
0x5c: {  	s11 =	simm.s32 $0x400;
	[sflag:s19] =	ssyncadd.s32 $0xFFFFF060  }
0x5d: {  	[tilespmem:s14], [sflag:$0x1] =	stream.indirect.gather [hbm4b:s4+s13], $0x20, s11, s13, $0xb8;
	[tilespmem:$0x16D00] =	vst v63  }
0x5e: {  	_ =	swait.ge [sflag:s21], $0xFA0  }
0x5f: {  	[sflag:s21] =	ssyncset.done $0x0  }
0x60: {  	s3 =	simm.s32 $0x480;
	[sflag:s21] =	ssyncadd.s32 $0xFFFFF060  }
0x61: {  	[tilespmem:s16], [sflag:$0x2] =	stream.indirect.gather [hbm4b:s4+s13], $0x20, s3, s13, $0xb8;
	[tilespmem:$0x16D00] =	vst v63  }
0x62: {  	_ =	swait.ge [sflag:s23], $0xFA0  }
0x63: {  	[sflag:s23] =	ssyncset.done $0x0  }
0x64: {  	s9 =	simm.s32 $0x500;
	[sflag:s23] =	ssyncadd.s32 $0xFFFFF060  }
0x65: {  	[tilespmem:s18], [sflag:$0x3] =	stream.indirect.gather [hbm4b:s4+s13], $0x20, s9, s13, $0xb8;
	[tilespmem:$0x16D00] =	vst v63  }
0x66: {  	_ =	swait.ge [sflag:s25], $0xFA0  }
0x67: {  	[sflag:s25] =	ssyncset.done $0x0  }
0x68: {  	s11 =	simm.s32 $0x580;
	[sflag:s25] =	ssyncadd.s32 $0xFFFFF060  }
0x69: {  	[tilespmem:s20], [sflag:$0x4] =	stream.indirect.gather [hbm4b:s4+s13], $0x20, s11, s13, $0xb8;
	[tilespmem:$0x16D00] =	vst v63  }
0x6a: {  	_ =	swait.ge [sflag:s28], $0xFA0  }
0x6b: {  	[sflag:s28] =	ssyncset.done $0x0  }
0x6c: {  	s3 =	simm.s32 $0x600;
	[sflag:s28] =	ssyncadd.s32 $0xFFFFF060  }
0x6d: {  	[tilespmem:s22], [sflag:$0x5] =	stream.indirect.gather [hbm4b:s4+s13], $0x20, s3, s13, $0xb8;
	[tilespmem:$0x16D00] =	vst v63  }
0x6e: {  	_ =	swait.ge [sflag:s6], $0xFA0  }
0x6f: {  	[sflag:s6] =	ssyncset.done $0x0  }
0x70: {  	s9 =	simm.s32 $0x680;
	[sflag:s6] =	ssyncadd.s32 $0xFFFFF060  }
0x71: {  	[tilespmem:s24], [sflag:$0x6] =	stream.indirect.gather [hbm4b:s4+s13], $0x20, s9, s13, $0xb8;
	[tilespmem:$0x16D00] =	vst v63  }
0x72: {  	_ =	swait.ge [sflag:s7], $0xFA0  }
0x73: {  	[sflag:s7] =	ssyncset.done $0x0  }
0x74: {  	s11 =	simm.s32 $0x700;
	[sflag:s7] =	ssyncadd.s32 $0xFFFFF060  }
0x75: {  	[tilespmem:s26], [sflag:$0x7] =	stream.indirect.gather [hbm4b:s4+s13], $0x20, s11, s13, $0xb8;
	[tilespmem:$0x16D00] =	vst v63  }
0x76: {  	_ =	swait.ge [sflag:s8], $0xFA0  }
0x77: {  	[sflag:s8] =	ssyncset.done $0x0  }
0x78: {  	s5 =	simm.s32 $0x780;
	s9 =	simm.s32 $0x1000;
	[sflag:s8] =	ssyncadd.s32 $0xFFFFF060  }
.LBB2_4:
0x79: {  	[tilespmem:s29], [sflag:$0x8] =	stream.indirect.gather [hbm4b:s4+s13], $0x20, s5, s13, $0xb8;
	[tilespmem:$0x16D00] =	vst v63  }
0x7a: {  	s5 =	smov.u32 s9  }
0x7b: {  	p0 =	sne.s32 s9, $0x8000;
	s9 =	sadd.s32 $0x1000, s9;
	_ =	swait.ge [sflag:s30], $0xFA0  }
0x7c: {  	s5 =	sshra.s32 s5, $0x2;
	[sflag:s30] =	ssyncset.done $0x0  }
0x7d: {  	s11 =	sadd.s32 $0x2800, s5;
	[sflag:s30] =	ssyncadd.s32 $0xFFFFF060  }
0x7e: {  	[spmem:s2] =	stream.indirect.scatter.add.f32 [tilespmem:s14], [sflag:$0x9], $0x20, s11, s13, $0xb8;
	[tilespmem:$0x16D00] =	vst v63  }
0x7f: {  	_ =	swait.ge [sflag:s31], $0xFA0  }
0x80: {  	[sflag:s31] =	ssyncset.done $0x0  }
0x81: {  	s11 =	sadd.s32 $0x2880, s5;
	[sflag:s31] =	ssyncadd.s32 $0xFFFFF060  }
0x82: {  	[spmem:s2] =	stream.indirect.scatter.add.f32 [tilespmem:s16], [sflag:$0xA], $0x20, s11, s13, $0xb8;
	[tilespmem:$0x16D00] =	vst v63  }
0x83: {  	_ =	swait.ge [sflag:s0], $0xFA0  }
0x84: {  	[sflag:s0] =	ssyncset.done $0x0  }
0x85: {  	s11 =	sadd.s32 $0x2900, s5;
	[sflag:s0] =	ssyncadd.s32 $0xFFFFF060  }
0x86: {  	[spmem:s2] =	stream.indirect.scatter.add.f32 [tilespmem:s18], [sflag:$0xB], $0x20, s11, s13, $0xb8;
	[tilespmem:$0x16D00] =	vst v63  }
0x87: {  	_ =	swait.ge [sflag:s10], $0xFA0  }
0x88: {  	[sflag:s10] =	ssyncset.done $0x0  }
0x89: {  	s11 =	sadd.s32 $0x2980, s5;
	[sflag:s10] =	ssyncadd.s32 $0xFFFFF060  }
0x8a: {  	[spmem:s2] =	stream.indirect.scatter.add.f32 [tilespmem:s20], [sflag:$0xC], $0x20, s11, s13, $0xb8;
	[tilespmem:$0x16D00] =	vst v63  }
0x8b: {  	_ =	swait.ge [sflag:s12], $0xFA0  }
0x8c: {  	[sflag:s12] =	ssyncset.done $0x0  }
0x8d: {  	s11 =	sadd.s32 $0x2A00, s5;
	[sflag:s12] =	ssyncadd.s32 $0xFFFFF060  }
0x8e: {  	[spmem:s2] =	stream.indirect.scatter.add.f32 [tilespmem:s22], [sflag:$0xD], $0x20, s11, s13, $0xb8;
	[tilespmem:$0x16D00] =	vst v63  }
0x8f: {  	_ =	swait.ge [sflag:s15], $0xFA0  }
0x90: {  	[sflag:s15] =	ssyncset.done $0x0  }
0x91: {  	s11 =	sadd.s32 $0x2A80, s5;
	[sflag:s15] =	ssyncadd.s32 $0xFFFFF060  }
0x92: {  	[spmem:s2] =	stream.indirect.scatter.add.f32 [tilespmem:s24], [sflag:$0xE], $0x20, s11, s13, $0xb8;
	[tilespmem:$0x16D00] =	vst v63  }
0x93: {  	_ =	swait.ge [sflag:s17], $0xFA0  }
0x94: {  	[sflag:s17] =	ssyncset.done $0x0  }
0x95: {  	s11 =	sadd.s32 $0x2B00, s5;
	[sflag:s17] =	ssyncadd.s32 $0xFFFFF060  }
0x96: {  	[spmem:s2] =	stream.indirect.scatter.add.f32 [tilespmem:s26], [sflag:$0xF], $0x20, s11, s13, $0xb8;
	[tilespmem:$0x16D00] =	vst v63  }
0x97: {  	_ =	swait.ge [sflag:s1], $0xFA0  }
0x98: {  	[sflag:s1] =	ssyncset.done $0x0  }
0x99: {  	s11 =	sadd.s32 $0x2B80, s5;
	[sflag:s1] =	ssyncadd.s32 $0xFFFFF060  }
0x9a: {  	[spmem:s2] =	stream.indirect.scatter.add.f32 [tilespmem:s29], [sflag:$0x10], $0x20, s11, s13, $0xb8;
	[tilespmem:$0x16D00] =	vst v63  }
0x9b: {  	_ =	swait.ge [sflag:s19], $0xFA0  }
0x9c: {  	[sflag:s19] =	ssyncset.done $0x0  }
0x9d: {  	s11 =	sadd.s32 $0x400, s5;
	[sflag:s19] =	ssyncadd.s32 $0xFFFFF060  }
0x9e: {  	[tilespmem:s14], [sflag:$0x1] =	stream.indirect.gather [hbm4b:s4+s13], $0x20, s11, s13, $0xb8;
	[tilespmem:$0x16D00] =	vst v63  }
0x9f: {  	_ =	swait.ge [sflag:s21], $0xFA0  }
0xa0: {  	[sflag:s21] =	ssyncset.done $0x0  }
0xa1: {  	s11 =	sadd.s32 $0x480, s5;
	[sflag:s21] =	ssyncadd.s32 $0xFFFFF060  }
0xa2: {  	[tilespmem:s16], [sflag:$0x2] =	stream.indirect.gather [hbm4b:s4+s13], $0x20, s11, s13, $0xb8;
	[tilespmem:$0x16D00] =	vst v63  }
0xa3: {  	_ =	swait.ge [sflag:s23], $0xFA0  }
0xa4: {  	[sflag:s23] =	ssyncset.done $0x0  }
0xa5: {  	s11 =	sadd.s32 $0x500, s5;
	[sflag:s23] =	ssyncadd.s32 $0xFFFFF060  }
0xa6: {  	[tilespmem:s18], [sflag:$0x3] =	stream.indirect.gather [hbm4b:s4+s13], $0x20, s11, s13, $0xb8;
	[tilespmem:$0x16D00] =	vst v63  }
0xa7: {  	_ =	swait.ge [sflag:s25], $0xFA0  }
0xa8: {  	[sflag:s25] =	ssyncset.done $0x0  }
0xa9: {  	s11 =	sadd.s32 $0x580, s5;
	[sflag:s25] =	ssyncadd.s32 $0xFFFFF060  }
0xaa: {  	[tilespmem:s20], [sflag:$0x4] =	stream.indirect.gather [hbm4b:s4+s13], $0x20, s11, s13, $0xb8;
	[tilespmem:$0x16D00] =	vst v63  }
0xab: {  	_ =	swait.ge [sflag:s28], $0xFA0  }
0xac: {  	[sflag:s28] =	ssyncset.done $0x0  }
0xad: {  	s11 =	sadd.s32 $0x600, s5;
	[sflag:s28] =	ssyncadd.s32 $0xFFFFF060  }
0xae: {  	[tilespmem:s22], [sflag:$0x5] =	stream.indirect.gather [hbm4b:s4+s13], $0x20, s11, s13, $0xb8;
	[tilespmem:$0x16D00] =	vst v63  }
0xaf: {  	_ =	swait.ge [sflag:s6], $0xFA0  }
0xb0: {  	[sflag:s6] =	ssyncset.done $0x0  }
0xb1: {  	s11 =	sadd.s32 $0x680, s5;
	[sflag:s6] =	ssyncadd.s32 $0xFFFFF060  }
0xb2: {  	[tilespmem:s24], [sflag:$0x6] =	stream.indirect.gather [hbm4b:s4+s13], $0x20, s11, s13, $0xb8;
	[tilespmem:$0x16D00] =	vst v63  }
0xb3: {  	_ =	swait.ge [sflag:s7], $0xFA0  }
0xb4: {  	[sflag:s7] =	ssyncset.done $0x0  }
.Ltmp1:
0xb5: {  	s11 =	sadd.s32 $0x700, s5;
	[sflag:s7] =	ssyncadd.s32 $0xFFFFF060;
	(pc) =	sbr.rel @p0 .LBB2_4-.Ltmp1, $4  }
0xb6: {  	[tilespmem:s26], [sflag:$0x7] =	stream.indirect.gather [hbm4b:s4+s13], $0x20, s11, s13, $0xb8;
	[tilespmem:$0x16D00] =	vst v63  }
0xb7: {  	_ =	swait.ge [sflag:s8], $0xFA0  }
0xb8: {  	[sflag:s8] =	ssyncset.done $0x0  }
0xb9: {  	s5 =	sadd.s32 $0x780, s5;
	[sflag:s8] =	ssyncadd.s32 $0xFFFFF060  }
0xba: {  	[tilespmem:s29], [sflag:$0x8] =	stream.indirect.gather [hbm4b:s4+s13], $0x20, s5, s13, $0xb8;
	[tilespmem:$0x16D00] =	vst v63  }
0xbb: {  	_ =	swait.ge [sflag:s30], $0xFA0  }
0xbc: {  	[sflag:s30] =	ssyncset.done $0x0  }
0xbd: {  	s3 =	simm.s32 $0x4C00;
	[sflag:s30] =	ssyncadd.s32 $0xFFFFF060  }
0xbe: {  	[spmem:s2] =	stream.indirect.scatter.add.f32 [tilespmem:s14], [sflag:$0x9], $0x20, s3, s13, $0xb8;
	[tilespmem:$0x16D00] =	vst v63  }
0xbf: {  	_ =	swait.ge [sflag:s31], $0xFA0  }
0xc0: {  	[sflag:s31] =	ssyncset.done $0x0  }
0xc1: {  	s11 =	simm.s32 $0x4C80;
	[sflag:s31] =	ssyncadd.s32 $0xFFFFF060  }
0xc2: {  	[spmem:s2] =	stream.indirect.scatter.add.f32 [tilespmem:s16], [sflag:$0xA], $0x20, s11, s13, $0xb8;
	[tilespmem:$0x16D00] =	vst v63  }
0xc3: {  	_ =	swait.ge [sflag:s0], $0xFA0  }
0xc4: {  	[sflag:s0] =	ssyncset.done $0x0  }
0xc5: {  	s5 =	simm.s32 $0x4D00;
	[sflag:s0] =	ssyncadd.s32 $0xFFFFF060  }
0xc6: {  	[spmem:s2] =	stream.indirect.scatter.add.f32 [tilespmem:s18], [sflag:$0xB], $0x20, s5, s13, $0xb8;
	[tilespmem:$0x16D00] =	vst v63  }
0xc7: {  	_ =	swait.ge [sflag:s10], $0xFA0  }
0xc8: {  	[sflag:s10] =	ssyncset.done $0x0  }
0xc9: {  	s9 =	simm.s32 $0x4D80;
	[sflag:s10] =	ssyncadd.s32 $0xFFFFF060  }
0xca: {  	[spmem:s2] =	stream.indirect.scatter.add.f32 [tilespmem:s20], [sflag:$0xC], $0x20, s9, s13, $0xb8;
	[tilespmem:$0x16D00] =	vst v63  }
0xcb: {  	_ =	swait.ge [sflag:s12], $0xFA0  }
0xcc: {  	[sflag:s12] =	ssyncset.done $0x0  }
0xcd: {  	s11 =	simm.s32 $0x4E00;
	[sflag:s12] =	ssyncadd.s32 $0xFFFFF060  }
0xce: {  	[spmem:s2] =	stream.indirect.scatter.add.f32 [tilespmem:s22], [sflag:$0xD], $0x20, s11, s13, $0xb8;
	[tilespmem:$0x16D00] =	vst v63  }
0xcf: {  	_ =	swait.ge [sflag:s15], $0xFA0  }
0xd0: {  	[sflag:s15] =	ssyncset.done $0x0  }
0xd1: {  	s5 =	simm.s32 $0x4E80;
	[sflag:s15] =	ssyncadd.s32 $0xFFFFF060  }
0xd2: {  	[spmem:s2] =	stream.indirect.scatter.add.f32 [tilespmem:s24], [sflag:$0xE], $0x20, s5, s13, $0xb8;
	[tilespmem:$0x16D00] =	vst v63  }
0xd3: {  	_ =	swait.ge [sflag:s17], $0xFA0  }
0xd4: {  	[sflag:s17] =	ssyncset.done $0x0  }
0xd5: {  	s9 =	simm.s32 $0x4F00;
	[sflag:s17] =	ssyncadd.s32 $0xFFFFF060  }
0xd6: {  	[spmem:s2] =	stream.indirect.scatter.add.f32 [tilespmem:s26], [sflag:$0xF], $0x20, s9, s13, $0xb8;
	[tilespmem:$0x16D00] =	vst v63  }
0xd7: {  	_ =	swait.ge [sflag:s1], $0xFA0  }
0xd8: {  	[sflag:s1] =	ssyncset.done $0x0  }
0xd9: {  	s11 =	simm.s32 $0x4F80;
	[sflag:s1] =	ssyncadd.s32 $0xFFFFF060  }
0xda: {  	[spmem:s2] =	stream.indirect.scatter.add.f32 [tilespmem:s29], [sflag:$0x10], $0x20, s11, s13, $0xb8;
	[tilespmem:$0x16D00] =	vst v63  }
0xdb: {  	_ =	swait.ge [sflag:s19], $0xFA0  }
0xdc: {  	[sflag:s19] =	ssyncset.done $0x0  }
0xdd: {  	[sflag:s19] =	ssyncadd.s32 $0xFFFFF060  }
0xde: {  	_ =	swait.ge [sflag:s21], $0xFA0  }
0xdf: {  	[sflag:s21] =	ssyncset.done $0x0  }
0xe0: {  	[sflag:s21] =	ssyncadd.s32 $0xFFFFF060  }
0xe1: {  	_ =	swait.ge [sflag:s23], $0xFA0  }
0xe2: {  	[sflag:s23] =	ssyncset.done $0x0  }
0xe3: {  	[sflag:s23] =	ssyncadd.s32 $0xFFFFF060  }
0xe4: {  	_ =	swait.ge [sflag:s25], $0xFA0  }
0xe5: {  	[sflag:s25] =	ssyncset.done $0x0  }
0xe6: {  	[sflag:s25] =	ssyncadd.s32 $0xFFFFF060  }
0xe7: {  	_ =	swait.ge [sflag:s28], $0xFA0  }
0xe8: {  	[sflag:s28] =	ssyncset.done $0x0  }
0xe9: {  	[sflag:s28] =	ssyncadd.s32 $0xFFFFF060  }
0xea: {  	_ =	swait.ge [sflag:s6], $0xFA0  }
0xeb: {  	[sflag:s6] =	ssyncset.done $0x0  }
0xec: {  	[sflag:s6] =	ssyncadd.s32 $0xFFFFF060  }
0xed: {  	_ =	swait.ge [sflag:s7], $0xFA0  }
0xee: {  	[sflag:s7] =	ssyncset.done $0x0  }
0xef: {  	[sflag:s7] =	ssyncadd.s32 $0xFFFFF060  }
0xf0: {  	_ =	swait.ge [sflag:s8], $0xFA0  }
0xf1: {  	[sflag:s8] =	ssyncset.done $0x0  }
0xf2: {  	[sflag:s8] =	ssyncadd.s32 $0xFFFFF060  }
0xf3: {  	s3 =	stileid.u32;
	[bflag:$0x0] =	sbarrier.arrive $0xFFFF  }
0xf4: {  	s5 =	sshll.u32 s3, $0x6;
	s9 =	rddreg [dreg:$0x3]  }
0xf5: {  	s5 =	sor.u32 $0x1C11, s5;
	s11 =	rddreg [dreg:$0x7];
	s9 =	sshrl.u32 s9, $0x3  }
0xf6: {  	[hbm:s11], [sflag:s5] =	dma.local [spmem:s9], $0xA00  }
0xf7: {  	s9 =	simm.s32 $0x11  }
0xf8: {  	_ =	swait.ge [sflag:s9], $0xA00  }
0xf9: {  	s5 =	rddreg [dreg:$0x8]  }
0xfa: {  	s11 =	rddreg [dreg:$0x6];
	s3 =	sadd.s32 $0x1, s5  }
0xfb: {  	p0 =	sne.s32 s3, s11  }
.Ltmp2:
0xfc: {  	_ = 	snop;
	(pc) =	sbr.rel @p0 .LBB2_1-.Ltmp2, $3  }
0xfd: {  	_ =	sdelay $0x1  }
0xfe: {  	[sflag:s9] =	ssyncset.done $0x0  }
0xff: {  	[sflag:s9] =	ssyncadd.s32 $0xFFFFF600  }
0x100: {  	_ =	sfence.sel $0x180000  }
0x101: {  	[bflag:$0x0] =	sbarrier.arrive $0xFFFF  }
0x102: {  	_ =	strace $0x9000004A  }
0x103: {  	s0 =	stileid.u32;
	[bflag:$0x2] =	sbarrier.arrive $0xFFFF  }
0x104: {  	p0 =	sne.s32 s0, $0x0;
	s0 =	rddreg [dreg:$0x2]  }
0x105: {  	s0 =	sadd.s32 @!p0 $0x100000, s0  }
0x106: {  	[sflag:s0] =	ssyncadd.tile.s32 @!p0 $0x1;
	_ =	shalt  }
.Lfunc_end2:
_tile_overlayer_lowered:
.L_overlay_start_2:
0x107: {  	(tag) =	ssettag $0x2  }
0x108: {  	s0 =	rddreg [dreg:$0x0];
	s2 =	stileid.u32  }
0x109: {  	s1 =	rddreg [dreg:$0x1];
	p0 =	sne.s32 s2, $0x0  }
0x10a: {  	s3 =	rddreg [dreg:$0x2];
	[bflag:$0x3] =	sbarrier.arrive $0xFFFF;
	s2 =	simm.s32 @!p0 $0x1C11  }
0x10b: {  	[timem:s3], [sflag:s2] =	dma.local @!p0 [hbm:s0], s1  }
0x10c: {  	s0 =	simm.s32 @!p0 $0x11  }
0x10d: {  	_ =	swait.ge @!p0 [sflag:s0], s1  }
0x10e: {  	s1 =	ssub.s32 @!p0 $0x0, s1;
	[sflag:s0] =	ssyncset.done @!p0 $0x0  }
0x10f: {  	[sflag:s0] =	ssyncadd.s32 @!p0 s1  }
0x110: {  	[bflag:$0x3] =	sbarrier.arrive $0xFFFF  }
0x111: {  	_ =	shalt  }

// kernel: kernel.15.cloned.1.call-start
scs
__scs_entry_jumppad:
0x0: {  	(pc) =	sbr.rel $0x88, $3  }
0x1: {  	(tag) =	ssettag $0x0;
	lr =	simm.s32 $0x1  }
0x2: {  	[smem:$0x3F99] =	sst lr;
	_ =	strace $0xD0000000  }
0x3: {  	_ = 	snop  }
0x4: {  	_ = 	snop  }
0x5: {  	_ = 	snop  }
0x6: {  	_ = 	snop  }
0x7: {  	_ = 	snop  }
__scs_overlays_trampoline_lowered:
0x8: {  	[smem:$0x3FA8] =	sst s0  }
0x9: {  	[smem:$0x3FA9] =	sst s1  }
0xa: {  	[smem:$0x3FAA] =	sst s2  }
0xb: {  	[smem:$0x3FAB] =	sst s3  }
0xc: {  	[smem:$0x3FAC] =	sst s4  }
0xd: {  	[smem:$0x3FAD] =	sst s5  }
0xe: {  	[smem:$0x3FAE] =	sst s6  }
0xf: {  	[smem:$0x3FAF] =	sst s7  }
0x10: {  	[smem:$0x3FB0] =	sst s8  }
0x11: {  	[smem:$0x3FB1] =	sst s9;
	s0 =	simm.s32 @!p0 $0x0  }
0x12: {  	s1 =	sld [smem:$0x3F97];
	s0 =	simm.s32 @p0 $0x1  }
0x13: {  	[smem:$0x3FB2] =	sst s0;
	s0 =	simm.s32 @!p1 $0x0  }
0x14: {  	s2 =	sld [smem:$0x3F96];
	s0 =	simm.s32 @p1 $0x1  }
0x15: {  	[smem:$0x3FB3] =	sst s0;
	s0 =	simm.s32 @!p2 $0x0  }
0x16: {  	s3 =	sld [smem:$0x3FDB];
	s0 =	simm.s32 @p2 $0x1  }
0x17: {  	s4 =	simm.s32 $0x1BF5;
	[smem:$0x3FB5] =	sst s0  }
0x18: {  	s0 =	sld [smem:$0x3F98];
	_ =	swait.ge [sflag:s4], $0x0  }
0x19: {  	s7 =	sld [smem:$0x3F99]  }
0x1a: {  	s8 =	sadd.s32 $0xFFFFE003, lr  }
0x1b: {  	s9 =	sadd.s32 $0xFFFFFEF7, lr;
	s5 =	simm.s32 $0xFFFFFFFF;
	p2 =	slt.u32 s8, $0xFFFFF086  }
0x1c: {  	p1 =	slt.u32 s9, $0xF7A;
	s5 =	simm.s32 @!p2 $0x0  }
0x1d: {  	s5 =	simm.s32 @p1 $0x1;
	p0 =	seq.s32 s7, s2  }
0x1e: {  	s7 =	smul.u32 @!p0 $0xF7A, s2;
	p2 =	seq.s32 @!p0 s5, $0x0  }
0x1f: {  	s9 =	smul.u32 $0xF7A, s1;
	s8 =	simm.s32 @!p0 $0x1BF5;
	p2 =	por !p2, p0  }
0x20: {  	[sflag:s8] =	ssyncset.s32 @!p0 $0xFFFFF086;
	s6 =	sadd.s32 @!p0 s3, s7;
	s7 =	simm.s32 @!p0 $0x108  }
0x21: {  	s3 =	sadd.s32 s3, s9;
	s6 =	sadd.s32 @!p0 $0x88, s6;
	s7 =	simm.s32 @p2 $0x1082  }
0x22: {  	[simem:s7], [sflag:s8] =	dma.local @!p0 [hbm:s6], $0xF7A  }
0x23: {  	s9 =	sor.u32 $0xD0000000, s2;
	s6 =	simm.s32 $0x108;
	_ =	swait.ge @!p0 [sflag:s8], $0x0  }
0x24: {  	s3 =	sadd.s32 $0x88, s3;
	s6 =	simm.s32 @!p1 $0x1082;
	[sflag:s4] =	ssyncset.s32 $0xFFFFF086  }
0x25: {  	[simem:s6], [sflag:s4] =	dma.local [hbm:s3], $0xF7A  }
0x26: {  	[smem:$0x3F99] =	sst s1;
	(tag) =	ssettag s2;
	_ =	strace s9  }
0x27: {  	s1 =	sld [smem:$0x3FA9]  }
0x28: {  	s2 =	sld [smem:$0x3FAA]  }
0x29: {  	s4 =	sld [smem:$0x3FAC]  }
0x2a: {  	p0 =	seq.s32 s5, $0x0;
	s5 =	sld [smem:$0x3FAD]  }
0x2b: {  	s6 =	sld [smem:$0x3FAE]  }
0x2c: {  	s7 =	sld [smem:$0x3FAF]  }
0x2d: {  	s3 =	simm.s32 $0x108;
	s8 =	sld [smem:$0x3FB0]  }
0x2e: {  	s3 =	simm.s32 @!p0 $0x1082;
	s9 =	sld [smem:$0x3FB1]  }
0x2f: {  	lr =	sadd.s32 s0, s3;
	s0 =	sld [smem:$0x3FA8]  }
0x30: {  	s3 =	sld [smem:$0x3FAB]  }
0x31: {  	[smem:$0x3FB4] =	sst s10  }
0x32: {  	s10 =	sld [smem:$0x3FB2];
	_ =	sdelay $0x3  }
0x33: {  	p0 =	seq.s32 s10, $0x1;
	s10 =	sld [smem:$0x3FB4];
	_ =	sdelay $0x3  }
0x34: {  	[smem:$0x3FB4] =	sst s10  }
0x35: {  	s10 =	sld [smem:$0x3FB3];
	_ =	sdelay $0x3  }
0x36: {  	p1 =	seq.s32 s10, $0x1;
	s10 =	sld [smem:$0x3FB4];
	_ =	sdelay $0x3  }
0x37: {  	[smem:$0x3FB4] =	sst s10  }
0x38: {  	s10 =	sld [smem:$0x3FB5]  }
0x39: {  	_ = 	snop;
	(pc) =	sbr.ind lr, $3  }
0x3a: {  	_ = 	snop  }
0x3b: {  	_ = 	snop  }
0x3c: {  	p2 =	seq.s32 s10, $0x1;
	s10 =	sld [smem:$0x3FB4]  }
0x3d: {  	_ =	shalt  }
0x3e: {  	_ =	shalt  }
0x3f: {  	_ =	shalt  }
0x40: {  	_ =	shalt  }
0x41: {  	_ =	shalt  }
0x42: {  	_ =	shalt  }
0x43: {  	_ =	shalt  }
0x44: {  	_ =	shalt  }
0x45: {  	_ =	shalt  }
0x46: {  	_ =	shalt  }
0x47: {  	_ =	shalt  }
0x48: {  	_ =	shalt  }
0x49: {  	_ =	shalt  }
0x4a: {  	_ =	shalt  }
0x4b: {  	_ =	shalt  }
0x4c: {  	_ =	shalt  }
0x4d: {  	_ =	shalt  }
0x4e: {  	_ =	shalt  }
0x4f: {  	_ =	shalt  }
0x50: {  	_ =	shalt  }
0x51: {  	_ =	shalt  }
0x52: {  	_ =	shalt  }
0x53: {  	_ =	shalt  }
0x54: {  	_ =	shalt  }
0x55: {  	_ =	shalt  }
0x56: {  	_ =	shalt  }
0x57: {  	_ =	shalt  }
0x58: {  	_ =	shalt  }
0x59: {  	_ =	shalt  }
0x5a: {  	_ =	shalt  }
0x5b: {  	_ =	shalt  }
0x5c: {  	_ =	shalt  }
0x5d: {  	_ =	shalt  }
0x5e: {  	_ =	shalt  }
0x5f: {  	_ =	shalt  }
0x60: {  	_ =	shalt  }
0x61: {  	_ =	shalt  }
0x62: {  	_ =	shalt  }
0x63: {  	_ =	shalt  }
0x64: {  	_ =	shalt  }
0x65: {  	_ =	shalt  }
0x66: {  	_ =	shalt  }
0x67: {  	_ =	shalt  }
0x68: {  	_ =	shalt  }
0x69: {  	_ =	shalt  }
0x6a: {  	_ =	shalt  }
0x6b: {  	_ =	shalt  }
0x6c: {  	_ =	shalt  }
0x6d: {  	_ =	shalt  }
0x6e: {  	_ =	shalt  }
0x6f: {  	_ =	shalt  }
0x70: {  	_ =	shalt  }
0x71: {  	_ =	shalt  }
0x72: {  	_ =	shalt  }
0x73: {  	_ =	shalt  }
0x74: {  	_ =	shalt  }
0x75: {  	_ =	shalt  }
0x76: {  	_ =	shalt  }
0x77: {  	_ =	shalt  }
0x78: {  	_ =	shalt  }
0x79: {  	_ =	shalt  }
0x7a: {  	_ =	shalt  }
0x7b: {  	_ =	shalt  }
0x7c: {  	_ =	shalt  }
0x7d: {  	_ =	shalt  }
0x7e: {  	_ =	shalt  }
0x7f: {  	_ =	shalt  }
0x80: {  	_ =	shalt  }
0x81: {  	_ =	shalt  }
0x82: {  	_ =	shalt  }
0x83: {  	_ =	shalt  }
0x84: {  	_ =	shalt  }
0x85: {  	_ =	shalt  }
0x86: {  	_ =	shalt  }
0x87: {  	_ =	shalt  }
.Lfunc_end0:
.L_simem_size_0:
called_computation.2_lowered:
.L_overlay_start_0:
0x88: {  	s2 =	sld [smem:$0x3FD9]  }
0x89: {  	s3 =	sld [smem:$0x3FFE];
	_ =	sdelay $0x1  }
0x8a: {  	s1 =	srdreg.scid  }
0x8b: {  	s0 =	sand.u32 $0x1, s1  }
0x8c: {  	s16 =	sshll.u32 s0, $0xA;
	s2 =	sadd.s32 s3, s2  }
0x8d: {  	s2 =	sadd.s32 s2, s16  }
0x8e: {  	[smem:$0x3FC0] =	sst s2  }
0x8f: {  	_ = 	snop  }
0x90: {  	(tm) =	ssettm $0x1  }
0x91: {  	s17 =	sld [smem:$0x3FFB];
	_ =	sdelay $0x3  }
0x92: {  	_ =	strace s17  }
0x93: {  	s2 =	sld [smem:$0x3FFC];
	_ =	sdelay $0x3  }
0x94: {  	_ =	strace s2  }
0x95: {  	s2 =	sld [smem:$0x3FFD];
	_ =	sdelay $0x3  }
0x96: {  	_ =	strace s2  }
0x97: {  	_ =	strace $0x8FFFFFFF  }
0x98: {  	s18 =	sld [smem:$0x3FDB];
	_ =	sdelay $0x1  }
0x99: {  	s19 =	simm.s32 $_scs_section_size  }
0x9a: {  	s4 =	simm.s32 $_size__tile_overlayer_lowered;
	s5 =	simm.s32 $_tile_overlayer_lowered  }
0x9b: {  	s22 =	simm.s32 $0x1BFF;
	s21 =	sshll.u32 s5, $0x1;
	s2 =	sadd.s32 s19, s18  }
0x9c: {  	s6 =	simm.s32 $0x0;
	s20 =	sshll.u32 s4, $0x1;
	s4 =	sadd.s32 s21, s2  }
0x9d: {  	[timem:s6], [sflag:s22] =	dma.local [hbm:s4], s20  }
0x9e: {  	_ =	swait.ge [sflag:s22], s20  }
0x9f: {  	s3 =	ssub.s32 $0x0, s20;
	[sflag:s22] =	ssyncset.done $0x0  }
0xa0: {  	[sflag:s22] =	ssyncadd.s32 s3;
	_ =	sdelay $0x1  }
0xa1: {  	s23 =	simm.s32 $0x1B8B  }
0xa2: {  	_ =	swait.ge [sflag:s23], $0x1  }
0xa3: {  	[sflag:s23] =	ssyncset.done $0x0  }
0xa4: {  	s25 =	simm.s32 $0x1B8E;
	s24 =	sld [smem:$0x3FFE];
	[sflag:s23] =	ssyncadd.s32 $0xFFFFFFFF  }
0xa5: {  	s26 =	simm.s32 $execute0_lowered;
	[smem:$0x3FD2] =	sst s25  }
0xa6: {  	s4 =	sshll.u32 s26, $0x1;
	_ =	strace $0x8000004C;
	[dreg:$0x1] =	wrdreg $0xFFFFFFFF  }
0xa7: {  	s28 =	simm.s32 $_size_execute0_lowered;
	s2 =	sadd.s32 s2, s4;
	[dreg:$0x0] =	wrdreg $0x0  }
0xa8: {  	s4 =	sshll.u32 s28, $0x1;
	[dreg:$0x2] =	wrdreg s2  }
0xa9: {  	[dreg:$0x3] =	wrdreg s4  }
0xaa: {  	[dreg:$0x4] =	wrdreg $0xC0  }
0xab: {  	_ =	task [dreg:s6], $0x5FFFF  }
0xac: {  	[dreg:$0x1] =	wrdreg $0xFFFFFFFF  }
0xad: {  	[dreg:$0x0] =	wrdreg $0x60  }
0xae: {  	[dreg:$0x2] =	wrdreg s24  }
0xaf: {  	[dreg:$0x3] =	wrdreg $0xB6800  }
0xb0: {  	[dreg:$0x4] =	wrdreg $0x9  }
0xb1: {  	_ =	task.clear_ibuf [dreg:s6], $0x5FFFF;
	_ =	strace $0x9000004C  }
0xb2: {  	s29 =	simm.s32 $0x9;
	_ =	strace $0x8000004E  }
0xb3: {  	_ =	swait.ge [sflag:s29], $0x1  }
0xb4: {  	[sflag:s29] =	ssyncadd.s32 $0xFFFFFFFF  }
0xb5: {  	_ =	strace $0x9000004E  }
0xb6: {  	_ =	sfence  }
0xb7: {  	s30 =	sld [smem:$0x0];
	_ =	sdelay $0x2  }
0xb8: {  	s31 =	sshll.u32 s1, $0xD;
	s1 =	sshrl.u32 s1, $0x2  }
0xb9: {  	s3 =	sand.u32 $0x4000, s31;
	s1 =	sadd.s32 s1, s30  }
0xba: {  	s0 =	sor.u32 s3, s0;
	s1 =	sshll.u32 s1, $0x11  }
0xbb: {  	s0 =	sor.u32 s1, s0  }
0xbc: {  	s0 =	sadd.s32 $0x8F2B, s0  }
0xbd: {  	[sflag:s0] =	ssyncadd.remote.s32 $0x1  }
0xbe: {  	_ =	sfence.sel $0xFFFF  }
0xbf: {  	[dreg:$0x0] =	wrdreg $0xFFFFFFFF;
	(pc) =	sbr.abs _section_cstart, $3  }
0xc0: {  	[dreg:$0x1] =	wrdreg $0xFFFFFFFF  }
0xc1: {  	_ =	task.clear_ibuf [dreg:s6], $0x2FFFF;
	_ =	strace $0x9FFFFFFF  }
0xc2: {  	(tm) =	ssettm $0x7FFFFFFF  }
0xc3: {  	_ =	shalt  }
tec
execute0_lowered:
.L_overlay_start_1:
0x0: {  	(tag) =	ssettag $0x1  }
0x1: {  	s0 =	srdreg.scid;
	s1 =	rddreg [dreg:$0x0]  }
0x2: {  	s2 =	rddreg [dreg:$0x1];
	s8 =	stileid.u32  }
0x3: {  	s3 =	simm.s32 $0x0;
	s13 =	simm.s32 $0x7D;
	s14 =	simm.s32 $0x5000  }
0x4: {  	s16 =	simm.s32 $0x57D0;
	s18 =	simm.s32 $0x5FA0;
	s20 =	simm.s32 $0x6770  }
0x5: {  	s22 =	simm.s32 $0x6F40;
	s29 =	simm.s32 $0x86B0;
	s30 =	simm.s32 $0x1  }
0x6: {  	s31 =	simm.s32 $0x2;
	s10 =	simm.s32 $0x4;
	s12 =	simm.s32 $0x5  }
0x7: {  	s15 =	simm.s32 $0x6;
	s17 =	simm.s32 $0x7;
	s19 =	simm.s32 $0x9  }
0x8: {  	s21 =	simm.s32 $0xA;
	s23 =	simm.s32 $0xB;
	s0 =	sand.u32 $0x1, s0  }
0x9: {  	s28 =	simm.s32 $0xD;
	[smem:$0x7FF] =	sst s3;
	s4 =	sshll.u32 s0, $0x4  }
0xa: {  	_ =	strace $0x8000004D;
	s6 =	ssub.s32 $0x2, s0;
	p0 =	seq.s32 s0, $0x1  }
0xb: {  	s0 =	simm.s32 $0x44000;
	s4 =	sor.u32 s8, s4;
	s8 =	smul.u32 $0x2800, s8  }
0xc: {  	s7 =	sshrl.u32 s6, $0x1;
	s0 =	simm.s32 @!p0 $0x49000;
	s5 =	smul.u32 $0x2800, s4  }
0xd: {  	s4 =	sadd.s32 $0x3F000, s1;
	s6 =	ssub.s32 s6, s7;
	s0 =	sadd.s32 s0, s1  }
0xe: {  	s7 =	simm.s32 $0xF;
	s11 =	sadd.s32 s8, s2;
	s25 =	sshrl.u32 s8, $0x3  }
0xf: {  	s26 =	smax.u32 s6, $0x1;
	s6 =	simm.s32 $0xE;
	s8 =	simm.s32 $0x10  }
0x10: {  	s5 =	sshrl.u32 s5, $0x3;
	[dreg:$0x6] =	wrdreg s26;
	s0 =	sadd.s32 s0, s25  }
0x11: {  	s26 =	simm.s32 $0x7EE0;
	[dreg:$0x3] =	wrdreg s11;
	s5 =	sadd.s32 s5, s1  }
0x12: {  	s25 =	simm.s32 $0xC;
	[dreg:$0x7] =	wrdreg s0;
	s24 =	sadd.s32 $0x3E00, s5  }
0x13: {  	s0 =	simm.s32 $0x3;
	s5 =	sadd.s32 $0xDE00, s5;
	[dreg:$0x4] =	wrdreg s24  }
0x14: {  	v0 =	vimm.f32 $0.0e+00;
	s1 =	simm.s32 $0x8;
	[dreg:$0x5] =	wrdreg s5;
	s24 =	simm.s32 $0x7710  }
.LBB2_1:
0x15: {  	s5 =	simm.s32 $0x40;
	s9 =	simm.s32 $0x0  }
.LBB2_2:
0x16: {  	p0 =	sne.s32 s5, $0x9FC0;
	[tilespmem:s9+$0x8E80] =	vst v0;
	s9 =	smov.u32 s5;
	s5 =	sadd.s32 $0x40, s5  }
.Ltmp0:
0x17: {  	(pc) =	sbr.rel @p0 .LBB2_2-.Ltmp0, $2  }
0x18: {  	_ =	sdelay $0x2  }
0x19: {  	s9 =	sshra.s32 s9, $0x2  }
0x1a: {  	[dreg:$0x8] =	wrdreg s3;
	[tilespmem:s9+$0x8E80] =	vst v0;
	s9 =	simm.s32 $0x8E80;
	s3 =	simm.s32 $0x11  }
0x1b: {  	[spmem:s11] =	stream.linear.scatter [tilespmem:s9], [sflag:$0x11], $0x2800, $0x38;
	[tilespmem:$0xDE80] =	vst v63  }
0x1c: {  	_ =	swait.ge [sflag:s3], $0x2800  }
0x1d: {  	[sflag:s3] =	ssyncset.done $0x0  }
0x1e: {  	[sflag:s3] =	ssyncadd.s32 $0xFFFFD800  }
0x1f: {  	[bflag:$0x0] =	sbarrier.arrive $0xFFFF  }
0x20: {  	s5 =	simm.s32 $0x0;
	s11 =	rddreg [dreg:$0x4]  }
0x21: {  	[tilespmem:s5], [sflag:$0x11] =	stream.linear.gather [hbm4b:s11+s5], $0x2800, $0x38;
	[tilespmem:$0xDE80] =	vst v63  }
0x22: {  	_ =	swait.ge [sflag:s3], $0x2800  }
0x23: {  	[sflag:s3] =	ssyncset.done $0x0  }
0x24: {  	s11 =	simm.s32 $0x2800;
	s9 =	rddreg [dreg:$0x5];
	[sflag:s3] =	ssyncadd.s32 $0xFFFFD800  }
0x25: {  	[tilespmem:s11], [sflag:$0x11] =	stream.linear.gather [hbm4b:s9+s5], $0x2800, $0x38;
	[tilespmem:$0xDE80] =	vst v63  }
0x26: {  	_ =	swait.ge [sflag:s3], $0x2800  }
0x27: {  	[sflag:s3] =	ssyncset.done $0x0  }
0x28: {  	[sflag:s3] =	ssyncadd.s32 $0xFFFFD800  }
0x29: {  	[tilespmem:s14], [sflag:$0x1] =	stream.indirect.gather [hbm4b:s4+s13], $0x10, s5, s13, $0xb8;
	[tilespmem:$0xDE80] =	vst v63  }
0x2a: {  	s11 =	simm.s32 $0x80  }
0x2b: {  	[tilespmem:s16], [sflag:$0x2] =	stream.indirect.gather [hbm4b:s4+s13], $0x10, s11, s13, $0xb8;
	[tilespmem:$0xDE80] =	vst v63  }
0x2c: {  	s5 =	simm.s32 $0x100  }
0x2d: {  	[tilespmem:s18], [sflag:$0x3] =	stream.indirect.gather [hbm4b:s4+s13], $0x10, s5, s13, $0xb8;
	[tilespmem:$0xDE80] =	vst v63  }
0x2e: {  	s9 =	simm.s32 $0x180  }
0x2f: {  	[tilespmem:s20], [sflag:$0x4] =	stream.indirect.gather [hbm4b:s4+s13], $0x10, s9, s13, $0xb8;
	[tilespmem:$0xDE80] =	vst v63  }
0x30: {  	s11 =	simm.s32 $0x200  }
0x31: {  	[tilespmem:s22], [sflag:$0x5] =	stream.indirect.gather [hbm4b:s4+s13], $0x10, s11, s13, $0xb8;
	[tilespmem:$0xDE80] =	vst v63  }
0x32: {  	s5 =	simm.s32 $0x280  }
0x33: {  	[tilespmem:s24], [sflag:$0x6] =	stream.indirect.gather [hbm4b:s4+s13], $0x10, s5, s13, $0xb8;
	[tilespmem:$0xDE80] =	vst v63  }
0x34: {  	s9 =	simm.s32 $0x300  }
0x35: {  	[tilespmem:s26], [sflag:$0x7] =	stream.indirect.gather [hbm4b:s4+s13], $0x10, s9, s13, $0xb8;
	[tilespmem:$0xDE80] =	vst v63  }
0x36: {  	s11 =	simm.s32 $0x380  }
0x37: {  	[tilespmem:s29], [sflag:$0x8] =	stream.indirect.gather [hbm4b:s4+s13], $0x10, s11, s13, $0xb8;
	[tilespmem:$0xDE80] =	vst v63  }
0x38: {  	_ =	swait.ge [sflag:s30], $0x7D0  }
0x39: {  	[sflag:s30] =	ssyncset.done $0x0  }
0x3a: {  	s3 =	simm.s32 $0x2800;
	[sflag:s30] =	ssyncadd.s32 $0xFFFFF830  }
0x3b: {  	[spmem:s2] =	stream.indirect.scatter.add.f32 [tilespmem:s14], [sflag:$0x9], $0x10, s3, s13, $0xb8;
	[tilespmem:$0xDE80] =	vst v63  }
0x3c: {  	_ =	swait.ge [sflag:s31], $0x7D0  }
0x3d: {  	[sflag:s31] =	ssyncset.done $0x0  }
0x3e: {  	s9 =	simm.s32 $0x2880;
	[sflag:s31] =	ssyncadd.s32 $0xFFFFF830  }
0x3f: {  	[spmem:s2] =	stream.indirect.scatter.add.f32 [tilespmem:s16], [sflag:$0xA], $0x10, s9, s13, $0xb8;
	[tilespmem:$0xDE80] =	vst v63  }
0x40: {  	_ =	swait.ge [sflag:s0], $0x7D0  }
0x41: {  	[sflag:s0] =	ssyncset.done $0x0  }
0x42: {  	s11 =	simm.s32 $0x2900;
	[sflag:s0] =	ssyncadd.s32 $0xFFFFF830  }
0x43: {  	[spmem:s2] =	stream.indirect.scatter.add.f32 [tilespmem:s18], [sflag:$0xB], $0x10, s11, s13, $0xb8;
	[tilespmem:$0xDE80] =	vst v63  }
0x44: {  	_ =	swait.ge [sflag:s10], $0x7D0  }
0x45: {  	[sflag:s10] =	ssyncset.done $0x0  }
0x46: {  	s3 =	simm.s32 $0x2980;
	[sflag:s10] =	ssyncadd.s32 $0xFFFFF830  }
0x47: {  	[spmem:s2] =	stream.indirect.scatter.add.f32 [tilespmem:s20], [sflag:$0xC], $0x10, s3, s13, $0xb8;
	[tilespmem:$0xDE80] =	vst v63  }
0x48: {  	_ =	swait.ge [sflag:s12], $0x7D0  }
0x49: {  	[sflag:s12] =	ssyncset.done $0x0  }
0x4a: {  	s9 =	simm.s32 $0x2A00;
	[sflag:s12] =	ssyncadd.s32 $0xFFFFF830  }
0x4b: {  	[spmem:s2] =	stream.indirect.scatter.add.f32 [tilespmem:s22], [sflag:$0xD], $0x10, s9, s13, $0xb8;
	[tilespmem:$0xDE80] =	vst v63  }
0x4c: {  	_ =	swait.ge [sflag:s15], $0x7D0  }
0x4d: {  	[sflag:s15] =	ssyncset.done $0x0  }
0x4e: {  	s11 =	simm.s32 $0x2A80;
	[sflag:s15] =	ssyncadd.s32 $0xFFFFF830  }
0x4f: {  	[spmem:s2] =	stream.indirect.scatter.add.f32 [tilespmem:s24], [sflag:$0xE], $0x10, s11, s13, $0xb8;
	[tilespmem:$0xDE80] =	vst v63  }
0x50: {  	_ =	swait.ge [sflag:s17], $0x7D0  }
0x51: {  	[sflag:s17] =	ssyncset.done $0x0  }
0x52: {  	s3 =	simm.s32 $0x2B00;
	[sflag:s17] =	ssyncadd.s32 $0xFFFFF830  }
0x53: {  	[spmem:s2] =	stream.indirect.scatter.add.f32 [tilespmem:s26], [sflag:$0xF], $0x10, s3, s13, $0xb8;
	[tilespmem:$0xDE80] =	vst v63  }
0x54: {  	_ =	swait.ge [sflag:s1], $0x7D0  }
0x55: {  	[sflag:s1] =	ssyncset.done $0x0  }
0x56: {  	s9 =	simm.s32 $0x2B80;
	[sflag:s1] =	ssyncadd.s32 $0xFFFFF830  }
0x57: {  	[spmem:s2] =	stream.indirect.scatter.add.f32 [tilespmem:s29], [sflag:$0x10], $0x10, s9, s13, $0xb8;
	[tilespmem:$0xDE80] =	vst v63  }
0x58: {  	_ =	swait.ge [sflag:s19], $0x7D0  }
0x59: {  	[sflag:s19] =	ssyncset.done $0x0  }
0x5a: {  	s11 =	simm.s32 $0x400;
	[sflag:s19] =	ssyncadd.s32 $0xFFFFF830  }
0x5b: {  	[tilespmem:s14], [sflag:$0x1] =	stream.indirect.gather [hbm4b:s4+s13], $0x10, s11, s13, $0xb8;
	[tilespmem:$0xDE80] =	vst v63  }
0x5c: {  	_ =	swait.ge [sflag:s21], $0x7D0  }
0x5d: {  	[sflag:s21] =	ssyncset.done $0x0  }
0x5e: {  	s3 =	simm.s32 $0x480;
	[sflag:s21] =	ssyncadd.s32 $0xFFFFF830  }
0x5f: {  	[tilespmem:s16], [sflag:$0x2] =	stream.indirect.gather [hbm4b:s4+s13], $0x10, s3, s13, $0xb8;
	[tilespmem:$0xDE80] =	vst v63  }
0x60: {  	_ =	swait.ge [sflag:s23], $0x7D0  }
0x61: {  	[sflag:s23] =	ssyncset.done $0x0  }
0x62: {  	s9 =	simm.s32 $0x500;
	[sflag:s23] =	ssyncadd.s32 $0xFFFFF830  }
0x63: {  	[tilespmem:s18], [sflag:$0x3] =	stream.indirect.gather [hbm4b:s4+s13], $0x10, s9, s13, $0xb8;
	[tilespmem:$0xDE80] =	vst v63  }
0x64: {  	_ =	swait.ge [sflag:s25], $0x7D0  }
0x65: {  	[sflag:s25] =	ssyncset.done $0x0  }
0x66: {  	s11 =	simm.s32 $0x580;
	[sflag:s25] =	ssyncadd.s32 $0xFFFFF830  }
0x67: {  	[tilespmem:s20], [sflag:$0x4] =	stream.indirect.gather [hbm4b:s4+s13], $0x10, s11, s13, $0xb8;
	[tilespmem:$0xDE80] =	vst v63  }
0x68: {  	_ =	swait.ge [sflag:s28], $0x7D0  }
0x69: {  	[sflag:s28] =	ssyncset.done $0x0  }
0x6a: {  	s3 =	simm.s32 $0x600;
	[sflag:s28] =	ssyncadd.s32 $0xFFFFF830  }
0x6b: {  	[tilespmem:s22], [sflag:$0x5] =	stream.indirect.gather [hbm4b:s4+s13], $0x10, s3, s13, $0xb8;
	[tilespmem:$0xDE80] =	vst v63  }
0x6c: {  	_ =	swait.ge [sflag:s6], $0x7D0  }
0x6d: {  	[sflag:s6] =	ssyncset.done $0x0  }
0x6e: {  	s9 =	simm.s32 $0x680;
	[sflag:s6] =	ssyncadd.s32 $0xFFFFF830  }
0x6f: {  	[tilespmem:s24], [sflag:$0x6] =	stream.indirect.gather [hbm4b:s4+s13], $0x10, s9, s13, $0xb8;
	[tilespmem:$0xDE80] =	vst v63  }
0x70: {  	_ =	swait.ge [sflag:s7], $0x7D0  }
0x71: {  	[sflag:s7] =	ssyncset.done $0x0  }
0x72: {  	s11 =	simm.s32 $0x700;
	[sflag:s7] =	ssyncadd.s32 $0xFFFFF830  }
0x73: {  	[tilespmem:s26], [sflag:$0x7] =	stream.indirect.gather [hbm4b:s4+s13], $0x10, s11, s13, $0xb8;
	[tilespmem:$0xDE80] =	vst v63  }
0x74: {  	_ =	swait.ge [sflag:s8], $0x7D0  }
0x75: {  	[sflag:s8] =	ssyncset.done $0x0  }
0x76: {  	s5 =	simm.s32 $0x780;
	s9 =	simm.s32 $0x1000;
	[sflag:s8] =	ssyncadd.s32 $0xFFFFF830  }
.LBB2_4:
0x77: {  	[tilespmem:s29], [sflag:$0x8] =	stream.indirect.gather [hbm4b:s4+s13], $0x10, s5, s13, $0xb8;
	[tilespmem:$0xDE80] =	vst v63  }
0x78: {  	s5 =	smov.u32 s9  }
0x79: {  	p0 =	sne.s32 s9, $0x8000;
	s9 =	sadd.s32 $0x1000, s9;
	_ =	swait.ge [sflag:s30], $0x7D0  }
0x7a: {  	s5 =	sshra.s32 s5, $0x2;
	[sflag:s30] =	ssyncset.done $0x0  }
0x7b: {  	s11 =	sadd.s32 $0x2800, s5;
	[sflag:s30] =	ssyncadd.s32 $0xFFFFF830  }
0x7c: {  	[spmem:s2] =	stream.indirect.scatter.add.f32 [tilespmem:s14], [sflag:$0x9], $0x10, s11, s13, $0xb8;
	[tilespmem:$0xDE80] =	vst v63  }
0x7d: {  	_ =	swait.ge [sflag:s31], $0x7D0  }
0x7e: {  	[sflag:s31] =	ssyncset.done $0x0  }
0x7f: {  	s11 =	sadd.s32 $0x2880, s5;
	[sflag:s31] =	ssyncadd.s32 $0xFFFFF830  }
0x80: {  	[spmem:s2] =	stream.indirect.scatter.add.f32 [tilespmem:s16], [sflag:$0xA], $0x10, s11, s13, $0xb8;
	[tilespmem:$0xDE80] =	vst v63  }
0x81: {  	_ =	swait.ge [sflag:s0], $0x7D0  }
0x82: {  	[sflag:s0] =	ssyncset.done $0x0  }
0x83: {  	s11 =	sadd.s32 $0x2900, s5;
	[sflag:s0] =	ssyncadd.s32 $0xFFFFF830  }
0x84: {  	[spmem:s2] =	stream.indirect.scatter.add.f32 [tilespmem:s18], [sflag:$0xB], $0x10, s11, s13, $0xb8;
	[tilespmem:$0xDE80] =	vst v63  }
0x85: {  	_ =	swait.ge [sflag:s10], $0x7D0  }
0x86: {  	[sflag:s10] =	ssyncset.done $0x0  }
0x87: {  	s11 =	sadd.s32 $0x2980, s5;
	[sflag:s10] =	ssyncadd.s32 $0xFFFFF830  }
0x88: {  	[spmem:s2] =	stream.indirect.scatter.add.f32 [tilespmem:s20], [sflag:$0xC], $0x10, s11, s13, $0xb8;
	[tilespmem:$0xDE80] =	vst v63  }
0x89: {  	_ =	swait.ge [sflag:s12], $0x7D0  }
0x8a: {  	[sflag:s12] =	ssyncset.done $0x0  }
0x8b: {  	s11 =	sadd.s32 $0x2A00, s5;
	[sflag:s12] =	ssyncadd.s32 $0xFFFFF830  }
0x8c: {  	[spmem:s2] =	stream.indirect.scatter.add.f32 [tilespmem:s22], [sflag:$0xD], $0x10, s11, s13, $0xb8;
	[tilespmem:$0xDE80] =	vst v63  }
0x8d: {  	_ =	swait.ge [sflag:s15], $0x7D0  }
0x8e: {  	[sflag:s15] =	ssyncset.done $0x0  }
0x8f: {  	s11 =	sadd.s32 $0x2A80, s5;
	[sflag:s15] =	ssyncadd.s32 $0xFFFFF830  }
0x90: {  	[spmem:s2] =	stream.indirect.scatter.add.f32 [tilespmem:s24], [sflag:$0xE], $0x10, s11, s13, $0xb8;
	[tilespmem:$0xDE80] =	vst v63  }
0x91: {  	_ =	swait.ge [sflag:s17], $0x7D0  }
0x92: {  	[sflag:s17] =	ssyncset.done $0x0  }
0x93: {  	s11 =	sadd.s32 $0x2B00, s5;
	[sflag:s17] =	ssyncadd.s32 $0xFFFFF830  }
0x94: {  	[spmem:s2] =	stream.indirect.scatter.add.f32 [tilespmem:s26], [sflag:$0xF], $0x10, s11, s13, $0xb8;
	[tilespmem:$0xDE80] =	vst v63  }
0x95: {  	_ =	swait.ge [sflag:s1], $0x7D0  }
0x96: {  	[sflag:s1] =	ssyncset.done $0x0  }
0x97: {  	s11 =	sadd.s32 $0x2B80, s5;
	[sflag:s1] =	ssyncadd.s32 $0xFFFFF830  }
0x98: {  	[spmem:s2] =	stream.indirect.scatter.add.f32 [tilespmem:s29], [sflag:$0x10], $0x10, s11, s13, $0xb8;
	[tilespmem:$0xDE80] =	vst v63  }
0x99: {  	_ =	swait.ge [sflag:s19], $0x7D0  }
0x9a: {  	[sflag:s19] =	ssyncset.done $0x0  }
0x9b: {  	s11 =	sadd.s32 $0x400, s5;
	[sflag:s19] =	ssyncadd.s32 $0xFFFFF830  }
0x9c: {  	[tilespmem:s14], [sflag:$0x1] =	stream.indirect.gather [hbm4b:s4+s13], $0x10, s11, s13, $0xb8;
	[tilespmem:$0xDE80] =	vst v63  }
0x9d: {  	_ =	swait.ge [sflag:s21], $0x7D0  }
0x9e: {  	[sflag:s21] =	ssyncset.done $0x0  }
0x9f: {  	s11 =	sadd.s32 $0x480, s5;
	[sflag:s21] =	ssyncadd.s32 $0xFFFFF830  }
0xa0: {  	[tilespmem:s16], [sflag:$0x2] =	stream.indirect.gather [hbm4b:s4+s13], $0x10, s11, s13, $0xb8;
	[tilespmem:$0xDE80] =	vst v63  }
0xa1: {  	_ =	swait.ge [sflag:s23], $0x7D0  }
0xa2: {  	[sflag:s23] =	ssyncset.done $0x0  }
0xa3: {  	s11 =	sadd.s32 $0x500, s5;
	[sflag:s23] =	ssyncadd.s32 $0xFFFFF830  }
0xa4: {  	[tilespmem:s18], [sflag:$0x3] =	stream.indirect.gather [hbm4b:s4+s13], $0x10, s11, s13, $0xb8;
	[tilespmem:$0xDE80] =	vst v63  }
0xa5: {  	_ =	swait.ge [sflag:s25], $0x7D0  }
0xa6: {  	[sflag:s25] =	ssyncset.done $0x0  }
0xa7: {  	s11 =	sadd.s32 $0x580, s5;
	[sflag:s25] =	ssyncadd.s32 $0xFFFFF830  }
0xa8: {  	[tilespmem:s20], [sflag:$0x4] =	stream.indirect.gather [hbm4b:s4+s13], $0x10, s11, s13, $0xb8;
	[tilespmem:$0xDE80] =	vst v63  }
0xa9: {  	_ =	swait.ge [sflag:s28], $0x7D0  }
0xaa: {  	[sflag:s28] =	ssyncset.done $0x0  }
0xab: {  	s11 =	sadd.s32 $0x600, s5;
	[sflag:s28] =	ssyncadd.s32 $0xFFFFF830  }
0xac: {  	[tilespmem:s22], [sflag:$0x5] =	stream.indirect.gather [hbm4b:s4+s13], $0x10, s11, s13, $0xb8;
	[tilespmem:$0xDE80] =	vst v63  }
0xad: {  	_ =	swait.ge [sflag:s6], $0x7D0  }
0xae: {  	[sflag:s6] =	ssyncset.done $0x0  }
0xaf: {  	s11 =	sadd.s32 $0x680, s5;
	[sflag:s6] =	ssyncadd.s32 $0xFFFFF830  }
0xb0: {  	[tilespmem:s24], [sflag:$0x6] =	stream.indirect.gather [hbm4b:s4+s13], $0x10, s11, s13, $0xb8;
	[tilespmem:$0xDE80] =	vst v63  }
0xb1: {  	_ =	swait.ge [sflag:s7], $0x7D0  }
0xb2: {  	[sflag:s7] =	ssyncset.done $0x0  }
.Ltmp1:
0xb3: {  	s11 =	sadd.s32 $0x700, s5;
	[sflag:s7] =	ssyncadd.s32 $0xFFFFF830;
	(pc) =	sbr.rel @p0 .LBB2_4-.Ltmp1, $4  }
0xb4: {  	[tilespmem:s26], [sflag:$0x7] =	stream.indirect.gather [hbm4b:s4+s13], $0x10, s11, s13, $0xb8;
	[tilespmem:$0xDE80] =	vst v63  }
0xb5: {  	_ =	swait.ge [sflag:s8], $0x7D0  }
0xb6: {  	[sflag:s8] =	ssyncset.done $0x0  }
0xb7: {  	s5 =	sadd.s32 $0x780, s5;
	[sflag:s8] =	ssyncadd.s32 $0xFFFFF830  }
0xb8: {  	[tilespmem:s29], [sflag:$0x8] =	stream.indirect.gather [hbm4b:s4+s13], $0x10, s5, s13, $0xb8;
	[tilespmem:$0xDE80] =	vst v63  }
0xb9: {  	_ =	swait.ge [sflag:s30], $0x7D0  }
0xba: {  	[sflag:s30] =	ssyncset.done $0x0  }
0xbb: {  	s3 =	simm.s32 $0x4C00;
	[sflag:s30] =	ssyncadd.s32 $0xFFFFF830  }
0xbc: {  	[spmem:s2] =	stream.indirect.scatter.add.f32 [tilespmem:s14], [sflag:$0x9], $0x10, s3, s13, $0xb8;
	[tilespmem:$0xDE80] =	vst v63  }
0xbd: {  	_ =	swait.ge [sflag:s31], $0x7D0  }
0xbe: {  	[sflag:s31] =	ssyncset.done $0x0  }
0xbf: {  	s11 =	simm.s32 $0x4C80;
	[sflag:s31] =	ssyncadd.s32 $0xFFFFF830  }
0xc0: {  	[spmem:s2] =	stream.indirect.scatter.add.f32 [tilespmem:s16], [sflag:$0xA], $0x10, s11, s13, $0xb8;
	[tilespmem:$0xDE80] =	vst v63  }
0xc1: {  	_ =	swait.ge [sflag:s0], $0x7D0  }
0xc2: {  	[sflag:s0] =	ssyncset.done $0x0  }
0xc3: {  	s5 =	simm.s32 $0x4D00;
	[sflag:s0] =	ssyncadd.s32 $0xFFFFF830  }
0xc4: {  	[spmem:s2] =	stream.indirect.scatter.add.f32 [tilespmem:s18], [sflag:$0xB], $0x10, s5, s13, $0xb8;
	[tilespmem:$0xDE80] =	vst v63  }
0xc5: {  	_ =	swait.ge [sflag:s10], $0x7D0  }
0xc6: {  	[sflag:s10] =	ssyncset.done $0x0  }
0xc7: {  	s9 =	simm.s32 $0x4D80;
	[sflag:s10] =	ssyncadd.s32 $0xFFFFF830  }
0xc8: {  	[spmem:s2] =	stream.indirect.scatter.add.f32 [tilespmem:s20], [sflag:$0xC], $0x10, s9, s13, $0xb8;
	[tilespmem:$0xDE80] =	vst v63  }
0xc9: {  	_ =	swait.ge [sflag:s12], $0x7D0  }
0xca: {  	[sflag:s12] =	ssyncset.done $0x0  }
0xcb: {  	s11 =	simm.s32 $0x4E00;
	[sflag:s12] =	ssyncadd.s32 $0xFFFFF830  }
0xcc: {  	[spmem:s2] =	stream.indirect.scatter.add.f32 [tilespmem:s22], [sflag:$0xD], $0x10, s11, s13, $0xb8;
	[tilespmem:$0xDE80] =	vst v63  }
0xcd: {  	_ =	swait.ge [sflag:s15], $0x7D0  }
0xce: {  	[sflag:s15] =	ssyncset.done $0x0  }
0xcf: {  	s5 =	simm.s32 $0x4E80;
	[sflag:s15] =	ssyncadd.s32 $0xFFFFF830  }
0xd0: {  	[spmem:s2] =	stream.indirect.scatter.add.f32 [tilespmem:s24], [sflag:$0xE], $0x10, s5, s13, $0xb8;
	[tilespmem:$0xDE80] =	vst v63  }
0xd1: {  	_ =	swait.ge [sflag:s17], $0x7D0  }
0xd2: {  	[sflag:s17] =	ssyncset.done $0x0  }
0xd3: {  	s9 =	simm.s32 $0x4F00;
	[sflag:s17] =	ssyncadd.s32 $0xFFFFF830  }
0xd4: {  	[spmem:s2] =	stream.indirect.scatter.add.f32 [tilespmem:s26], [sflag:$0xF], $0x10, s9, s13, $0xb8;
	[tilespmem:$0xDE80] =	vst v63  }
0xd5: {  	_ =	swait.ge [sflag:s1], $0x7D0  }
0xd6: {  	[sflag:s1] =	ssyncset.done $0x0  }
0xd7: {  	s11 =	simm.s32 $0x4F80;
	[sflag:s1] =	ssyncadd.s32 $0xFFFFF830  }
0xd8: {  	[spmem:s2] =	stream.indirect.scatter.add.f32 [tilespmem:s29], [sflag:$0x10], $0x10, s11, s13, $0xb8;
	[tilespmem:$0xDE80] =	vst v63  }
0xd9: {  	_ =	swait.ge [sflag:s19], $0x7D0  }
0xda: {  	[sflag:s19] =	ssyncset.done $0x0  }
0xdb: {  	[sflag:s19] =	ssyncadd.s32 $0xFFFFF830  }
0xdc: {  	_ =	swait.ge [sflag:s21], $0x7D0  }
0xdd: {  	[sflag:s21] =	ssyncset.done $0x0  }
0xde: {  	[sflag:s21] =	ssyncadd.s32 $0xFFFFF830  }
0xdf: {  	_ =	swait.ge [sflag:s23], $0x7D0  }
0xe0: {  	[sflag:s23] =	ssyncset.done $0x0  }
0xe1: {  	[sflag:s23] =	ssyncadd.s32 $0xFFFFF830  }
0xe2: {  	_ =	swait.ge [sflag:s25], $0x7D0  }
0xe3: {  	[sflag:s25] =	ssyncset.done $0x0  }
0xe4: {  	[sflag:s25] =	ssyncadd.s32 $0xFFFFF830  }
0xe5: {  	_ =	swait.ge [sflag:s28], $0x7D0  }
0xe6: {  	[sflag:s28] =	ssyncset.done $0x0  }
0xe7: {  	[sflag:s28] =	ssyncadd.s32 $0xFFFFF830  }
0xe8: {  	_ =	swait.ge [sflag:s6], $0x7D0  }
0xe9: {  	[sflag:s6] =	ssyncset.done $0x0  }
0xea: {  	[sflag:s6] =	ssyncadd.s32 $0xFFFFF830  }
0xeb: {  	_ =	swait.ge [sflag:s7], $0x7D0  }
0xec: {  	[sflag:s7] =	ssyncset.done $0x0  }
0xed: {  	[sflag:s7] =	ssyncadd.s32 $0xFFFFF830  }
0xee: {  	_ =	swait.ge [sflag:s8], $0x7D0  }
0xef: {  	[sflag:s8] =	ssyncset.done $0x0  }
0xf0: {  	[sflag:s8] =	ssyncadd.s32 $0xFFFFF830  }
0xf1: {  	s3 =	stileid.u32;
	[bflag:$0x0] =	sbarrier.arrive $0xFFFF  }
0xf2: {  	s5 =	sshll.u32 s3, $0x6;
	s11 =	rddreg [dreg:$0x3]  }
0xf3: {  	s5 =	sor.u32 $0x1C11, s5;
	s3 =	rddreg [dreg:$0x7];
	s9 =	sshrl.u32 s11, $0x3  }
0xf4: {  	[hbm:s3], [sflag:s5] =	dma.local [spmem:s9], $0x500  }
0xf5: {  	s9 =	simm.s32 $0x11  }
0xf6: {  	_ =	swait.ge [sflag:s9], $0x500  }
0xf7: {  	s5 =	rddreg [dreg:$0x8]  }
0xf8: {  	s3 =	sadd.s32 $0x1, s5;
	s5 =	rddreg [dreg:$0x6]  }
0xf9: {  	p0 =	sne.s32 s3, s5  }
.Ltmp2:
0xfa: {  	_ = 	snop;
	(pc) =	sbr.rel @p0 .LBB2_1-.Ltmp2, $3  }
0xfb: {  	_ =	sdelay $0x1  }
0xfc: {  	[sflag:s9] =	ssyncset.done $0x0  }
0xfd: {  	[sflag:s9] =	ssyncadd.s32 $0xFFFFFB00  }
0xfe: {  	_ =	sfence.sel $0x180000  }
0xff: {  	[bflag:$0x0] =	sbarrier.arrive $0xFFFF  }
0x100: {  	_ =	strace $0x9000004D  }
0x101: {  	s0 =	stileid.u32;
	[bflag:$0x2] =	sbarrier.arrive $0xFFFF  }
0x102: {  	p0 =	sne.s32 s0, $0x0;
	s0 =	rddreg [dreg:$0x2]  }
0x103: {  	s0 =	sadd.s32 @!p0 $0x100000, s0  }
0x104: {  	[sflag:s0] =	ssyncadd.tile.s32 @!p0 $0x1;
	_ =	shalt  }
.Lfunc_end2:
_tile_overlayer_lowered:
.L_overlay_start_2:
0x105: {  	(tag) =	ssettag $0x2  }
0x106: {  	s0 =	rddreg [dreg:$0x0];
	s2 =	stileid.u32  }
0x107: {  	s1 =	rddreg [dreg:$0x1];
	p0 =	sne.s32 s2, $0x0  }
0x108: {  	s3 =	rddreg [dreg:$0x2];
	[bflag:$0x3] =	sbarrier.arrive $0xFFFF;
	s2 =	simm.s32 @!p0 $0x1C11  }
0x109: {  	[timem:s3], [sflag:s2] =	dma.local @!p0 [hbm:s0], s1  }
0x10a: {  	s0 =	simm.s32 @!p0 $0x11  }
0x10b: {  	_ =	swait.ge @!p0 [sflag:s0], s1  }
0x10c: {  	s1 =	ssub.s32 @!p0 $0x0, s1;
	[sflag:s0] =	ssyncset.done @!p0 $0x0  }
0x10d: {  	[sflag:s0] =	ssyncadd.s32 @!p0 s1  }
0x10e: {  	[bflag:$0x3] =	sbarrier.arrive $0xFFFF  }
0x10f: {  	_ =	shalt  }

// kernel: kernel.9.cloned.1.call-start
scs
__scs_entry_jumppad:
0x0: {  	(pc) =	sbr.rel $0x88, $3  }
0x1: {  	(tag) =	ssettag $0x0;
	lr =	simm.s32 $0x1  }
0x2: {  	[smem:$0x3F99] =	sst lr;
	_ =	strace $0xD0000000  }
0x3: {  	_ = 	snop  }
0x4: {  	_ = 	snop  }
0x5: {  	_ = 	snop  }
0x6: {  	_ = 	snop  }
0x7: {  	_ = 	snop  }
__scs_overlays_trampoline_lowered:
0x8: {  	[smem:$0x3FA8] =	sst s0  }
0x9: {  	[smem:$0x3FA9] =	sst s1  }
0xa: {  	[smem:$0x3FAA] =	sst s2  }
0xb: {  	[smem:$0x3FAB] =	sst s3  }
0xc: {  	[smem:$0x3FAC] =	sst s4  }
0xd: {  	[smem:$0x3FAD] =	sst s5  }
0xe: {  	[smem:$0x3FAE] =	sst s6  }
0xf: {  	[smem:$0x3FAF] =	sst s7  }
0x10: {  	[smem:$0x3FB0] =	sst s8  }
0x11: {  	[smem:$0x3FB1] =	sst s9;
	s0 =	simm.s32 @!p0 $0x0  }
0x12: {  	s1 =	sld [smem:$0x3F97];
	s0 =	simm.s32 @p0 $0x1  }
0x13: {  	[smem:$0x3FB2] =	sst s0;
	s0 =	simm.s32 @!p1 $0x0  }
0x14: {  	s2 =	sld [smem:$0x3F96];
	s0 =	simm.s32 @p1 $0x1  }
0x15: {  	[smem:$0x3FB3] =	sst s0;
	s0 =	simm.s32 @!p2 $0x0  }
0x16: {  	s3 =	sld [smem:$0x3FDB];
	s0 =	simm.s32 @p2 $0x1  }
0x17: {  	s4 =	simm.s32 $0x1BF5;
	[smem:$0x3FB5] =	sst s0  }
0x18: {  	s0 =	sld [smem:$0x3F98];
	_ =	swait.ge [sflag:s4], $0x0  }
0x19: {  	s7 =	sld [smem:$0x3F99]  }
0x1a: {  	s8 =	sadd.s32 $0xFFFFE003, lr  }
0x1b: {  	s9 =	sadd.s32 $0xFFFFFEF7, lr;
	s5 =	simm.s32 $0xFFFFFFFF;
	p2 =	slt.u32 s8, $0xFFFFF086  }
0x1c: {  	p1 =	slt.u32 s9, $0xF7A;
	s5 =	simm.s32 @!p2 $0x0  }
0x1d: {  	s5 =	simm.s32 @p1 $0x1;
	p0 =	seq.s32 s7, s2  }
0x1e: {  	s7 =	smul.u32 @!p0 $0xF7A, s2;
	p2 =	seq.s32 @!p0 s5, $0x0  }
0x1f: {  	s9 =	smul.u32 $0xF7A, s1;
	s8 =	simm.s32 @!p0 $0x1BF5;
	p2 =	por !p2, p0  }
0x20: {  	[sflag:s8] =	ssyncset.s32 @!p0 $0xFFFFF086;
	s6 =	sadd.s32 @!p0 s3, s7;
	s7 =	simm.s32 @!p0 $0x108  }
0x21: {  	s3 =	sadd.s32 s3, s9;
	s6 =	sadd.s32 @!p0 $0x88, s6;
	s7 =	simm.s32 @p2 $0x1082  }
0x22: {  	[simem:s7], [sflag:s8] =	dma.local @!p0 [hbm:s6], $0xF7A  }
0x23: {  	s9 =	sor.u32 $0xD0000000, s2;
	s6 =	simm.s32 $0x108;
	_ =	swait.ge @!p0 [sflag:s8], $0x0  }
0x24: {  	s3 =	sadd.s32 $0x88, s3;
	s6 =	simm.s32 @!p1 $0x1082;
	[sflag:s4] =	ssyncset.s32 $0xFFFFF086  }
0x25: {  	[simem:s6], [sflag:s4] =	dma.local [hbm:s3], $0xF7A  }
0x26: {  	[smem:$0x3F99] =	sst s1;
	(tag) =	ssettag s2;
	_ =	strace s9  }
0x27: {  	s1 =	sld [smem:$0x3FA9]  }
0x28: {  	s2 =	sld [smem:$0x3FAA]  }
0x29: {  	s4 =	sld [smem:$0x3FAC]  }
0x2a: {  	p0 =	seq.s32 s5, $0x0;
	s5 =	sld [smem:$0x3FAD]  }
0x2b: {  	s6 =	sld [smem:$0x3FAE]  }
0x2c: {  	s7 =	sld [smem:$0x3FAF]  }
0x2d: {  	s3 =	simm.s32 $0x108;
	s8 =	sld [smem:$0x3FB0]  }
0x2e: {  	s3 =	simm.s32 @!p0 $0x1082;
	s9 =	sld [smem:$0x3FB1]  }
0x2f: {  	lr =	sadd.s32 s0, s3;
	s0 =	sld [smem:$0x3FA8]  }
0x30: {  	s3 =	sld [smem:$0x3FAB]  }
0x31: {  	[smem:$0x3FB4] =	sst s10  }
0x32: {  	s10 =	sld [smem:$0x3FB2];
	_ =	sdelay $0x3  }
0x33: {  	p0 =	seq.s32 s10, $0x1;
	s10 =	sld [smem:$0x3FB4];
	_ =	sdelay $0x3  }
0x34: {  	[smem:$0x3FB4] =	sst s10  }
0x35: {  	s10 =	sld [smem:$0x3FB3];
	_ =	sdelay $0x3  }
0x36: {  	p1 =	seq.s32 s10, $0x1;
	s10 =	sld [smem:$0x3FB4];
	_ =	sdelay $0x3  }
0x37: {  	[smem:$0x3FB4] =	sst s10  }
0x38: {  	s10 =	sld [smem:$0x3FB5]  }
0x39: {  	_ = 	snop;
	(pc) =	sbr.ind lr, $3  }
0x3a: {  	_ = 	snop  }
0x3b: {  	_ = 	snop  }
0x3c: {  	p2 =	seq.s32 s10, $0x1;
	s10 =	sld [smem:$0x3FB4]  }
0x3d: {  	_ =	shalt  }
0x3e: {  	_ =	shalt  }
0x3f: {  	_ =	shalt  }
0x40: {  	_ =	shalt  }
0x41: {  	_ =	shalt  }
0x42: {  	_ =	shalt  }
0x43: {  	_ =	shalt  }
0x44: {  	_ =	shalt  }
0x45: {  	_ =	shalt  }
0x46: {  	_ =	shalt  }
0x47: {  	_ =	shalt  }
0x48: {  	_ =	shalt  }
0x49: {  	_ =	shalt  }
0x4a: {  	_ =	shalt  }
0x4b: {  	_ =	shalt  }
0x4c: {  	_ =	shalt  }
0x4d: {  	_ =	shalt  }
0x4e: {  	_ =	shalt  }
0x4f: {  	_ =	shalt  }
0x50: {  	_ =	shalt  }
0x51: {  	_ =	shalt  }
0x52: {  	_ =	shalt  }
0x53: {  	_ =	shalt  }
0x54: {  	_ =	shalt  }
0x55: {  	_ =	shalt  }
0x56: {  	_ =	shalt  }
0x57: {  	_ =	shalt  }
0x58: {  	_ =	shalt  }
0x59: {  	_ =	shalt  }
0x5a: {  	_ =	shalt  }
0x5b: {  	_ =	shalt  }
0x5c: {  	_ =	shalt  }
0x5d: {  	_ =	shalt  }
0x5e: {  	_ =	shalt  }
0x5f: {  	_ =	shalt  }
0x60: {  	_ =	shalt  }
0x61: {  	_ =	shalt  }
0x62: {  	_ =	shalt  }
0x63: {  	_ =	shalt  }
0x64: {  	_ =	shalt  }
0x65: {  	_ =	shalt  }
0x66: {  	_ =	shalt  }
0x67: {  	_ =	shalt  }
0x68: {  	_ =	shalt  }
0x69: {  	_ =	shalt  }
0x6a: {  	_ =	shalt  }
0x6b: {  	_ =	shalt  }
0x6c: {  	_ =	shalt  }
0x6d: {  	_ =	shalt  }
0x6e: {  	_ =	shalt  }
0x6f: {  	_ =	shalt  }
0x70: {  	_ =	shalt  }
0x71: {  	_ =	shalt  }
0x72: {  	_ =	shalt  }
0x73: {  	_ =	shalt  }
0x74: {  	_ =	shalt  }
0x75: {  	_ =	shalt  }
0x76: {  	_ =	shalt  }
0x77: {  	_ =	shalt  }
0x78: {  	_ =	shalt  }
0x79: {  	_ =	shalt  }
0x7a: {  	_ =	shalt  }
0x7b: {  	_ =	shalt  }
0x7c: {  	_ =	shalt  }
0x7d: {  	_ =	shalt  }
0x7e: {  	_ =	shalt  }
0x7f: {  	_ =	shalt  }
0x80: {  	_ =	shalt  }
0x81: {  	_ =	shalt  }
0x82: {  	_ =	shalt  }
0x83: {  	_ =	shalt  }
0x84: {  	_ =	shalt  }
0x85: {  	_ =	shalt  }
0x86: {  	_ =	shalt  }
0x87: {  	_ =	shalt  }
.Lfunc_end0:
.L_simem_size_0:
called_computation_lowered:
.L_overlay_start_0:
0x88: {  	s2 =	sld [smem:$0x3FD9]  }
0x89: {  	s3 =	sld [smem:$0x3FFE];
	_ =	sdelay $0x1  }
0x8a: {  	s1 =	srdreg.scid  }
0x8b: {  	s0 =	sand.u32 $0x1, s1  }
0x8c: {  	s17 =	sshll.u32 s0, $0xA;
	s2 =	sadd.s32 s3, s2  }
0x8d: {  	s2 =	sadd.s32 s2, s17  }
0x8e: {  	[smem:$0x3FC0] =	sst s2  }
0x8f: {  	_ = 	snop  }
0x90: {  	s2 =	sld [smem:$0x3FD0];
	(tm) =	ssettm $0x1  }
0x91: {  	s18 =	sld [smem:$0x3FFB];
	_ =	sdelay $0x3  }
0x92: {  	_ =	strace s18  }
0x93: {  	s3 =	sld [smem:$0x3FFC];
	_ =	sdelay $0x3  }
0x94: {  	_ =	strace s3  }
0x95: {  	s3 =	sld [smem:$0x3FFD];
	_ =	sdelay $0x3  }
0x96: {  	_ =	strace s3  }
0x97: {  	_ =	strace $0x8FFFFFFF  }
0x98: {  	s19 =	sld [smem:$0x3FDB];
	_ =	sdelay $0x1  }
0x99: {  	s4 =	simm.s32 $_scs_section_size  }
0x9a: {  	s5 =	simm.s32 $_size__tile_overlayer_lowered;
	s6 =	simm.s32 $_tile_overlayer_lowered  }
0x9b: {  	s22 =	simm.s32 $0x1BFF;
	s21 =	sshll.u32 s6, $0x1;
	s3 =	sadd.s32 s4, s19  }
0x9c: {  	s7 =	simm.s32 $0x0;
	s20 =	sshll.u32 s5, $0x1;
	s5 =	sadd.s32 s21, s3  }
0x9d: {  	[timem:s7], [sflag:s22] =	dma.local [hbm:s5], s20  }
0x9e: {  	_ =	swait.ge [sflag:s22], s20  }
0x9f: {  	s4 =	ssub.s32 $0x0, s20;
	[sflag:s22] =	ssyncset.done $0x0  }
0xa0: {  	[sflag:s22] =	ssyncadd.s32 s4;
	_ =	sdelay $0x1  }
0xa1: {  	s23 =	simm.s32 $0x1B8B  }
0xa2: {  	_ =	swait.ge [sflag:s23], $0x1  }
0xa3: {  	[sflag:s23] =	ssyncset.done $0x0  }
0xa4: {  	s25 =	simm.s32 $0x1B8E;
	s24 =	sld [smem:$0x3FFE];
	[sflag:s23] =	ssyncadd.s32 $0xFFFFFFFF  }
0xa5: {  	s26 =	simm.s32 $execute0_lowered;
	[smem:$0x3FD2] =	sst s25  }
0xa6: {  	s5 =	sshll.u32 s26, $0x1;
	_ =	strace $0x80000046;
	[dreg:$0x1] =	wrdreg $0xFFFFFFFF  }
0xa7: {  	s28 =	simm.s32 $_size_execute0_lowered;
	s3 =	sadd.s32 s3, s5;
	[dreg:$0x0] =	wrdreg $0x0  }
0xa8: {  	s5 =	sshll.u32 s28, $0x1;
	[dreg:$0x2] =	wrdreg s3  }
0xa9: {  	[dreg:$0x3] =	wrdreg s5  }
0xaa: {  	[dreg:$0x4] =	wrdreg $0xC0  }
0xab: {  	_ =	task [dreg:s7], $0x5FFFF  }
0xac: {  	[dreg:$0x1] =	wrdreg $0xFFFFFFFF  }
0xad: {  	[dreg:$0x0] =	wrdreg $0x60  }
0xae: {  	[dreg:$0x2] =	wrdreg s24  }
0xaf: {  	[dreg:$0x3] =	wrdreg s2  }
0xb0: {  	[dreg:$0x4] =	wrdreg $0x2B000  }
0xb1: {  	[dreg:$0x5] =	wrdreg $0x9  }
0xb2: {  	_ =	task.clear_ibuf [dreg:s7], $0x6FFFF;
	_ =	strace $0x90000046  }
0xb3: {  	s29 =	simm.s32 $0x9;
	_ =	strace $0x80000048  }
0xb4: {  	_ =	swait.ge [sflag:s29], $0x1  }
0xb5: {  	[sflag:s29] =	ssyncadd.s32 $0xFFFFFFFF  }
0xb6: {  	_ =	strace $0x90000048  }
0xb7: {  	_ =	sfence  }
0xb8: {  	s30 =	sld [smem:$0x0];
	_ =	sdelay $0x2  }
0xb9: {  	s31 =	sshll.u32 s1, $0xD;
	s1 =	sshrl.u32 s1, $0x2  }
0xba: {  	s3 =	sand.u32 $0x4000, s31;
	s1 =	sadd.s32 s1, s30  }
0xbb: {  	s0 =	sor.u32 s3, s0;
	s1 =	sshll.u32 s1, $0x11  }
0xbc: {  	s0 =	sor.u32 s1, s0  }
0xbd: {  	s0 =	sadd.s32 $0x8F2B, s0  }
0xbe: {  	[sflag:s0] =	ssyncadd.remote.s32 $0x1  }
0xbf: {  	_ =	sfence.sel $0xFFFF  }
0xc0: {  	[dreg:$0x0] =	wrdreg $0xFFFFFFFF;
	(pc) =	sbr.abs _section_cstart, $3  }
0xc1: {  	[dreg:$0x1] =	wrdreg $0xFFFFFFFF  }
0xc2: {  	_ =	task.clear_ibuf [dreg:s7], $0x2FFFF;
	_ =	strace $0x9FFFFFFF  }
0xc3: {  	(tm) =	ssettm $0x7FFFFFFF  }
tec
execute0_lowered:
.L_overlay_start_1:
0x0: {  	(tag) =	ssettag $0x1  }
0x1: {  	s4 =	rddreg [dreg:$0x0]  }
0x2: {  	s0 =	srdreg.scid;
	s7 =	rddreg [dreg:$0x1]  }
0x3: {  	s2 =	rddreg [dreg:$0x2];
	s1 =	stileid.u32  }
0x4: {  	s3 =	simm.s32 $0x0;
	s6 =	sand.u32 $0x1, s0;
	s0 =	rddreg [dreg:$0x3]  }
0x5: {  	s14 =	simm.s32 $0x0;
	[smem:$0x7FF] =	sst s3;
	s10 =	smul.u32 $0x280, s1  }
0x6: {  	s11 =	sadd.s32 $0x17E00, s4;
	s12 =	sshll.u32 s1, $0x6;
	s5 =	sshll.u32 s6, $0x4  }
0x7: {  	_ =	strace $0x80000047;
	s8 =	ssub.s32 $0x2, s6;
	p0 =	seq.s32 s6, $0x1  }
0x8: {  	s12 =	sor.u32 $0x1C01, s12;
	s5 =	sor.u32 s1, s5;
	s9 =	sshrl.u32 s8, $0x1  }
0x9: {  	s31 =	sshrl.u32 s10, $0x3;
	s7 =	smov.u32 @p0 s11;
	s5 =	smul.u32 $0x2800, s5  }
0xa: {  	s11 =	simm.s32 $0x2800;
	s8 =	ssub.s32 s8, s9;
	s7 =	sadd.s32 s7, s31  }
0xb: {  	s9 =	simm.s32 $0x1;
	s6 =	smax.u32 s8, $0x1;
	s5 =	sshrl.u32 s5, $0x3  }
0xc: {  	s8 =	simm.s32 $0x2880;
	s5 =	sadd.s32 s4, s5;
	s4 =	sadd.s32 s10, s2  }
0xd: {  	v0 =	vimm.f32 $0.0e+00;
	v1 =	vimm.f32 $1.000000000e+00;
	s10 =	simm.s32 $0x7D;
	s5 =	sadd.s32 $0xDE00, s5;
	s13 =	sshrl.u32 s4, $0x3  }
.LBB2_1:
0xe: {  	[tilespmem:$0x2880] =	vst v0  }
0xf: {  	[tilespmem:$0x2890] =	vst v0  }
0x10: {  	[tilespmem:$0x28A0] =	vst v0  }
0x11: {  	[tilespmem:$0x28B0] =	vst v0  }
0x12: {  	[tilespmem:$0x28C0] =	vst v0  }
0x13: {  	[tilespmem:$0x28D0] =	vst v0  }
0x14: {  	[tilespmem:$0x28E0] =	vst v0  }
0x15: {  	[tilespmem:$0x28F0] =	vst v0  }
0x16: {  	[tilespmem:$0x2900] =	vst v0  }
0x17: {  	[tilespmem:$0x2910] =	vst v0  }
0x18: {  	[tilespmem:$0x2920] =	vst v0  }
0x19: {  	[tilespmem:$0x2930] =	vst v0  }
0x1a: {  	[tilespmem:$0x2940] =	vst v0  }
0x1b: {  	[tilespmem:$0x2950] =	vst v0  }
0x1c: {  	[tilespmem:$0x2960] =	vst v0  }
0x1d: {  	[tilespmem:$0x2970] =	vst v0  }
0x1e: {  	[tilespmem:$0x2980] =	vst v0  }
0x1f: {  	[tilespmem:$0x2990] =	vst v0  }
0x20: {  	[tilespmem:$0x29A0] =	vst v0  }
0x21: {  	[tilespmem:$0x29B0] =	vst v0  }
0x22: {  	[tilespmem:$0x29C0] =	vst v0  }
0x23: {  	[tilespmem:$0x29D0] =	vst v0  }
0x24: {  	[tilespmem:$0x29E0] =	vst v0  }
0x25: {  	[tilespmem:$0x29F0] =	vst v0  }
0x26: {  	[tilespmem:$0x2A00] =	vst v0  }
0x27: {  	[tilespmem:$0x2A10] =	vst v0  }
0x28: {  	[tilespmem:$0x2A20] =	vst v0  }
0x29: {  	[tilespmem:$0x2A30] =	vst v0  }
0x2a: {  	[tilespmem:$0x2A40] =	vst v0  }
0x2b: {  	[tilespmem:$0x2A50] =	vst v0  }
0x2c: {  	[tilespmem:$0x2A60] =	vst v0  }
0x2d: {  	[tilespmem:$0x2A70] =	vst v0  }
0x2e: {  	[tilespmem:$0x2A80] =	vst v0  }
0x2f: {  	[tilespmem:$0x2A90] =	vst v0  }
0x30: {  	[tilespmem:$0x2AA0] =	vst v0  }
0x31: {  	[tilespmem:$0x2AB0] =	vst v0  }
0x32: {  	[tilespmem:$0x2AC0] =	vst v0  }
0x33: {  	[tilespmem:$0x2AD0] =	vst v0  }
0x34: {  	[tilespmem:$0x2AE0] =	vst v0  }
0x35: {  	[tilespmem:$0x2AF0] =	vst v0  }
0x36: {  	[tilespmem:$0x2800] =	vst v1  }
0x37: {  	[tilespmem:$0x2810] =	vst v1  }
0x38: {  	[tilespmem:$0x2820] =	vst v1  }
0x39: {  	[tilespmem:$0x2830] =	vst v1  }
0x3a: {  	[tilespmem:$0x2840] =	vst v1  }
0x3b: {  	[tilespmem:$0x2850] =	vst v1  }
0x3c: {  	[tilespmem:$0x2860] =	vst v1  }
0x3d: {  	[tilespmem:$0x2870] =	vst v1  }
0x3e: {  	[spmem:s4] =	stream.linear.scatter [tilespmem:s8], [sflag:$0x1], $0x280, $0x38;
	[tilespmem:$0x2D80] =	vst v63  }
0x3f: {  	_ =	swait.ge [sflag:s9], $0x280  }
0x40: {  	[sflag:s9] =	ssyncset.done $0x0  }
0x41: {  	[sflag:s9] =	ssyncadd.s32 $0xFFFFFD80  }
0x42: {  	[bflag:$0x0] =	sbarrier.arrive $0xFFFF  }
0x43: {  	[tilespmem:s3], [sflag:$0x1] =	stream.linear.gather [hbm4b:s5+s3], $0x2800, $0x38;
	[tilespmem:$0x2D80] =	vst v63  }
0x44: {  	_ =	swait.ge [sflag:s9], $0x2800  }
0x45: {  	[sflag:s9] =	ssyncset.done $0x0  }
0x46: {  	s15 =	simm.s32 $0x0;
	[sflag:s9] =	ssyncadd.s32 $0xFFFFD800  }
0x47: {  	[spmem:s2] =	stream.indirect.scatter.add.f32 [tilespmem:s11], [sflag:$0x1], $0x1, s15, s10, $0xb8;
	[tilespmem:$0x2D80] =	vst v63  }
0x48: {  	_ =	swait.ge [sflag:s9], $0x7D  }
0x49: {  	s15 =	simm.s32 $0x200;
	[sflag:s9] =	ssyncset.done $0x0  }
.LBB2_2:
0x4a: {  	s16 =	sshra.s32 s15, $0x2;
	[sflag:s9] =	ssyncadd.s32 $0xFFFFFF83;
	p0 =	sne.s32 s15, $0x9E00  }
0x4b: {  	[spmem:s2] =	stream.indirect.scatter.add.f32 [tilespmem:s11], [sflag:$0x1], $0x1, s16, s10, $0xb8;
	[tilespmem:$0x2D80] =	vst v63  }
.Ltmp0:
0x4c: {  	_ = 	snop;
	(pc) =	sbr.rel @p0 .LBB2_2-.Ltmp0, $4  }
0x4d: {  	_ = 	snop  }
0x4e: {  	s15 =	sadd.s32 $0x200, s15  }
0x4f: {  	_ =	swait.ge [sflag:s9], $0x7D  }
0x50: {  	[sflag:s9] =	ssyncset.done $0x0  }
0x51: {  	s14 =	sadd.s32 $0x1, s14  }
0x52: {  	[sflag:s9] =	ssyncadd.s32 $0xFFFFFF83;
	p0 =	sne.s32 s14, s6  }
.Ltmp1:
0x53: {  	[bflag:$0x0] =	sbarrier.arrive $0xFFFF;
	(pc) =	sbr.rel @p0 .LBB2_1-.Ltmp1, $4  }
0x54: {  	[hbm:s7], [sflag:s12] =	dma.local [spmem:s13], $0x50  }
0x55: {  	_ =	swait.ge [sflag:s9], $0x50  }
0x56: {  	[sflag:s9] =	ssyncset.done $0x0  }
0x57: {  	[sflag:s9] =	ssyncadd.s32 $0xFFFFFFB0  }
0x58: {  	_ =	sfence.sel $0x180000  }
0x59: {  	[bflag:$0x0] =	sbarrier.arrive $0xFFFF  }
0x5a: {  	p0 =	sne.s32 s1, $0x0;
	_ =	strace $0x90000047  }
0x5b: {  	s0 =	sadd.s32 @!p0 $0x100000, s0;
	[bflag:$0x2] =	sbarrier.arrive $0xFFFF  }
0x5c: {  	[sflag:s0] =	ssyncadd.tile.s32 @!p0 $0x1;
	_ =	shalt  }
.Lfunc_end2:
_tile_overlayer_lowered:
.L_overlay_start_2:
0x5d: {  	(tag) =	ssettag $0x2  }
0x5e: {  	s0 =	rddreg [dreg:$0x0];
	s2 =	stileid.u32  }
0x5f: {  	s1 =	rddreg [dreg:$0x1];
	p0 =	sne.s32 s2, $0x0  }
0x60: {  	s3 =	rddreg [dreg:$0x2];
	[bflag:$0x3] =	sbarrier.arrive $0xFFFF;
	s2 =	simm.s32 @!p0 $0x1C01  }
0x61: {  	[timem:s3], [sflag:s2] =	dma.local @!p0 [hbm:s0], s1  }
0x62: {  	s0 =	simm.s32 @!p0 $0x1  }
0x63: {  	_ =	swait.ge @!p0 [sflag:s0], s1  }
0x64: {  	s1 =	ssub.s32 @!p0 $0x0, s1;
	[sflag:s0] =	ssyncset.done @!p0 $0x0  }
0x65: {  	[sflag:s0] =	ssyncadd.s32 @!p0 s1  }
0x66: {  	[bflag:$0x3] =	sbarrier.arrive $0xFFFF  }
0x67: {  	_ =	shalt  }

</sc_bundles>
